<compile_context>
chip_gen: v7x
topology: tpu7x:2x2x1
jax: 0.10.2.dev20260603
libtpu: 0.0.44.dev20260713+nightly
codegen_flags: <defaults>
</compile_context>

<pallas_src>
import functools

import jax
import jax.numpy as jnp
from jax import lax
from jax.experimental import pallas as pl
from jax.experimental.pallas import tpu as pltpu
from jax.experimental.pallas import tpu_sc as plsc

NC, NS, L = 2, 16, 16
NW = NC * NS

_SC_PARAMS = pltpu.CompilerParams(use_tc_tiling_on_sc=False)


def _sc_mesh():
    return plsc.VectorSubcoreMesh(core_axis_name="c", subcore_axis_name="s")


def _make_deg_kernel(N, E, C):
    T = E // NW
    RS = N // NS

    @functools.partial(
        pl.kernel,
        out_type=jax.ShapeDtypeStruct((NC, N, L), jnp.float32),
        mesh=_sc_mesh(),
        scratch_types=[
            pltpu.VMEM((2, C), jnp.int32),
            pltpu.VMEM((C, L), jnp.float32),
            pltpu.VMEM_SHARED((N, L), jnp.float32),
            pltpu.SemaphoreType.DMA,
        ],
        compiler_params=_SC_PARAMS,
    )
    def deg_kernel(ei_hbm, zeros_hbm, ones_hbm, out_hbm, idx_v, ones_v, shared,
                   isem):
        ci = lax.axis_index("c")
        si = lax.axis_index("s")
        wid = si * NC + ci
        r0 = si * RS
        pltpu.sync_copy(zeros_hbm.at[pl.ds(r0, RS)], shared.at[pl.ds(r0, RS)])
        plsc.subcore_barrier()
        pltpu.sync_copy(ones_hbm, ones_v)
        ebase = E + wid * T
        K = T // C
        pltpu.async_copy(ei_hbm.at[pl.ds(ebase, C)], idx_v.at[0], isem)
        for k in range(K):
            b = k % 2
            pltpu.make_async_copy(ei_hbm.at[pl.ds(ebase, C)], idx_v.at[b], isem).wait()
            if k + 1 < K:
                pltpu.async_copy(
                    ei_hbm.at[pl.ds(ebase + (k + 1) * C, C)], idx_v.at[(k + 1) % 2], isem)
            pltpu.sync_copy(ones_v, shared.at[idx_v.at[b]], add=True)
        plsc.subcore_barrier()
        pltpu.sync_copy(shared.at[pl.ds(r0, RS)], out_hbm.at[ci, pl.ds(r0, RS)])

    return deg_kernel


def _make_agg_kernel(N, E, C):
    T = E // NW
    RS = N // NS

    @functools.partial(
        pl.kernel,
        out_type=jax.ShapeDtypeStruct((NC, N, L), jnp.float32),
        mesh=_sc_mesh(),
        scratch_types=[
            pltpu.VMEM((2, C), jnp.int32),
            pltpu.VMEM((2, C), jnp.int32),
            pltpu.VMEM((2, C, L), jnp.float32),
            pltpu.VMEM_SHARED((N, L), jnp.float32),
            pltpu.SemaphoreType.DMA,
        ],
        compiler_params=_SC_PARAMS,
    )
    def agg_kernel(ei_hbm, tab_hbm, zeros_hbm, out_hbm,
                   isrc_v, idst_v, rows_v, shared, gsem):
        ci = lax.axis_index("c")
        si = lax.axis_index("s")
        wid = si * NC + ci
        r0 = si * RS
        pltpu.sync_copy(zeros_hbm.at[pl.ds(r0, RS)], shared.at[pl.ds(r0, RS)])
        plsc.subcore_barrier()
        ebase = wid * T
        K = T // C
        pltpu.sync_copy(ei_hbm.at[pl.ds(ebase, C)], isrc_v.at[0])
        pltpu.sync_copy(ei_hbm.at[pl.ds(E + ebase, C)], idst_v.at[0])
        pltpu.async_copy(tab_hbm.at[isrc_v.at[0]], rows_v.at[0], gsem)
        for k in range(K):
            b = k % 2
            nb = (k + 1) % 2
            if k + 1 < K:
                e1 = ebase + (k + 1) * C
                pltpu.sync_copy(ei_hbm.at[pl.ds(e1, C)], isrc_v.at[nb])
                pltpu.sync_copy(ei_hbm.at[pl.ds(E + e1, C)], idst_v.at[nb])
            pltpu.make_async_copy(tab_hbm.at[isrc_v.at[b]], rows_v.at[b], gsem).wait()
            if k + 1 < K:
                pltpu.async_copy(tab_hbm.at[isrc_v.at[nb]], rows_v.at[nb], gsem)
            pltpu.sync_copy(rows_v.at[b], shared.at[idst_v.at[b]], add=True)
        plsc.subcore_barrier()
        pltpu.sync_copy(shared.at[pl.ds(r0, RS)], out_hbm.at[ci, pl.ds(r0, RS)])

    return agg_kernel


def _make_agg_gather_kernel(N, E, C):
    T = E // NW
    RS = N // NS

    @functools.partial(
        pl.kernel,
        out_type=(
            jax.ShapeDtypeStruct((NC, N, L), jnp.float32),
            jax.ShapeDtypeStruct((E, L), jnp.float32),
            jax.ShapeDtypeStruct((E, L), jnp.float32),
        ),
        mesh=_sc_mesh(),
        scratch_types=[
            pltpu.VMEM((2, C), jnp.int32),
            pltpu.VMEM((2, C), jnp.int32),
            pltpu.VMEM((2, C, L), jnp.float32),
            pltpu.VMEM((2, C, L), jnp.float32),
            pltpu.VMEM((2, C, L), jnp.float32),
            pltpu.VMEM_SHARED((N, L), jnp.float32),
            pltpu.SemaphoreType.DMA,
            pltpu.SemaphoreType.DMA,
            pltpu.SemaphoreType.DMA,
            pltpu.SemaphoreType.DMA,
            pltpu.SemaphoreType.DMA,
            pltpu.SemaphoreType.DMA,
        ],
        compiler_params=_SC_PARAMS,
    )
    def aggg_kernel(ei_hbm, g_hbm, h_hbm, zeros_hbm,
                    acc_hbm, hs_hbm, hd_hbm,
                    isrc_v, idst_v, grows_v, hsrows_v, hdrows_v, shared,
                    ga0, ga1, gb0, gb1, gc0, gc1):
        ci = lax.axis_index("c")
        si = lax.axis_index("s")
        wid = si * NC + ci
        r0 = si * RS
        gsa = (ga0, ga1)
        gsb = (gb0, gb1)
        gsc = (gc0, gc1)
        pltpu.sync_copy(zeros_hbm.at[pl.ds(r0, RS)], shared.at[pl.ds(r0, RS)])
        plsc.subcore_barrier()
        ebase = wid * T
        K = T // C

        def issue(k):
            b = k % 2
            e0 = ebase + k * C
            pltpu.sync_copy(ei_hbm.at[pl.ds(e0, C)], isrc_v.at[b])
            pltpu.sync_copy(ei_hbm.at[pl.ds(E + e0, C)], idst_v.at[b])
            pltpu.async_copy(g_hbm.at[isrc_v.at[b]], grows_v.at[b], gsa[b])
            pltpu.async_copy(h_hbm.at[isrc_v.at[b]], hsrows_v.at[b], gsb[b])
            pltpu.async_copy(h_hbm.at[idst_v.at[b]], hdrows_v.at[b], gsc[b])

        issue(0)
        for k in range(K):
            b = k % 2
            if k + 1 < K:
                issue(k + 1)
            e0 = ebase + k * C
            pltpu.make_async_copy(g_hbm.at[isrc_v.at[b]], grows_v.at[b], gsa[b]).wait()
            pltpu.sync_copy(grows_v.at[b], shared.at[idst_v.at[b]], add=True)
            pltpu.make_async_copy(h_hbm.at[isrc_v.at[b]], hsrows_v.at[b], gsb[b]).wait()
            pltpu.sync_copy(hsrows_v.at[b], hs_hbm.at[pl.ds(e0, C)])
            pltpu.make_async_copy(h_hbm.at[idst_v.at[b]], hdrows_v.at[b], gsc[b]).wait()
            pltpu.sync_copy(hdrows_v.at[b], hd_hbm.at[pl.ds(e0, C)])
        plsc.subcore_barrier()
        pltpu.sync_copy(shared.at[pl.ds(r0, RS)], acc_hbm.at[ci, pl.ds(r0, RS)])

    return aggg_kernel



def _k1a_body(x_ref, w1_ref, h0_ref):
    h0 = jnp.dot(x_ref[...], w1_ref[...], preferred_element_type=jnp.float32)
    h0_ref[...] = h0


def _make_k1b_body(NL):
    def _k1b_body(h0_ref, degp_ref, g0_ref, dinv_ref):
        deg = degp_ref[pl.ds(0, NL)] + degp_ref[pl.ds(NL, NL)] + 1.0
        dinv = lax.rsqrt(deg)
        dinv_ref[...] = dinv
        g0_ref[...] = h0_ref[...] * dinv
    return _k1b_body


def _make_k2_body(NL):
    def _k2_body(accp_ref, g0_ref, dinv_ref, b1t_ref, h_ref, g_ref):
        dinv = dinv_ref[...]
        acc = accp_ref[pl.ds(0, NL)] + accp_ref[pl.ds(NL, NL)] + g0_ref[...]
        h = jnp.maximum(dinv * acc + b1t_ref[...], 0.0)
        h_ref[...] = h
        g_ref[...] = h * dinv
    return _k2_body


def _make_k3_body(RB, NL, G):
    NR = NL // 128

    def _k3_body(hs_ref, hd_ref, wa_ref, wb_ref, bl1_ref, wg_ref, bl2_ref,
                 accp_ref, g_ref, dinv_ref, w2k_ref, b2t_ref,
                 edge_ref, node_ref):
        i = pl.program_id(0)

        @pl.when(i == 0)
        def _():
            acc = accp_ref[pl.ds(0, NL)] + accp_ref[pl.ds(NL, NL)] + g_ref[...]
            aggh = dinv_ref[...] * acc
            m = aggh.reshape(NR, 128)
            node_ref[...] = (
                jnp.dot(m, w2k_ref[...], preferred_element_type=jnp.float32)
                + b2t_ref[...][None, :]
            )
        e = (
            jnp.dot(hs_ref[...], wa_ref[...], preferred_element_type=jnp.float32)
            + jnp.dot(hd_ref[...], wb_ref[...], preferred_element_type=jnp.float32)
            + bl1_ref[...]
        )
        e = jnp.maximum(e, 0.0)
        z = jnp.dot(e, wg_ref[...], preferred_element_type=jnp.float32) + bl2_ref[0]
        edge_ref[...] = jax.nn.sigmoid(z)
    return _k3_body


def kernel(x, edge_index, W1, b1, W2, b2, Wl1, bl1, Wl2, bl2):
    N, D = x.shape
    E = edge_index.shape[1]
    H1 = W1.shape[1]
    assert H1 == L and N % NS == 0 and E % NW == 0
    C = 2000
    NL = N * L
    ei_flat = edge_index.reshape(2 * E)
    zeros = jnp.zeros((N, L), jnp.float32)
    ones = jnp.ones((C, L), jnp.float32)

    h0 = pl.pallas_call(
        _k1a_body,
        out_shape=jax.ShapeDtypeStruct((N, L), jnp.float32),
    )(x, W1)

    degp = _make_deg_kernel(N, E, C)(ei_flat, zeros, ones)

    g0_1d, dinv_1d = pl.pallas_call(
        _make_k1b_body(NL),
        out_shape=(
            jax.ShapeDtypeStruct((NL,), jnp.float32),
            jax.ShapeDtypeStruct((NL,), jnp.float32),
        ),
    )(h0.reshape(NL), degp.reshape(2 * NL))

    accp1 = _make_agg_kernel(N, E, C)(ei_flat, g0_1d.reshape(N, L), zeros)

    b1t = jnp.tile(b1, N)
    h_1d, g_1d = pl.pallas_call(
        _make_k2_body(NL),
        out_shape=(
            jax.ShapeDtypeStruct((NL,), jnp.float32),
            jax.ShapeDtypeStruct((NL,), jnp.float32),
        ),
    )(accp1.reshape(2 * NL), g0_1d, dinv_1d, b1t)

    accp2, hs, hd = _make_agg_gather_kernel(N, E, 1000)(
        ei_flat, g_1d.reshape(N, L), h_1d.reshape(N, L), zeros)

    G = 8
    R = E // G
    STEPS = 10
    RB = R // STEPS
    NB = N // STEPS
    NBL = NB * L
    hs8 = hs.reshape(R, G * L)
    hd8 = hd.reshape(R, G * L)
    eye8 = jnp.eye(G, dtype=jnp.float32)
    wa = jnp.kron(eye8, Wl1[:L])
    wb = jnp.kron(eye8, Wl1[L:])
    bl1_t = jnp.tile(bl1, G)[None, :]
    wg = jnp.kron(eye8, Wl2)
    H2 = W2.shape[1]
    w2k = jnp.kron(eye8, W2)
    b2t = jnp.tile(b2, G)
    accp2_1d = accp2.reshape(2 * NL)
    edge_out, node_pk = pl.pallas_call(
        _make_k3_body(RB, NL, G),
        grid=(STEPS,),
        in_specs=[
            pl.BlockSpec((RB, G * L), lambda i: (i, 0)),
            pl.BlockSpec((RB, G * L), lambda i: (i, 0)),
            pl.BlockSpec(wa.shape, lambda i: (0, 0)),
            pl.BlockSpec(wb.shape, lambda i: (0, 0)),
            pl.BlockSpec(bl1_t.shape, lambda i: (0, 0)),
            pl.BlockSpec(wg.shape, lambda i: (0, 0)),
            pl.BlockSpec(bl2.shape, lambda i: (0,)),
            pl.BlockSpec((2 * NL,), lambda i: (0,)),
            pl.BlockSpec((NL,), lambda i: (0,)),
            pl.BlockSpec((NL,), lambda i: (0,)),
            pl.BlockSpec(w2k.shape, lambda i: (0, 0)),
            pl.BlockSpec(b2t.shape, lambda i: (0,)),
        ],
        out_specs=(
            pl.BlockSpec((RB, G), lambda i: (i, 0)),
            pl.BlockSpec((NL // 128, G * H2), lambda i: (0, 0)),
        ),
        out_shape=(
            jax.ShapeDtypeStruct((R, G), jnp.float32),
            jax.ShapeDtypeStruct((NL // 128, G * H2), jnp.float32),
        ),
    )(hs8, hd8, wa, wb, bl1_t, wg, bl2,
      accp2_1d, g_1d, dinv_1d, w2k, b2t)

    return node_pk.reshape(N, H2), edge_out.reshape(E)

# --- scband reference (transcript-rebuilt; emitter-appended) ---
"""Pipeline reference for scband-simple-gnn-65300682768499 (READ-ONLY COPY).

The authoritative reference and input builder live on the scoring server;
editing this copy changes nothing except your own understanding.
"""

import jax, jax.numpy as jnp
import numpy as np

N = 10000
E = 320000
D = 128
H1 = 16
H2 = 2


def setup_inputs(seed: int = 0) -> dict:
    key = jax.random.key(seed)
    ks = jax.random.split(key, 12)
    x = jax.random.normal(ks[0], (N, D), dtype=jnp.float32)
    edge_index = jax.random.randint(ks[1], (2, E), 0, N, dtype=jnp.int32)
    W1 = jax.random.normal(ks[2], (D, H1), dtype=jnp.float32) * (1.0 / np.sqrt(D))
    b1 = jnp.zeros((H1,), dtype=jnp.float32)
    W2 = jax.random.normal(ks[3], (H1, H2), dtype=jnp.float32) * (1.0 / np.sqrt(H1))
    b2 = jnp.zeros((H2,), dtype=jnp.float32)
    Wl1 = jax.random.normal(ks[4], (2 * H1, 16), dtype=jnp.float32) * (1.0 / np.sqrt(2 * H1))
    bl1 = jnp.zeros((16,), dtype=jnp.float32)
    Wl2 = jax.random.normal(ks[5], (16, 1), dtype=jnp.float32) * 0.25
    bl2 = jnp.zeros((1,), dtype=jnp.float32)
    return {"x": x, "edge_index": edge_index, "W1": W1, "b1": b1, "W2": W2, "b2": b2,
            "Wl1": Wl1, "bl1": bl1, "Wl2": Wl2, "bl2": bl2}


def gcn_conv(x, edge_index, W, b):
    n = x.shape[0]
    sl = jnp.arange(n, dtype=edge_index.dtype)
    src = jnp.concatenate([edge_index[0], sl])
    dst = jnp.concatenate([edge_index[1], sl])
    deg = jnp.zeros((n,), x.dtype).at[dst].add(1.0)
    dinv = jnp.where(deg > 0, jax.lax.rsqrt(jnp.maximum(deg, 1e-12)), 0.0)
    norm = dinv[src] * dinv[dst]
    h = x @ W
    msg = h[src] * norm[:, None]
    out = jnp.zeros((n, W.shape[1]), x.dtype).at[dst].add(msg)
    return out + b


def reference(x, edge_index, W1, b1, W2, b2, Wl1, bl1, Wl2, bl2):
    h = jax.nn.relu(gcn_conv(x, edge_index, W1, b1))
    # dropout is identity in eval mode
    node_out = gcn_conv(h, edge_index, W2, b2)
    start = edge_index[0]
    end = edge_index[1]
    edge_features = jnp.concatenate([h[start], h[end]], axis=1)
    e = jax.nn.relu(edge_features @ Wl1 + bl1)
    edge_out = jax.nn.sigmoid(e @ Wl2 + bl2)
    return node_out, edge_out.squeeze(-1)

if __name__ == "__main__":
    import jax
    _d = setup_inputs()
    print(jax.jit(kernel)(*tuple(_d.values())))

</pallas_src>

<mosaic_0001>
#map = affine_map<(d0, d1) -> (0)>
#map1 = affine_map<(d0, d1) -> (0, 0)>
#map2 = affine_map<(d0, d1) -> (0, 0, 0)>
module attributes {stable_mosaic.version = 14 : i64} {
  func.func @deg_kernel(%arg0: i32, %arg1: i32, %arg2: memref<640000xi32, #tpu.memory_space<hbm>>, %arg3: memref<10000x16xf32, #tpu.memory_space<hbm>>, %arg4: memref<2000x16xf32, #tpu.memory_space<hbm>>, %arg5: memref<2x10000x16xf32, #tpu.memory_space<hbm>>, %arg6: memref<2x2000xi32, #tpu.memory_space<vmem>>, %arg7: memref<2000x16xf32, #tpu.memory_space<vmem>>, %arg8: memref<10000x16xf32, #tpu.memory_space<vmem_shared>>, %arg9: memref<!tpu.dma_semaphore, #tpu.memory_space<semaphore_mem>>) attributes {dimension_semantics = [#tpu.dimension_semantics<core_parallel>, #tpu.dimension_semantics<subcore_parallel>], iteration_bounds = array<i64: 2, 16>, scalar_prefetch = 0 : i64, scratch_operands = 4 : i64, tpu.core_type = #tpu.core_type<sc_vector_subcore>, window_params = [{transform_indices = #map}, {transform_indices = #map1}, {transform_indices = #map1}, {transform_indices = #map2}]} {
    %mul3A = arith.constant 2 : i32
    %mul3A_0 = arith.muli %arg1, %mul3A : i32
    %add3A = arith.addi %mul3A_0, %arg0 : i32
    %mul3A_1 = arith.constant 625 : i32
    %mul3A_2 = arith.muli %arg1, %mul3A_1 : i32
    "tpu.region"() ({
      %run_scoped3A_108 = tpu.sem_alloc : memref<!tpu.dma_semaphore, #tpu.memory_space<semaphore_mem>>
      %dma_start3A_109 = arith.constant 0 : i32
      %dma_start3A_110 = tpu.memref_slice %arg8[%mul3A_2, %dma_start3A_109] : memref<10000x16xf32, #tpu.memory_space<vmem_shared>> -> memref<625x16xf32, #tpu.memory_space<vmem_shared>>
      %dma_start3A_111 = arith.constant 0 : i32
      %dma_start3A_112 = tpu.memref_slice %arg3[%mul3A_2, %dma_start3A_111] : memref<10000x16xf32, #tpu.memory_space<hbm>> -> memref<625x16xf32, #tpu.memory_space<hbm>>
      tpu.enqueue_dma source(%dma_start3A_112 : memref<625x16xf32, #tpu.memory_space<hbm>>) target(%dma_start3A_110 : memref<625x16xf32, #tpu.memory_space<vmem_shared>>) target_semaphore(%run_scoped3A_108 : memref<!tpu.dma_semaphore, #tpu.memory_space<semaphore_mem>>)
      %dma_wait3A_113 = arith.constant 0 : i32
      %dma_wait3A_114 = tpu.memref_slice %arg8[%mul3A_2, %dma_wait3A_113] : memref<10000x16xf32, #tpu.memory_space<vmem_shared>> -> memref<625x16xf32, #tpu.memory_space<vmem_shared>>
      %dma_wait3A_115 = arith.constant 0 : i32
      %dma_wait3A_116 = tpu.memref_slice %arg3[%mul3A_2, %dma_wait3A_115] : memref<10000x16xf32, #tpu.memory_space<hbm>> -> memref<625x16xf32, #tpu.memory_space<hbm>>
      tpu.wait_dma2 semaphore(%run_scoped3A_108 : memref<!tpu.dma_semaphore, #tpu.memory_space<semaphore_mem>>) src(%dma_wait3A_116 : memref<625x16xf32, #tpu.memory_space<hbm>>) dst(%dma_wait3A_114 : memref<625x16xf32, #tpu.memory_space<vmem_shared>>)
      tpu.yield
    }) : () -> ()
    %barrier3A = arith.constant 0 : index
    tpu.barrier barrier_id(%barrier3A)
    "tpu.region"() ({
      %run_scoped3A_108 = tpu.sem_alloc : memref<!tpu.dma_semaphore, #tpu.memory_space<semaphore_mem>>
      tpu.enqueue_dma source(%arg4 : memref<2000x16xf32, #tpu.memory_space<hbm>>) target(%arg7 : memref<2000x16xf32, #tpu.memory_space<vmem>>) target_semaphore(%run_scoped3A_108 : memref<!tpu.dma_semaphore, #tpu.memory_space<semaphore_mem>>)
      tpu.wait_dma2 semaphore(%run_scoped3A_108 : memref<!tpu.dma_semaphore, #tpu.memory_space<semaphore_mem>>) src(%arg4 : memref<2000x16xf32, #tpu.memory_space<hbm>>) dst(%arg7 : memref<2000x16xf32, #tpu.memory_space<vmem>>)
      tpu.yield
    }) : () -> ()
    %mul3A_3 = arith.constant 10000 : i32
    %mul3A_4 = arith.muli %add3A, %mul3A_3 : i32
    %add3A_5 = arith.constant 320000 : i32
    %add3A_6 = arith.addi %add3A_5, %mul3A_4 : i32
    %dma_start3A = arith.constant 0 : i32
    %dma_start3A_7 = arith.constant 0 : i32
    %dma_start3A_8 = tpu.memref_slice %arg6[%dma_start3A, %dma_start3A_7] : memref<2x2000xi32, #tpu.memory_space<vmem>> -> memref<1x2000xi32, #tpu.memory_space<vmem>>
    %dma_start3A_9 = tpu.memref_squeeze %dma_start3A_8 : memref<1x2000xi32, #tpu.memory_space<vmem>> -> memref<2000xi32, #tpu.memory_space<vmem>>
    %dma_start3A_10 = tpu.memref_slice %arg2[%add3A_6] : memref<640000xi32, #tpu.memory_space<hbm>> -> memref<2000xi32, #tpu.memory_space<hbm>>
    %dma_start3A_11 = arith.constant 0 : i32
    %dma_start3A_12 = tpu.memref_slice %arg6[%dma_start3A, %dma_start3A_11] : memref<2x2000xi32, #tpu.memory_space<vmem>> -> memref<1x2000xi32, #tpu.memory_space<vmem>>
    %dma_start3A_13 = tpu.memref_squeeze %dma_start3A_12 : memref<1x2000xi32, #tpu.memory_space<vmem>> -> memref<2000xi32, #tpu.memory_space<vmem>>
    %dma_start3A_14 = tpu.memref_slice %arg2[%add3A_6] : memref<640000xi32, #tpu.memory_space<hbm>> -> memref<2000xi32, #tpu.memory_space<hbm>>
    tpu.enqueue_dma source(%dma_start3A_14 : memref<2000xi32, #tpu.memory_space<hbm>>) target(%dma_start3A_13 : memref<2000xi32, #tpu.memory_space<vmem>>) target_semaphore(%arg9 : memref<!tpu.dma_semaphore, #tpu.memory_space<semaphore_mem>>)
    %dma_wait3A = arith.constant 0 : i32
    %dma_wait3A_15 = arith.constant 0 : i32
    %dma_wait3A_16 = tpu.memref_slice %arg6[%dma_wait3A, %dma_wait3A_15] : memref<2x2000xi32, #tpu.memory_space<vmem>> -> memref<1x2000xi32, #tpu.memory_space<vmem>>
    %dma_wait3A_17 = tpu.memref_squeeze %dma_wait3A_16 : memref<1x2000xi32, #tpu.memory_space<vmem>> -> memref<2000xi32, #tpu.memory_space<vmem>>
    %dma_wait3A_18 = tpu.memref_slice %arg2[%add3A_6] : memref<640000xi32, #tpu.memory_space<hbm>> -> memref<2000xi32, #tpu.memory_space<hbm>>
    %dma_wait3A_19 = arith.constant 0 : i32
    %dma_wait3A_20 = tpu.memref_slice %arg6[%dma_wait3A, %dma_wait3A_19] : memref<2x2000xi32, #tpu.memory_space<vmem>> -> memref<1x2000xi32, #tpu.memory_space<vmem>>
    %dma_wait3A_21 = tpu.memref_squeeze %dma_wait3A_20 : memref<1x2000xi32, #tpu.memory_space<vmem>> -> memref<2000xi32, #tpu.memory_space<vmem>>
    %dma_wait3A_22 = tpu.memref_slice %arg2[%add3A_6] : memref<640000xi32, #tpu.memory_space<hbm>> -> memref<2000xi32, #tpu.memory_space<hbm>>
    tpu.wait_dma2 semaphore(%arg9 : memref<!tpu.dma_semaphore, #tpu.memory_space<semaphore_mem>>) src(%dma_wait3A_22 : memref<2000xi32, #tpu.memory_space<hbm>>) dst(%dma_wait3A_21 : memref<2000xi32, #tpu.memory_space<vmem>>)
    %add3A_23 = arith.constant 2000 : i32
    %add3A_24 = arith.addi %add3A_6, %add3A_23 : i32
    %dma_start3A_25 = arith.constant 1 : i32
    %dma_start3A_26 = arith.constant 0 : i32
    %dma_start3A_27 = tpu.memref_slice %arg6[%dma_start3A_25, %dma_start3A_26] : memref<2x2000xi32, #tpu.memory_space<vmem>> -> memref<1x2000xi32, #tpu.memory_space<vmem>>
    %dma_start3A_28 = tpu.memref_squeeze %dma_start3A_27 : memref<1x2000xi32, #tpu.memory_space<vmem>> -> memref<2000xi32, #tpu.memory_space<vmem>>
    %dma_start3A_29 = tpu.memref_slice %arg2[%add3A_24] : memref<640000xi32, #tpu.memory_space<hbm>> -> memref<2000xi32, #tpu.memory_space<hbm>>
    %dma_start3A_30 = arith.constant 0 : i32
    %dma_start3A_31 = tpu.memref_slice %arg6[%dma_start3A_25, %dma_start3A_30] : memref<2x2000xi32, #tpu.memory_space<vmem>> -> memref<1x2000xi32, #tpu.memory_space<vmem>>
    %dma_start3A_32 = tpu.memref_squeeze %dma_start3A_31 : memref<1x2000xi32, #tpu.memory_space<vmem>> -> memref<2000xi32, #tpu.memory_space<vmem>>
    %dma_start3A_33 = tpu.memref_slice %arg2[%add3A_24] : memref<640000xi32, #tpu.memory_space<hbm>> -> memref<2000xi32, #tpu.memory_space<hbm>>
    tpu.enqueue_dma source(%dma_start3A_33 : memref<2000xi32, #tpu.memory_space<hbm>>) target(%dma_start3A_32 : memref<2000xi32, #tpu.memory_space<vmem>>) target_semaphore(%arg9 : memref<!tpu.dma_semaphore, #tpu.memory_space<semaphore_mem>>)
    %run_scoped3A = arith.constant 0 : i32
    "tpu.region"() ({
      %run_scoped3A_108 = tpu.sem_alloc : memref<!tpu.dma_semaphore, #tpu.memory_space<semaphore_mem>>
      %dma_start3A_109 = arith.constant 0 : i32
      %dma_start3A_110 = tpu.memref_slice %arg6[%run_scoped3A, %dma_start3A_109] : memref<2x2000xi32, #tpu.memory_space<vmem>> -> memref<1x2000xi32, #tpu.memory_space<vmem>>
      %dma_start3A_111 = tpu.memref_squeeze %dma_start3A_110 : memref<1x2000xi32, #tpu.memory_space<vmem>> -> memref<2000xi32, #tpu.memory_space<vmem>>
      %dma_start3A_112 = arith.constant 0 : i32
      %dma_start3A_113 = arith.constant 0 : i32
      %dma_start3A_114 = tpu.memref_slice %arg8[%dma_start3A_112, %dma_start3A_113] : memref<10000x16xf32, #tpu.memory_space<vmem_shared>> -> memref<10000x16xf32, #tpu.memory_space<vmem_shared>>
      tpu.enqueue_indirect_dma source(%arg7 : memref<2000x16xf32, #tpu.memory_space<vmem>>) target(%dma_start3A_114 : memref<10000x16xf32, #tpu.memory_space<vmem_shared>>) offsets(%dma_start3A_111 : memref<2000xi32, #tpu.memory_space<vmem>>) semaphore(%run_scoped3A_108 : memref<!tpu.dma_semaphore, #tpu.memory_space<semaphore_mem>>) {add = true}
      %dma_wait3A_115 = arith.constant 0 : i32
      %dma_wait3A_116 = tpu.memref_slice %arg6[%run_scoped3A, %dma_wait3A_115] : memref<2x2000xi32, #tpu.memory_space<vmem>> -> memref<1x2000xi32, #tpu.memory_space<vmem>>
      %dma_wait3A_117 = tpu.memref_squeeze %dma_wait3A_116 : memref<1x2000xi32, #tpu.memory_space<vmem>> -> memref<2000xi32, #tpu.memory_space<vmem>>
      %dma_wait3A_118 = arith.constant 0 : i32
      %dma_wait3A_119 = arith.constant 0 : i32
      %dma_wait3A_120 = tpu.memref_slice %arg8[%dma_wait3A_118, %dma_wait3A_119] : memref<10000x16xf32, #tpu.memory_space<vmem_shared>> -> memref<10000x16xf32, #tpu.memory_space<vmem_shared>>
      tpu.wait_indirect_dma semaphore(%run_scoped3A_108 : memref<!tpu.dma_semaphore, #tpu.memory_space<semaphore_mem>>) src(%arg7 : memref<2000x16xf32, #tpu.memory_space<vmem>>) dst(%dma_wait3A_120 : memref<10000x16xf32, #tpu.memory_space<vmem_shared>>)
      tpu.yield
    }) : () -> ()
    %dma_wait3A_34 = arith.constant 1 : i32
    %dma_wait3A_35 = arith.constant 0 : i32
    %dma_wait3A_36 = tpu.memref_slice %arg6[%dma_wait3A_34, %dma_wait3A_35] : memref<2x2000xi32, #tpu.memory_space<vmem>> -> memref<1x2000xi32, #tpu.memory_space<vmem>>
    %dma_wait3A_37 = tpu.memref_squeeze %dma_wait3A_36 : memref<1x2000xi32, #tpu.memory_space<vmem>> -> memref<2000xi32, #tpu.memory_space<vmem>>
    %dma_wait3A_38 = tpu.memref_slice %arg2[%add3A_6] : memref<640000xi32, #tpu.memory_space<hbm>> -> memref<2000xi32, #tpu.memory_space<hbm>>
    %dma_wait3A_39 = arith.constant 0 : i32
    %dma_wait3A_40 = tpu.memref_slice %arg6[%dma_wait3A_34, %dma_wait3A_39] : memref<2x2000xi32, #tpu.memory_space<vmem>> -> memref<1x2000xi32, #tpu.memory_space<vmem>>
    %dma_wait3A_41 = tpu.memref_squeeze %dma_wait3A_40 : memref<1x2000xi32, #tpu.memory_space<vmem>> -> memref<2000xi32, #tpu.memory_space<vmem>>
    %dma_wait3A_42 = tpu.memref_slice %arg2[%add3A_6] : memref<640000xi32, #tpu.memory_space<hbm>> -> memref<2000xi32, #tpu.memory_space<hbm>>
    tpu.wait_dma2 semaphore(%arg9 : memref<!tpu.dma_semaphore, #tpu.memory_space<semaphore_mem>>) src(%dma_wait3A_42 : memref<2000xi32, #tpu.memory_space<hbm>>) dst(%dma_wait3A_41 : memref<2000xi32, #tpu.memory_space<vmem>>)
    %add3A_43 = arith.constant 4000 : i32
    %add3A_44 = arith.addi %add3A_6, %add3A_43 : i32
    %dma_start3A_45 = arith.constant 0 : i32
    %dma_start3A_46 = arith.constant 0 : i32
    %dma_start3A_47 = tpu.memref_slice %arg6[%dma_start3A_45, %dma_start3A_46] : memref<2x2000xi32, #tpu.memory_space<vmem>> -> memref<1x2000xi32, #tpu.memory_space<vmem>>
    %dma_start3A_48 = tpu.memref_squeeze %dma_start3A_47 : memref<1x2000xi32, #tpu.memory_space<vmem>> -> memref<2000xi32, #tpu.memory_space<vmem>>
    %dma_start3A_49 = tpu.memref_slice %arg2[%add3A_44] : memref<640000xi32, #tpu.memory_space<hbm>> -> memref<2000xi32, #tpu.memory_space<hbm>>
    %dma_start3A_50 = arith.constant 0 : i32
    %dma_start3A_51 = tpu.memref_slice %arg6[%dma_start3A_45, %dma_start3A_50] : memref<2x2000xi32, #tpu.memory_space<vmem>> -> memref<1x2000xi32, #tpu.memory_space<vmem>>
    %dma_start3A_52 = tpu.memref_squeeze %dma_start3A_51 : memref<1x2000xi32, #tpu.memory_space<vmem>> -> memref<2000xi32, #tpu.memory_space<vmem>>
    %dma_start3A_53 = tpu.memref_slice %arg2[%add3A_44] : memref<640000xi32, #tpu.memory_space<hbm>> -> memref<2000xi32, #tpu.memory_space<hbm>>
    tpu.enqueue_dma source(%dma_start3A_53 : memref<2000xi32, #tpu.memory_space<hbm>>) target(%dma_start3A_52 : memref<2000xi32, #tpu.memory_space<vmem>>) target_semaphore(%arg9 : memref<!tpu.dma_semaphore, #tpu.memory_space<semaphore_mem>>)
    %run_scoped3A_54 = arith.constant 1 : i32
    "tpu.region"() ({
      %run_scoped3A_108 = tpu.sem_alloc : memref<!tpu.dma_semaphore, #tpu.memory_space<semaphore_mem>>
      %dma_start3A_109 = arith.constant 0 : i32
      %dma_start3A_110 = tpu.memref_slice %arg6[%run_scoped3A_54, %dma_start3A_109] : memref<2x2000xi32, #tpu.memory_space<vmem>> -> memref<1x2000xi32, #tpu.memory_space<vmem>>
      %dma_start3A_111 = tpu.memref_squeeze %dma_start3A_110 : memref<1x2000xi32, #tpu.memory_space<vmem>> -> memref<2000xi32, #tpu.memory_space<vmem>>
      %dma_start3A_112 = arith.constant 0 : i32
      %dma_start3A_113 = arith.constant 0 : i32
      %dma_start3A_114 = tpu.memref_slice %arg8[%dma_start3A_112, %dma_start3A_113] : memref<10000x16xf32, #tpu.memory_space<vmem_shared>> -> memref<10000x16xf32, #tpu.memory_space<vmem_shared>>
      tpu.enqueue_indirect_dma source(%arg7 : memref<2000x16xf32, #tpu.memory_space<vmem>>) target(%dma_start3A_114 : memref<10000x16xf32, #tpu.memory_space<vmem_shared>>) offsets(%dma_start3A_111 : memref<2000xi32, #tpu.memory_space<vmem>>) semaphore(%run_scoped3A_108 : memref<!tpu.dma_semaphore, #tpu.memory_space<semaphore_mem>>) {add = true}
      %dma_wait3A_115 = arith.constant 0 : i32
      %dma_wait3A_116 = tpu.memref_slice %arg6[%run_scoped3A_54, %dma_wait3A_115] : memref<2x2000xi32, #tpu.memory_space<vmem>> -> memref<1x2000xi32, #tpu.memory_space<vmem>>
      %dma_wait3A_117 = tpu.memref_squeeze %dma_wait3A_116 : memref<1x2000xi32, #tpu.memory_space<vmem>> -> memref<2000xi32, #tpu.memory_space<vmem>>
      %dma_wait3A_118 = arith.constant 0 : i32
      %dma_wait3A_119 = arith.constant 0 : i32
      %dma_wait3A_120 = tpu.memref_slice %arg8[%dma_wait3A_118, %dma_wait3A_119] : memref<10000x16xf32, #tpu.memory_space<vmem_shared>> -> memref<10000x16xf32, #tpu.memory_space<vmem_shared>>
      tpu.wait_indirect_dma semaphore(%run_scoped3A_108 : memref<!tpu.dma_semaphore, #tpu.memory_space<semaphore_mem>>) src(%arg7 : memref<2000x16xf32, #tpu.memory_space<vmem>>) dst(%dma_wait3A_120 : memref<10000x16xf32, #tpu.memory_space<vmem_shared>>)
      tpu.yield
    }) : () -> ()
    %dma_wait3A_55 = arith.constant 0 : i32
    %dma_wait3A_56 = arith.constant 0 : i32
    %dma_wait3A_57 = tpu.memref_slice %arg6[%dma_wait3A_55, %dma_wait3A_56] : memref<2x2000xi32, #tpu.memory_space<vmem>> -> memref<1x2000xi32, #tpu.memory_space<vmem>>
    %dma_wait3A_58 = tpu.memref_squeeze %dma_wait3A_57 : memref<1x2000xi32, #tpu.memory_space<vmem>> -> memref<2000xi32, #tpu.memory_space<vmem>>
    %dma_wait3A_59 = tpu.memref_slice %arg2[%add3A_6] : memref<640000xi32, #tpu.memory_space<hbm>> -> memref<2000xi32, #tpu.memory_space<hbm>>
    %dma_wait3A_60 = arith.constant 0 : i32
    %dma_wait3A_61 = tpu.memref_slice %arg6[%dma_wait3A_55, %dma_wait3A_60] : memref<2x2000xi32, #tpu.memory_space<vmem>> -> memref<1x2000xi32, #tpu.memory_space<vmem>>
    %dma_wait3A_62 = tpu.memref_squeeze %dma_wait3A_61 : memref<1x2000xi32, #tpu.memory_space<vmem>> -> memref<2000xi32, #tpu.memory_space<vmem>>
    %dma_wait3A_63 = tpu.memref_slice %arg2[%add3A_6] : memref<640000xi32, #tpu.memory_space<hbm>> -> memref<2000xi32, #tpu.memory_space<hbm>>
    tpu.wait_dma2 semaphore(%arg9 : memref<!tpu.dma_semaphore, #tpu.memory_space<semaphore_mem>>) src(%dma_wait3A_63 : memref<2000xi32, #tpu.memory_space<hbm>>) dst(%dma_wait3A_62 : memref<2000xi32, #tpu.memory_space<vmem>>)
    %add3A_64 = arith.constant 6000 : i32
    %add3A_65 = arith.addi %add3A_6, %add3A_64 : i32
    %dma_start3A_66 = arith.constant 1 : i32
    %dma_start3A_67 = arith.constant 0 : i32
    %dma_start3A_68 = tpu.memref_slice %arg6[%dma_start3A_66, %dma_start3A_67] : memref<2x2000xi32, #tpu.memory_space<vmem>> -> memref<1x2000xi32, #tpu.memory_space<vmem>>
    %dma_start3A_69 = tpu.memref_squeeze %dma_start3A_68 : memref<1x2000xi32, #tpu.memory_space<vmem>> -> memref<2000xi32, #tpu.memory_space<vmem>>
    %dma_start3A_70 = tpu.memref_slice %arg2[%add3A_65] : memref<640000xi32, #tpu.memory_space<hbm>> -> memref<2000xi32, #tpu.memory_space<hbm>>
    %dma_start3A_71 = arith.constant 0 : i32
    %dma_start3A_72 = tpu.memref_slice %arg6[%dma_start3A_66, %dma_start3A_71] : memref<2x2000xi32, #tpu.memory_space<vmem>> -> memref<1x2000xi32, #tpu.memory_space<vmem>>
    %dma_start3A_73 = tpu.memref_squeeze %dma_start3A_72 : memref<1x2000xi32, #tpu.memory_space<vmem>> -> memref<2000xi32, #tpu.memory_space<vmem>>
    %dma_start3A_74 = tpu.memref_slice %arg2[%add3A_65] : memref<640000xi32, #tpu.memory_space<hbm>> -> memref<2000xi32, #tpu.memory_space<hbm>>
    tpu.enqueue_dma source(%dma_start3A_74 : memref<2000xi32, #tpu.memory_space<hbm>>) target(%dma_start3A_73 : memref<2000xi32, #tpu.memory_space<vmem>>) target_semaphore(%arg9 : memref<!tpu.dma_semaphore, #tpu.memory_space<semaphore_mem>>)
    %run_scoped3A_75 = arith.constant 0 : i32
    "tpu.region"() ({
      %run_scoped3A_108 = tpu.sem_alloc : memref<!tpu.dma_semaphore, #tpu.memory_space<semaphore_mem>>
      %dma_start3A_109 = arith.constant 0 : i32
      %dma_start3A_110 = tpu.memref_slice %arg6[%run_scoped3A_75, %dma_start3A_109] : memref<2x2000xi32, #tpu.memory_space<vmem>> -> memref<1x2000xi32, #tpu.memory_space<vmem>>
      %dma_start3A_111 = tpu.memref_squeeze %dma_start3A_110 : memref<1x2000xi32, #tpu.memory_space<vmem>> -> memref<2000xi32, #tpu.memory_space<vmem>>
      %dma_start3A_112 = arith.constant 0 : i32
      %dma_start3A_113 = arith.constant 0 : i32
      %dma_start3A_114 = tpu.memref_slice %arg8[%dma_start3A_112, %dma_start3A_113] : memref<10000x16xf32, #tpu.memory_space<vmem_shared>> -> memref<10000x16xf32, #tpu.memory_space<vmem_shared>>
      tpu.enqueue_indirect_dma source(%arg7 : memref<2000x16xf32, #tpu.memory_space<vmem>>) target(%dma_start3A_114 : memref<10000x16xf32, #tpu.memory_space<vmem_shared>>) offsets(%dma_start3A_111 : memref<2000xi32, #tpu.memory_space<vmem>>) semaphore(%run_scoped3A_108 : memref<!tpu.dma_semaphore, #tpu.memory_space<semaphore_mem>>) {add = true}
      %dma_wait3A_115 = arith.constant 0 : i32
      %dma_wait3A_116 = tpu.memref_slice %arg6[%run_scoped3A_75, %dma_wait3A_115] : memref<2x2000xi32, #tpu.memory_space<vmem>> -> memref<1x2000xi32, #tpu.memory_space<vmem>>
      %dma_wait3A_117 = tpu.memref_squeeze %dma_wait3A_116 : memref<1x2000xi32, #tpu.memory_space<vmem>> -> memref<2000xi32, #tpu.memory_space<vmem>>
      %dma_wait3A_118 = arith.constant 0 : i32
      %dma_wait3A_119 = arith.constant 0 : i32
      %dma_wait3A_120 = tpu.memref_slice %arg8[%dma_wait3A_118, %dma_wait3A_119] : memref<10000x16xf32, #tpu.memory_space<vmem_shared>> -> memref<10000x16xf32, #tpu.memory_space<vmem_shared>>
      tpu.wait_indirect_dma semaphore(%run_scoped3A_108 : memref<!tpu.dma_semaphore, #tpu.memory_space<semaphore_mem>>) src(%arg7 : memref<2000x16xf32, #tpu.memory_space<vmem>>) dst(%dma_wait3A_120 : memref<10000x16xf32, #tpu.memory_space<vmem_shared>>)
      tpu.yield
    }) : () -> ()
    %dma_wait3A_76 = arith.constant 1 : i32
    %dma_wait3A_77 = arith.constant 0 : i32
    %dma_wait3A_78 = tpu.memref_slice %arg6[%dma_wait3A_76, %dma_wait3A_77] : memref<2x2000xi32, #tpu.memory_space<vmem>> -> memref<1x2000xi32, #tpu.memory_space<vmem>>
    %dma_wait3A_79 = tpu.memref_squeeze %dma_wait3A_78 : memref<1x2000xi32, #tpu.memory_space<vmem>> -> memref<2000xi32, #tpu.memory_space<vmem>>
    %dma_wait3A_80 = tpu.memref_slice %arg2[%add3A_6] : memref<640000xi32, #tpu.memory_space<hbm>> -> memref<2000xi32, #tpu.memory_space<hbm>>
    %dma_wait3A_81 = arith.constant 0 : i32
    %dma_wait3A_82 = tpu.memref_slice %arg6[%dma_wait3A_76, %dma_wait3A_81] : memref<2x2000xi32, #tpu.memory_space<vmem>> -> memref<1x2000xi32, #tpu.memory_space<vmem>>
    %dma_wait3A_83 = tpu.memref_squeeze %dma_wait3A_82 : memref<1x2000xi32, #tpu.memory_space<vmem>> -> memref<2000xi32, #tpu.memory_space<vmem>>
    %dma_wait3A_84 = tpu.memref_slice %arg2[%add3A_6] : memref<640000xi32, #tpu.memory_space<hbm>> -> memref<2000xi32, #tpu.memory_space<hbm>>
    tpu.wait_dma2 semaphore(%arg9 : memref<!tpu.dma_semaphore, #tpu.memory_space<semaphore_mem>>) src(%dma_wait3A_84 : memref<2000xi32, #tpu.memory_space<hbm>>) dst(%dma_wait3A_83 : memref<2000xi32, #tpu.memory_space<vmem>>)
    %add3A_85 = arith.constant 8000 : i32
    %add3A_86 = arith.addi %add3A_6, %add3A_85 : i32
    %dma_start3A_87 = arith.constant 0 : i32
    %dma_start3A_88 = arith.constant 0 : i32
    %dma_start3A_89 = tpu.memref_slice %arg6[%dma_start3A_87, %dma_start3A_88] : memref<2x2000xi32, #tpu.memory_space<vmem>> -> memref<1x2000xi32, #tpu.memory_space<vmem>>
    %dma_start3A_90 = tpu.memref_squeeze %dma_start3A_89 : memref<1x2000xi32, #tpu.memory_space<vmem>> -> memref<2000xi32, #tpu.memory_space<vmem>>
    %dma_start3A_91 = tpu.memref_slice %arg2[%add3A_86] : memref<640000xi32, #tpu.memory_space<hbm>> -> memref<2000xi32, #tpu.memory_space<hbm>>
    %dma_start3A_92 = arith.constant 0 : i32
    %dma_start3A_93 = tpu.memref_slice %arg6[%dma_start3A_87, %dma_start3A_92] : memref<2x2000xi32, #tpu.memory_space<vmem>> -> memref<1x2000xi32, #tpu.memory_space<vmem>>
    %dma_start3A_94 = tpu.memref_squeeze %dma_start3A_93 : memref<1x2000xi32, #tpu.memory_space<vmem>> -> memref<2000xi32, #tpu.memory_space<vmem>>
    %dma_start3A_95 = tpu.memref_slice %arg2[%add3A_86] : memref<640000xi32, #tpu.memory_space<hbm>> -> memref<2000xi32, #tpu.memory_space<hbm>>
    tpu.enqueue_dma source(%dma_start3A_95 : memref<2000xi32, #tpu.memory_space<hbm>>) target(%dma_start3A_94 : memref<2000xi32, #tpu.memory_space<vmem>>) target_semaphore(%arg9 : memref<!tpu.dma_semaphore, #tpu.memory_space<semaphore_mem>>)
    %run_scoped3A_96 = arith.constant 1 : i32
    "tpu.region"() ({
      %run_scoped3A_108 = tpu.sem_alloc : memref<!tpu.dma_semaphore, #tpu.memory_space<semaphore_mem>>
      %dma_start3A_109 = arith.constant 0 : i32
      %dma_start3A_110 = tpu.memref_slice %arg6[%run_scoped3A_96, %dma_start3A_109] : memref<2x2000xi32, #tpu.memory_space<vmem>> -> memref<1x2000xi32, #tpu.memory_space<vmem>>
      %dma_start3A_111 = tpu.memref_squeeze %dma_start3A_110 : memref<1x2000xi32, #tpu.memory_space<vmem>> -> memref<2000xi32, #tpu.memory_space<vmem>>
      %dma_start3A_112 = arith.constant 0 : i32
      %dma_start3A_113 = arith.constant 0 : i32
      %dma_start3A_114 = tpu.memref_slice %arg8[%dma_start3A_112, %dma_start3A_113] : memref<10000x16xf32, #tpu.memory_space<vmem_shared>> -> memref<10000x16xf32, #tpu.memory_space<vmem_shared>>
      tpu.enqueue_indirect_dma source(%arg7 : memref<2000x16xf32, #tpu.memory_space<vmem>>) target(%dma_start3A_114 : memref<10000x16xf32, #tpu.memory_space<vmem_shared>>) offsets(%dma_start3A_111 : memref<2000xi32, #tpu.memory_space<vmem>>) semaphore(%run_scoped3A_108 : memref<!tpu.dma_semaphore, #tpu.memory_space<semaphore_mem>>) {add = true}
      %dma_wait3A_115 = arith.constant 0 : i32
      %dma_wait3A_116 = tpu.memref_slice %arg6[%run_scoped3A_96, %dma_wait3A_115] : memref<2x2000xi32, #tpu.memory_space<vmem>> -> memref<1x2000xi32, #tpu.memory_space<vmem>>
      %dma_wait3A_117 = tpu.memref_squeeze %dma_wait3A_116 : memref<1x2000xi32, #tpu.memory_space<vmem>> -> memref<2000xi32, #tpu.memory_space<vmem>>
      %dma_wait3A_118 = arith.constant 0 : i32
      %dma_wait3A_119 = arith.constant 0 : i32
      %dma_wait3A_120 = tpu.memref_slice %arg8[%dma_wait3A_118, %dma_wait3A_119] : memref<10000x16xf32, #tpu.memory_space<vmem_shared>> -> memref<10000x16xf32, #tpu.memory_space<vmem_shared>>
      tpu.wait_indirect_dma semaphore(%run_scoped3A_108 : memref<!tpu.dma_semaphore, #tpu.memory_space<semaphore_mem>>) src(%arg7 : memref<2000x16xf32, #tpu.memory_space<vmem>>) dst(%dma_wait3A_120 : memref<10000x16xf32, #tpu.memory_space<vmem_shared>>)
      tpu.yield
    }) : () -> ()
    %dma_wait3A_97 = arith.constant 0 : i32
    %dma_wait3A_98 = arith.constant 0 : i32
    %dma_wait3A_99 = tpu.memref_slice %arg6[%dma_wait3A_97, %dma_wait3A_98] : memref<2x2000xi32, #tpu.memory_space<vmem>> -> memref<1x2000xi32, #tpu.memory_space<vmem>>
    %dma_wait3A_100 = tpu.memref_squeeze %dma_wait3A_99 : memref<1x2000xi32, #tpu.memory_space<vmem>> -> memref<2000xi32, #tpu.memory_space<vmem>>
    %dma_wait3A_101 = tpu.memref_slice %arg2[%add3A_6] : memref<640000xi32, #tpu.memory_space<hbm>> -> memref<2000xi32, #tpu.memory_space<hbm>>
    %dma_wait3A_102 = arith.constant 0 : i32
    %dma_wait3A_103 = tpu.memref_slice %arg6[%dma_wait3A_97, %dma_wait3A_102] : memref<2x2000xi32, #tpu.memory_space<vmem>> -> memref<1x2000xi32, #tpu.memory_space<vmem>>
    %dma_wait3A_104 = tpu.memref_squeeze %dma_wait3A_103 : memref<1x2000xi32, #tpu.memory_space<vmem>> -> memref<2000xi32, #tpu.memory_space<vmem>>
    %dma_wait3A_105 = tpu.memref_slice %arg2[%add3A_6] : memref<640000xi32, #tpu.memory_space<hbm>> -> memref<2000xi32, #tpu.memory_space<hbm>>
    tpu.wait_dma2 semaphore(%arg9 : memref<!tpu.dma_semaphore, #tpu.memory_space<semaphore_mem>>) src(%dma_wait3A_105 : memref<2000xi32, #tpu.memory_space<hbm>>) dst(%dma_wait3A_104 : memref<2000xi32, #tpu.memory_space<vmem>>)
    %run_scoped3A_106 = arith.constant 0 : i32
    "tpu.region"() ({
      %run_scoped3A_108 = tpu.sem_alloc : memref<!tpu.dma_semaphore, #tpu.memory_space<semaphore_mem>>
      %dma_start3A_109 = arith.constant 0 : i32
      %dma_start3A_110 = tpu.memref_slice %arg6[%run_scoped3A_106, %dma_start3A_109] : memref<2x2000xi32, #tpu.memory_space<vmem>> -> memref<1x2000xi32, #tpu.memory_space<vmem>>
      %dma_start3A_111 = tpu.memref_squeeze %dma_start3A_110 : memref<1x2000xi32, #tpu.memory_space<vmem>> -> memref<2000xi32, #tpu.memory_space<vmem>>
      %dma_start3A_112 = arith.constant 0 : i32
      %dma_start3A_113 = arith.constant 0 : i32
      %dma_start3A_114 = tpu.memref_slice %arg8[%dma_start3A_112, %dma_start3A_113] : memref<10000x16xf32, #tpu.memory_space<vmem_shared>> -> memref<10000x16xf32, #tpu.memory_space<vmem_shared>>
      tpu.enqueue_indirect_dma source(%arg7 : memref<2000x16xf32, #tpu.memory_space<vmem>>) target(%dma_start3A_114 : memref<10000x16xf32, #tpu.memory_space<vmem_shared>>) offsets(%dma_start3A_111 : memref<2000xi32, #tpu.memory_space<vmem>>) semaphore(%run_scoped3A_108 : memref<!tpu.dma_semaphore, #tpu.memory_space<semaphore_mem>>) {add = true}
      %dma_wait3A_115 = arith.constant 0 : i32
      %dma_wait3A_116 = tpu.memref_slice %arg6[%run_scoped3A_106, %dma_wait3A_115] : memref<2x2000xi32, #tpu.memory_space<vmem>> -> memref<1x2000xi32, #tpu.memory_space<vmem>>
      %dma_wait3A_117 = tpu.memref_squeeze %dma_wait3A_116 : memref<1x2000xi32, #tpu.memory_space<vmem>> -> memref<2000xi32, #tpu.memory_space<vmem>>
      %dma_wait3A_118 = arith.constant 0 : i32
      %dma_wait3A_119 = arith.constant 0 : i32
      %dma_wait3A_120 = tpu.memref_slice %arg8[%dma_wait3A_118, %dma_wait3A_119] : memref<10000x16xf32, #tpu.memory_space<vmem_shared>> -> memref<10000x16xf32, #tpu.memory_space<vmem_shared>>
      tpu.wait_indirect_dma semaphore(%run_scoped3A_108 : memref<!tpu.dma_semaphore, #tpu.memory_space<semaphore_mem>>) src(%arg7 : memref<2000x16xf32, #tpu.memory_space<vmem>>) dst(%dma_wait3A_120 : memref<10000x16xf32, #tpu.memory_space<vmem_shared>>)
      tpu.yield
    }) : () -> ()
    %barrier3A_107 = arith.constant 0 : index
    tpu.barrier barrier_id(%barrier3A_107)
    "tpu.region"() ({
      %run_scoped3A_108 = tpu.sem_alloc : memref<!tpu.dma_semaphore, #tpu.memory_space<semaphore_mem>>
      %dma_start3A_109 = arith.constant 0 : i32
      %dma_start3A_110 = tpu.memref_slice %arg5[%arg0, %mul3A_2, %dma_start3A_109] : memref<2x10000x16xf32, #tpu.memory_space<hbm>> -> memref<1x625x16xf32, #tpu.memory_space<hbm>>
      %dma_start3A_111 = tpu.memref_squeeze %dma_start3A_110 : memref<1x625x16xf32, #tpu.memory_space<hbm>> -> memref<625x16xf32, #tpu.memory_space<hbm>>
      %dma_start3A_112 = arith.constant 0 : i32
      %dma_start3A_113 = tpu.memref_slice %arg8[%mul3A_2, %dma_start3A_112] : memref<10000x16xf32, #tpu.memory_space<vmem_shared>> -> memref<625x16xf32, #tpu.memory_space<vmem_shared>>
      tpu.enqueue_dma source(%dma_start3A_113 : memref<625x16xf32, #tpu.memory_space<vmem_shared>>) target(%dma_start3A_111 : memref<625x16xf32, #tpu.memory_space<hbm>>) target_semaphore(%run_scoped3A_108 : memref<!tpu.dma_semaphore, #tpu.memory_space<semaphore_mem>>)
      %dma_wait3A_114 = arith.constant 0 : i32
      %dma_wait3A_115 = tpu.memref_slice %arg5[%arg0, %mul3A_2, %dma_wait3A_114] : memref<2x10000x16xf32, #tpu.memory_space<hbm>> -> memref<1x625x16xf32, #tpu.memory_space<hbm>>
      %dma_wait3A_116 = tpu.memref_squeeze %dma_wait3A_115 : memref<1x625x16xf32, #tpu.memory_space<hbm>> -> memref<625x16xf32, #tpu.memory_space<hbm>>
      %dma_wait3A_117 = arith.constant 0 : i32
      %dma_wait3A_118 = tpu.memref_slice %arg8[%mul3A_2, %dma_wait3A_117] : memref<10000x16xf32, #tpu.memory_space<vmem_shared>> -> memref<625x16xf32, #tpu.memory_space<vmem_shared>>
      tpu.wait_dma2 semaphore(%run_scoped3A_108 : memref<!tpu.dma_semaphore, #tpu.memory_space<semaphore_mem>>) src(%dma_wait3A_118 : memref<625x16xf32, #tpu.memory_space<vmem_shared>>) dst(%dma_wait3A_116 : memref<625x16xf32, #tpu.memory_space<hbm>>)
      tpu.yield
    }) : () -> ()
    return
  }
}

#map = affine_map<(d0, d1) -> (0)>
#map1 = affine_map<(d0, d1) -> (0, 0)>
#map2 = affine_map<(d0, d1) -> (0, 0, 0)>
module attributes {stable_mosaic.version = 14 : i64} {
  func.func @aggg_kernel(%arg0: i32, %arg1: i32, %arg2: memref<640000xi32, #tpu.memory_space<hbm>>, %arg3: memref<10000x16xf32, #tpu.memory_space<hbm>>, %arg4: memref<10000x16xf32, #tpu.memory_space<hbm>>, %arg5: memref<10000x16xf32, #tpu.memory_space<hbm>>, %arg6: memref<2x10000x16xf32, #tpu.memory_space<hbm>>, %arg7: memref<320000x16xf32, #tpu.memory_space<hbm>>, %arg8: memref<320000x16xf32, #tpu.memory_space<hbm>>, %arg9: memref<2x1000xi32, #tpu.memory_space<vmem>>, %arg10: memref<2x1000xi32, #tpu.memory_space<vmem>>, %arg11: memref<2x1000x16xf32, #tpu.memory_space<vmem>>, %arg12: memref<2x1000x16xf32, #tpu.memory_space<vmem>>, %arg13: memref<2x1000x16xf32, #tpu.memory_space<vmem>>, %arg14: memref<10000x16xf32, #tpu.memory_space<vmem_shared>>, %arg15: memref<!tpu.dma_semaphore, #tpu.memory_space<semaphore_mem>>, %arg16: memref<!tpu.dma_semaphore, #tpu.memory_space<semaphore_mem>>, %arg17: memref<!tpu.dma_semaphore, #tpu.memory_space<semaphore_mem>>, %arg18: memref<!tpu.dma_semaphore, #tpu.memory_space<semaphore_mem>>, %arg19: memref<!tpu.dma_semaphore, #tpu.memory_space<semaphore_mem>>, %arg20: memref<!tpu.dma_semaphore, #tpu.memory_space<semaphore_mem>>) attributes {dimension_semantics = [#tpu.dimension_semantics<core_parallel>, #tpu.dimension_semantics<subcore_parallel>], iteration_bounds = array<i64: 2, 16>, scalar_prefetch = 0 : i64, scratch_operands = 12 : i64, tpu.core_type = #tpu.core_type<sc_vector_subcore>, window_params = [{transform_indices = #map}, {transform_indices = #map1}, {transform_indices = #map1}, {transform_indices = #map1}, {transform_indices = #map2}, {transform_indices = #map1}, {transform_indices = #map1}]} {
    %mul3A = arith.constant 2 : i32
    %mul3A_0 = arith.muli %arg1, %mul3A : i32
    %add3A = arith.addi %mul3A_0, %arg0 : i32
    %mul3A_1 = arith.constant 625 : i32
    %mul3A_2 = arith.muli %arg1, %mul3A_1 : i32
    "tpu.region"() ({
      %run_scoped3A_843 = tpu.sem_alloc : memref<!tpu.dma_semaphore, #tpu.memory_space<semaphore_mem>>
      %dma_start3A_844 = arith.constant 0 : i32
      %dma_start3A_845 = tpu.memref_slice %arg14[%mul3A_2, %dma_start3A_844] : memref<10000x16xf32, #tpu.memory_space<vmem_shared>> -> memref<625x16xf32, #tpu.memory_space<vmem_shared>>
      %dma_start3A_846 = arith.constant 0 : i32
      %dma_start3A_847 = tpu.memref_slice %arg5[%mul3A_2, %dma_start3A_846] : memref<10000x16xf32, #tpu.memory_space<hbm>> -> memref<625x16xf32, #tpu.memory_space<hbm>>
      tpu.enqueue_dma source(%dma_start3A_847 : memref<625x16xf32, #tpu.memory_space<hbm>>) target(%dma_start3A_845 : memref<625x16xf32, #tpu.memory_space<vmem_shared>>) target_semaphore(%run_scoped3A_843 : memref<!tpu.dma_semaphore, #tpu.memory_space<semaphore_mem>>)
      %dma_wait3A_848 = arith.constant 0 : i32
      %dma_wait3A_849 = tpu.memref_slice %arg14[%mul3A_2, %dma_wait3A_848] : memref<10000x16xf32, #tpu.memory_space<vmem_shared>> -> memref<625x16xf32, #tpu.memory_space<vmem_shared>>
      %dma_wait3A_850 = arith.constant 0 : i32
      %dma_wait3A_851 = tpu.memref_slice %arg5[%mul3A_2, %dma_wait3A_850] : memref<10000x16xf32, #tpu.memory_space<hbm>> -> memref<625x16xf32, #tpu.memory_space<hbm>>
      tpu.wait_dma2 semaphore(%run_scoped3A_843 : memref<!tpu.dma_semaphore, #tpu.memory_space<semaphore_mem>>) src(%dma_wait3A_851 : memref<625x16xf32, #tpu.memory_space<hbm>>) dst(%dma_wait3A_849 : memref<625x16xf32, #tpu.memory_space<vmem_shared>>)
      tpu.yield
    }) : () -> ()
    %barrier3A = arith.constant 0 : index
    tpu.barrier barrier_id(%barrier3A)
    %mul3A_3 = arith.constant 10000 : i32
    %mul3A_4 = arith.muli %add3A, %mul3A_3 : i32
    %add3A_5 = arith.constant 0 : i32
    %add3A_6 = arith.addi %mul3A_4, %add3A_5 : i32
    %run_scoped3A = arith.constant 0 : i32
    "tpu.region"() ({
      %run_scoped3A_843 = tpu.sem_alloc : memref<!tpu.dma_semaphore, #tpu.memory_space<semaphore_mem>>
      %dma_start3A_844 = arith.constant 0 : i32
      %dma_start3A_845 = tpu.memref_slice %arg9[%run_scoped3A, %dma_start3A_844] : memref<2x1000xi32, #tpu.memory_space<vmem>> -> memref<1x1000xi32, #tpu.memory_space<vmem>>
      %dma_start3A_846 = tpu.memref_squeeze %dma_start3A_845 : memref<1x1000xi32, #tpu.memory_space<vmem>> -> memref<1000xi32, #tpu.memory_space<vmem>>
      %dma_start3A_847 = tpu.memref_slice %arg2[%add3A_6] : memref<640000xi32, #tpu.memory_space<hbm>> -> memref<1000xi32, #tpu.memory_space<hbm>>
      %dma_start3A_848 = arith.constant 0 : i32
      %dma_start3A_849 = tpu.memref_slice %arg9[%run_scoped3A, %dma_start3A_848] : memref<2x1000xi32, #tpu.memory_space<vmem>> -> memref<1x1000xi32, #tpu.memory_space<vmem>>
      %dma_start3A_850 = tpu.memref_squeeze %dma_start3A_849 : memref<1x1000xi32, #tpu.memory_space<vmem>> -> memref<1000xi32, #tpu.memory_space<vmem>>
      %dma_start3A_851 = tpu.memref_slice %arg2[%add3A_6] : memref<640000xi32, #tpu.memory_space<hbm>> -> memref<1000xi32, #tpu.memory_space<hbm>>
      tpu.enqueue_dma source(%dma_start3A_851 : memref<1000xi32, #tpu.memory_space<hbm>>) target(%dma_start3A_850 : memref<1000xi32, #tpu.memory_space<vmem>>) target_semaphore(%run_scoped3A_843 : memref<!tpu.dma_semaphore, #tpu.memory_space<semaphore_mem>>)
      %dma_wait3A_852 = arith.constant 0 : i32
      %dma_wait3A_853 = tpu.memref_slice %arg9[%run_scoped3A, %dma_wait3A_852] : memref<2x1000xi32, #tpu.memory_space<vmem>> -> memref<1x1000xi32, #tpu.memory_space<vmem>>
      %dma_wait3A_854 = tpu.memref_squeeze %dma_wait3A_853 : memref<1x1000xi32, #tpu.memory_space<vmem>> -> memref<1000xi32, #tpu.memory_space<vmem>>
      %dma_wait3A_855 = tpu.memref_slice %arg2[%add3A_6] : memref<640000xi32, #tpu.memory_space<hbm>> -> memref<1000xi32, #tpu.memory_space<hbm>>
      %dma_wait3A_856 = arith.constant 0 : i32
      %dma_wait3A_857 = tpu.memref_slice %arg9[%run_scoped3A, %dma_wait3A_856] : memref<2x1000xi32, #tpu.memory_space<vmem>> -> memref<1x1000xi32, #tpu.memory_space<vmem>>
      %dma_wait3A_858 = tpu.memref_squeeze %dma_wait3A_857 : memref<1x1000xi32, #tpu.memory_space<vmem>> -> memref<1000xi32, #tpu.memory_space<vmem>>
      %dma_wait3A_859 = tpu.memref_slice %arg2[%add3A_6] : memref<640000xi32, #tpu.memory_space<hbm>> -> memref<1000xi32, #tpu.memory_space<hbm>>
      tpu.wait_dma2 semaphore(%run_scoped3A_843 : memref<!tpu.dma_semaphore, #tpu.memory_space<semaphore_mem>>) src(%dma_wait3A_859 : memref<1000xi32, #tpu.memory_space<hbm>>) dst(%dma_wait3A_858 : memref<1000xi32, #tpu.memory_space<vmem>>)
      tpu.yield
    }) : () -> ()
    %add3A_7 = arith.constant 320000 : i32
    %add3A_8 = arith.addi %add3A_7, %add3A_6 : i32
    %run_scoped3A_9 = arith.constant 0 : i32
    "tpu.region"() ({
      %run_scoped3A_843 = tpu.sem_alloc : memref<!tpu.dma_semaphore, #tpu.memory_space<semaphore_mem>>
      %dma_start3A_844 = arith.constant 0 : i32
      %dma_start3A_845 = tpu.memref_slice %arg10[%run_scoped3A_9, %dma_start3A_844] : memref<2x1000xi32, #tpu.memory_space<vmem>> -> memref<1x1000xi32, #tpu.memory_space<vmem>>
      %dma_start3A_846 = tpu.memref_squeeze %dma_start3A_845 : memref<1x1000xi32, #tpu.memory_space<vmem>> -> memref<1000xi32, #tpu.memory_space<vmem>>
      %dma_start3A_847 = tpu.memref_slice %arg2[%add3A_8] : memref<640000xi32, #tpu.memory_space<hbm>> -> memref<1000xi32, #tpu.memory_space<hbm>>
      %dma_start3A_848 = arith.constant 0 : i32
      %dma_start3A_849 = tpu.memref_slice %arg10[%run_scoped3A_9, %dma_start3A_848] : memref<2x1000xi32, #tpu.memory_space<vmem>> -> memref<1x1000xi32, #tpu.memory_space<vmem>>
      %dma_start3A_850 = tpu.memref_squeeze %dma_start3A_849 : memref<1x1000xi32, #tpu.memory_space<vmem>> -> memref<1000xi32, #tpu.memory_space<vmem>>
      %dma_start3A_851 = tpu.memref_slice %arg2[%add3A_8] : memref<640000xi32, #tpu.memory_space<hbm>> -> memref<1000xi32, #tpu.memory_space<hbm>>
      tpu.enqueue_dma source(%dma_start3A_851 : memref<1000xi32, #tpu.memory_space<hbm>>) target(%dma_start3A_850 : memref<1000xi32, #tpu.memory_space<vmem>>) target_semaphore(%run_scoped3A_843 : memref<!tpu.dma_semaphore, #tpu.memory_space<semaphore_mem>>)
      %dma_wait3A_852 = arith.constant 0 : i32
      %dma_wait3A_853 = tpu.memref_slice %arg10[%run_scoped3A_9, %dma_wait3A_852] : memref<2x1000xi32, #tpu.memory_space<vmem>> -> memref<1x1000xi32, #tpu.memory_space<vmem>>
      %dma_wait3A_854 = tpu.memref_squeeze %dma_wait3A_853 : memref<1x1000xi32, #tpu.memory_space<vmem>> -> memref<1000xi32, #tpu.memory_space<vmem>>
      %dma_wait3A_855 = tpu.memref_slice %arg2[%add3A_8] : memref<640000xi32, #tpu.memory_space<hbm>> -> memref<1000xi32, #tpu.memory_space<hbm>>
      %dma_wait3A_856 = arith.constant 0 : i32
      %dma_wait3A_857 = tpu.memref_slice %arg10[%run_scoped3A_9, %dma_wait3A_856] : memref<2x1000xi32, #tpu.memory_space<vmem>> -> memref<1x1000xi32, #tpu.memory_space<vmem>>
      %dma_wait3A_858 = tpu.memref_squeeze %dma_wait3A_857 : memref<1x1000xi32, #tpu.memory_space<vmem>> -> memref<1000xi32, #tpu.memory_space<vmem>>
      %dma_wait3A_859 = tpu.memref_slice %arg2[%add3A_8] : memref<640000xi32, #tpu.memory_space<hbm>> -> memref<1000xi32, #tpu.memory_space<hbm>>
      tpu.wait_dma2 semaphore(%run_scoped3A_843 : memref<!tpu.dma_semaphore, #tpu.memory_space<semaphore_mem>>) src(%dma_wait3A_859 : memref<1000xi32, #tpu.memory_space<hbm>>) dst(%dma_wait3A_858 : memref<1000xi32, #tpu.memory_space<vmem>>)
      tpu.yield
    }) : () -> ()
    %dma_start3A = arith.constant 0 : i32
    %dma_start3A_10 = arith.constant 0 : i32
    %dma_start3A_11 = arith.constant 0 : i32
    %dma_start3A_12 = arith.constant 0 : i32
    %dma_start3A_13 = tpu.memref_slice %arg11[%dma_start3A_10, %dma_start3A_11, %dma_start3A_12] : memref<2x1000x16xf32, #tpu.memory_space<vmem>> -> memref<1x1000x16xf32, #tpu.memory_space<vmem>>
    %dma_start3A_14 = tpu.memref_squeeze %dma_start3A_13 : memref<1x1000x16xf32, #tpu.memory_space<vmem>> -> memref<1000x16xf32, #tpu.memory_space<vmem>>
    %dma_start3A_15 = arith.constant 0 : i32
    %dma_start3A_16 = tpu.memref_slice %arg9[%dma_start3A, %dma_start3A_15] : memref<2x1000xi32, #tpu.memory_space<vmem>> -> memref<1x1000xi32, #tpu.memory_space<vmem>>
    %dma_start3A_17 = tpu.memref_squeeze %dma_start3A_16 : memref<1x1000xi32, #tpu.memory_space<vmem>> -> memref<1000xi32, #tpu.memory_space<vmem>>
    %dma_start3A_18 = arith.constant 0 : i32
    %dma_start3A_19 = arith.constant 0 : i32
    %dma_start3A_20 = tpu.memref_slice %arg3[%dma_start3A_18, %dma_start3A_19] : memref<10000x16xf32, #tpu.memory_space<hbm>> -> memref<10000x16xf32, #tpu.memory_space<hbm>>
    tpu.enqueue_indirect_dma source(%dma_start3A_20 : memref<10000x16xf32, #tpu.memory_space<hbm>>) target(%dma_start3A_14 : memref<1000x16xf32, #tpu.memory_space<vmem>>) offsets(%dma_start3A_17 : memref<1000xi32, #tpu.memory_space<vmem>>) semaphore(%arg15 : memref<!tpu.dma_semaphore, #tpu.memory_space<semaphore_mem>>)
    %dma_start3A_21 = arith.constant 0 : i32
    %dma_start3A_22 = arith.constant 0 : i32
    %dma_start3A_23 = arith.constant 0 : i32
    %dma_start3A_24 = arith.constant 0 : i32
    %dma_start3A_25 = tpu.memref_slice %arg12[%dma_start3A_22, %dma_start3A_23, %dma_start3A_24] : memref<2x1000x16xf32, #tpu.memory_space<vmem>> -> memref<1x1000x16xf32, #tpu.memory_space<vmem>>
    %dma_start3A_26 = tpu.memref_squeeze %dma_start3A_25 : memref<1x1000x16xf32, #tpu.memory_space<vmem>> -> memref<1000x16xf32, #tpu.memory_space<vmem>>
    %dma_start3A_27 = arith.constant 0 : i32
    %dma_start3A_28 = tpu.memref_slice %arg9[%dma_start3A_21, %dma_start3A_27] : memref<2x1000xi32, #tpu.memory_space<vmem>> -> memref<1x1000xi32, #tpu.memory_space<vmem>>
    %dma_start3A_29 = tpu.memref_squeeze %dma_start3A_28 : memref<1x1000xi32, #tpu.memory_space<vmem>> -> memref<1000xi32, #tpu.memory_space<vmem>>
    %dma_start3A_30 = arith.constant 0 : i32
    %dma_start3A_31 = arith.constant 0 : i32
    %dma_start3A_32 = tpu.memref_slice %arg4[%dma_start3A_30, %dma_start3A_31] : memref<10000x16xf32, #tpu.memory_space<hbm>> -> memref<10000x16xf32, #tpu.memory_space<hbm>>
    tpu.enqueue_indirect_dma source(%dma_start3A_32 : memref<10000x16xf32, #tpu.memory_space<hbm>>) target(%dma_start3A_26 : memref<1000x16xf32, #tpu.memory_space<vmem>>) offsets(%dma_start3A_29 : memref<1000xi32, #tpu.memory_space<vmem>>) semaphore(%arg17 : memref<!tpu.dma_semaphore, #tpu.memory_space<semaphore_mem>>)
    %dma_start3A_33 = arith.constant 0 : i32
    %dma_start3A_34 = arith.constant 0 : i32
    %dma_start3A_35 = arith.constant 0 : i32
    %dma_start3A_36 = arith.constant 0 : i32
    %dma_start3A_37 = tpu.memref_slice %arg13[%dma_start3A_34, %dma_start3A_35, %dma_start3A_36] : memref<2x1000x16xf32, #tpu.memory_space<vmem>> -> memref<1x1000x16xf32, #tpu.memory_space<vmem>>
    %dma_start3A_38 = tpu.memref_squeeze %dma_start3A_37 : memref<1x1000x16xf32, #tpu.memory_space<vmem>> -> memref<1000x16xf32, #tpu.memory_space<vmem>>
    %dma_start3A_39 = arith.constant 0 : i32
    %dma_start3A_40 = tpu.memref_slice %arg10[%dma_start3A_33, %dma_start3A_39] : memref<2x1000xi32, #tpu.memory_space<vmem>> -> memref<1x1000xi32, #tpu.memory_space<vmem>>
    %dma_start3A_41 = tpu.memref_squeeze %dma_start3A_40 : memref<1x1000xi32, #tpu.memory_space<vmem>> -> memref<1000xi32, #tpu.memory_space<vmem>>
    %dma_start3A_42 = arith.constant 0 : i32
    %dma_start3A_43 = arith.constant 0 : i32
    %dma_start3A_44 = tpu.memref_slice %arg4[%dma_start3A_42, %dma_start3A_43] : memref<10000x16xf32, #tpu.memory_space<hbm>> -> memref<10000x16xf32, #tpu.memory_space<hbm>>
    tpu.enqueue_indirect_dma source(%dma_start3A_44 : memref<10000x16xf32, #tpu.memory_space<hbm>>) target(%dma_start3A_38 : memref<1000x16xf32, #tpu.memory_space<vmem>>) offsets(%dma_start3A_41 : memref<1000xi32, #tpu.memory_space<vmem>>) semaphore(%arg19 : memref<!tpu.dma_semaphore, #tpu.memory_space<semaphore_mem>>)
    %add3A_45 = arith.constant 1000 : i32
    %add3A_46 = arith.addi %mul3A_4, %add3A_45 : i32
    %run_scoped3A_47 = arith.constant 1 : i32
    "tpu.region"() ({
      %run_scoped3A_843 = tpu.sem_alloc : memref<!tpu.dma_semaphore, #tpu.memory_space<semaphore_mem>>
      %dma_start3A_844 = arith.constant 0 : i32
      %dma_start3A_845 = tpu.memref_slice %arg9[%run_scoped3A_47, %dma_start3A_844] : memref<2x1000xi32, #tpu.memory_space<vmem>> -> memref<1x1000xi32, #tpu.memory_space<vmem>>
      %dma_start3A_846 = tpu.memref_squeeze %dma_start3A_845 : memref<1x1000xi32, #tpu.memory_space<vmem>> -> memref<1000xi32, #tpu.memory_space<vmem>>
      %dma_start3A_847 = tpu.memref_slice %arg2[%add3A_46] : memref<640000xi32, #tpu.memory_space<hbm>> -> memref<1000xi32, #tpu.memory_space<hbm>>
      %dma_start3A_848 = arith.constant 0 : i32
      %dma_start3A_849 = tpu.memref_slice %arg9[%run_scoped3A_47, %dma_start3A_848] : memref<2x1000xi32, #tpu.memory_space<vmem>> -> memref<1x1000xi32, #tpu.memory_space<vmem>>
      %dma_start3A_850 = tpu.memref_squeeze %dma_start3A_849 : memref<1x1000xi32, #tpu.memory_space<vmem>> -> memref<1000xi32, #tpu.memory_space<vmem>>
      %dma_start3A_851 = tpu.memref_slice %arg2[%add3A_46] : memref<640000xi32, #tpu.memory_space<hbm>> -> memref<1000xi32, #tpu.memory_space<hbm>>
      tpu.enqueue_dma source(%dma_start3A_851 : memref<1000xi32, #tpu.memory_space<hbm>>) target(%dma_start3A_850 : memref<1000xi32, #tpu.memory_space<vmem>>) target_semaphore(%run_scoped3A_843 : memref<!tpu.dma_semaphore, #tpu.memory_space<semaphore_mem>>)
      %dma_wait3A_852 = arith.constant 0 : i32
      %dma_wait3A_853 = tpu.memref_slice %arg9[%run_scoped3A_47, %dma_wait3A_852] : memref<2x1000xi32, #tpu.memory_space<vmem>> -> memref<1x1000xi32, #tpu.memory_space<vmem>>
      %dma_wait3A_854 = tpu.memref_squeeze %dma_wait3A_853 : memref<1x1000xi32, #tpu.memory_space<vmem>> -> memref<1000xi32, #tpu.memory_space<vmem>>
      %dma_wait3A_855 = tpu.memref_slice %arg2[%add3A_46] : memref<640000xi32, #tpu.memory_space<hbm>> -> memref<1000xi32, #tpu.memory_space<hbm>>
      %dma_wait3A_856 = arith.constant 0 : i32
      %dma_wait3A_857 = tpu.memref_slice %arg9[%run_scoped3A_47, %dma_wait3A_856] : memref<2x1000xi32, #tpu.memory_space<vmem>> -> memref<1x1000xi32, #tpu.memory_space<vmem>>
      %dma_wait3A_858 = tpu.memref_squeeze %dma_wait3A_857 : memref<1x1000xi32, #tpu.memory_space<vmem>> -> memref<1000xi32, #tpu.memory_space<vmem>>
      %dma_wait3A_859 = tpu.memref_slice %arg2[%add3A_46] : memref<640000xi32, #tpu.memory_space<hbm>> -> memref<1000xi32, #tpu.memory_space<hbm>>
      tpu.wait_dma2 semaphore(%run_scoped3A_843 : memref<!tpu.dma_semaphore, #tpu.memory_space<semaphore_mem>>) src(%dma_wait3A_859 : memref<1000xi32, #tpu.memory_space<hbm>>) dst(%dma_wait3A_858 : memref<1000xi32, #tpu.memory_space<vmem>>)
      tpu.yield
    }) : () -> ()
    %add3A_48 = arith.constant 320000 : i32
    %add3A_49 = arith.addi %add3A_48, %add3A_46 : i32
    %run_scoped3A_50 = arith.constant 1 : i32
    "tpu.region"() ({
      %run_scoped3A_843 = tpu.sem_alloc : memref<!tpu.dma_semaphore, #tpu.memory_space<semaphore_mem>>
      %dma_start3A_844 = arith.constant 0 : i32
      %dma_start3A_845 = tpu.memref_slice %arg10[%run_scoped3A_50, %dma_start3A_844] : memref<2x1000xi32, #tpu.memory_space<vmem>> -> memref<1x1000xi32, #tpu.memory_space<vmem>>
      %dma_start3A_846 = tpu.memref_squeeze %dma_start3A_845 : memref<1x1000xi32, #tpu.memory_space<vmem>> -> memref<1000xi32, #tpu.memory_space<vmem>>
      %dma_start3A_847 = tpu.memref_slice %arg2[%add3A_49] : memref<640000xi32, #tpu.memory_space<hbm>> -> memref<1000xi32, #tpu.memory_space<hbm>>
      %dma_start3A_848 = arith.constant 0 : i32
      %dma_start3A_849 = tpu.memref_slice %arg10[%run_scoped3A_50, %dma_start3A_848] : memref<2x1000xi32, #tpu.memory_space<vmem>> -> memref<1x1000xi32, #tpu.memory_space<vmem>>
      %dma_start3A_850 = tpu.memref_squeeze %dma_start3A_849 : memref<1x1000xi32, #tpu.memory_space<vmem>> -> memref<1000xi32, #tpu.memory_space<vmem>>
      %dma_start3A_851 = tpu.memref_slice %arg2[%add3A_49] : memref<640000xi32, #tpu.memory_space<hbm>> -> memref<1000xi32, #tpu.memory_space<hbm>>
      tpu.enqueue_dma source(%dma_start3A_851 : memref<1000xi32, #tpu.memory_space<hbm>>) target(%dma_start3A_850 : memref<1000xi32, #tpu.memory_space<vmem>>) target_semaphore(%run_scoped3A_843 : memref<!tpu.dma_semaphore, #tpu.memory_space<semaphore_mem>>)
      %dma_wait3A_852 = arith.constant 0 : i32
      %dma_wait3A_853 = tpu.memref_slice %arg10[%run_scoped3A_50, %dma_wait3A_852] : memref<2x1000xi32, #tpu.memory_space<vmem>> -> memref<1x1000xi32, #tpu.memory_space<vmem>>
      %dma_wait3A_854 = tpu.memref_squeeze %dma_wait3A_853 : memref<1x1000xi32, #tpu.memory_space<vmem>> -> memref<1000xi32, #tpu.memory_space<vmem>>
      %dma_wait3A_855 = tpu.memref_slice %arg2[%add3A_49] : memref<640000xi32, #tpu.memory_space<hbm>> -> memref<1000xi32, #tpu.memory_space<hbm>>
      %dma_wait3A_856 = arith.constant 0 : i32
      %dma_wait3A_857 = tpu.memref_slice %arg10[%run_scoped3A_50, %dma_wait3A_856] : memref<2x1000xi32, #tpu.memory_space<vmem>> -> memref<1x1000xi32, #tpu.memory_space<vmem>>
      %dma_wait3A_858 = tpu.memref_squeeze %dma_wait3A_857 : memref<1x1000xi32, #tpu.memory_space<vmem>> -> memref<1000xi32, #tpu.memory_space<vmem>>
      %dma_wait3A_859 = tpu.memref_slice %arg2[%add3A_49] : memref<640000xi32, #tpu.memory_space<hbm>> -> memref<1000xi32, #tpu.memory_space<hbm>>
      tpu.wait_dma2 semaphore(%run_scoped3A_843 : memref<!tpu.dma_semaphore, #tpu.memory_space<semaphore_mem>>) src(%dma_wait3A_859 : memref<1000xi32, #tpu.memory_space<hbm>>) dst(%dma_wait3A_858 : memref<1000xi32, #tpu.memory_space<vmem>>)
      tpu.yield
    }) : () -> ()
    %dma_start3A_51 = arith.constant 1 : i32
    %dma_start3A_52 = arith.constant 1 : i32
    %dma_start3A_53 = arith.constant 0 : i32
    %dma_start3A_54 = arith.constant 0 : i32
    %dma_start3A_55 = tpu.memref_slice %arg11[%dma_start3A_52, %dma_start3A_53, %dma_start3A_54] : memref<2x1000x16xf32, #tpu.memory_space<vmem>> -> memref<1x1000x16xf32, #tpu.memory_space<vmem>>
    %dma_start3A_56 = tpu.memref_squeeze %dma_start3A_55 : memref<1x1000x16xf32, #tpu.memory_space<vmem>> -> memref<1000x16xf32, #tpu.memory_space<vmem>>
    %dma_start3A_57 = arith.constant 0 : i32
    %dma_start3A_58 = tpu.memref_slice %arg9[%dma_start3A_51, %dma_start3A_57] : memref<2x1000xi32, #tpu.memory_space<vmem>> -> memref<1x1000xi32, #tpu.memory_space<vmem>>
    %dma_start3A_59 = tpu.memref_squeeze %dma_start3A_58 : memref<1x1000xi32, #tpu.memory_space<vmem>> -> memref<1000xi32, #tpu.memory_space<vmem>>
    %dma_start3A_60 = arith.constant 0 : i32
    %dma_start3A_61 = arith.constant 0 : i32
    %dma_start3A_62 = tpu.memref_slice %arg3[%dma_start3A_60, %dma_start3A_61] : memref<10000x16xf32, #tpu.memory_space<hbm>> -> memref<10000x16xf32, #tpu.memory_space<hbm>>
    tpu.enqueue_indirect_dma source(%dma_start3A_62 : memref<10000x16xf32, #tpu.memory_space<hbm>>) target(%dma_start3A_56 : memref<1000x16xf32, #tpu.memory_space<vmem>>) offsets(%dma_start3A_59 : memref<1000xi32, #tpu.memory_space<vmem>>) semaphore(%arg16 : memref<!tpu.dma_semaphore, #tpu.memory_space<semaphore_mem>>)
    %dma_start3A_63 = arith.constant 1 : i32
    %dma_start3A_64 = arith.constant 1 : i32
    %dma_start3A_65 = arith.constant 0 : i32
    %dma_start3A_66 = arith.constant 0 : i32
    %dma_start3A_67 = tpu.memref_slice %arg12[%dma_start3A_64, %dma_start3A_65, %dma_start3A_66] : memref<2x1000x16xf32, #tpu.memory_space<vmem>> -> memref<1x1000x16xf32, #tpu.memory_space<vmem>>
    %dma_start3A_68 = tpu.memref_squeeze %dma_start3A_67 : memref<1x1000x16xf32, #tpu.memory_space<vmem>> -> memref<1000x16xf32, #tpu.memory_space<vmem>>
    %dma_start3A_69 = arith.constant 0 : i32
    %dma_start3A_70 = tpu.memref_slice %arg9[%dma_start3A_63, %dma_start3A_69] : memref<2x1000xi32, #tpu.memory_space<vmem>> -> memref<1x1000xi32, #tpu.memory_space<vmem>>
    %dma_start3A_71 = tpu.memref_squeeze %dma_start3A_70 : memref<1x1000xi32, #tpu.memory_space<vmem>> -> memref<1000xi32, #tpu.memory_space<vmem>>
    %dma_start3A_72 = arith.constant 0 : i32
    %dma_start3A_73 = arith.constant 0 : i32
    %dma_start3A_74 = tpu.memref_slice %arg4[%dma_start3A_72, %dma_start3A_73] : memref<10000x16xf32, #tpu.memory_space<hbm>> -> memref<10000x16xf32, #tpu.memory_space<hbm>>
    tpu.enqueue_indirect_dma source(%dma_start3A_74 : memref<10000x16xf32, #tpu.memory_space<hbm>>) target(%dma_start3A_68 : memref<1000x16xf32, #tpu.memory_space<vmem>>) offsets(%dma_start3A_71 : memref<1000xi32, #tpu.memory_space<vmem>>) semaphore(%arg18 : memref<!tpu.dma_semaphore, #tpu.memory_space<semaphore_mem>>)
    %dma_start3A_75 = arith.constant 1 : i32
    %dma_start3A_76 = arith.constant 1 : i32
    %dma_start3A_77 = arith.constant 0 : i32
    %dma_start3A_78 = arith.constant 0 : i32
    %dma_start3A_79 = tpu.memref_slice %arg13[%dma_start3A_76, %dma_start3A_77, %dma_start3A_78] : memref<2x1000x16xf32, #tpu.memory_space<vmem>> -> memref<1x1000x16xf32, #tpu.memory_space<vmem>>
    %dma_start3A_80 = tpu.memref_squeeze %dma_start3A_79 : memref<1x1000x16xf32, #tpu.memory_space<vmem>> -> memref<1000x16xf32, #tpu.memory_space<vmem>>
    %dma_start3A_81 = arith.constant 0 : i32
    %dma_start3A_82 = tpu.memref_slice %arg10[%dma_start3A_75, %dma_start3A_81] : memref<2x1000xi32, #tpu.memory_space<vmem>> -> memref<1x1000xi32, #tpu.memory_space<vmem>>
    %dma_start3A_83 = tpu.memref_squeeze %dma_start3A_82 : memref<1x1000xi32, #tpu.memory_space<vmem>> -> memref<1000xi32, #tpu.memory_space<vmem>>
    %dma_start3A_84 = arith.constant 0 : i32
    %dma_start3A_85 = arith.constant 0 : i32
    %dma_start3A_86 = tpu.memref_slice %arg4[%dma_start3A_84, %dma_start3A_85] : memref<10000x16xf32, #tpu.memory_space<hbm>> -> memref<10000x16xf32, #tpu.memory_space<hbm>>
    tpu.enqueue_indirect_dma source(%dma_start3A_86 : memref<10000x16xf32, #tpu.memory_space<hbm>>) target(%dma_start3A_80 : memref<1000x16xf32, #tpu.memory_space<vmem>>) offsets(%dma_start3A_83 : memref<1000xi32, #tpu.memory_space<vmem>>) semaphore(%arg20 : memref<!tpu.dma_semaphore, #tpu.memory_space<semaphore_mem>>)
    %add3A_87 = arith.constant 0 : i32
    %add3A_88 = arith.addi %mul3A_4, %add3A_87 : i32
    %dma_wait3A = arith.constant 0 : i32
    %dma_wait3A_89 = arith.constant 0 : i32
    %dma_wait3A_90 = arith.constant 0 : i32
    %dma_wait3A_91 = arith.constant 0 : i32
    %dma_wait3A_92 = tpu.memref_slice %arg11[%dma_wait3A_89, %dma_wait3A_90, %dma_wait3A_91] : memref<2x1000x16xf32, #tpu.memory_space<vmem>> -> memref<1x1000x16xf32, #tpu.memory_space<vmem>>
    %dma_wait3A_93 = tpu.memref_squeeze %dma_wait3A_92 : memref<1x1000x16xf32, #tpu.memory_space<vmem>> -> memref<1000x16xf32, #tpu.memory_space<vmem>>
    %dma_wait3A_94 = arith.constant 0 : i32
    %dma_wait3A_95 = tpu.memref_slice %arg9[%dma_wait3A, %dma_wait3A_94] : memref<2x1000xi32, #tpu.memory_space<vmem>> -> memref<1x1000xi32, #tpu.memory_space<vmem>>
    %dma_wait3A_96 = tpu.memref_squeeze %dma_wait3A_95 : memref<1x1000xi32, #tpu.memory_space<vmem>> -> memref<1000xi32, #tpu.memory_space<vmem>>
    %dma_wait3A_97 = arith.constant 0 : i32
    %dma_wait3A_98 = arith.constant 0 : i32
    %dma_wait3A_99 = tpu.memref_slice %arg3[%dma_wait3A_97, %dma_wait3A_98] : memref<10000x16xf32, #tpu.memory_space<hbm>> -> memref<10000x16xf32, #tpu.memory_space<hbm>>
    tpu.wait_indirect_dma semaphore(%arg15 : memref<!tpu.dma_semaphore, #tpu.memory_space<semaphore_mem>>) src(%dma_wait3A_99 : memref<10000x16xf32, #tpu.memory_space<hbm>>) dst(%dma_wait3A_93 : memref<1000x16xf32, #tpu.memory_space<vmem>>)
    %run_scoped3A_100 = arith.constant 0 : i32
    %run_scoped3A_101 = arith.constant 0 : i32
    "tpu.region"() ({
      %run_scoped3A_843 = tpu.sem_alloc : memref<!tpu.dma_semaphore, #tpu.memory_space<semaphore_mem>>
      %dma_start3A_844 = arith.constant 0 : i32
      %dma_start3A_845 = arith.constant 0 : i32
      %dma_start3A_846 = tpu.memref_slice %arg11[%run_scoped3A_100, %dma_start3A_844, %dma_start3A_845] : memref<2x1000x16xf32, #tpu.memory_space<vmem>> -> memref<1x1000x16xf32, #tpu.memory_space<vmem>>
      %dma_start3A_847 = tpu.memref_squeeze %dma_start3A_846 : memref<1x1000x16xf32, #tpu.memory_space<vmem>> -> memref<1000x16xf32, #tpu.memory_space<vmem>>
      %dma_start3A_848 = arith.constant 0 : i32
      %dma_start3A_849 = tpu.memref_slice %arg10[%run_scoped3A_101, %dma_start3A_848] : memref<2x1000xi32, #tpu.memory_space<vmem>> -> memref<1x1000xi32, #tpu.memory_space<vmem>>
      %dma_start3A_850 = tpu.memref_squeeze %dma_start3A_849 : memref<1x1000xi32, #tpu.memory_space<vmem>> -> memref<1000xi32, #tpu.memory_space<vmem>>
      %dma_start3A_851 = arith.constant 0 : i32
      %dma_start3A_852 = arith.constant 0 : i32
      %dma_start3A_853 = tpu.memref_slice %arg14[%dma_start3A_851, %dma_start3A_852] : memref<10000x16xf32, #tpu.memory_space<vmem_shared>> -> memref<10000x16xf32, #tpu.memory_space<vmem_shared>>
      tpu.enqueue_indirect_dma source(%dma_start3A_847 : memref<1000x16xf32, #tpu.memory_space<vmem>>) target(%dma_start3A_853 : memref<10000x16xf32, #tpu.memory_space<vmem_shared>>) offsets(%dma_start3A_850 : memref<1000xi32, #tpu.memory_space<vmem>>) semaphore(%run_scoped3A_843 : memref<!tpu.dma_semaphore, #tpu.memory_space<semaphore_mem>>) {add = true}
      %dma_wait3A_854 = arith.constant 0 : i32
      %dma_wait3A_855 = arith.constant 0 : i32
      %dma_wait3A_856 = tpu.memref_slice %arg11[%run_scoped3A_100, %dma_wait3A_854, %dma_wait3A_855] : memref<2x1000x16xf32, #tpu.memory_space<vmem>> -> memref<1x1000x16xf32, #tpu.memory_space<vmem>>
      %dma_wait3A_857 = tpu.memref_squeeze %dma_wait3A_856 : memref<1x1000x16xf32, #tpu.memory_space<vmem>> -> memref<1000x16xf32, #tpu.memory_space<vmem>>
      %dma_wait3A_858 = arith.constant 0 : i32
      %dma_wait3A_859 = tpu.memref_slice %arg10[%run_scoped3A_101, %dma_wait3A_858] : memref<2x1000xi32, #tpu.memory_space<vmem>> -> memref<1x1000xi32, #tpu.memory_space<vmem>>
      %dma_wait3A_860 = tpu.memref_squeeze %dma_wait3A_859 : memref<1x1000xi32, #tpu.memory_space<vmem>> -> memref<1000xi32, #tpu.memory_space<vmem>>
      %dma_wait3A_861 = arith.constant 0 : i32
      %dma_wait3A_862 = arith.constant 0 : i32
      %dma_wait3A_863 = tpu.memref_slice %arg14[%dma_wait3A_861, %dma_wait3A_862] : memref<10000x16xf32, #tpu.memory_space<vmem_shared>> -> memref<10000x16xf32, #tpu.memory_space<vmem_shared>>
      tpu.wait_indirect_dma semaphore(%run_scoped3A_843 : memref<!tpu.dma_semaphore, #tpu.memory_space<semaphore_mem>>) src(%dma_wait3A_857 : memref<1000x16xf32, #tpu.memory_space<vmem>>) dst(%dma_wait3A_863 : memref<10000x16xf32, #tpu.memory_space<vmem_shared>>)
      tpu.yield
    }) : () -> ()
    %dma_wait3A_102 = arith.constant 0 : i32
    %dma_wait3A_103 = arith.constant 0 : i32
    %dma_wait3A_104 = arith.constant 0 : i32
    %dma_wait3A_105 = arith.constant 0 : i32
    %dma_wait3A_106 = tpu.memref_slice %arg12[%dma_wait3A_103, %dma_wait3A_104, %dma_wait3A_105] : memref<2x1000x16xf32, #tpu.memory_space<vmem>> -> memref<1x1000x16xf32, #tpu.memory_space<vmem>>
    %dma_wait3A_107 = tpu.memref_squeeze %dma_wait3A_106 : memref<1x1000x16xf32, #tpu.memory_space<vmem>> -> memref<1000x16xf32, #tpu.memory_space<vmem>>
    %dma_wait3A_108 = arith.constant 0 : i32
    %dma_wait3A_109 = tpu.memref_slice %arg9[%dma_wait3A_102, %dma_wait3A_108] : memref<2x1000xi32, #tpu.memory_space<vmem>> -> memref<1x1000xi32, #tpu.memory_space<vmem>>
    %dma_wait3A_110 = tpu.memref_squeeze %dma_wait3A_109 : memref<1x1000xi32, #tpu.memory_space<vmem>> -> memref<1000xi32, #tpu.memory_space<vmem>>
    %dma_wait3A_111 = arith.constant 0 : i32
    %dma_wait3A_112 = arith.constant 0 : i32
    %dma_wait3A_113 = tpu.memref_slice %arg4[%dma_wait3A_111, %dma_wait3A_112] : memref<10000x16xf32, #tpu.memory_space<hbm>> -> memref<10000x16xf32, #tpu.memory_space<hbm>>
    tpu.wait_indirect_dma semaphore(%arg17 : memref<!tpu.dma_semaphore, #tpu.memory_space<semaphore_mem>>) src(%dma_wait3A_113 : memref<10000x16xf32, #tpu.memory_space<hbm>>) dst(%dma_wait3A_107 : memref<1000x16xf32, #tpu.memory_space<vmem>>)
    %run_scoped3A_114 = arith.constant 0 : i32
    "tpu.region"() ({
      %run_scoped3A_843 = tpu.sem_alloc : memref<!tpu.dma_semaphore, #tpu.memory_space<semaphore_mem>>
      %dma_start3A_844 = arith.constant 0 : i32
      %dma_start3A_845 = arith.constant 0 : i32
      %dma_start3A_846 = tpu.memref_slice %arg12[%run_scoped3A_114, %dma_start3A_844, %dma_start3A_845] : memref<2x1000x16xf32, #tpu.memory_space<vmem>> -> memref<1x1000x16xf32, #tpu.memory_space<vmem>>
      %dma_start3A_847 = tpu.memref_squeeze %dma_start3A_846 : memref<1x1000x16xf32, #tpu.memory_space<vmem>> -> memref<1000x16xf32, #tpu.memory_space<vmem>>
      %dma_start3A_848 = arith.constant 0 : i32
      %dma_start3A_849 = tpu.memref_slice %arg7[%add3A_88, %dma_start3A_848] : memref<320000x16xf32, #tpu.memory_space<hbm>> -> memref<1000x16xf32, #tpu.memory_space<hbm>>
      %dma_start3A_850 = arith.constant 0 : i32
      %dma_start3A_851 = tpu.memref_slice %arg7[%add3A_88, %dma_start3A_850] : memref<320000x16xf32, #tpu.memory_space<hbm>> -> memref<1000x16xf32, #tpu.memory_space<hbm>>
      %dma_start3A_852 = arith.constant 0 : i32
      %dma_start3A_853 = arith.constant 0 : i32
      %dma_start3A_854 = tpu.memref_slice %arg12[%run_scoped3A_114, %dma_start3A_852, %dma_start3A_853] : memref<2x1000x16xf32, #tpu.memory_space<vmem>> -> memref<1x1000x16xf32, #tpu.memory_space<vmem>>
      %dma_start3A_855 = tpu.memref_squeeze %dma_start3A_854 : memref<1x1000x16xf32, #tpu.memory_space<vmem>> -> memref<1000x16xf32, #tpu.memory_space<vmem>>
      tpu.enqueue_dma source(%dma_start3A_855 : memref<1000x16xf32, #tpu.memory_space<vmem>>) target(%dma_start3A_851 : memref<1000x16xf32, #tpu.memory_space<hbm>>) target_semaphore(%run_scoped3A_843 : memref<!tpu.dma_semaphore, #tpu.memory_space<semaphore_mem>>)
      %dma_wait3A_856 = arith.constant 0 : i32
      %dma_wait3A_857 = arith.constant 0 : i32
      %dma_wait3A_858 = tpu.memref_slice %arg12[%run_scoped3A_114, %dma_wait3A_856, %dma_wait3A_857] : memref<2x1000x16xf32, #tpu.memory_space<vmem>> -> memref<1x1000x16xf32, #tpu.memory_space<vmem>>
      %dma_wait3A_859 = tpu.memref_squeeze %dma_wait3A_858 : memref<1x1000x16xf32, #tpu.memory_space<vmem>> -> memref<1000x16xf32, #tpu.memory_space<vmem>>
      %dma_wait3A_860 = arith.constant 0 : i32
      %dma_wait3A_861 = tpu.memref_slice %arg7[%add3A_88, %dma_wait3A_860] : memref<320000x16xf32, #tpu.memory_space<hbm>> -> memref<1000x16xf32, #tpu.memory_space<hbm>>
      %dma_wait3A_862 = arith.constant 0 : i32
      %dma_wait3A_863 = tpu.memref_slice %arg7[%add3A_88, %dma_wait3A_862] : memref<320000x16xf32, #tpu.memory_space<hbm>> -> memref<1000x16xf32, #tpu.memory_space<hbm>>
      %dma_wait3A_864 = arith.constant 0 : i32
      %dma_wait3A_865 = arith.constant 0 : i32
      %dma_wait3A_866 = tpu.memref_slice %arg12[%run_scoped3A_114, %dma_wait3A_864, %dma_wait3A_865] : memref<2x1000x16xf32, #tpu.memory_space<vmem>> -> memref<1x1000x16xf32, #tpu.memory_space<vmem>>
      %dma_wait3A_867 = tpu.memref_squeeze %dma_wait3A_866 : memref<1x1000x16xf32, #tpu.memory_space<vmem>> -> memref<1000x16xf32, #tpu.memory_space<vmem>>
      tpu.wait_dma2 semaphore(%run_scoped3A_843 : memref<!tpu.dma_semaphore, #tpu.memory_space<semaphore_mem>>) src(%dma_wait3A_867 : memref<1000x16xf32, #tpu.memory_space<vmem>>) dst(%dma_wait3A_863 : memref<1000x16xf32, #tpu.memory_space<hbm>>)
      tpu.yield
    }) : () -> ()
    %dma_wait3A_115 = arith.constant 0 : i32
    %dma_wait3A_116 = arith.constant 0 : i32
    %dma_wait3A_117 = arith.constant 0 : i32
    %dma_wait3A_118 = arith.constant 0 : i32
    %dma_wait3A_119 = tpu.memref_slice %arg13[%dma_wait3A_116, %dma_wait3A_117, %dma_wait3A_118] : memref<2x1000x16xf32, #tpu.memory_space<vmem>> -> memref<1x1000x16xf32, #tpu.memory_space<vmem>>
    %dma_wait3A_120 = tpu.memref_squeeze %dma_wait3A_119 : memref<1x1000x16xf32, #tpu.memory_space<vmem>> -> memref<1000x16xf32, #tpu.memory_space<vmem>>
    %dma_wait3A_121 = arith.constant 0 : i32
    %dma_wait3A_122 = tpu.memref_slice %arg10[%dma_wait3A_115, %dma_wait3A_121] : memref<2x1000xi32, #tpu.memory_space<vmem>> -> memref<1x1000xi32, #tpu.memory_space<vmem>>
    %dma_wait3A_123 = tpu.memref_squeeze %dma_wait3A_122 : memref<1x1000xi32, #tpu.memory_space<vmem>> -> memref<1000xi32, #tpu.memory_space<vmem>>
    %dma_wait3A_124 = arith.constant 0 : i32
    %dma_wait3A_125 = arith.constant 0 : i32
    %dma_wait3A_126 = tpu.memref_slice %arg4[%dma_wait3A_124, %dma_wait3A_125] : memref<10000x16xf32, #tpu.memory_space<hbm>> -> memref<10000x16xf32, #tpu.memory_space<hbm>>
    tpu.wait_indirect_dma semaphore(%arg19 : memref<!tpu.dma_semaphore, #tpu.memory_space<semaphore_mem>>) src(%dma_wait3A_126 : memref<10000x16xf32, #tpu.memory_space<hbm>>) dst(%dma_wait3A_120 : memref<1000x16xf32, #tpu.memory_space<vmem>>)
    %run_scoped3A_127 = arith.constant 0 : i32
    "tpu.region"() ({
      %run_scoped3A_843 = tpu.sem_alloc : memref<!tpu.dma_semaphore, #tpu.memory_space<semaphore_mem>>
      %dma_start3A_844 = arith.constant 0 : i32
      %dma_start3A_845 = arith.constant 0 : i32
      %dma_start3A_846 = tpu.memref_slice %arg13[%run_scoped3A_127, %dma_start3A_844, %dma_start3A_845] : memref<2x1000x16xf32, #tpu.memory_space<vmem>> -> memref<1x1000x16xf32, #tpu.memory_space<vmem>>
      %dma_start3A_847 = tpu.memref_squeeze %dma_start3A_846 : memref<1x1000x16xf32, #tpu.memory_space<vmem>> -> memref<1000x16xf32, #tpu.memory_space<vmem>>
      %dma_start3A_848 = arith.constant 0 : i32
      %dma_start3A_849 = tpu.memref_slice %arg8[%add3A_88, %dma_start3A_848] : memref<320000x16xf32, #tpu.memory_space<hbm>> -> memref<1000x16xf32, #tpu.memory_space<hbm>>
      %dma_start3A_850 = arith.constant 0 : i32
      %dma_start3A_851 = tpu.memref_slice %arg8[%add3A_88, %dma_start3A_850] : memref<320000x16xf32, #tpu.memory_space<hbm>> -> memref<1000x16xf32, #tpu.memory_space<hbm>>
      %dma_start3A_852 = arith.constant 0 : i32
      %dma_start3A_853 = arith.constant 0 : i32
      %dma_start3A_854 = tpu.memref_slice %arg13[%run_scoped3A_127, %dma_start3A_852, %dma_start3A_853] : memref<2x1000x16xf32, #tpu.memory_space<vmem>> -> memref<1x1000x16xf32, #tpu.memory_space<vmem>>
      %dma_start3A_855 = tpu.memref_squeeze %dma_start3A_854 : memref<1x1000x16xf32, #tpu.memory_space<vmem>> -> memref<1000x16xf32, #tpu.memory_space<vmem>>
      tpu.enqueue_dma source(%dma_start3A_855 : memref<1000x16xf32, #tpu.memory_space<vmem>>) target(%dma_start3A_851 : memref<1000x16xf32, #tpu.memory_space<hbm>>) target_semaphore(%run_scoped3A_843 : memref<!tpu.dma_semaphore, #tpu.memory_space<semaphore_mem>>)
      %dma_wait3A_856 = arith.constant 0 : i32
      %dma_wait3A_857 = arith.constant 0 : i32
      %dma_wait3A_858 = tpu.memref_slice %arg13[%run_scoped3A_127, %dma_wait3A_856, %dma_wait3A_857] : memref<2x1000x16xf32, #tpu.memory_space<vmem>> -> memref<1x1000x16xf32, #tpu.memory_space<vmem>>
      %dma_wait3A_859 = tpu.memref_squeeze %dma_wait3A_858 : memref<1x1000x16xf32, #tpu.memory_space<vmem>> -> memref<1000x16xf32, #tpu.memory_space<vmem>>
      %dma_wait3A_860 = arith.constant 0 : i32
      %dma_wait3A_861 = tpu.memref_slice %arg8[%add3A_88, %dma_wait3A_860] : memref<320000x16xf32, #tpu.memory_space<hbm>> -> memref<1000x16xf32, #tpu.memory_space<hbm>>
      %dma_wait3A_862 = arith.constant 0 : i32
      %dma_wait3A_863 = tpu.memref_slice %arg8[%add3A_88, %dma_wait3A_862] : memref<320000x16xf32, #tpu.memory_space<hbm>> -> memref<1000x16xf32, #tpu.memory_space<hbm>>
      %dma_wait3A_864 = arith.constant 0 : i32
      %dma_wait3A_865 = arith.constant 0 : i32
      %dma_wait3A_866 = tpu.memref_slice %arg13[%run_scoped3A_127, %dma_wait3A_864, %dma_wait3A_865] : memref<2x1000x16xf32, #tpu.memory_space<vmem>> -> memref<1x1000x16xf32, #tpu.memory_space<vmem>>
      %dma_wait3A_867 = tpu.memref_squeeze %dma_wait3A_866 : memref<1x1000x16xf32, #tpu.memory_space<vmem>> -> memref<1000x16xf32, #tpu.memory_space<vmem>>
      tpu.wait_dma2 semaphore(%run_scoped3A_843 : memref<!tpu.dma_semaphore, #tpu.memory_space<semaphore_mem>>) src(%dma_wait3A_867 : memref<1000x16xf32, #tpu.memory_space<vmem>>) dst(%dma_wait3A_863 : memref<1000x16xf32, #tpu.memory_space<hbm>>)
      tpu.yield
    }) : () -> ()
    %add3A_128 = arith.constant 2000 : i32
    %add3A_129 = arith.addi %mul3A_4, %add3A_128 : i32
    %run_scoped3A_130 = arith.constant 0 : i32
    "tpu.region"() ({
      %run_scoped3A_843 = tpu.sem_alloc : memref<!tpu.dma_semaphore, #tpu.memory_space<semaphore_mem>>
      %dma_start3A_844 = arith.constant 0 : i32
      %dma_start3A_845 = tpu.memref_slice %arg9[%run_scoped3A_130, %dma_start3A_844] : memref<2x1000xi32, #tpu.memory_space<vmem>> -> memref<1x1000xi32, #tpu.memory_space<vmem>>
      %dma_start3A_846 = tpu.memref_squeeze %dma_start3A_845 : memref<1x1000xi32, #tpu.memory_space<vmem>> -> memref<1000xi32, #tpu.memory_space<vmem>>
      %dma_start3A_847 = tpu.memref_slice %arg2[%add3A_129] : memref<640000xi32, #tpu.memory_space<hbm>> -> memref<1000xi32, #tpu.memory_space<hbm>>
      %dma_start3A_848 = arith.constant 0 : i32
      %dma_start3A_849 = tpu.memref_slice %arg9[%run_scoped3A_130, %dma_start3A_848] : memref<2x1000xi32, #tpu.memory_space<vmem>> -> memref<1x1000xi32, #tpu.memory_space<vmem>>
      %dma_start3A_850 = tpu.memref_squeeze %dma_start3A_849 : memref<1x1000xi32, #tpu.memory_space<vmem>> -> memref<1000xi32, #tpu.memory_space<vmem>>
      %dma_start3A_851 = tpu.memref_slice %arg2[%add3A_129] : memref<640000xi32, #tpu.memory_space<hbm>> -> memref<1000xi32, #tpu.memory_space<hbm>>
      tpu.enqueue_dma source(%dma_start3A_851 : memref<1000xi32, #tpu.memory_space<hbm>>) target(%dma_start3A_850 : memref<1000xi32, #tpu.memory_space<vmem>>) target_semaphore(%run_scoped3A_843 : memref<!tpu.dma_semaphore, #tpu.memory_space<semaphore_mem>>)
      %dma_wait3A_852 = arith.constant 0 : i32
      %dma_wait3A_853 = tpu.memref_slice %arg9[%run_scoped3A_130, %dma_wait3A_852] : memref<2x1000xi32, #tpu.memory_space<vmem>> -> memref<1x1000xi32, #tpu.memory_space<vmem>>
      %dma_wait3A_854 = tpu.memref_squeeze %dma_wait3A_853 : memref<1x1000xi32, #tpu.memory_space<vmem>> -> memref<1000xi32, #tpu.memory_space<vmem>>
      %dma_wait3A_855 = tpu.memref_slice %arg2[%add3A_129] : memref<640000xi32, #tpu.memory_space<hbm>> -> memref<1000xi32, #tpu.memory_space<hbm>>
      %dma_wait3A_856 = arith.constant 0 : i32
      %dma_wait3A_857 = tpu.memref_slice %arg9[%run_scoped3A_130, %dma_wait3A_856] : memref<2x1000xi32, #tpu.memory_space<vmem>> -> memref<1x1000xi32, #tpu.memory_space<vmem>>
      %dma_wait3A_858 = tpu.memref_squeeze %dma_wait3A_857 : memref<1x1000xi32, #tpu.memory_space<vmem>> -> memref<1000xi32, #tpu.memory_space<vmem>>
      %dma_wait3A_859 = tpu.memref_slice %arg2[%add3A_129] : memref<640000xi32, #tpu.memory_space<hbm>> -> memref<1000xi32, #tpu.memory_space<hbm>>
      tpu.wait_dma2 semaphore(%run_scoped3A_843 : memref<!tpu.dma_semaphore, #tpu.memory_space<semaphore_mem>>) src(%dma_wait3A_859 : memref<1000xi32, #tpu.memory_space<hbm>>) dst(%dma_wait3A_858 : memref<1000xi32, #tpu.memory_space<vmem>>)
      tpu.yield
    }) : () -> ()
    %add3A_131 = arith.constant 320000 : i32
    %add3A_132 = arith.addi %add3A_131, %add3A_129 : i32
    %run_scoped3A_133 = arith.constant 0 : i32
    "tpu.region"() ({
      %run_scoped3A_843 = tpu.sem_alloc : memref<!tpu.dma_semaphore, #tpu.memory_space<semaphore_mem>>
      %dma_start3A_844 = arith.constant 0 : i32
      %dma_start3A_845 = tpu.memref_slice %arg10[%run_scoped3A_133, %dma_start3A_844] : memref<2x1000xi32, #tpu.memory_space<vmem>> -> memref<1x1000xi32, #tpu.memory_space<vmem>>
      %dma_start3A_846 = tpu.memref_squeeze %dma_start3A_845 : memref<1x1000xi32, #tpu.memory_space<vmem>> -> memref<1000xi32, #tpu.memory_space<vmem>>
      %dma_start3A_847 = tpu.memref_slice %arg2[%add3A_132] : memref<640000xi32, #tpu.memory_space<hbm>> -> memref<1000xi32, #tpu.memory_space<hbm>>
      %dma_start3A_848 = arith.constant 0 : i32
      %dma_start3A_849 = tpu.memref_slice %arg10[%run_scoped3A_133, %dma_start3A_848] : memref<2x1000xi32, #tpu.memory_space<vmem>> -> memref<1x1000xi32, #tpu.memory_space<vmem>>
      %dma_start3A_850 = tpu.memref_squeeze %dma_start3A_849 : memref<1x1000xi32, #tpu.memory_space<vmem>> -> memref<1000xi32, #tpu.memory_space<vmem>>
      %dma_start3A_851 = tpu.memref_slice %arg2[%add3A_132] : memref<640000xi32, #tpu.memory_space<hbm>> -> memref<1000xi32, #tpu.memory_space<hbm>>
      tpu.enqueue_dma source(%dma_start3A_851 : memref<1000xi32, #tpu.memory_space<hbm>>) target(%dma_start3A_850 : memref<1000xi32, #tpu.memory_space<vmem>>) target_semaphore(%run_scoped3A_843 : memref<!tpu.dma_semaphore, #tpu.memory_space<semaphore_mem>>)
      %dma_wait3A_852 = arith.constant 0 : i32
      %dma_wait3A_853 = tpu.memref_slice %arg10[%run_scoped3A_133, %dma_wait3A_852] : memref<2x1000xi32, #tpu.memory_space<vmem>> -> memref<1x1000xi32, #tpu.memory_space<vmem>>
      %dma_wait3A_854 = tpu.memref_squeeze %dma_wait3A_853 : memref<1x1000xi32, #tpu.memory_space<vmem>> -> memref<1000xi32, #tpu.memory_space<vmem>>
      %dma_wait3A_855 = tpu.memref_slice %arg2[%add3A_132] : memref<640000xi32, #tpu.memory_space<hbm>> -> memref<1000xi32, #tpu.memory_space<hbm>>
      %dma_wait3A_856 = arith.constant 0 : i32
      %dma_wait3A_857 = tpu.memref_slice %arg10[%run_scoped3A_133, %dma_wait3A_856] : memref<2x1000xi32, #tpu.memory_space<vmem>> -> memref<1x1000xi32, #tpu.memory_space<vmem>>
      %dma_wait3A_858 = tpu.memref_squeeze %dma_wait3A_857 : memref<1x1000xi32, #tpu.memory_space<vmem>> -> memref<1000xi32, #tpu.memory_space<vmem>>
      %dma_wait3A_859 = tpu.memref_slice %arg2[%add3A_132] : memref<640000xi32, #tpu.memory_space<hbm>> -> memref<1000xi32, #tpu.memory_space<hbm>>
      tpu.wait_dma2 semaphore(%run_scoped3A_843 : memref<!tpu.dma_semaphore, #tpu.memory_space<semaphore_mem>>) src(%dma_wait3A_859 : memref<1000xi32, #tpu.memory_space<hbm>>) dst(%dma_wait3A_858 : memref<1000xi32, #tpu.memory_space<vmem>>)
      tpu.yield
    }) : () -> ()
    %dma_start3A_134 = arith.constant 0 : i32
    %dma_start3A_135 = arith.constant 0 : i32
    %dma_start3A_136 = arith.constant 0 : i32
    %dma_start3A_137 = arith.constant 0 : i32
    %dma_start3A_138 = tpu.memref_slice %arg11[%dma_start3A_135, %dma_start3A_136, %dma_start3A_137] : memref<2x1000x16xf32, #tpu.memory_space<vmem>> -> memref<1x1000x16xf32, #tpu.memory_space<vmem>>
    %dma_start3A_139 = tpu.memref_squeeze %dma_start3A_138 : memref<1x1000x16xf32, #tpu.memory_space<vmem>> -> memref<1000x16xf32, #tpu.memory_space<vmem>>
    %dma_start3A_140 = arith.constant 0 : i32
    %dma_start3A_141 = tpu.memref_slice %arg9[%dma_start3A_134, %dma_start3A_140] : memref<2x1000xi32, #tpu.memory_space<vmem>> -> memref<1x1000xi32, #tpu.memory_space<vmem>>
    %dma_start3A_142 = tpu.memref_squeeze %dma_start3A_141 : memref<1x1000xi32, #tpu.memory_space<vmem>> -> memref<1000xi32, #tpu.memory_space<vmem>>
    %dma_start3A_143 = arith.constant 0 : i32
    %dma_start3A_144 = arith.constant 0 : i32
    %dma_start3A_145 = tpu.memref_slice %arg3[%dma_start3A_143, %dma_start3A_144] : memref<10000x16xf32, #tpu.memory_space<hbm>> -> memref<10000x16xf32, #tpu.memory_space<hbm>>
    tpu.enqueue_indirect_dma source(%dma_start3A_145 : memref<10000x16xf32, #tpu.memory_space<hbm>>) target(%dma_start3A_139 : memref<1000x16xf32, #tpu.memory_space<vmem>>) offsets(%dma_start3A_142 : memref<1000xi32, #tpu.memory_space<vmem>>) semaphore(%arg15 : memref<!tpu.dma_semaphore, #tpu.memory_space<semaphore_mem>>)
    %dma_start3A_146 = arith.constant 0 : i32
    %dma_start3A_147 = arith.constant 0 : i32
    %dma_start3A_148 = arith.constant 0 : i32
    %dma_start3A_149 = arith.constant 0 : i32
    %dma_start3A_150 = tpu.memref_slice %arg12[%dma_start3A_147, %dma_start3A_148, %dma_start3A_149] : memref<2x1000x16xf32, #tpu.memory_space<vmem>> -> memref<1x1000x16xf32, #tpu.memory_space<vmem>>
    %dma_start3A_151 = tpu.memref_squeeze %dma_start3A_150 : memref<1x1000x16xf32, #tpu.memory_space<vmem>> -> memref<1000x16xf32, #tpu.memory_space<vmem>>
    %dma_start3A_152 = arith.constant 0 : i32
    %dma_start3A_153 = tpu.memref_slice %arg9[%dma_start3A_146, %dma_start3A_152] : memref<2x1000xi32, #tpu.memory_space<vmem>> -> memref<1x1000xi32, #tpu.memory_space<vmem>>
    %dma_start3A_154 = tpu.memref_squeeze %dma_start3A_153 : memref<1x1000xi32, #tpu.memory_space<vmem>> -> memref<1000xi32, #tpu.memory_space<vmem>>
    %dma_start3A_155 = arith.constant 0 : i32
    %dma_start3A_156 = arith.constant 0 : i32
    %dma_start3A_157 = tpu.memref_slice %arg4[%dma_start3A_155, %dma_start3A_156] : memref<10000x16xf32, #tpu.memory_space<hbm>> -> memref<10000x16xf32, #tpu.memory_space<hbm>>
    tpu.enqueue_indirect_dma source(%dma_start3A_157 : memref<10000x16xf32, #tpu.memory_space<hbm>>) target(%dma_start3A_151 : memref<1000x16xf32, #tpu.memory_space<vmem>>) offsets(%dma_start3A_154 : memref<1000xi32, #tpu.memory_space<vmem>>) semaphore(%arg17 : memref<!tpu.dma_semaphore, #tpu.memory_space<semaphore_mem>>)
    %dma_start3A_158 = arith.constant 0 : i32
    %dma_start3A_159 = arith.constant 0 : i32
    %dma_start3A_160 = arith.constant 0 : i32
    %dma_start3A_161 = arith.constant 0 : i32
    %dma_start3A_162 = tpu.memref_slice %arg13[%dma_start3A_159, %dma_start3A_160, %dma_start3A_161] : memref<2x1000x16xf32, #tpu.memory_space<vmem>> -> memref<1x1000x16xf32, #tpu.memory_space<vmem>>
    %dma_start3A_163 = tpu.memref_squeeze %dma_start3A_162 : memref<1x1000x16xf32, #tpu.memory_space<vmem>> -> memref<1000x16xf32, #tpu.memory_space<vmem>>
    %dma_start3A_164 = arith.constant 0 : i32
    %dma_start3A_165 = tpu.memref_slice %arg10[%dma_start3A_158, %dma_start3A_164] : memref<2x1000xi32, #tpu.memory_space<vmem>> -> memref<1x1000xi32, #tpu.memory_space<vmem>>
    %dma_start3A_166 = tpu.memref_squeeze %dma_start3A_165 : memref<1x1000xi32, #tpu.memory_space<vmem>> -> memref<1000xi32, #tpu.memory_space<vmem>>
    %dma_start3A_167 = arith.constant 0 : i32
    %dma_start3A_168 = arith.constant 0 : i32
    %dma_start3A_169 = tpu.memref_slice %arg4[%dma_start3A_167, %dma_start3A_168] : memref<10000x16xf32, #tpu.memory_space<hbm>> -> memref<10000x16xf32, #tpu.memory_space<hbm>>
    tpu.enqueue_indirect_dma source(%dma_start3A_169 : memref<10000x16xf32, #tpu.memory_space<hbm>>) target(%dma_start3A_163 : memref<1000x16xf32, #tpu.memory_space<vmem>>) offsets(%dma_start3A_166 : memref<1000xi32, #tpu.memory_space<vmem>>) semaphore(%arg19 : memref<!tpu.dma_semaphore, #tpu.memory_space<semaphore_mem>>)
    %add3A_170 = arith.constant 1000 : i32
    %add3A_171 = arith.addi %mul3A_4, %add3A_170 : i32
    %dma_wait3A_172 = arith.constant 1 : i32
    %dma_wait3A_173 = arith.constant 1 : i32
    %dma_wait3A_174 = arith.constant 0 : i32
    %dma_wait3A_175 = arith.constant 0 : i32
    %dma_wait3A_176 = tpu.memref_slice %arg11[%dma_wait3A_173, %dma_wait3A_174, %dma_wait3A_175] : memref<2x1000x16xf32, #tpu.memory_space<vmem>> -> memref<1x1000x16xf32, #tpu.memory_space<vmem>>
    %dma_wait3A_177 = tpu.memref_squeeze %dma_wait3A_176 : memref<1x1000x16xf32, #tpu.memory_space<vmem>> -> memref<1000x16xf32, #tpu.memory_space<vmem>>
    %dma_wait3A_178 = arith.constant 0 : i32
    %dma_wait3A_179 = tpu.memref_slice %arg9[%dma_wait3A_172, %dma_wait3A_178] : memref<2x1000xi32, #tpu.memory_space<vmem>> -> memref<1x1000xi32, #tpu.memory_space<vmem>>
    %dma_wait3A_180 = tpu.memref_squeeze %dma_wait3A_179 : memref<1x1000xi32, #tpu.memory_space<vmem>> -> memref<1000xi32, #tpu.memory_space<vmem>>
    %dma_wait3A_181 = arith.constant 0 : i32
    %dma_wait3A_182 = arith.constant 0 : i32
    %dma_wait3A_183 = tpu.memref_slice %arg3[%dma_wait3A_181, %dma_wait3A_182] : memref<10000x16xf32, #tpu.memory_space<hbm>> -> memref<10000x16xf32, #tpu.memory_space<hbm>>
    tpu.wait_indirect_dma semaphore(%arg16 : memref<!tpu.dma_semaphore, #tpu.memory_space<semaphore_mem>>) src(%dma_wait3A_183 : memref<10000x16xf32, #tpu.memory_space<hbm>>) dst(%dma_wait3A_177 : memref<1000x16xf32, #tpu.memory_space<vmem>>)
    %run_scoped3A_184 = arith.constant 1 : i32
    %run_scoped3A_185 = arith.constant 1 : i32
    "tpu.region"() ({
      %run_scoped3A_843 = tpu.sem_alloc : memref<!tpu.dma_semaphore, #tpu.memory_space<semaphore_mem>>
      %dma_start3A_844 = arith.constant 0 : i32
      %dma_start3A_845 = arith.constant 0 : i32
      %dma_start3A_846 = tpu.memref_slice %arg11[%run_scoped3A_184, %dma_start3A_844, %dma_start3A_845] : memref<2x1000x16xf32, #tpu.memory_space<vmem>> -> memref<1x1000x16xf32, #tpu.memory_space<vmem>>
      %dma_start3A_847 = tpu.memref_squeeze %dma_start3A_846 : memref<1x1000x16xf32, #tpu.memory_space<vmem>> -> memref<1000x16xf32, #tpu.memory_space<vmem>>
      %dma_start3A_848 = arith.constant 0 : i32
      %dma_start3A_849 = tpu.memref_slice %arg10[%run_scoped3A_185, %dma_start3A_848] : memref<2x1000xi32, #tpu.memory_space<vmem>> -> memref<1x1000xi32, #tpu.memory_space<vmem>>
      %dma_start3A_850 = tpu.memref_squeeze %dma_start3A_849 : memref<1x1000xi32, #tpu.memory_space<vmem>> -> memref<1000xi32, #tpu.memory_space<vmem>>
      %dma_start3A_851 = arith.constant 0 : i32
      %dma_start3A_852 = arith.constant 0 : i32
      %dma_start3A_853 = tpu.memref_slice %arg14[%dma_start3A_851, %dma_start3A_852] : memref<10000x16xf32, #tpu.memory_space<vmem_shared>> -> memref<10000x16xf32, #tpu.memory_space<vmem_shared>>
      tpu.enqueue_indirect_dma source(%dma_start3A_847 : memref<1000x16xf32, #tpu.memory_space<vmem>>) target(%dma_start3A_853 : memref<10000x16xf32, #tpu.memory_space<vmem_shared>>) offsets(%dma_start3A_850 : memref<1000xi32, #tpu.memory_space<vmem>>) semaphore(%run_scoped3A_843 : memref<!tpu.dma_semaphore, #tpu.memory_space<semaphore_mem>>) {add = true}
      %dma_wait3A_854 = arith.constant 0 : i32
      %dma_wait3A_855 = arith.constant 0 : i32
      %dma_wait3A_856 = tpu.memref_slice %arg11[%run_scoped3A_184, %dma_wait3A_854, %dma_wait3A_855] : memref<2x1000x16xf32, #tpu.memory_space<vmem>> -> memref<1x1000x16xf32, #tpu.memory_space<vmem>>
      %dma_wait3A_857 = tpu.memref_squeeze %dma_wait3A_856 : memref<1x1000x16xf32, #tpu.memory_space<vmem>> -> memref<1000x16xf32, #tpu.memory_space<vmem>>
      %dma_wait3A_858 = arith.constant 0 : i32
      %dma_wait3A_859 = tpu.memref_slice %arg10[%run_scoped3A_185, %dma_wait3A_858] : memref<2x1000xi32, #tpu.memory_space<vmem>> -> memref<1x1000xi32, #tpu.memory_space<vmem>>
      %dma_wait3A_860 = tpu.memref_squeeze %dma_wait3A_859 : memref<1x1000xi32, #tpu.memory_space<vmem>> -> memref<1000xi32, #tpu.memory_space<vmem>>
      %dma_wait3A_861 = arith.constant 0 : i32
      %dma_wait3A_862 = arith.constant 0 : i32
      %dma_wait3A_863 = tpu.memref_slice %arg14[%dma_wait3A_861, %dma_wait3A_862] : memref<10000x16xf32, #tpu.memory_space<vmem_shared>> -> memref<10000x16xf32, #tpu.memory_space<vmem_shared>>
      tpu.wait_indirect_dma semaphore(%run_scoped3A_843 : memref<!tpu.dma_semaphore, #tpu.memory_space<semaphore_mem>>) src(%dma_wait3A_857 : memref<1000x16xf32, #tpu.memory_space<vmem>>) dst(%dma_wait3A_863 : memref<10000x16xf32, #tpu.memory_space<vmem_shared>>)
      tpu.yield
    }) : () -> ()
    %dma_wait3A_186 = arith.constant 1 : i32
    %dma_wait3A_187 = arith.constant 1 : i32
    %dma_wait3A_188 = arith.constant 0 : i32
    %dma_wait3A_189 = arith.constant 0 : i32
    %dma_wait3A_190 = tpu.memref_slice %arg12[%dma_wait3A_187, %dma_wait3A_188, %dma_wait3A_189] : memref<2x1000x16xf32, #tpu.memory_space<vmem>> -> memref<1x1000x16xf32, #tpu.memory_space<vmem>>
    %dma_wait3A_191 = tpu.memref_squeeze %dma_wait3A_190 : memref<1x1000x16xf32, #tpu.memory_space<vmem>> -> memref<1000x16xf32, #tpu.memory_space<vmem>>
    %dma_wait3A_192 = arith.constant 0 : i32
    %dma_wait3A_193 = tpu.memref_slice %arg9[%dma_wait3A_186, %dma_wait3A_192] : memref<2x1000xi32, #tpu.memory_space<vmem>> -> memref<1x1000xi32, #tpu.memory_space<vmem>>
    %dma_wait3A_194 = tpu.memref_squeeze %dma_wait3A_193 : memref<1x1000xi32, #tpu.memory_space<vmem>> -> memref<1000xi32, #tpu.memory_space<vmem>>
    %dma_wait3A_195 = arith.constant 0 : i32
    %dma_wait3A_196 = arith.constant 0 : i32
    %dma_wait3A_197 = tpu.memref_slice %arg4[%dma_wait3A_195, %dma_wait3A_196] : memref<10000x16xf32, #tpu.memory_space<hbm>> -> memref<10000x16xf32, #tpu.memory_space<hbm>>
    tpu.wait_indirect_dma semaphore(%arg18 : memref<!tpu.dma_semaphore, #tpu.memory_space<semaphore_mem>>) src(%dma_wait3A_197 : memref<10000x16xf32, #tpu.memory_space<hbm>>) dst(%dma_wait3A_191 : memref<1000x16xf32, #tpu.memory_space<vmem>>)
    %run_scoped3A_198 = arith.constant 1 : i32
    "tpu.region"() ({
      %run_scoped3A_843 = tpu.sem_alloc : memref<!tpu.dma_semaphore, #tpu.memory_space<semaphore_mem>>
      %dma_start3A_844 = arith.constant 0 : i32
      %dma_start3A_845 = arith.constant 0 : i32
      %dma_start3A_846 = tpu.memref_slice %arg12[%run_scoped3A_198, %dma_start3A_844, %dma_start3A_845] : memref<2x1000x16xf32, #tpu.memory_space<vmem>> -> memref<1x1000x16xf32, #tpu.memory_space<vmem>>
      %dma_start3A_847 = tpu.memref_squeeze %dma_start3A_846 : memref<1x1000x16xf32, #tpu.memory_space<vmem>> -> memref<1000x16xf32, #tpu.memory_space<vmem>>
      %dma_start3A_848 = arith.constant 0 : i32
      %dma_start3A_849 = tpu.memref_slice %arg7[%add3A_171, %dma_start3A_848] : memref<320000x16xf32, #tpu.memory_space<hbm>> -> memref<1000x16xf32, #tpu.memory_space<hbm>>
      %dma_start3A_850 = arith.constant 0 : i32
      %dma_start3A_851 = tpu.memref_slice %arg7[%add3A_171, %dma_start3A_850] : memref<320000x16xf32, #tpu.memory_space<hbm>> -> memref<1000x16xf32, #tpu.memory_space<hbm>>
      %dma_start3A_852 = arith.constant 0 : i32
      %dma_start3A_853 = arith.constant 0 : i32
      %dma_start3A_854 = tpu.memref_slice %arg12[%run_scoped3A_198, %dma_start3A_852, %dma_start3A_853] : memref<2x1000x16xf32, #tpu.memory_space<vmem>> -> memref<1x1000x16xf32, #tpu.memory_space<vmem>>
      %dma_start3A_855 = tpu.memref_squeeze %dma_start3A_854 : memref<1x1000x16xf32, #tpu.memory_space<vmem>> -> memref<1000x16xf32, #tpu.memory_space<vmem>>
      tpu.enqueue_dma source(%dma_start3A_855 : memref<1000x16xf32, #tpu.memory_space<vmem>>) target(%dma_start3A_851 : memref<1000x16xf32, #tpu.memory_space<hbm>>) target_semaphore(%run_scoped3A_843 : memref<!tpu.dma_semaphore, #tpu.memory_space<semaphore_mem>>)
      %dma_wait3A_856 = arith.constant 0 : i32
      %dma_wait3A_857 = arith.constant 0 : i32
      %dma_wait3A_858 = tpu.memref_slice %arg12[%run_scoped3A_198, %dma_wait3A_856, %dma_wait3A_857] : memref<2x1000x16xf32, #tpu.memory_space<vmem>> -> memref<1x1000x16xf32, #tpu.memory_space<vmem>>
      %dma_wait3A_859 = tpu.memref_squeeze %dma_wait3A_858 : memref<1x1000x16xf32, #tpu.memory_space<vmem>> -> memref<1000x16xf32, #tpu.memory_space<vmem>>
      %dma_wait3A_860 = arith.constant 0 : i32
      %dma_wait3A_861 = tpu.memref_slice %arg7[%add3A_171, %dma_wait3A_860] : memref<320000x16xf32, #tpu.memory_space<hbm>> -> memref<1000x16xf32, #tpu.memory_space<hbm>>
      %dma_wait3A_862 = arith.constant 0 : i32
      %dma_wait3A_863 = tpu.memref_slice %arg7[%add3A_171, %dma_wait3A_862] : memref<320000x16xf32, #tpu.memory_space<hbm>> -> memref<1000x16xf32, #tpu.memory_space<hbm>>
      %dma_wait3A_864 = arith.constant 0 : i32
      %dma_wait3A_865 = arith.constant 0 : i32
      %dma_wait3A_866 = tpu.memref_slice %arg12[%run_scoped3A_198, %dma_wait3A_864, %dma_wait3A_865] : memref<2x1000x16xf32, #tpu.memory_space<vmem>> -> memref<1x1000x16xf32, #tpu.memory_space<vmem>>
      %dma_wait3A_867 = tpu.memref_squeeze %dma_wait3A_866 : memref<1x1000x16xf32, #tpu.memory_space<vmem>> -> memref<1000x16xf32, #tpu.memory_space<vmem>>
      tpu.wait_dma2 semaphore(%run_scoped3A_843 : memref<!tpu.dma_semaphore, #tpu.memory_space<semaphore_mem>>) src(%dma_wait3A_867 : memref<1000x16xf32, #tpu.memory_space<vmem>>) dst(%dma_wait3A_863 : memref<1000x16xf32, #tpu.memory_space<hbm>>)
      tpu.yield
    }) : () -> ()
    %dma_wait3A_199 = arith.constant 1 : i32
    %dma_wait3A_200 = arith.constant 1 : i32
    %dma_wait3A_201 = arith.constant 0 : i32
    %dma_wait3A_202 = arith.constant 0 : i32
    %dma_wait3A_203 = tpu.memref_slice %arg13[%dma_wait3A_200, %dma_wait3A_201, %dma_wait3A_202] : memref<2x1000x16xf32, #tpu.memory_space<vmem>> -> memref<1x1000x16xf32, #tpu.memory_space<vmem>>
    %dma_wait3A_204 = tpu.memref_squeeze %dma_wait3A_203 : memref<1x1000x16xf32, #tpu.memory_space<vmem>> -> memref<1000x16xf32, #tpu.memory_space<vmem>>
    %dma_wait3A_205 = arith.constant 0 : i32
    %dma_wait3A_206 = tpu.memref_slice %arg10[%dma_wait3A_199, %dma_wait3A_205] : memref<2x1000xi32, #tpu.memory_space<vmem>> -> memref<1x1000xi32, #tpu.memory_space<vmem>>
    %dma_wait3A_207 = tpu.memref_squeeze %dma_wait3A_206 : memref<1x1000xi32, #tpu.memory_space<vmem>> -> memref<1000xi32, #tpu.memory_space<vmem>>
    %dma_wait3A_208 = arith.constant 0 : i32
    %dma_wait3A_209 = arith.constant 0 : i32
    %dma_wait3A_210 = tpu.memref_slice %arg4[%dma_wait3A_208, %dma_wait3A_209] : memref<10000x16xf32, #tpu.memory_space<hbm>> -> memref<10000x16xf32, #tpu.memory_space<hbm>>
    tpu.wait_indirect_dma semaphore(%arg20 : memref<!tpu.dma_semaphore, #tpu.memory_space<semaphore_mem>>) src(%dma_wait3A_210 : memref<10000x16xf32, #tpu.memory_space<hbm>>) dst(%dma_wait3A_204 : memref<1000x16xf32, #tpu.memory_space<vmem>>)
    %run_scoped3A_211 = arith.constant 1 : i32
    "tpu.region"() ({
      %run_scoped3A_843 = tpu.sem_alloc : memref<!tpu.dma_semaphore, #tpu.memory_space<semaphore_mem>>
      %dma_start3A_844 = arith.constant 0 : i32
      %dma_start3A_845 = arith.constant 0 : i32
      %dma_start3A_846 = tpu.memref_slice %arg13[%run_scoped3A_211, %dma_start3A_844, %dma_start3A_845] : memref<2x1000x16xf32, #tpu.memory_space<vmem>> -> memref<1x1000x16xf32, #tpu.memory_space<vmem>>
      %dma_start3A_847 = tpu.memref_squeeze %dma_start3A_846 : memref<1x1000x16xf32, #tpu.memory_space<vmem>> -> memref<1000x16xf32, #tpu.memory_space<vmem>>
      %dma_start3A_848 = arith.constant 0 : i32
      %dma_start3A_849 = tpu.memref_slice %arg8[%add3A_171, %dma_start3A_848] : memref<320000x16xf32, #tpu.memory_space<hbm>> -> memref<1000x16xf32, #tpu.memory_space<hbm>>
      %dma_start3A_850 = arith.constant 0 : i32
      %dma_start3A_851 = tpu.memref_slice %arg8[%add3A_171, %dma_start3A_850] : memref<320000x16xf32, #tpu.memory_space<hbm>> -> memref<1000x16xf32, #tpu.memory_space<hbm>>
      %dma_start3A_852 = arith.constant 0 : i32
      %dma_start3A_853 = arith.constant 0 : i32
      %dma_start3A_854 = tpu.memref_slice %arg13[%run_scoped3A_211, %dma_start3A_852, %dma_start3A_853] : memref<2x1000x16xf32, #tpu.memory_space<vmem>> -> memref<1x1000x16xf32, #tpu.memory_space<vmem>>
      %dma_start3A_855 = tpu.memref_squeeze %dma_start3A_854 : memref<1x1000x16xf32, #tpu.memory_space<vmem>> -> memref<1000x16xf32, #tpu.memory_space<vmem>>
      tpu.enqueue_dma source(%dma_start3A_855 : memref<1000x16xf32, #tpu.memory_space<vmem>>) target(%dma_start3A_851 : memref<1000x16xf32, #tpu.memory_space<hbm>>) target_semaphore(%run_scoped3A_843 : memref<!tpu.dma_semaphore, #tpu.memory_space<semaphore_mem>>)
      %dma_wait3A_856 = arith.constant 0 : i32
      %dma_wait3A_857 = arith.constant 0 : i32
      %dma_wait3A_858 = tpu.memref_slice %arg13[%run_scoped3A_211, %dma_wait3A_856, %dma_wait3A_857] : memref<2x1000x16xf32, #tpu.memory_space<vmem>> -> memref<1x1000x16xf32, #tpu.memory_space<vmem>>
      %dma_wait3A_859 = tpu.memref_squeeze %dma_wait3A_858 : memref<1x1000x16xf32, #tpu.memory_space<vmem>> -> memref<1000x16xf32, #tpu.memory_space<vmem>>
      %dma_wait3A_860 = arith.constant 0 : i32
      %dma_wait3A_861 = tpu.memref_slice %arg8[%add3A_171, %dma_wait3A_860] : memref<320000x16xf32, #tpu.memory_space<hbm>> -> memref<1000x16xf32, #tpu.memory_space<hbm>>
      %dma_wait3A_862 = arith.constant 0 : i32
      %dma_wait3A_863 = tpu.memref_slice %arg8[%add3A_171, %dma_wait3A_862] : memref<320000x16xf32, #tpu.memory_space<hbm>> -> memref<1000x16xf32, #tpu.memory_space<hbm>>
      %dma_wait3A_864 = arith.constant 0 : i32
      %dma_wait3A_865 = arith.constant 0 : i32
      %dma_wait3A_866 = tpu.memref_slice %arg13[%run_scoped3A_211, %dma_wait3A_864, %dma_wait3A_865] : memref<2x1000x16xf32, #tpu.memory_space<vmem>> -> memref<1x1000x16xf32, #tpu.memory_space<vmem>>
      %dma_wait3A_867 = tpu.memref_squeeze %dma_wait3A_866 : memref<1x1000x16xf32, #tpu.memory_space<vmem>> -> memref<1000x16xf32, #tpu.memory_space<vmem>>
      tpu.wait_dma2 semaphore(%run_scoped3A_843 : memref<!tpu.dma_semaphore, #tpu.memory_space<semaphore_mem>>) src(%dma_wait3A_867 : memref<1000x16xf32, #tpu.memory_space<vmem>>) dst(%dma_wait3A_863 : memref<1000x16xf32, #tpu.memory_space<hbm>>)
      tpu.yield
    }) : () -> ()
    %add3A_212 = arith.constant 3000 : i32
    %add3A_213 = arith.addi %mul3A_4, %add3A_212 : i32
    %run_scoped3A_214 = arith.constant 1 : i32
    "tpu.region"() ({
      %run_scoped3A_843 = tpu.sem_alloc : memref<!tpu.dma_semaphore, #tpu.memory_space<semaphore_mem>>
      %dma_start3A_844 = arith.constant 0 : i32
      %dma_start3A_845 = tpu.memref_slice %arg9[%run_scoped3A_214, %dma_start3A_844] : memref<2x1000xi32, #tpu.memory_space<vmem>> -> memref<1x1000xi32, #tpu.memory_space<vmem>>
      %dma_start3A_846 = tpu.memref_squeeze %dma_start3A_845 : memref<1x1000xi32, #tpu.memory_space<vmem>> -> memref<1000xi32, #tpu.memory_space<vmem>>
      %dma_start3A_847 = tpu.memref_slice %arg2[%add3A_213] : memref<640000xi32, #tpu.memory_space<hbm>> -> memref<1000xi32, #tpu.memory_space<hbm>>
      %dma_start3A_848 = arith.constant 0 : i32
      %dma_start3A_849 = tpu.memref_slice %arg9[%run_scoped3A_214, %dma_start3A_848] : memref<2x1000xi32, #tpu.memory_space<vmem>> -> memref<1x1000xi32, #tpu.memory_space<vmem>>
      %dma_start3A_850 = tpu.memref_squeeze %dma_start3A_849 : memref<1x1000xi32, #tpu.memory_space<vmem>> -> memref<1000xi32, #tpu.memory_space<vmem>>
      %dma_start3A_851 = tpu.memref_slice %arg2[%add3A_213] : memref<640000xi32, #tpu.memory_space<hbm>> -> memref<1000xi32, #tpu.memory_space<hbm>>
      tpu.enqueue_dma source(%dma_start3A_851 : memref<1000xi32, #tpu.memory_space<hbm>>) target(%dma_start3A_850 : memref<1000xi32, #tpu.memory_space<vmem>>) target_semaphore(%run_scoped3A_843 : memref<!tpu.dma_semaphore, #tpu.memory_space<semaphore_mem>>)
      %dma_wait3A_852 = arith.constant 0 : i32
      %dma_wait3A_853 = tpu.memref_slice %arg9[%run_scoped3A_214, %dma_wait3A_852] : memref<2x1000xi32, #tpu.memory_space<vmem>> -> memref<1x1000xi32, #tpu.memory_space<vmem>>
      %dma_wait3A_854 = tpu.memref_squeeze %dma_wait3A_853 : memref<1x1000xi32, #tpu.memory_space<vmem>> -> memref<1000xi32, #tpu.memory_space<vmem>>
      %dma_wait3A_855 = tpu.memref_slice %arg2[%add3A_213] : memref<640000xi32, #tpu.memory_space<hbm>> -> memref<1000xi32, #tpu.memory_space<hbm>>
      %dma_wait3A_856 = arith.constant 0 : i32
      %dma_wait3A_857 = tpu.memref_slice %arg9[%run_scoped3A_214, %dma_wait3A_856] : memref<2x1000xi32, #tpu.memory_space<vmem>> -> memref<1x1000xi32, #tpu.memory_space<vmem>>
      %dma_wait3A_858 = tpu.memref_squeeze %dma_wait3A_857 : memref<1x1000xi32, #tpu.memory_space<vmem>> -> memref<1000xi32, #tpu.memory_space<vmem>>
      %dma_wait3A_859 = tpu.memref_slice %arg2[%add3A_213] : memref<640000xi32, #tpu.memory_space<hbm>> -> memref<1000xi32, #tpu.memory_space<hbm>>
      tpu.wait_dma2 semaphore(%run_scoped3A_843 : memref<!tpu.dma_semaphore, #tpu.memory_space<semaphore_mem>>) src(%dma_wait3A_859 : memref<1000xi32, #tpu.memory_space<hbm>>) dst(%dma_wait3A_858 : memref<1000xi32, #tpu.memory_space<vmem>>)
      tpu.yield
    }) : () -> ()
    %add3A_215 = arith.constant 320000 : i32
    %add3A_216 = arith.addi %add3A_215, %add3A_213 : i32
    %run_scoped3A_217 = arith.constant 1 : i32
    "tpu.region"() ({
      %run_scoped3A_843 = tpu.sem_alloc : memref<!tpu.dma_semaphore, #tpu.memory_space<semaphore_mem>>
      %dma_start3A_844 = arith.constant 0 : i32
      %dma_start3A_845 = tpu.memref_slice %arg10[%run_scoped3A_217, %dma_start3A_844] : memref<2x1000xi32, #tpu.memory_space<vmem>> -> memref<1x1000xi32, #tpu.memory_space<vmem>>
      %dma_start3A_846 = tpu.memref_squeeze %dma_start3A_845 : memref<1x1000xi32, #tpu.memory_space<vmem>> -> memref<1000xi32, #tpu.memory_space<vmem>>
      %dma_start3A_847 = tpu.memref_slice %arg2[%add3A_216] : memref<640000xi32, #tpu.memory_space<hbm>> -> memref<1000xi32, #tpu.memory_space<hbm>>
      %dma_start3A_848 = arith.constant 0 : i32
      %dma_start3A_849 = tpu.memref_slice %arg10[%run_scoped3A_217, %dma_start3A_848] : memref<2x1000xi32, #tpu.memory_space<vmem>> -> memref<1x1000xi32, #tpu.memory_space<vmem>>
      %dma_start3A_850 = tpu.memref_squeeze %dma_start3A_849 : memref<1x1000xi32, #tpu.memory_space<vmem>> -> memref<1000xi32, #tpu.memory_space<vmem>>
      %dma_start3A_851 = tpu.memref_slice %arg2[%add3A_216] : memref<640000xi32, #tpu.memory_space<hbm>> -> memref<1000xi32, #tpu.memory_space<hbm>>
      tpu.enqueue_dma source(%dma_start3A_851 : memref<1000xi32, #tpu.memory_space<hbm>>) target(%dma_start3A_850 : memref<1000xi32, #tpu.memory_space<vmem>>) target_semaphore(%run_scoped3A_843 : memref<!tpu.dma_semaphore, #tpu.memory_space<semaphore_mem>>)
      %dma_wait3A_852 = arith.constant 0 : i32
      %dma_wait3A_853 = tpu.memref_slice %arg10[%run_scoped3A_217, %dma_wait3A_852] : memref<2x1000xi32, #tpu.memory_space<vmem>> -> memref<1x1000xi32, #tpu.memory_space<vmem>>
      %dma_wait3A_854 = tpu.memref_squeeze %dma_wait3A_853 : memref<1x1000xi32, #tpu.memory_space<vmem>> -> memref<1000xi32, #tpu.memory_space<vmem>>
      %dma_wait3A_855 = tpu.memref_slice %arg2[%add3A_216] : memref<640000xi32, #tpu.memory_space<hbm>> -> memref<1000xi32, #tpu.memory_space<hbm>>
      %dma_wait3A_856 = arith.constant 0 : i32
      %dma_wait3A_857 = tpu.memref_slice %arg10[%run_scoped3A_217, %dma_wait3A_856] : memref<2x1000xi32, #tpu.memory_space<vmem>> -> memref<1x1000xi32, #tpu.memory_space<vmem>>
      %dma_wait3A_858 = tpu.memref_squeeze %dma_wait3A_857 : memref<1x1000xi32, #tpu.memory_space<vmem>> -> memref<1000xi32, #tpu.memory_space<vmem>>
      %dma_wait3A_859 = tpu.memref_slice %arg2[%add3A_216] : memref<640000xi32, #tpu.memory_space<hbm>> -> memref<1000xi32, #tpu.memory_space<hbm>>
      tpu.wait_dma2 semaphore(%run_scoped3A_843 : memref<!tpu.dma_semaphore, #tpu.memory_space<semaphore_mem>>) src(%dma_wait3A_859 : memref<1000xi32, #tpu.memory_space<hbm>>) dst(%dma_wait3A_858 : memref<1000xi32, #tpu.memory_space<vmem>>)
      tpu.yield
    }) : () -> ()
    %dma_start3A_218 = arith.constant 1 : i32
    %dma_start3A_219 = arith.constant 1 : i32
    %dma_start3A_220 = arith.constant 0 : i32
    %dma_start3A_221 = arith.constant 0 : i32
    %dma_start3A_222 = tpu.memref_slice %arg11[%dma_start3A_219, %dma_start3A_220, %dma_start3A_221] : memref<2x1000x16xf32, #tpu.memory_space<vmem>> -> memref<1x1000x16xf32, #tpu.memory_space<vmem>>
    %dma_start3A_223 = tpu.memref_squeeze %dma_start3A_222 : memref<1x1000x16xf32, #tpu.memory_space<vmem>> -> memref<1000x16xf32, #tpu.memory_space<vmem>>
    %dma_start3A_224 = arith.constant 0 : i32
    %dma_start3A_225 = tpu.memref_slice %arg9[%dma_start3A_218, %dma_start3A_224] : memref<2x1000xi32, #tpu.memory_space<vmem>> -> memref<1x1000xi32, #tpu.memory_space<vmem>>
    %dma_start3A_226 = tpu.memref_squeeze %dma_start3A_225 : memref<1x1000xi32, #tpu.memory_space<vmem>> -> memref<1000xi32, #tpu.memory_space<vmem>>
    %dma_start3A_227 = arith.constant 0 : i32
    %dma_start3A_228 = arith.constant 0 : i32
    %dma_start3A_229 = tpu.memref_slice %arg3[%dma_start3A_227, %dma_start3A_228] : memref<10000x16xf32, #tpu.memory_space<hbm>> -> memref<10000x16xf32, #tpu.memory_space<hbm>>
    tpu.enqueue_indirect_dma source(%dma_start3A_229 : memref<10000x16xf32, #tpu.memory_space<hbm>>) target(%dma_start3A_223 : memref<1000x16xf32, #tpu.memory_space<vmem>>) offsets(%dma_start3A_226 : memref<1000xi32, #tpu.memory_space<vmem>>) semaphore(%arg16 : memref<!tpu.dma_semaphore, #tpu.memory_space<semaphore_mem>>)
    %dma_start3A_230 = arith.constant 1 : i32
    %dma_start3A_231 = arith.constant 1 : i32
    %dma_start3A_232 = arith.constant 0 : i32
    %dma_start3A_233 = arith.constant 0 : i32
    %dma_start3A_234 = tpu.memref_slice %arg12[%dma_start3A_231, %dma_start3A_232, %dma_start3A_233] : memref<2x1000x16xf32, #tpu.memory_space<vmem>> -> memref<1x1000x16xf32, #tpu.memory_space<vmem>>
    %dma_start3A_235 = tpu.memref_squeeze %dma_start3A_234 : memref<1x1000x16xf32, #tpu.memory_space<vmem>> -> memref<1000x16xf32, #tpu.memory_space<vmem>>
    %dma_start3A_236 = arith.constant 0 : i32
    %dma_start3A_237 = tpu.memref_slice %arg9[%dma_start3A_230, %dma_start3A_236] : memref<2x1000xi32, #tpu.memory_space<vmem>> -> memref<1x1000xi32, #tpu.memory_space<vmem>>
    %dma_start3A_238 = tpu.memref_squeeze %dma_start3A_237 : memref<1x1000xi32, #tpu.memory_space<vmem>> -> memref<1000xi32, #tpu.memory_space<vmem>>
    %dma_start3A_239 = arith.constant 0 : i32
    %dma_start3A_240 = arith.constant 0 : i32
    %dma_start3A_241 = tpu.memref_slice %arg4[%dma_start3A_239, %dma_start3A_240] : memref<10000x16xf32, #tpu.memory_space<hbm>> -> memref<10000x16xf32, #tpu.memory_space<hbm>>
    tpu.enqueue_indirect_dma source(%dma_start3A_241 : memref<10000x16xf32, #tpu.memory_space<hbm>>) target(%dma_start3A_235 : memref<1000x16xf32, #tpu.memory_space<vmem>>) offsets(%dma_start3A_238 : memref<1000xi32, #tpu.memory_space<vmem>>) semaphore(%arg18 : memref<!tpu.dma_semaphore, #tpu.memory_space<semaphore_mem>>)
    %dma_start3A_242 = arith.constant 1 : i32
    %dma_start3A_243 = arith.constant 1 : i32
    %dma_start3A_244 = arith.constant 0 : i32
    %dma_start3A_245 = arith.constant 0 : i32
    %dma_start3A_246 = tpu.memref_slice %arg13[%dma_start3A_243, %dma_start3A_244, %dma_start3A_245] : memref<2x1000x16xf32, #tpu.memory_space<vmem>> -> memref<1x1000x16xf32, #tpu.memory_space<vmem>>
    %dma_start3A_247 = tpu.memref_squeeze %dma_start3A_246 : memref<1x1000x16xf32, #tpu.memory_space<vmem>> -> memref<1000x16xf32, #tpu.memory_space<vmem>>
    %dma_start3A_248 = arith.constant 0 : i32
    %dma_start3A_249 = tpu.memref_slice %arg10[%dma_start3A_242, %dma_start3A_248] : memref<2x1000xi32, #tpu.memory_space<vmem>> -> memref<1x1000xi32, #tpu.memory_space<vmem>>
    %dma_start3A_250 = tpu.memref_squeeze %dma_start3A_249 : memref<1x1000xi32, #tpu.memory_space<vmem>> -> memref<1000xi32, #tpu.memory_space<vmem>>
    %dma_start3A_251 = arith.constant 0 : i32
    %dma_start3A_252 = arith.constant 0 : i32
    %dma_start3A_253 = tpu.memref_slice %arg4[%dma_start3A_251, %dma_start3A_252] : memref<10000x16xf32, #tpu.memory_space<hbm>> -> memref<10000x16xf32, #tpu.memory_space<hbm>>
    tpu.enqueue_indirect_dma source(%dma_start3A_253 : memref<10000x16xf32, #tpu.memory_space<hbm>>) target(%dma_start3A_247 : memref<1000x16xf32, #tpu.memory_space<vmem>>) offsets(%dma_start3A_250 : memref<1000xi32, #tpu.memory_space<vmem>>) semaphore(%arg20 : memref<!tpu.dma_semaphore, #tpu.memory_space<semaphore_mem>>)
    %add3A_254 = arith.constant 2000 : i32
    %add3A_255 = arith.addi %mul3A_4, %add3A_254 : i32
    %dma_wait3A_256 = arith.constant 0 : i32
    %dma_wait3A_257 = arith.constant 0 : i32
    %dma_wait3A_258 = arith.constant 0 : i32
    %dma_wait3A_259 = arith.constant 0 : i32
    %dma_wait3A_260 = tpu.memref_slice %arg11[%dma_wait3A_257, %dma_wait3A_258, %dma_wait3A_259] : memref<2x1000x16xf32, #tpu.memory_space<vmem>> -> memref<1x1000x16xf32, #tpu.memory_space<vmem>>
    %dma_wait3A_261 = tpu.memref_squeeze %dma_wait3A_260 : memref<1x1000x16xf32, #tpu.memory_space<vmem>> -> memref<1000x16xf32, #tpu.memory_space<vmem>>
    %dma_wait3A_262 = arith.constant 0 : i32
    %dma_wait3A_263 = tpu.memref_slice %arg9[%dma_wait3A_256, %dma_wait3A_262] : memref<2x1000xi32, #tpu.memory_space<vmem>> -> memref<1x1000xi32, #tpu.memory_space<vmem>>
    %dma_wait3A_264 = tpu.memref_squeeze %dma_wait3A_263 : memref<1x1000xi32, #tpu.memory_space<vmem>> -> memref<1000xi32, #tpu.memory_space<vmem>>
    %dma_wait3A_265 = arith.constant 0 : i32
    %dma_wait3A_266 = arith.constant 0 : i32
    %dma_wait3A_267 = tpu.memref_slice %arg3[%dma_wait3A_265, %dma_wait3A_266] : memref<10000x16xf32, #tpu.memory_space<hbm>> -> memref<10000x16xf32, #tpu.memory_space<hbm>>
    tpu.wait_indirect_dma semaphore(%arg15 : memref<!tpu.dma_semaphore, #tpu.memory_space<semaphore_mem>>) src(%dma_wait3A_267 : memref<10000x16xf32, #tpu.memory_space<hbm>>) dst(%dma_wait3A_261 : memref<1000x16xf32, #tpu.memory_space<vmem>>)
    %run_scoped3A_268 = arith.constant 0 : i32
    %run_scoped3A_269 = arith.constant 0 : i32
    "tpu.region"() ({
      %run_scoped3A_843 = tpu.sem_alloc : memref<!tpu.dma_semaphore, #tpu.memory_space<semaphore_mem>>
      %dma_start3A_844 = arith.constant 0 : i32
      %dma_start3A_845 = arith.constant 0 : i32
      %dma_start3A_846 = tpu.memref_slice %arg11[%run_scoped3A_268, %dma_start3A_844, %dma_start3A_845] : memref<2x1000x16xf32, #tpu.memory_space<vmem>> -> memref<1x1000x16xf32, #tpu.memory_space<vmem>>
      %dma_start3A_847 = tpu.memref_squeeze %dma_start3A_846 : memref<1x1000x16xf32, #tpu.memory_space<vmem>> -> memref<1000x16xf32, #tpu.memory_space<vmem>>
      %dma_start3A_848 = arith.constant 0 : i32
      %dma_start3A_849 = tpu.memref_slice %arg10[%run_scoped3A_269, %dma_start3A_848] : memref<2x1000xi32, #tpu.memory_space<vmem>> -> memref<1x1000xi32, #tpu.memory_space<vmem>>
      %dma_start3A_850 = tpu.memref_squeeze %dma_start3A_849 : memref<1x1000xi32, #tpu.memory_space<vmem>> -> memref<1000xi32, #tpu.memory_space<vmem>>
      %dma_start3A_851 = arith.constant 0 : i32
      %dma_start3A_852 = arith.constant 0 : i32
      %dma_start3A_853 = tpu.memref_slice %arg14[%dma_start3A_851, %dma_start3A_852] : memref<10000x16xf32, #tpu.memory_space<vmem_shared>> -> memref<10000x16xf32, #tpu.memory_space<vmem_shared>>
      tpu.enqueue_indirect_dma source(%dma_start3A_847 : memref<1000x16xf32, #tpu.memory_space<vmem>>) target(%dma_start3A_853 : memref<10000x16xf32, #tpu.memory_space<vmem_shared>>) offsets(%dma_start3A_850 : memref<1000xi32, #tpu.memory_space<vmem>>) semaphore(%run_scoped3A_843 : memref<!tpu.dma_semaphore, #tpu.memory_space<semaphore_mem>>) {add = true}
      %dma_wait3A_854 = arith.constant 0 : i32
      %dma_wait3A_855 = arith.constant 0 : i32
      %dma_wait3A_856 = tpu.memref_slice %arg11[%run_scoped3A_268, %dma_wait3A_854, %dma_wait3A_855] : memref<2x1000x16xf32, #tpu.memory_space<vmem>> -> memref<1x1000x16xf32, #tpu.memory_space<vmem>>
      %dma_wait3A_857 = tpu.memref_squeeze %dma_wait3A_856 : memref<1x1000x16xf32, #tpu.memory_space<vmem>> -> memref<1000x16xf32, #tpu.memory_space<vmem>>
      %dma_wait3A_858 = arith.constant 0 : i32
      %dma_wait3A_859 = tpu.memref_slice %arg10[%run_scoped3A_269, %dma_wait3A_858] : memref<2x1000xi32, #tpu.memory_space<vmem>> -> memref<1x1000xi32, #tpu.memory_space<vmem>>
      %dma_wait3A_860 = tpu.memref_squeeze %dma_wait3A_859 : memref<1x1000xi32, #tpu.memory_space<vmem>> -> memref<1000xi32, #tpu.memory_space<vmem>>
      %dma_wait3A_861 = arith.constant 0 : i32
      %dma_wait3A_862 = arith.constant 0 : i32
      %dma_wait3A_863 = tpu.memref_slice %arg14[%dma_wait3A_861, %dma_wait3A_862] : memref<10000x16xf32, #tpu.memory_space<vmem_shared>> -> memref<10000x16xf32, #tpu.memory_space<vmem_shared>>
      tpu.wait_indirect_dma semaphore(%run_scoped3A_843 : memref<!tpu.dma_semaphore, #tpu.memory_space<semaphore_mem>>) src(%dma_wait3A_857 : memref<1000x16xf32, #tpu.memory_space<vmem>>) dst(%dma_wait3A_863 : memref<10000x16xf32, #tpu.memory_space<vmem_shared>>)
      tpu.yield
    }) : () -> ()
    %dma_wait3A_270 = arith.constant 0 : i32
    %dma_wait3A_271 = arith.constant 0 : i32
    %dma_wait3A_272 = arith.constant 0 : i32
    %dma_wait3A_273 = arith.constant 0 : i32
    %dma_wait3A_274 = tpu.memref_slice %arg12[%dma_wait3A_271, %dma_wait3A_272, %dma_wait3A_273] : memref<2x1000x16xf32, #tpu.memory_space<vmem>> -> memref<1x1000x16xf32, #tpu.memory_space<vmem>>
    %dma_wait3A_275 = tpu.memref_squeeze %dma_wait3A_274 : memref<1x1000x16xf32, #tpu.memory_space<vmem>> -> memref<1000x16xf32, #tpu.memory_space<vmem>>
    %dma_wait3A_276 = arith.constant 0 : i32
    %dma_wait3A_277 = tpu.memref_slice %arg9[%dma_wait3A_270, %dma_wait3A_276] : memref<2x1000xi32, #tpu.memory_space<vmem>> -> memref<1x1000xi32, #tpu.memory_space<vmem>>
    %dma_wait3A_278 = tpu.memref_squeeze %dma_wait3A_277 : memref<1x1000xi32, #tpu.memory_space<vmem>> -> memref<1000xi32, #tpu.memory_space<vmem>>
    %dma_wait3A_279 = arith.constant 0 : i32
    %dma_wait3A_280 = arith.constant 0 : i32
    %dma_wait3A_281 = tpu.memref_slice %arg4[%dma_wait3A_279, %dma_wait3A_280] : memref<10000x16xf32, #tpu.memory_space<hbm>> -> memref<10000x16xf32, #tpu.memory_space<hbm>>
    tpu.wait_indirect_dma semaphore(%arg17 : memref<!tpu.dma_semaphore, #tpu.memory_space<semaphore_mem>>) src(%dma_wait3A_281 : memref<10000x16xf32, #tpu.memory_space<hbm>>) dst(%dma_wait3A_275 : memref<1000x16xf32, #tpu.memory_space<vmem>>)
    %run_scoped3A_282 = arith.constant 0 : i32
    "tpu.region"() ({
      %run_scoped3A_843 = tpu.sem_alloc : memref<!tpu.dma_semaphore, #tpu.memory_space<semaphore_mem>>
      %dma_start3A_844 = arith.constant 0 : i32
      %dma_start3A_845 = arith.constant 0 : i32
      %dma_start3A_846 = tpu.memref_slice %arg12[%run_scoped3A_282, %dma_start3A_844, %dma_start3A_845] : memref<2x1000x16xf32, #tpu.memory_space<vmem>> -> memref<1x1000x16xf32, #tpu.memory_space<vmem>>
      %dma_start3A_847 = tpu.memref_squeeze %dma_start3A_846 : memref<1x1000x16xf32, #tpu.memory_space<vmem>> -> memref<1000x16xf32, #tpu.memory_space<vmem>>
      %dma_start3A_848 = arith.constant 0 : i32
      %dma_start3A_849 = tpu.memref_slice %arg7[%add3A_255, %dma_start3A_848] : memref<320000x16xf32, #tpu.memory_space<hbm>> -> memref<1000x16xf32, #tpu.memory_space<hbm>>
      %dma_start3A_850 = arith.constant 0 : i32
      %dma_start3A_851 = tpu.memref_slice %arg7[%add3A_255, %dma_start3A_850] : memref<320000x16xf32, #tpu.memory_space<hbm>> -> memref<1000x16xf32, #tpu.memory_space<hbm>>
      %dma_start3A_852 = arith.constant 0 : i32
      %dma_start3A_853 = arith.constant 0 : i32
      %dma_start3A_854 = tpu.memref_slice %arg12[%run_scoped3A_282, %dma_start3A_852, %dma_start3A_853] : memref<2x1000x16xf32, #tpu.memory_space<vmem>> -> memref<1x1000x16xf32, #tpu.memory_space<vmem>>
      %dma_start3A_855 = tpu.memref_squeeze %dma_start3A_854 : memref<1x1000x16xf32, #tpu.memory_space<vmem>> -> memref<1000x16xf32, #tpu.memory_space<vmem>>
      tpu.enqueue_dma source(%dma_start3A_855 : memref<1000x16xf32, #tpu.memory_space<vmem>>) target(%dma_start3A_851 : memref<1000x16xf32, #tpu.memory_space<hbm>>) target_semaphore(%run_scoped3A_843 : memref<!tpu.dma_semaphore, #tpu.memory_space<semaphore_mem>>)
      %dma_wait3A_856 = arith.constant 0 : i32
      %dma_wait3A_857 = arith.constant 0 : i32
      %dma_wait3A_858 = tpu.memref_slice %arg12[%run_scoped3A_282, %dma_wait3A_856, %dma_wait3A_857] : memref<2x1000x16xf32, #tpu.memory_space<vmem>> -> memref<1x1000x16xf32, #tpu.memory_space<vmem>>
      %dma_wait3A_859 = tpu.memref_squeeze %dma_wait3A_858 : memref<1x1000x16xf32, #tpu.memory_space<vmem>> -> memref<1000x16xf32, #tpu.memory_space<vmem>>
      %dma_wait3A_860 = arith.constant 0 : i32
      %dma_wait3A_861 = tpu.memref_slice %arg7[%add3A_255, %dma_wait3A_860] : memref<320000x16xf32, #tpu.memory_space<hbm>> -> memref<1000x16xf32, #tpu.memory_space<hbm>>
      %dma_wait3A_862 = arith.constant 0 : i32
      %dma_wait3A_863 = tpu.memref_slice %arg7[%add3A_255, %dma_wait3A_862] : memref<320000x16xf32, #tpu.memory_space<hbm>> -> memref<1000x16xf32, #tpu.memory_space<hbm>>
      %dma_wait3A_864 = arith.constant 0 : i32
      %dma_wait3A_865 = arith.constant 0 : i32
      %dma_wait3A_866 = tpu.memref_slice %arg12[%run_scoped3A_282, %dma_wait3A_864, %dma_wait3A_865] : memref<2x1000x16xf32, #tpu.memory_space<vmem>> -> memref<1x1000x16xf32, #tpu.memory_space<vmem>>
      %dma_wait3A_867 = tpu.memref_squeeze %dma_wait3A_866 : memref<1x1000x16xf32, #tpu.memory_space<vmem>> -> memref<1000x16xf32, #tpu.memory_space<vmem>>
      tpu.wait_dma2 semaphore(%run_scoped3A_843 : memref<!tpu.dma_semaphore, #tpu.memory_space<semaphore_mem>>) src(%dma_wait3A_867 : memref<1000x16xf32, #tpu.memory_space<vmem>>) dst(%dma_wait3A_863 : memref<1000x16xf32, #tpu.memory_space<hbm>>)
      tpu.yield
    }) : () -> ()
    %dma_wait3A_283 = arith.constant 0 : i32
    %dma_wait3A_284 = arith.constant 0 : i32
    %dma_wait3A_285 = arith.constant 0 : i32
    %dma_wait3A_286 = arith.constant 0 : i32
    %dma_wait3A_287 = tpu.memref_slice %arg13[%dma_wait3A_284, %dma_wait3A_285, %dma_wait3A_286] : memref<2x1000x16xf32, #tpu.memory_space<vmem>> -> memref<1x1000x16xf32, #tpu.memory_space<vmem>>
    %dma_wait3A_288 = tpu.memref_squeeze %dma_wait3A_287 : memref<1x1000x16xf32, #tpu.memory_space<vmem>> -> memref<1000x16xf32, #tpu.memory_space<vmem>>
    %dma_wait3A_289 = arith.constant 0 : i32
    %dma_wait3A_290 = tpu.memref_slice %arg10[%dma_wait3A_283, %dma_wait3A_289] : memref<2x1000xi32, #tpu.memory_space<vmem>> -> memref<1x1000xi32, #tpu.memory_space<vmem>>
    %dma_wait3A_291 = tpu.memref_squeeze %dma_wait3A_290 : memref<1x1000xi32, #tpu.memory_space<vmem>> -> memref<1000xi32, #tpu.memory_space<vmem>>
    %dma_wait3A_292 = arith.constant 0 : i32
    %dma_wait3A_293 = arith.constant 0 : i32
    %dma_wait3A_294 = tpu.memref_slice %arg4[%dma_wait3A_292, %dma_wait3A_293] : memref<10000x16xf32, #tpu.memory_space<hbm>> -> memref<10000x16xf32, #tpu.memory_space<hbm>>
    tpu.wait_indirect_dma semaphore(%arg19 : memref<!tpu.dma_semaphore, #tpu.memory_space<semaphore_mem>>) src(%dma_wait3A_294 : memref<10000x16xf32, #tpu.memory_space<hbm>>) dst(%dma_wait3A_288 : memref<1000x16xf32, #tpu.memory_space<vmem>>)
    %run_scoped3A_295 = arith.constant 0 : i32
    "tpu.region"() ({
      %run_scoped3A_843 = tpu.sem_alloc : memref<!tpu.dma_semaphore, #tpu.memory_space<semaphore_mem>>
      %dma_start3A_844 = arith.constant 0 : i32
      %dma_start3A_845 = arith.constant 0 : i32
      %dma_start3A_846 = tpu.memref_slice %arg13[%run_scoped3A_295, %dma_start3A_844, %dma_start3A_845] : memref<2x1000x16xf32, #tpu.memory_space<vmem>> -> memref<1x1000x16xf32, #tpu.memory_space<vmem>>
      %dma_start3A_847 = tpu.memref_squeeze %dma_start3A_846 : memref<1x1000x16xf32, #tpu.memory_space<vmem>> -> memref<1000x16xf32, #tpu.memory_space<vmem>>
      %dma_start3A_848 = arith.constant 0 : i32
      %dma_start3A_849 = tpu.memref_slice %arg8[%add3A_255, %dma_start3A_848] : memref<320000x16xf32, #tpu.memory_space<hbm>> -> memref<1000x16xf32, #tpu.memory_space<hbm>>
      %dma_start3A_850 = arith.constant 0 : i32
      %dma_start3A_851 = tpu.memref_slice %arg8[%add3A_255, %dma_start3A_850] : memref<320000x16xf32, #tpu.memory_space<hbm>> -> memref<1000x16xf32, #tpu.memory_space<hbm>>
      %dma_start3A_852 = arith.constant 0 : i32
      %dma_start3A_853 = arith.constant 0 : i32
      %dma_start3A_854 = tpu.memref_slice %arg13[%run_scoped3A_295, %dma_start3A_852, %dma_start3A_853] : memref<2x1000x16xf32, #tpu.memory_space<vmem>> -> memref<1x1000x16xf32, #tpu.memory_space<vmem>>
      %dma_start3A_855 = tpu.memref_squeeze %dma_start3A_854 : memref<1x1000x16xf32, #tpu.memory_space<vmem>> -> memref<1000x16xf32, #tpu.memory_space<vmem>>
      tpu.enqueue_dma source(%dma_start3A_855 : memref<1000x16xf32, #tpu.memory_space<vmem>>) target(%dma_start3A_851 : memref<1000x16xf32, #tpu.memory_space<hbm>>) target_semaphore(%run_scoped3A_843 : memref<!tpu.dma_semaphore, #tpu.memory_space<semaphore_mem>>)
      %dma_wait3A_856 = arith.constant 0 : i32
      %dma_wait3A_857 = arith.constant 0 : i32
      %dma_wait3A_858 = tpu.memref_slice %arg13[%run_scoped3A_295, %dma_wait3A_856, %dma_wait3A_857] : memref<2x1000x16xf32, #tpu.memory_space<vmem>> -> memref<1x1000x16xf32, #tpu.memory_space<vmem>>
      %dma_wait3A_859 = tpu.memref_squeeze %dma_wait3A_858 : memref<1x1000x16xf32, #tpu.memory_space<vmem>> -> memref<1000x16xf32, #tpu.memory_space<vmem>>
      %dma_wait3A_860 = arith.constant 0 : i32
      %dma_wait3A_861 = tpu.memref_slice %arg8[%add3A_255, %dma_wait3A_860] : memref<320000x16xf32, #tpu.memory_space<hbm>> -> memref<1000x16xf32, #tpu.memory_space<hbm>>
      %dma_wait3A_862 = arith.constant 0 : i32
      %dma_wait3A_863 = tpu.memref_slice %arg8[%add3A_255, %dma_wait3A_862] : memref<320000x16xf32, #tpu.memory_space<hbm>> -> memref<1000x16xf32, #tpu.memory_space<hbm>>
      %dma_wait3A_864 = arith.constant 0 : i32
      %dma_wait3A_865 = arith.constant 0 : i32
      %dma_wait3A_866 = tpu.memref_slice %arg13[%run_scoped3A_295, %dma_wait3A_864, %dma_wait3A_865] : memref<2x1000x16xf32, #tpu.memory_space<vmem>> -> memref<1x1000x16xf32, #tpu.memory_space<vmem>>
      %dma_wait3A_867 = tpu.memref_squeeze %dma_wait3A_866 : memref<1x1000x16xf32, #tpu.memory_space<vmem>> -> memref<1000x16xf32, #tpu.memory_space<vmem>>
      tpu.wait_dma2 semaphore(%run_scoped3A_843 : memref<!tpu.dma_semaphore, #tpu.memory_space<semaphore_mem>>) src(%dma_wait3A_867 : memref<1000x16xf32, #tpu.memory_space<vmem>>) dst(%dma_wait3A_863 : memref<1000x16xf32, #tpu.memory_space<hbm>>)
      tpu.yield
    }) : () -> ()
    %add3A_296 = arith.constant 4000 : i32
    %add3A_297 = arith.addi %mul3A_4, %add3A_296 : i32
    %run_scoped3A_298 = arith.constant 0 : i32
    "tpu.region"() ({
      %run_scoped3A_843 = tpu.sem_alloc : memref<!tpu.dma_semaphore, #tpu.memory_space<semaphore_mem>>
      %dma_start3A_844 = arith.constant 0 : i32
      %dma_start3A_845 = tpu.memref_slice %arg9[%run_scoped3A_298, %dma_start3A_844] : memref<2x1000xi32, #tpu.memory_space<vmem>> -> memref<1x1000xi32, #tpu.memory_space<vmem>>
      %dma_start3A_846 = tpu.memref_squeeze %dma_start3A_845 : memref<1x1000xi32, #tpu.memory_space<vmem>> -> memref<1000xi32, #tpu.memory_space<vmem>>
      %dma_start3A_847 = tpu.memref_slice %arg2[%add3A_297] : memref<640000xi32, #tpu.memory_space<hbm>> -> memref<1000xi32, #tpu.memory_space<hbm>>
      %dma_start3A_848 = arith.constant 0 : i32
      %dma_start3A_849 = tpu.memref_slice %arg9[%run_scoped3A_298, %dma_start3A_848] : memref<2x1000xi32, #tpu.memory_space<vmem>> -> memref<1x1000xi32, #tpu.memory_space<vmem>>
      %dma_start3A_850 = tpu.memref_squeeze %dma_start3A_849 : memref<1x1000xi32, #tpu.memory_space<vmem>> -> memref<1000xi32, #tpu.memory_space<vmem>>
      %dma_start3A_851 = tpu.memref_slice %arg2[%add3A_297] : memref<640000xi32, #tpu.memory_space<hbm>> -> memref<1000xi32, #tpu.memory_space<hbm>>
      tpu.enqueue_dma source(%dma_start3A_851 : memref<1000xi32, #tpu.memory_space<hbm>>) target(%dma_start3A_850 : memref<1000xi32, #tpu.memory_space<vmem>>) target_semaphore(%run_scoped3A_843 : memref<!tpu.dma_semaphore, #tpu.memory_space<semaphore_mem>>)
      %dma_wait3A_852 = arith.constant 0 : i32
      %dma_wait3A_853 = tpu.memref_slice %arg9[%run_scoped3A_298, %dma_wait3A_852] : memref<2x1000xi32, #tpu.memory_space<vmem>> -> memref<1x1000xi32, #tpu.memory_space<vmem>>
      %dma_wait3A_854 = tpu.memref_squeeze %dma_wait3A_853 : memref<1x1000xi32, #tpu.memory_space<vmem>> -> memref<1000xi32, #tpu.memory_space<vmem>>
      %dma_wait3A_855 = tpu.memref_slice %arg2[%add3A_297] : memref<640000xi32, #tpu.memory_space<hbm>> -> memref<1000xi32, #tpu.memory_space<hbm>>
      %dma_wait3A_856 = arith.constant 0 : i32
      %dma_wait3A_857 = tpu.memref_slice %arg9[%run_scoped3A_298, %dma_wait3A_856] : memref<2x1000xi32, #tpu.memory_space<vmem>> -> memref<1x1000xi32, #tpu.memory_space<vmem>>
      %dma_wait3A_858 = tpu.memref_squeeze %dma_wait3A_857 : memref<1x1000xi32, #tpu.memory_space<vmem>> -> memref<1000xi32, #tpu.memory_space<vmem>>
      %dma_wait3A_859 = tpu.memref_slice %arg2[%add3A_297] : memref<640000xi32, #tpu.memory_space<hbm>> -> memref<1000xi32, #tpu.memory_space<hbm>>
      tpu.wait_dma2 semaphore(%run_scoped3A_843 : memref<!tpu.dma_semaphore, #tpu.memory_space<semaphore_mem>>) src(%dma_wait3A_859 : memref<1000xi32, #tpu.memory_space<hbm>>) dst(%dma_wait3A_858 : memref<1000xi32, #tpu.memory_space<vmem>>)
      tpu.yield
    }) : () -> ()
    %add3A_299 = arith.constant 320000 : i32
    %add3A_300 = arith.addi %add3A_299, %add3A_297 : i32
    %run_scoped3A_301 = arith.constant 0 : i32
    "tpu.region"() ({
      %run_scoped3A_843 = tpu.sem_alloc : memref<!tpu.dma_semaphore, #tpu.memory_space<semaphore_mem>>
      %dma_start3A_844 = arith.constant 0 : i32
      %dma_start3A_845 = tpu.memref_slice %arg10[%run_scoped3A_301, %dma_start3A_844] : memref<2x1000xi32, #tpu.memory_space<vmem>> -> memref<1x1000xi32, #tpu.memory_space<vmem>>
      %dma_start3A_846 = tpu.memref_squeeze %dma_start3A_845 : memref<1x1000xi32, #tpu.memory_space<vmem>> -> memref<1000xi32, #tpu.memory_space<vmem>>
      %dma_start3A_847 = tpu.memref_slice %arg2[%add3A_300] : memref<640000xi32, #tpu.memory_space<hbm>> -> memref<1000xi32, #tpu.memory_space<hbm>>
      %dma_start3A_848 = arith.constant 0 : i32
      %dma_start3A_849 = tpu.memref_slice %arg10[%run_scoped3A_301, %dma_start3A_848] : memref<2x1000xi32, #tpu.memory_space<vmem>> -> memref<1x1000xi32, #tpu.memory_space<vmem>>
      %dma_start3A_850 = tpu.memref_squeeze %dma_start3A_849 : memref<1x1000xi32, #tpu.memory_space<vmem>> -> memref<1000xi32, #tpu.memory_space<vmem>>
      %dma_start3A_851 = tpu.memref_slice %arg2[%add3A_300] : memref<640000xi32, #tpu.memory_space<hbm>> -> memref<1000xi32, #tpu.memory_space<hbm>>
      tpu.enqueue_dma source(%dma_start3A_851 : memref<1000xi32, #tpu.memory_space<hbm>>) target(%dma_start3A_850 : memref<1000xi32, #tpu.memory_space<vmem>>) target_semaphore(%run_scoped3A_843 : memref<!tpu.dma_semaphore, #tpu.memory_space<semaphore_mem>>)
      %dma_wait3A_852 = arith.constant 0 : i32
      %dma_wait3A_853 = tpu.memref_slice %arg10[%run_scoped3A_301, %dma_wait3A_852] : memref<2x1000xi32, #tpu.memory_space<vmem>> -> memref<1x1000xi32, #tpu.memory_space<vmem>>
      %dma_wait3A_854 = tpu.memref_squeeze %dma_wait3A_853 : memref<1x1000xi32, #tpu.memory_space<vmem>> -> memref<1000xi32, #tpu.memory_space<vmem>>
      %dma_wait3A_855 = tpu.memref_slice %arg2[%add3A_300] : memref<640000xi32, #tpu.memory_space<hbm>> -> memref<1000xi32, #tpu.memory_space<hbm>>
      %dma_wait3A_856 = arith.constant 0 : i32
      %dma_wait3A_857 = tpu.memref_slice %arg10[%run_scoped3A_301, %dma_wait3A_856] : memref<2x1000xi32, #tpu.memory_space<vmem>> -> memref<1x1000xi32, #tpu.memory_space<vmem>>
      %dma_wait3A_858 = tpu.memref_squeeze %dma_wait3A_857 : memref<1x1000xi32, #tpu.memory_space<vmem>> -> memref<1000xi32, #tpu.memory_space<vmem>>
      %dma_wait3A_859 = tpu.memref_slice %arg2[%add3A_300] : memref<640000xi32, #tpu.memory_space<hbm>> -> memref<1000xi32, #tpu.memory_space<hbm>>
      tpu.wait_dma2 semaphore(%run_scoped3A_843 : memref<!tpu.dma_semaphore, #tpu.memory_space<semaphore_mem>>) src(%dma_wait3A_859 : memref<1000xi32, #tpu.memory_space<hbm>>) dst(%dma_wait3A_858 : memref<1000xi32, #tpu.memory_space<vmem>>)
      tpu.yield
    }) : () -> ()
    %dma_start3A_302 = arith.constant 0 : i32
    %dma_start3A_303 = arith.constant 0 : i32
    %dma_start3A_304 = arith.constant 0 : i32
    %dma_start3A_305 = arith.constant 0 : i32
    %dma_start3A_306 = tpu.memref_slice %arg11[%dma_start3A_303, %dma_start3A_304, %dma_start3A_305] : memref<2x1000x16xf32, #tpu.memory_space<vmem>> -> memref<1x1000x16xf32, #tpu.memory_space<vmem>>
    %dma_start3A_307 = tpu.memref_squeeze %dma_start3A_306 : memref<1x1000x16xf32, #tpu.memory_space<vmem>> -> memref<1000x16xf32, #tpu.memory_space<vmem>>
    %dma_start3A_308 = arith.constant 0 : i32
    %dma_start3A_309 = tpu.memref_slice %arg9[%dma_start3A_302, %dma_start3A_308] : memref<2x1000xi32, #tpu.memory_space<vmem>> -> memref<1x1000xi32, #tpu.memory_space<vmem>>
    %dma_start3A_310 = tpu.memref_squeeze %dma_start3A_309 : memref<1x1000xi32, #tpu.memory_space<vmem>> -> memref<1000xi32, #tpu.memory_space<vmem>>
    %dma_start3A_311 = arith.constant 0 : i32
    %dma_start3A_312 = arith.constant 0 : i32
    %dma_start3A_313 = tpu.memref_slice %arg3[%dma_start3A_311, %dma_start3A_312] : memref<10000x16xf32, #tpu.memory_space<hbm>> -> memref<10000x16xf32, #tpu.memory_space<hbm>>
    tpu.enqueue_indirect_dma source(%dma_start3A_313 : memref<10000x16xf32, #tpu.memory_space<hbm>>) target(%dma_start3A_307 : memref<1000x16xf32, #tpu.memory_space<vmem>>) offsets(%dma_start3A_310 : memref<1000xi32, #tpu.memory_space<vmem>>) semaphore(%arg15 : memref<!tpu.dma_semaphore, #tpu.memory_space<semaphore_mem>>)
    %dma_start3A_314 = arith.constant 0 : i32
    %dma_start3A_315 = arith.constant 0 : i32
    %dma_start3A_316 = arith.constant 0 : i32
    %dma_start3A_317 = arith.constant 0 : i32
    %dma_start3A_318 = tpu.memref_slice %arg12[%dma_start3A_315, %dma_start3A_316, %dma_start3A_317] : memref<2x1000x16xf32, #tpu.memory_space<vmem>> -> memref<1x1000x16xf32, #tpu.memory_space<vmem>>
    %dma_start3A_319 = tpu.memref_squeeze %dma_start3A_318 : memref<1x1000x16xf32, #tpu.memory_space<vmem>> -> memref<1000x16xf32, #tpu.memory_space<vmem>>
    %dma_start3A_320 = arith.constant 0 : i32
    %dma_start3A_321 = tpu.memref_slice %arg9[%dma_start3A_314, %dma_start3A_320] : memref<2x1000xi32, #tpu.memory_space<vmem>> -> memref<1x1000xi32, #tpu.memory_space<vmem>>
    %dma_start3A_322 = tpu.memref_squeeze %dma_start3A_321 : memref<1x1000xi32, #tpu.memory_space<vmem>> -> memref<1000xi32, #tpu.memory_space<vmem>>
    %dma_start3A_323 = arith.constant 0 : i32
    %dma_start3A_324 = arith.constant 0 : i32
    %dma_start3A_325 = tpu.memref_slice %arg4[%dma_start3A_323, %dma_start3A_324] : memref<10000x16xf32, #tpu.memory_space<hbm>> -> memref<10000x16xf32, #tpu.memory_space<hbm>>
    tpu.enqueue_indirect_dma source(%dma_start3A_325 : memref<10000x16xf32, #tpu.memory_space<hbm>>) target(%dma_start3A_319 : memref<1000x16xf32, #tpu.memory_space<vmem>>) offsets(%dma_start3A_322 : memref<1000xi32, #tpu.memory_space<vmem>>) semaphore(%arg17 : memref<!tpu.dma_semaphore, #tpu.memory_space<semaphore_mem>>)
    %dma_start3A_326 = arith.constant 0 : i32
    %dma_start3A_327 = arith.constant 0 : i32
    %dma_start3A_328 = arith.constant 0 : i32
    %dma_start3A_329 = arith.constant 0 : i32
    %dma_start3A_330 = tpu.memref_slice %arg13[%dma_start3A_327, %dma_start3A_328, %dma_start3A_329] : memref<2x1000x16xf32, #tpu.memory_space<vmem>> -> memref<1x1000x16xf32, #tpu.memory_space<vmem>>
    %dma_start3A_331 = tpu.memref_squeeze %dma_start3A_330 : memref<1x1000x16xf32, #tpu.memory_space<vmem>> -> memref<1000x16xf32, #tpu.memory_space<vmem>>
    %dma_start3A_332 = arith.constant 0 : i32
    %dma_start3A_333 = tpu.memref_slice %arg10[%dma_start3A_326, %dma_start3A_332] : memref<2x1000xi32, #tpu.memory_space<vmem>> -> memref<1x1000xi32, #tpu.memory_space<vmem>>
    %dma_start3A_334 = tpu.memref_squeeze %dma_start3A_333 : memref<1x1000xi32, #tpu.memory_space<vmem>> -> memref<1000xi32, #tpu.memory_space<vmem>>
    %dma_start3A_335 = arith.constant 0 : i32
    %dma_start3A_336 = arith.constant 0 : i32
    %dma_start3A_337 = tpu.memref_slice %arg4[%dma_start3A_335, %dma_start3A_336] : memref<10000x16xf32, #tpu.memory_space<hbm>> -> memref<10000x16xf32, #tpu.memory_space<hbm>>
    tpu.enqueue_indirect_dma source(%dma_start3A_337 : memref<10000x16xf32, #tpu.memory_space<hbm>>) target(%dma_start3A_331 : memref<1000x16xf32, #tpu.memory_space<vmem>>) offsets(%dma_start3A_334 : memref<1000xi32, #tpu.memory_space<vmem>>) semaphore(%arg19 : memref<!tpu.dma_semaphore, #tpu.memory_space<semaphore_mem>>)
    %add3A_338 = arith.constant 3000 : i32
    %add3A_339 = arith.addi %mul3A_4, %add3A_338 : i32
    %dma_wait3A_340 = arith.constant 1 : i32
    %dma_wait3A_341 = arith.constant 1 : i32
    %dma_wait3A_342 = arith.constant 0 : i32
    %dma_wait3A_343 = arith.constant 0 : i32
    %dma_wait3A_344 = tpu.memref_slice %arg11[%dma_wait3A_341, %dma_wait3A_342, %dma_wait3A_343] : memref<2x1000x16xf32, #tpu.memory_space<vmem>> -> memref<1x1000x16xf32, #tpu.memory_space<vmem>>
    %dma_wait3A_345 = tpu.memref_squeeze %dma_wait3A_344 : memref<1x1000x16xf32, #tpu.memory_space<vmem>> -> memref<1000x16xf32, #tpu.memory_space<vmem>>
    %dma_wait3A_346 = arith.constant 0 : i32
    %dma_wait3A_347 = tpu.memref_slice %arg9[%dma_wait3A_340, %dma_wait3A_346] : memref<2x1000xi32, #tpu.memory_space<vmem>> -> memref<1x1000xi32, #tpu.memory_space<vmem>>
    %dma_wait3A_348 = tpu.memref_squeeze %dma_wait3A_347 : memref<1x1000xi32, #tpu.memory_space<vmem>> -> memref<1000xi32, #tpu.memory_space<vmem>>
    %dma_wait3A_349 = arith.constant 0 : i32
    %dma_wait3A_350 = arith.constant 0 : i32
    %dma_wait3A_351 = tpu.memref_slice %arg3[%dma_wait3A_349, %dma_wait3A_350] : memref<10000x16xf32, #tpu.memory_space<hbm>> -> memref<10000x16xf32, #tpu.memory_space<hbm>>
    tpu.wait_indirect_dma semaphore(%arg16 : memref<!tpu.dma_semaphore, #tpu.memory_space<semaphore_mem>>) src(%dma_wait3A_351 : memref<10000x16xf32, #tpu.memory_space<hbm>>) dst(%dma_wait3A_345 : memref<1000x16xf32, #tpu.memory_space<vmem>>)
    %run_scoped3A_352 = arith.constant 1 : i32
    %run_scoped3A_353 = arith.constant 1 : i32
    "tpu.region"() ({
      %run_scoped3A_843 = tpu.sem_alloc : memref<!tpu.dma_semaphore, #tpu.memory_space<semaphore_mem>>
      %dma_start3A_844 = arith.constant 0 : i32
      %dma_start3A_845 = arith.constant 0 : i32
      %dma_start3A_846 = tpu.memref_slice %arg11[%run_scoped3A_352, %dma_start3A_844, %dma_start3A_845] : memref<2x1000x16xf32, #tpu.memory_space<vmem>> -> memref<1x1000x16xf32, #tpu.memory_space<vmem>>
      %dma_start3A_847 = tpu.memref_squeeze %dma_start3A_846 : memref<1x1000x16xf32, #tpu.memory_space<vmem>> -> memref<1000x16xf32, #tpu.memory_space<vmem>>
      %dma_start3A_848 = arith.constant 0 : i32
      %dma_start3A_849 = tpu.memref_slice %arg10[%run_scoped3A_353, %dma_start3A_848] : memref<2x1000xi32, #tpu.memory_space<vmem>> -> memref<1x1000xi32, #tpu.memory_space<vmem>>
      %dma_start3A_850 = tpu.memref_squeeze %dma_start3A_849 : memref<1x1000xi32, #tpu.memory_space<vmem>> -> memref<1000xi32, #tpu.memory_space<vmem>>
      %dma_start3A_851 = arith.constant 0 : i32
      %dma_start3A_852 = arith.constant 0 : i32
      %dma_start3A_853 = tpu.memref_slice %arg14[%dma_start3A_851, %dma_start3A_852] : memref<10000x16xf32, #tpu.memory_space<vmem_shared>> -> memref<10000x16xf32, #tpu.memory_space<vmem_shared>>
      tpu.enqueue_indirect_dma source(%dma_start3A_847 : memref<1000x16xf32, #tpu.memory_space<vmem>>) target(%dma_start3A_853 : memref<10000x16xf32, #tpu.memory_space<vmem_shared>>) offsets(%dma_start3A_850 : memref<1000xi32, #tpu.memory_space<vmem>>) semaphore(%run_scoped3A_843 : memref<!tpu.dma_semaphore, #tpu.memory_space<semaphore_mem>>) {add = true}
      %dma_wait3A_854 = arith.constant 0 : i32
      %dma_wait3A_855 = arith.constant 0 : i32
      %dma_wait3A_856 = tpu.memref_slice %arg11[%run_scoped3A_352, %dma_wait3A_854, %dma_wait3A_855] : memref<2x1000x16xf32, #tpu.memory_space<vmem>> -> memref<1x1000x16xf32, #tpu.memory_space<vmem>>
      %dma_wait3A_857 = tpu.memref_squeeze %dma_wait3A_856 : memref<1x1000x16xf32, #tpu.memory_space<vmem>> -> memref<1000x16xf32, #tpu.memory_space<vmem>>
      %dma_wait3A_858 = arith.constant 0 : i32
      %dma_wait3A_859 = tpu.memref_slice %arg10[%run_scoped3A_353, %dma_wait3A_858] : memref<2x1000xi32, #tpu.memory_space<vmem>> -> memref<1x1000xi32, #tpu.memory_space<vmem>>
      %dma_wait3A_860 = tpu.memref_squeeze %dma_wait3A_859 : memref<1x1000xi32, #tpu.memory_space<vmem>> -> memref<1000xi32, #tpu.memory_space<vmem>>
      %dma_wait3A_861 = arith.constant 0 : i32
      %dma_wait3A_862 = arith.constant 0 : i32
      %dma_wait3A_863 = tpu.memref_slice %arg14[%dma_wait3A_861, %dma_wait3A_862] : memref<10000x16xf32, #tpu.memory_space<vmem_shared>> -> memref<10000x16xf32, #tpu.memory_space<vmem_shared>>
      tpu.wait_indirect_dma semaphore(%run_scoped3A_843 : memref<!tpu.dma_semaphore, #tpu.memory_space<semaphore_mem>>) src(%dma_wait3A_857 : memref<1000x16xf32, #tpu.memory_space<vmem>>) dst(%dma_wait3A_863 : memref<10000x16xf32, #tpu.memory_space<vmem_shared>>)
      tpu.yield
    }) : () -> ()
    %dma_wait3A_354 = arith.constant 1 : i32
    %dma_wait3A_355 = arith.constant 1 : i32
    %dma_wait3A_356 = arith.constant 0 : i32
    %dma_wait3A_357 = arith.constant 0 : i32
    %dma_wait3A_358 = tpu.memref_slice %arg12[%dma_wait3A_355, %dma_wait3A_356, %dma_wait3A_357] : memref<2x1000x16xf32, #tpu.memory_space<vmem>> -> memref<1x1000x16xf32, #tpu.memory_space<vmem>>
    %dma_wait3A_359 = tpu.memref_squeeze %dma_wait3A_358 : memref<1x1000x16xf32, #tpu.memory_space<vmem>> -> memref<1000x16xf32, #tpu.memory_space<vmem>>
    %dma_wait3A_360 = arith.constant 0 : i32
    %dma_wait3A_361 = tpu.memref_slice %arg9[%dma_wait3A_354, %dma_wait3A_360] : memref<2x1000xi32, #tpu.memory_space<vmem>> -> memref<1x1000xi32, #tpu.memory_space<vmem>>
    %dma_wait3A_362 = tpu.memref_squeeze %dma_wait3A_361 : memref<1x1000xi32, #tpu.memory_space<vmem>> -> memref<1000xi32, #tpu.memory_space<vmem>>
    %dma_wait3A_363 = arith.constant 0 : i32
    %dma_wait3A_364 = arith.constant 0 : i32
    %dma_wait3A_365 = tpu.memref_slice %arg4[%dma_wait3A_363, %dma_wait3A_364] : memref<10000x16xf32, #tpu.memory_space<hbm>> -> memref<10000x16xf32, #tpu.memory_space<hbm>>
    tpu.wait_indirect_dma semaphore(%arg18 : memref<!tpu.dma_semaphore, #tpu.memory_space<semaphore_mem>>) src(%dma_wait3A_365 : memref<10000x16xf32, #tpu.memory_space<hbm>>) dst(%dma_wait3A_359 : memref<1000x16xf32, #tpu.memory_space<vmem>>)
    %run_scoped3A_366 = arith.constant 1 : i32
    "tpu.region"() ({
      %run_scoped3A_843 = tpu.sem_alloc : memref<!tpu.dma_semaphore, #tpu.memory_space<semaphore_mem>>
      %dma_start3A_844 = arith.constant 0 : i32
      %dma_start3A_845 = arith.constant 0 : i32
      %dma_start3A_846 = tpu.memref_slice %arg12[%run_scoped3A_366, %dma_start3A_844, %dma_start3A_845] : memref<2x1000x16xf32, #tpu.memory_space<vmem>> -> memref<1x1000x16xf32, #tpu.memory_space<vmem>>
      %dma_start3A_847 = tpu.memref_squeeze %dma_start3A_846 : memref<1x1000x16xf32, #tpu.memory_space<vmem>> -> memref<1000x16xf32, #tpu.memory_space<vmem>>
      %dma_start3A_848 = arith.constant 0 : i32
      %dma_start3A_849 = tpu.memref_slice %arg7[%add3A_339, %dma_start3A_848] : memref<320000x16xf32, #tpu.memory_space<hbm>> -> memref<1000x16xf32, #tpu.memory_space<hbm>>
      %dma_start3A_850 = arith.constant 0 : i32
      %dma_start3A_851 = tpu.memref_slice %arg7[%add3A_339, %dma_start3A_850] : memref<320000x16xf32, #tpu.memory_space<hbm>> -> memref<1000x16xf32, #tpu.memory_space<hbm>>
      %dma_start3A_852 = arith.constant 0 : i32
      %dma_start3A_853 = arith.constant 0 : i32
      %dma_start3A_854 = tpu.memref_slice %arg12[%run_scoped3A_366, %dma_start3A_852, %dma_start3A_853] : memref<2x1000x16xf32, #tpu.memory_space<vmem>> -> memref<1x1000x16xf32, #tpu.memory_space<vmem>>
      %dma_start3A_855 = tpu.memref_squeeze %dma_start3A_854 : memref<1x1000x16xf32, #tpu.memory_space<vmem>> -> memref<1000x16xf32, #tpu.memory_space<vmem>>
      tpu.enqueue_dma source(%dma_start3A_855 : memref<1000x16xf32, #tpu.memory_space<vmem>>) target(%dma_start3A_851 : memref<1000x16xf32, #tpu.memory_space<hbm>>) target_semaphore(%run_scoped3A_843 : memref<!tpu.dma_semaphore, #tpu.memory_space<semaphore_mem>>)
      %dma_wait3A_856 = arith.constant 0 : i32
      %dma_wait3A_857 = arith.constant 0 : i32
      %dma_wait3A_858 = tpu.memref_slice %arg12[%run_scoped3A_366, %dma_wait3A_856, %dma_wait3A_857] : memref<2x1000x16xf32, #tpu.memory_space<vmem>> -> memref<1x1000x16xf32, #tpu.memory_space<vmem>>
      %dma_wait3A_859 = tpu.memref_squeeze %dma_wait3A_858 : memref<1x1000x16xf32, #tpu.memory_space<vmem>> -> memref<1000x16xf32, #tpu.memory_space<vmem>>
      %dma_wait3A_860 = arith.constant 0 : i32
      %dma_wait3A_861 = tpu.memref_slice %arg7[%add3A_339, %dma_wait3A_860] : memref<320000x16xf32, #tpu.memory_space<hbm>> -> memref<1000x16xf32, #tpu.memory_space<hbm>>
      %dma_wait3A_862 = arith.constant 0 : i32
      %dma_wait3A_863 = tpu.memref_slice %arg7[%add3A_339, %dma_wait3A_862] : memref<320000x16xf32, #tpu.memory_space<hbm>> -> memref<1000x16xf32, #tpu.memory_space<hbm>>
      %dma_wait3A_864 = arith.constant 0 : i32
      %dma_wait3A_865 = arith.constant 0 : i32
      %dma_wait3A_866 = tpu.memref_slice %arg12[%run_scoped3A_366, %dma_wait3A_864, %dma_wait3A_865] : memref<2x1000x16xf32, #tpu.memory_space<vmem>> -> memref<1x1000x16xf32, #tpu.memory_space<vmem>>
      %dma_wait3A_867 = tpu.memref_squeeze %dma_wait3A_866 : memref<1x1000x16xf32, #tpu.memory_space<vmem>> -> memref<1000x16xf32, #tpu.memory_space<vmem>>
      tpu.wait_dma2 semaphore(%run_scoped3A_843 : memref<!tpu.dma_semaphore, #tpu.memory_space<semaphore_mem>>) src(%dma_wait3A_867 : memref<1000x16xf32, #tpu.memory_space<vmem>>) dst(%dma_wait3A_863 : memref<1000x16xf32, #tpu.memory_space<hbm>>)
      tpu.yield
    }) : () -> ()
    %dma_wait3A_367 = arith.constant 1 : i32
    %dma_wait3A_368 = arith.constant 1 : i32
    %dma_wait3A_369 = arith.constant 0 : i32
    %dma_wait3A_370 = arith.constant 0 : i32
    %dma_wait3A_371 = tpu.memref_slice %arg13[%dma_wait3A_368, %dma_wait3A_369, %dma_wait3A_370] : memref<2x1000x16xf32, #tpu.memory_space<vmem>> -> memref<1x1000x16xf32, #tpu.memory_space<vmem>>
    %dma_wait3A_372 = tpu.memref_squeeze %dma_wait3A_371 : memref<1x1000x16xf32, #tpu.memory_space<vmem>> -> memref<1000x16xf32, #tpu.memory_space<vmem>>
    %dma_wait3A_373 = arith.constant 0 : i32
    %dma_wait3A_374 = tpu.memref_slice %arg10[%dma_wait3A_367, %dma_wait3A_373] : memref<2x1000xi32, #tpu.memory_space<vmem>> -> memref<1x1000xi32, #tpu.memory_space<vmem>>
    %dma_wait3A_375 = tpu.memref_squeeze %dma_wait3A_374 : memref<1x1000xi32, #tpu.memory_space<vmem>> -> memref<1000xi32, #tpu.memory_space<vmem>>
    %dma_wait3A_376 = arith.constant 0 : i32
    %dma_wait3A_377 = arith.constant 0 : i32
    %dma_wait3A_378 = tpu.memref_slice %arg4[%dma_wait3A_376, %dma_wait3A_377] : memref<10000x16xf32, #tpu.memory_space<hbm>> -> memref<10000x16xf32, #tpu.memory_space<hbm>>
    tpu.wait_indirect_dma semaphore(%arg20 : memref<!tpu.dma_semaphore, #tpu.memory_space<semaphore_mem>>) src(%dma_wait3A_378 : memref<10000x16xf32, #tpu.memory_space<hbm>>) dst(%dma_wait3A_372 : memref<1000x16xf32, #tpu.memory_space<vmem>>)
    %run_scoped3A_379 = arith.constant 1 : i32
    "tpu.region"() ({
      %run_scoped3A_843 = tpu.sem_alloc : memref<!tpu.dma_semaphore, #tpu.memory_space<semaphore_mem>>
      %dma_start3A_844 = arith.constant 0 : i32
      %dma_start3A_845 = arith.constant 0 : i32
      %dma_start3A_846 = tpu.memref_slice %arg13[%run_scoped3A_379, %dma_start3A_844, %dma_start3A_845] : memref<2x1000x16xf32, #tpu.memory_space<vmem>> -> memref<1x1000x16xf32, #tpu.memory_space<vmem>>
      %dma_start3A_847 = tpu.memref_squeeze %dma_start3A_846 : memref<1x1000x16xf32, #tpu.memory_space<vmem>> -> memref<1000x16xf32, #tpu.memory_space<vmem>>
      %dma_start3A_848 = arith.constant 0 : i32
      %dma_start3A_849 = tpu.memref_slice %arg8[%add3A_339, %dma_start3A_848] : memref<320000x16xf32, #tpu.memory_space<hbm>> -> memref<1000x16xf32, #tpu.memory_space<hbm>>
      %dma_start3A_850 = arith.constant 0 : i32
      %dma_start3A_851 = tpu.memref_slice %arg8[%add3A_339, %dma_start3A_850] : memref<320000x16xf32, #tpu.memory_space<hbm>> -> memref<1000x16xf32, #tpu.memory_space<hbm>>
      %dma_start3A_852 = arith.constant 0 : i32
      %dma_start3A_853 = arith.constant 0 : i32
      %dma_start3A_854 = tpu.memref_slice %arg13[%run_scoped3A_379, %dma_start3A_852, %dma_start3A_853] : memref<2x1000x16xf32, #tpu.memory_space<vmem>> -> memref<1x1000x16xf32, #tpu.memory_space<vmem>>
      %dma_start3A_855 = tpu.memref_squeeze %dma_start3A_854 : memref<1x1000x16xf32, #tpu.memory_space<vmem>> -> memref<1000x16xf32, #tpu.memory_space<vmem>>
      tpu.enqueue_dma source(%dma_start3A_855 : memref<1000x16xf32, #tpu.memory_space<vmem>>) target(%dma_start3A_851 : memref<1000x16xf32, #tpu.memory_space<hbm>>) target_semaphore(%run_scoped3A_843 : memref<!tpu.dma_semaphore, #tpu.memory_space<semaphore_mem>>)
      %dma_wait3A_856 = arith.constant 0 : i32
      %dma_wait3A_857 = arith.constant 0 : i32
      %dma_wait3A_858 = tpu.memref_slice %arg13[%run_scoped3A_379, %dma_wait3A_856, %dma_wait3A_857] : memref<2x1000x16xf32, #tpu.memory_space<vmem>> -> memref<1x1000x16xf32, #tpu.memory_space<vmem>>
      %dma_wait3A_859 = tpu.memref_squeeze %dma_wait3A_858 : memref<1x1000x16xf32, #tpu.memory_space<vmem>> -> memref<1000x16xf32, #tpu.memory_space<vmem>>
      %dma_wait3A_860 = arith.constant 0 : i32
      %dma_wait3A_861 = tpu.memref_slice %arg8[%add3A_339, %dma_wait3A_860] : memref<320000x16xf32, #tpu.memory_space<hbm>> -> memref<1000x16xf32, #tpu.memory_space<hbm>>
      %dma_wait3A_862 = arith.constant 0 : i32
      %dma_wait3A_863 = tpu.memref_slice %arg8[%add3A_339, %dma_wait3A_862] : memref<320000x16xf32, #tpu.memory_space<hbm>> -> memref<1000x16xf32, #tpu.memory_space<hbm>>
      %dma_wait3A_864 = arith.constant 0 : i32
      %dma_wait3A_865 = arith.constant 0 : i32
      %dma_wait3A_866 = tpu.memref_slice %arg13[%run_scoped3A_379, %dma_wait3A_864, %dma_wait3A_865] : memref<2x1000x16xf32, #tpu.memory_space<vmem>> -> memref<1x1000x16xf32, #tpu.memory_space<vmem>>
      %dma_wait3A_867 = tpu.memref_squeeze %dma_wait3A_866 : memref<1x1000x16xf32, #tpu.memory_space<vmem>> -> memref<1000x16xf32, #tpu.memory_space<vmem>>
      tpu.wait_dma2 semaphore(%run_scoped3A_843 : memref<!tpu.dma_semaphore, #tpu.memory_space<semaphore_mem>>) src(%dma_wait3A_867 : memref<1000x16xf32, #tpu.memory_space<vmem>>) dst(%dma_wait3A_863 : memref<1000x16xf32, #tpu.memory_space<hbm>>)
      tpu.yield
    }) : () -> ()
    %add3A_380 = arith.constant 5000 : i32
    %add3A_381 = arith.addi %mul3A_4, %add3A_380 : i32
    %run_scoped3A_382 = arith.constant 1 : i32
    "tpu.region"() ({
      %run_scoped3A_843 = tpu.sem_alloc : memref<!tpu.dma_semaphore, #tpu.memory_space<semaphore_mem>>
      %dma_start3A_844 = arith.constant 0 : i32
      %dma_start3A_845 = tpu.memref_slice %arg9[%run_scoped3A_382, %dma_start3A_844] : memref<2x1000xi32, #tpu.memory_space<vmem>> -> memref<1x1000xi32, #tpu.memory_space<vmem>>
      %dma_start3A_846 = tpu.memref_squeeze %dma_start3A_845 : memref<1x1000xi32, #tpu.memory_space<vmem>> -> memref<1000xi32, #tpu.memory_space<vmem>>
      %dma_start3A_847 = tpu.memref_slice %arg2[%add3A_381] : memref<640000xi32, #tpu.memory_space<hbm>> -> memref<1000xi32, #tpu.memory_space<hbm>>
      %dma_start3A_848 = arith.constant 0 : i32
      %dma_start3A_849 = tpu.memref_slice %arg9[%run_scoped3A_382, %dma_start3A_848] : memref<2x1000xi32, #tpu.memory_space<vmem>> -> memref<1x1000xi32, #tpu.memory_space<vmem>>
      %dma_start3A_850 = tpu.memref_squeeze %dma_start3A_849 : memref<1x1000xi32, #tpu.memory_space<vmem>> -> memref<1000xi32, #tpu.memory_space<vmem>>
      %dma_start3A_851 = tpu.memref_slice %arg2[%add3A_381] : memref<640000xi32, #tpu.memory_space<hbm>> -> memref<1000xi32, #tpu.memory_space<hbm>>
      tpu.enqueue_dma source(%dma_start3A_851 : memref<1000xi32, #tpu.memory_space<hbm>>) target(%dma_start3A_850 : memref<1000xi32, #tpu.memory_space<vmem>>) target_semaphore(%run_scoped3A_843 : memref<!tpu.dma_semaphore, #tpu.memory_space<semaphore_mem>>)
      %dma_wait3A_852 = arith.constant 0 : i32
      %dma_wait3A_853 = tpu.memref_slice %arg9[%run_scoped3A_382, %dma_wait3A_852] : memref<2x1000xi32, #tpu.memory_space<vmem>> -> memref<1x1000xi32, #tpu.memory_space<vmem>>
      %dma_wait3A_854 = tpu.memref_squeeze %dma_wait3A_853 : memref<1x1000xi32, #tpu.memory_space<vmem>> -> memref<1000xi32, #tpu.memory_space<vmem>>
      %dma_wait3A_855 = tpu.memref_slice %arg2[%add3A_381] : memref<640000xi32, #tpu.memory_space<hbm>> -> memref<1000xi32, #tpu.memory_space<hbm>>
      %dma_wait3A_856 = arith.constant 0 : i32
      %dma_wait3A_857 = tpu.memref_slice %arg9[%run_scoped3A_382, %dma_wait3A_856] : memref<2x1000xi32, #tpu.memory_space<vmem>> -> memref<1x1000xi32, #tpu.memory_space<vmem>>
      %dma_wait3A_858 = tpu.memref_squeeze %dma_wait3A_857 : memref<1x1000xi32, #tpu.memory_space<vmem>> -> memref<1000xi32, #tpu.memory_space<vmem>>
      %dma_wait3A_859 = tpu.memref_slice %arg2[%add3A_381] : memref<640000xi32, #tpu.memory_space<hbm>> -> memref<1000xi32, #tpu.memory_space<hbm>>
      tpu.wait_dma2 semaphore(%run_scoped3A_843 : memref<!tpu.dma_semaphore, #tpu.memory_space<semaphore_mem>>) src(%dma_wait3A_859 : memref<1000xi32, #tpu.memory_space<hbm>>) dst(%dma_wait3A_858 : memref<1000xi32, #tpu.memory_space<vmem>>)
      tpu.yield
    }) : () -> ()
    %add3A_383 = arith.constant 320000 : i32
    %add3A_384 = arith.addi %add3A_383, %add3A_381 : i32
    %run_scoped3A_385 = arith.constant 1 : i32
    "tpu.region"() ({
      %run_scoped3A_843 = tpu.sem_alloc : memref<!tpu.dma_semaphore, #tpu.memory_space<semaphore_mem>>
      %dma_start3A_844 = arith.constant 0 : i32
      %dma_start3A_845 = tpu.memref_slice %arg10[%run_scoped3A_385, %dma_start3A_844] : memref<2x1000xi32, #tpu.memory_space<vmem>> -> memref<1x1000xi32, #tpu.memory_space<vmem>>
      %dma_start3A_846 = tpu.memref_squeeze %dma_start3A_845 : memref<1x1000xi32, #tpu.memory_space<vmem>> -> memref<1000xi32, #tpu.memory_space<vmem>>
      %dma_start3A_847 = tpu.memref_slice %arg2[%add3A_384] : memref<640000xi32, #tpu.memory_space<hbm>> -> memref<1000xi32, #tpu.memory_space<hbm>>
      %dma_start3A_848 = arith.constant 0 : i32
      %dma_start3A_849 = tpu.memref_slice %arg10[%run_scoped3A_385, %dma_start3A_848] : memref<2x1000xi32, #tpu.memory_space<vmem>> -> memref<1x1000xi32, #tpu.memory_space<vmem>>
      %dma_start3A_850 = tpu.memref_squeeze %dma_start3A_849 : memref<1x1000xi32, #tpu.memory_space<vmem>> -> memref<1000xi32, #tpu.memory_space<vmem>>
      %dma_start3A_851 = tpu.memref_slice %arg2[%add3A_384] : memref<640000xi32, #tpu.memory_space<hbm>> -> memref<1000xi32, #tpu.memory_space<hbm>>
      tpu.enqueue_dma source(%dma_start3A_851 : memref<1000xi32, #tpu.memory_space<hbm>>) target(%dma_start3A_850 : memref<1000xi32, #tpu.memory_space<vmem>>) target_semaphore(%run_scoped3A_843 : memref<!tpu.dma_semaphore, #tpu.memory_space<semaphore_mem>>)
      %dma_wait3A_852 = arith.constant 0 : i32
      %dma_wait3A_853 = tpu.memref_slice %arg10[%run_scoped3A_385, %dma_wait3A_852] : memref<2x1000xi32, #tpu.memory_space<vmem>> -> memref<1x1000xi32, #tpu.memory_space<vmem>>
      %dma_wait3A_854 = tpu.memref_squeeze %dma_wait3A_853 : memref<1x1000xi32, #tpu.memory_space<vmem>> -> memref<1000xi32, #tpu.memory_space<vmem>>
      %dma_wait3A_855 = tpu.memref_slice %arg2[%add3A_384] : memref<640000xi32, #tpu.memory_space<hbm>> -> memref<1000xi32, #tpu.memory_space<hbm>>
      %dma_wait3A_856 = arith.constant 0 : i32
      %dma_wait3A_857 = tpu.memref_slice %arg10[%run_scoped3A_385, %dma_wait3A_856] : memref<2x1000xi32, #tpu.memory_space<vmem>> -> memref<1x1000xi32, #tpu.memory_space<vmem>>
      %dma_wait3A_858 = tpu.memref_squeeze %dma_wait3A_857 : memref<1x1000xi32, #tpu.memory_space<vmem>> -> memref<1000xi32, #tpu.memory_space<vmem>>
      %dma_wait3A_859 = tpu.memref_slice %arg2[%add3A_384] : memref<640000xi32, #tpu.memory_space<hbm>> -> memref<1000xi32, #tpu.memory_space<hbm>>
      tpu.wait_dma2 semaphore(%run_scoped3A_843 : memref<!tpu.dma_semaphore, #tpu.memory_space<semaphore_mem>>) src(%dma_wait3A_859 : memref<1000xi32, #tpu.memory_space<hbm>>) dst(%dma_wait3A_858 : memref<1000xi32, #tpu.memory_space<vmem>>)
      tpu.yield
    }) : () -> ()
    %dma_start3A_386 = arith.constant 1 : i32
    %dma_start3A_387 = arith.constant 1 : i32
    %dma_start3A_388 = arith.constant 0 : i32
    %dma_start3A_389 = arith.constant 0 : i32
    %dma_start3A_390 = tpu.memref_slice %arg11[%dma_start3A_387, %dma_start3A_388, %dma_start3A_389] : memref<2x1000x16xf32, #tpu.memory_space<vmem>> -> memref<1x1000x16xf32, #tpu.memory_space<vmem>>
    %dma_start3A_391 = tpu.memref_squeeze %dma_start3A_390 : memref<1x1000x16xf32, #tpu.memory_space<vmem>> -> memref<1000x16xf32, #tpu.memory_space<vmem>>
    %dma_start3A_392 = arith.constant 0 : i32
    %dma_start3A_393 = tpu.memref_slice %arg9[%dma_start3A_386, %dma_start3A_392] : memref<2x1000xi32, #tpu.memory_space<vmem>> -> memref<1x1000xi32, #tpu.memory_space<vmem>>
    %dma_start3A_394 = tpu.memref_squeeze %dma_start3A_393 : memref<1x1000xi32, #tpu.memory_space<vmem>> -> memref<1000xi32, #tpu.memory_space<vmem>>
    %dma_start3A_395 = arith.constant 0 : i32
    %dma_start3A_396 = arith.constant 0 : i32
    %dma_start3A_397 = tpu.memref_slice %arg3[%dma_start3A_395, %dma_start3A_396] : memref<10000x16xf32, #tpu.memory_space<hbm>> -> memref<10000x16xf32, #tpu.memory_space<hbm>>
    tpu.enqueue_indirect_dma source(%dma_start3A_397 : memref<10000x16xf32, #tpu.memory_space<hbm>>) target(%dma_start3A_391 : memref<1000x16xf32, #tpu.memory_space<vmem>>) offsets(%dma_start3A_394 : memref<1000xi32, #tpu.memory_space<vmem>>) semaphore(%arg16 : memref<!tpu.dma_semaphore, #tpu.memory_space<semaphore_mem>>)
    %dma_start3A_398 = arith.constant 1 : i32
    %dma_start3A_399 = arith.constant 1 : i32
    %dma_start3A_400 = arith.constant 0 : i32
    %dma_start3A_401 = arith.constant 0 : i32
    %dma_start3A_402 = tpu.memref_slice %arg12[%dma_start3A_399, %dma_start3A_400, %dma_start3A_401] : memref<2x1000x16xf32, #tpu.memory_space<vmem>> -> memref<1x1000x16xf32, #tpu.memory_space<vmem>>
    %dma_start3A_403 = tpu.memref_squeeze %dma_start3A_402 : memref<1x1000x16xf32, #tpu.memory_space<vmem>> -> memref<1000x16xf32, #tpu.memory_space<vmem>>
    %dma_start3A_404 = arith.constant 0 : i32
    %dma_start3A_405 = tpu.memref_slice %arg9[%dma_start3A_398, %dma_start3A_404] : memref<2x1000xi32, #tpu.memory_space<vmem>> -> memref<1x1000xi32, #tpu.memory_space<vmem>>
    %dma_start3A_406 = tpu.memref_squeeze %dma_start3A_405 : memref<1x1000xi32, #tpu.memory_space<vmem>> -> memref<1000xi32, #tpu.memory_space<vmem>>
    %dma_start3A_407 = arith.constant 0 : i32
    %dma_start3A_408 = arith.constant 0 : i32
    %dma_start3A_409 = tpu.memref_slice %arg4[%dma_start3A_407, %dma_start3A_408] : memref<10000x16xf32, #tpu.memory_space<hbm>> -> memref<10000x16xf32, #tpu.memory_space<hbm>>
    tpu.enqueue_indirect_dma source(%dma_start3A_409 : memref<10000x16xf32, #tpu.memory_space<hbm>>) target(%dma_start3A_403 : memref<1000x16xf32, #tpu.memory_space<vmem>>) offsets(%dma_start3A_406 : memref<1000xi32, #tpu.memory_space<vmem>>) semaphore(%arg18 : memref<!tpu.dma_semaphore, #tpu.memory_space<semaphore_mem>>)
    %dma_start3A_410 = arith.constant 1 : i32
    %dma_start3A_411 = arith.constant 1 : i32
    %dma_start3A_412 = arith.constant 0 : i32
    %dma_start3A_413 = arith.constant 0 : i32
    %dma_start3A_414 = tpu.memref_slice %arg13[%dma_start3A_411, %dma_start3A_412, %dma_start3A_413] : memref<2x1000x16xf32, #tpu.memory_space<vmem>> -> memref<1x1000x16xf32, #tpu.memory_space<vmem>>
    %dma_start3A_415 = tpu.memref_squeeze %dma_start3A_414 : memref<1x1000x16xf32, #tpu.memory_space<vmem>> -> memref<1000x16xf32, #tpu.memory_space<vmem>>
    %dma_start3A_416 = arith.constant 0 : i32
    %dma_start3A_417 = tpu.memref_slice %arg10[%dma_start3A_410, %dma_start3A_416] : memref<2x1000xi32, #tpu.memory_space<vmem>> -> memref<1x1000xi32, #tpu.memory_space<vmem>>
    %dma_start3A_418 = tpu.memref_squeeze %dma_start3A_417 : memref<1x1000xi32, #tpu.memory_space<vmem>> -> memref<1000xi32, #tpu.memory_space<vmem>>
    %dma_start3A_419 = arith.constant 0 : i32
    %dma_start3A_420 = arith.constant 0 : i32
    %dma_start3A_421 = tpu.memref_slice %arg4[%dma_start3A_419, %dma_start3A_420] : memref<10000x16xf32, #tpu.memory_space<hbm>> -> memref<10000x16xf32, #tpu.memory_space<hbm>>
    tpu.enqueue_indirect_dma source(%dma_start3A_421 : memref<10000x16xf32, #tpu.memory_space<hbm>>) target(%dma_start3A_415 : memref<1000x16xf32, #tpu.memory_space<vmem>>) offsets(%dma_start3A_418 : memref<1000xi32, #tpu.memory_space<vmem>>) semaphore(%arg20 : memref<!tpu.dma_semaphore, #tpu.memory_space<semaphore_mem>>)
    %add3A_422 = arith.constant 4000 : i32
    %add3A_423 = arith.addi %mul3A_4, %add3A_422 : i32
    %dma_wait3A_424 = arith.constant 0 : i32
    %dma_wait3A_425 = arith.constant 0 : i32
    %dma_wait3A_426 = arith.constant 0 : i32
    %dma_wait3A_427 = arith.constant 0 : i32
    %dma_wait3A_428 = tpu.memref_slice %arg11[%dma_wait3A_425, %dma_wait3A_426, %dma_wait3A_427] : memref<2x1000x16xf32, #tpu.memory_space<vmem>> -> memref<1x1000x16xf32, #tpu.memory_space<vmem>>
    %dma_wait3A_429 = tpu.memref_squeeze %dma_wait3A_428 : memref<1x1000x16xf32, #tpu.memory_space<vmem>> -> memref<1000x16xf32, #tpu.memory_space<vmem>>
    %dma_wait3A_430 = arith.constant 0 : i32
    %dma_wait3A_431 = tpu.memref_slice %arg9[%dma_wait3A_424, %dma_wait3A_430] : memref<2x1000xi32, #tpu.memory_space<vmem>> -> memref<1x1000xi32, #tpu.memory_space<vmem>>
    %dma_wait3A_432 = tpu.memref_squeeze %dma_wait3A_431 : memref<1x1000xi32, #tpu.memory_space<vmem>> -> memref<1000xi32, #tpu.memory_space<vmem>>
    %dma_wait3A_433 = arith.constant 0 : i32
    %dma_wait3A_434 = arith.constant 0 : i32
    %dma_wait3A_435 = tpu.memref_slice %arg3[%dma_wait3A_433, %dma_wait3A_434] : memref<10000x16xf32, #tpu.memory_space<hbm>> -> memref<10000x16xf32, #tpu.memory_space<hbm>>
    tpu.wait_indirect_dma semaphore(%arg15 : memref<!tpu.dma_semaphore, #tpu.memory_space<semaphore_mem>>) src(%dma_wait3A_435 : memref<10000x16xf32, #tpu.memory_space<hbm>>) dst(%dma_wait3A_429 : memref<1000x16xf32, #tpu.memory_space<vmem>>)
    %run_scoped3A_436 = arith.constant 0 : i32
    %run_scoped3A_437 = arith.constant 0 : i32
    "tpu.region"() ({
      %run_scoped3A_843 = tpu.sem_alloc : memref<!tpu.dma_semaphore, #tpu.memory_space<semaphore_mem>>
      %dma_start3A_844 = arith.constant 0 : i32
      %dma_start3A_845 = arith.constant 0 : i32
      %dma_start3A_846 = tpu.memref_slice %arg11[%run_scoped3A_436, %dma_start3A_844, %dma_start3A_845] : memref<2x1000x16xf32, #tpu.memory_space<vmem>> -> memref<1x1000x16xf32, #tpu.memory_space<vmem>>
      %dma_start3A_847 = tpu.memref_squeeze %dma_start3A_846 : memref<1x1000x16xf32, #tpu.memory_space<vmem>> -> memref<1000x16xf32, #tpu.memory_space<vmem>>
      %dma_start3A_848 = arith.constant 0 : i32
      %dma_start3A_849 = tpu.memref_slice %arg10[%run_scoped3A_437, %dma_start3A_848] : memref<2x1000xi32, #tpu.memory_space<vmem>> -> memref<1x1000xi32, #tpu.memory_space<vmem>>
      %dma_start3A_850 = tpu.memref_squeeze %dma_start3A_849 : memref<1x1000xi32, #tpu.memory_space<vmem>> -> memref<1000xi32, #tpu.memory_space<vmem>>
      %dma_start3A_851 = arith.constant 0 : i32
      %dma_start3A_852 = arith.constant 0 : i32
      %dma_start3A_853 = tpu.memref_slice %arg14[%dma_start3A_851, %dma_start3A_852] : memref<10000x16xf32, #tpu.memory_space<vmem_shared>> -> memref<10000x16xf32, #tpu.memory_space<vmem_shared>>
      tpu.enqueue_indirect_dma source(%dma_start3A_847 : memref<1000x16xf32, #tpu.memory_space<vmem>>) target(%dma_start3A_853 : memref<10000x16xf32, #tpu.memory_space<vmem_shared>>) offsets(%dma_start3A_850 : memref<1000xi32, #tpu.memory_space<vmem>>) semaphore(%run_scoped3A_843 : memref<!tpu.dma_semaphore, #tpu.memory_space<semaphore_mem>>) {add = true}
      %dma_wait3A_854 = arith.constant 0 : i32
      %dma_wait3A_855 = arith.constant 0 : i32
      %dma_wait3A_856 = tpu.memref_slice %arg11[%run_scoped3A_436, %dma_wait3A_854, %dma_wait3A_855] : memref<2x1000x16xf32, #tpu.memory_space<vmem>> -> memref<1x1000x16xf32, #tpu.memory_space<vmem>>
      %dma_wait3A_857 = tpu.memref_squeeze %dma_wait3A_856 : memref<1x1000x16xf32, #tpu.memory_space<vmem>> -> memref<1000x16xf32, #tpu.memory_space<vmem>>
      %dma_wait3A_858 = arith.constant 0 : i32
      %dma_wait3A_859 = tpu.memref_slice %arg10[%run_scoped3A_437, %dma_wait3A_858] : memref<2x1000xi32, #tpu.memory_space<vmem>> -> memref<1x1000xi32, #tpu.memory_space<vmem>>
      %dma_wait3A_860 = tpu.memref_squeeze %dma_wait3A_859 : memref<1x1000xi32, #tpu.memory_space<vmem>> -> memref<1000xi32, #tpu.memory_space<vmem>>
      %dma_wait3A_861 = arith.constant 0 : i32
      %dma_wait3A_862 = arith.constant 0 : i32
      %dma_wait3A_863 = tpu.memref_slice %arg14[%dma_wait3A_861, %dma_wait3A_862] : memref<10000x16xf32, #tpu.memory_space<vmem_shared>> -> memref<10000x16xf32, #tpu.memory_space<vmem_shared>>
      tpu.wait_indirect_dma semaphore(%run_scoped3A_843 : memref<!tpu.dma_semaphore, #tpu.memory_space<semaphore_mem>>) src(%dma_wait3A_857 : memref<1000x16xf32, #tpu.memory_space<vmem>>) dst(%dma_wait3A_863 : memref<10000x16xf32, #tpu.memory_space<vmem_shared>>)
      tpu.yield
    }) : () -> ()
    %dma_wait3A_438 = arith.constant 0 : i32
    %dma_wait3A_439 = arith.constant 0 : i32
    %dma_wait3A_440 = arith.constant 0 : i32
    %dma_wait3A_441 = arith.constant 0 : i32
    %dma_wait3A_442 = tpu.memref_slice %arg12[%dma_wait3A_439, %dma_wait3A_440, %dma_wait3A_441] : memref<2x1000x16xf32, #tpu.memory_space<vmem>> -> memref<1x1000x16xf32, #tpu.memory_space<vmem>>
    %dma_wait3A_443 = tpu.memref_squeeze %dma_wait3A_442 : memref<1x1000x16xf32, #tpu.memory_space<vmem>> -> memref<1000x16xf32, #tpu.memory_space<vmem>>
    %dma_wait3A_444 = arith.constant 0 : i32
    %dma_wait3A_445 = tpu.memref_slice %arg9[%dma_wait3A_438, %dma_wait3A_444] : memref<2x1000xi32, #tpu.memory_space<vmem>> -> memref<1x1000xi32, #tpu.memory_space<vmem>>
    %dma_wait3A_446 = tpu.memref_squeeze %dma_wait3A_445 : memref<1x1000xi32, #tpu.memory_space<vmem>> -> memref<1000xi32, #tpu.memory_space<vmem>>
    %dma_wait3A_447 = arith.constant 0 : i32
    %dma_wait3A_448 = arith.constant 0 : i32
    %dma_wait3A_449 = tpu.memref_slice %arg4[%dma_wait3A_447, %dma_wait3A_448] : memref<10000x16xf32, #tpu.memory_space<hbm>> -> memref<10000x16xf32, #tpu.memory_space<hbm>>
    tpu.wait_indirect_dma semaphore(%arg17 : memref<!tpu.dma_semaphore, #tpu.memory_space<semaphore_mem>>) src(%dma_wait3A_449 : memref<10000x16xf32, #tpu.memory_space<hbm>>) dst(%dma_wait3A_443 : memref<1000x16xf32, #tpu.memory_space<vmem>>)
    %run_scoped3A_450 = arith.constant 0 : i32
    "tpu.region"() ({
      %run_scoped3A_843 = tpu.sem_alloc : memref<!tpu.dma_semaphore, #tpu.memory_space<semaphore_mem>>
      %dma_start3A_844 = arith.constant 0 : i32
      %dma_start3A_845 = arith.constant 0 : i32
      %dma_start3A_846 = tpu.memref_slice %arg12[%run_scoped3A_450, %dma_start3A_844, %dma_start3A_845] : memref<2x1000x16xf32, #tpu.memory_space<vmem>> -> memref<1x1000x16xf32, #tpu.memory_space<vmem>>
      %dma_start3A_847 = tpu.memref_squeeze %dma_start3A_846 : memref<1x1000x16xf32, #tpu.memory_space<vmem>> -> memref<1000x16xf32, #tpu.memory_space<vmem>>
      %dma_start3A_848 = arith.constant 0 : i32
      %dma_start3A_849 = tpu.memref_slice %arg7[%add3A_423, %dma_start3A_848] : memref<320000x16xf32, #tpu.memory_space<hbm>> -> memref<1000x16xf32, #tpu.memory_space<hbm>>
      %dma_start3A_850 = arith.constant 0 : i32
      %dma_start3A_851 = tpu.memref_slice %arg7[%add3A_423, %dma_start3A_850] : memref<320000x16xf32, #tpu.memory_space<hbm>> -> memref<1000x16xf32, #tpu.memory_space<hbm>>
      %dma_start3A_852 = arith.constant 0 : i32
      %dma_start3A_853 = arith.constant 0 : i32
      %dma_start3A_854 = tpu.memref_slice %arg12[%run_scoped3A_450, %dma_start3A_852, %dma_start3A_853] : memref<2x1000x16xf32, #tpu.memory_space<vmem>> -> memref<1x1000x16xf32, #tpu.memory_space<vmem>>
      %dma_start3A_855 = tpu.memref_squeeze %dma_start3A_854 : memref<1x1000x16xf32, #tpu.memory_space<vmem>> -> memref<1000x16xf32, #tpu.memory_space<vmem>>
      tpu.enqueue_dma source(%dma_start3A_855 : memref<1000x16xf32, #tpu.memory_space<vmem>>) target(%dma_start3A_851 : memref<1000x16xf32, #tpu.memory_space<hbm>>) target_semaphore(%run_scoped3A_843 : memref<!tpu.dma_semaphore, #tpu.memory_space<semaphore_mem>>)
      %dma_wait3A_856 = arith.constant 0 : i32
      %dma_wait3A_857 = arith.constant 0 : i32
      %dma_wait3A_858 = tpu.memref_slice %arg12[%run_scoped3A_450, %dma_wait3A_856, %dma_wait3A_857] : memref<2x1000x16xf32, #tpu.memory_space<vmem>> -> memref<1x1000x16xf32, #tpu.memory_space<vmem>>
      %dma_wait3A_859 = tpu.memref_squeeze %dma_wait3A_858 : memref<1x1000x16xf32, #tpu.memory_space<vmem>> -> memref<1000x16xf32, #tpu.memory_space<vmem>>
      %dma_wait3A_860 = arith.constant 0 : i32
      %dma_wait3A_861 = tpu.memref_slice %arg7[%add3A_423, %dma_wait3A_860] : memref<320000x16xf32, #tpu.memory_space<hbm>> -> memref<1000x16xf32, #tpu.memory_space<hbm>>
      %dma_wait3A_862 = arith.constant 0 : i32
      %dma_wait3A_863 = tpu.memref_slice %arg7[%add3A_423, %dma_wait3A_862] : memref<320000x16xf32, #tpu.memory_space<hbm>> -> memref<1000x16xf32, #tpu.memory_space<hbm>>
      %dma_wait3A_864 = arith.constant 0 : i32
      %dma_wait3A_865 = arith.constant 0 : i32
      %dma_wait3A_866 = tpu.memref_slice %arg12[%run_scoped3A_450, %dma_wait3A_864, %dma_wait3A_865] : memref<2x1000x16xf32, #tpu.memory_space<vmem>> -> memref<1x1000x16xf32, #tpu.memory_space<vmem>>
      %dma_wait3A_867 = tpu.memref_squeeze %dma_wait3A_866 : memref<1x1000x16xf32, #tpu.memory_space<vmem>> -> memref<1000x16xf32, #tpu.memory_space<vmem>>
      tpu.wait_dma2 semaphore(%run_scoped3A_843 : memref<!tpu.dma_semaphore, #tpu.memory_space<semaphore_mem>>) src(%dma_wait3A_867 : memref<1000x16xf32, #tpu.memory_space<vmem>>) dst(%dma_wait3A_863 : memref<1000x16xf32, #tpu.memory_space<hbm>>)
      tpu.yield
    }) : () -> ()
    %dma_wait3A_451 = arith.constant 0 : i32
    %dma_wait3A_452 = arith.constant 0 : i32
    %dma_wait3A_453 = arith.constant 0 : i32
    %dma_wait3A_454 = arith.constant 0 : i32
    %dma_wait3A_455 = tpu.memref_slice %arg13[%dma_wait3A_452, %dma_wait3A_453, %dma_wait3A_454] : memref<2x1000x16xf32, #tpu.memory_space<vmem>> -> memref<1x1000x16xf32, #tpu.memory_space<vmem>>
    %dma_wait3A_456 = tpu.memref_squeeze %dma_wait3A_455 : memref<1x1000x16xf32, #tpu.memory_space<vmem>> -> memref<1000x16xf32, #tpu.memory_space<vmem>>
    %dma_wait3A_457 = arith.constant 0 : i32
    %dma_wait3A_458 = tpu.memref_slice %arg10[%dma_wait3A_451, %dma_wait3A_457] : memref<2x1000xi32, #tpu.memory_space<vmem>> -> memref<1x1000xi32, #tpu.memory_space<vmem>>
    %dma_wait3A_459 = tpu.memref_squeeze %dma_wait3A_458 : memref<1x1000xi32, #tpu.memory_space<vmem>> -> memref<1000xi32, #tpu.memory_space<vmem>>
    %dma_wait3A_460 = arith.constant 0 : i32
    %dma_wait3A_461 = arith.constant 0 : i32
    %dma_wait3A_462 = tpu.memref_slice %arg4[%dma_wait3A_460, %dma_wait3A_461] : memref<10000x16xf32, #tpu.memory_space<hbm>> -> memref<10000x16xf32, #tpu.memory_space<hbm>>
    tpu.wait_indirect_dma semaphore(%arg19 : memref<!tpu.dma_semaphore, #tpu.memory_space<semaphore_mem>>) src(%dma_wait3A_462 : memref<10000x16xf32, #tpu.memory_space<hbm>>) dst(%dma_wait3A_456 : memref<1000x16xf32, #tpu.memory_space<vmem>>)
    %run_scoped3A_463 = arith.constant 0 : i32
    "tpu.region"() ({
      %run_scoped3A_843 = tpu.sem_alloc : memref<!tpu.dma_semaphore, #tpu.memory_space<semaphore_mem>>
      %dma_start3A_844 = arith.constant 0 : i32
      %dma_start3A_845 = arith.constant 0 : i32
      %dma_start3A_846 = tpu.memref_slice %arg13[%run_scoped3A_463, %dma_start3A_844, %dma_start3A_845] : memref<2x1000x16xf32, #tpu.memory_space<vmem>> -> memref<1x1000x16xf32, #tpu.memory_space<vmem>>
      %dma_start3A_847 = tpu.memref_squeeze %dma_start3A_846 : memref<1x1000x16xf32, #tpu.memory_space<vmem>> -> memref<1000x16xf32, #tpu.memory_space<vmem>>
      %dma_start3A_848 = arith.constant 0 : i32
      %dma_start3A_849 = tpu.memref_slice %arg8[%add3A_423, %dma_start3A_848] : memref<320000x16xf32, #tpu.memory_space<hbm>> -> memref<1000x16xf32, #tpu.memory_space<hbm>>
      %dma_start3A_850 = arith.constant 0 : i32
      %dma_start3A_851 = tpu.memref_slice %arg8[%add3A_423, %dma_start3A_850] : memref<320000x16xf32, #tpu.memory_space<hbm>> -> memref<1000x16xf32, #tpu.memory_space<hbm>>
      %dma_start3A_852 = arith.constant 0 : i32
      %dma_start3A_853 = arith.constant 0 : i32
      %dma_start3A_854 = tpu.memref_slice %arg13[%run_scoped3A_463, %dma_start3A_852, %dma_start3A_853] : memref<2x1000x16xf32, #tpu.memory_space<vmem>> -> memref<1x1000x16xf32, #tpu.memory_space<vmem>>
      %dma_start3A_855 = tpu.memref_squeeze %dma_start3A_854 : memref<1x1000x16xf32, #tpu.memory_space<vmem>> -> memref<1000x16xf32, #tpu.memory_space<vmem>>
      tpu.enqueue_dma source(%dma_start3A_855 : memref<1000x16xf32, #tpu.memory_space<vmem>>) target(%dma_start3A_851 : memref<1000x16xf32, #tpu.memory_space<hbm>>) target_semaphore(%run_scoped3A_843 : memref<!tpu.dma_semaphore, #tpu.memory_space<semaphore_mem>>)
      %dma_wait3A_856 = arith.constant 0 : i32
      %dma_wait3A_857 = arith.constant 0 : i32
      %dma_wait3A_858 = tpu.memref_slice %arg13[%run_scoped3A_463, %dma_wait3A_856, %dma_wait3A_857] : memref<2x1000x16xf32, #tpu.memory_space<vmem>> -> memref<1x1000x16xf32, #tpu.memory_space<vmem>>
      %dma_wait3A_859 = tpu.memref_squeeze %dma_wait3A_858 : memref<1x1000x16xf32, #tpu.memory_space<vmem>> -> memref<1000x16xf32, #tpu.memory_space<vmem>>
      %dma_wait3A_860 = arith.constant 0 : i32
      %dma_wait3A_861 = tpu.memref_slice %arg8[%add3A_423, %dma_wait3A_860] : memref<320000x16xf32, #tpu.memory_space<hbm>> -> memref<1000x16xf32, #tpu.memory_space<hbm>>
      %dma_wait3A_862 = arith.constant 0 : i32
      %dma_wait3A_863 = tpu.memref_slice %arg8[%add3A_423, %dma_wait3A_862] : memref<320000x16xf32, #tpu.memory_space<hbm>> -> memref<1000x16xf32, #tpu.memory_space<hbm>>
      %dma_wait3A_864 = arith.constant 0 : i32
      %dma_wait3A_865 = arith.constant 0 : i32
      %dma_wait3A_866 = tpu.memref_slice %arg13[%run_scoped3A_463, %dma_wait3A_864, %dma_wait3A_865] : memref<2x1000x16xf32, #tpu.memory_space<vmem>> -> memref<1x1000x16xf32, #tpu.memory_space<vmem>>
      %dma_wait3A_867 = tpu.memref_squeeze %dma_wait3A_866 : memref<1x1000x16xf32, #tpu.memory_space<vmem>> -> memref<1000x16xf32, #tpu.memory_space<vmem>>
      tpu.wait_dma2 semaphore(%run_scoped3A_843 : memref<!tpu.dma_semaphore, #tpu.memory_space<semaphore_mem>>) src(%dma_wait3A_867 : memref<1000x16xf32, #tpu.memory_space<vmem>>) dst(%dma_wait3A_863 : memref<1000x16xf32, #tpu.memory_space<hbm>>)
      tpu.yield
    }) : () -> ()
    %add3A_464 = arith.constant 6000 : i32
    %add3A_465 = arith.addi %mul3A_4, %add3A_464 : i32
    %run_scoped3A_466 = arith.constant 0 : i32
    "tpu.region"() ({
      %run_scoped3A_843 = tpu.sem_alloc : memref<!tpu.dma_semaphore, #tpu.memory_space<semaphore_mem>>
      %dma_start3A_844 = arith.constant 0 : i32
      %dma_start3A_845 = tpu.memref_slice %arg9[%run_scoped3A_466, %dma_start3A_844] : memref<2x1000xi32, #tpu.memory_space<vmem>> -> memref<1x1000xi32, #tpu.memory_space<vmem>>
      %dma_start3A_846 = tpu.memref_squeeze %dma_start3A_845 : memref<1x1000xi32, #tpu.memory_space<vmem>> -> memref<1000xi32, #tpu.memory_space<vmem>>
      %dma_start3A_847 = tpu.memref_slice %arg2[%add3A_465] : memref<640000xi32, #tpu.memory_space<hbm>> -> memref<1000xi32, #tpu.memory_space<hbm>>
      %dma_start3A_848 = arith.constant 0 : i32
      %dma_start3A_849 = tpu.memref_slice %arg9[%run_scoped3A_466, %dma_start3A_848] : memref<2x1000xi32, #tpu.memory_space<vmem>> -> memref<1x1000xi32, #tpu.memory_space<vmem>>
      %dma_start3A_850 = tpu.memref_squeeze %dma_start3A_849 : memref<1x1000xi32, #tpu.memory_space<vmem>> -> memref<1000xi32, #tpu.memory_space<vmem>>
      %dma_start3A_851 = tpu.memref_slice %arg2[%add3A_465] : memref<640000xi32, #tpu.memory_space<hbm>> -> memref<1000xi32, #tpu.memory_space<hbm>>
      tpu.enqueue_dma source(%dma_start3A_851 : memref<1000xi32, #tpu.memory_space<hbm>>) target(%dma_start3A_850 : memref<1000xi32, #tpu.memory_space<vmem>>) target_semaphore(%run_scoped3A_843 : memref<!tpu.dma_semaphore, #tpu.memory_space<semaphore_mem>>)
      %dma_wait3A_852 = arith.constant 0 : i32
      %dma_wait3A_853 = tpu.memref_slice %arg9[%run_scoped3A_466, %dma_wait3A_852] : memref<2x1000xi32, #tpu.memory_space<vmem>> -> memref<1x1000xi32, #tpu.memory_space<vmem>>
      %dma_wait3A_854 = tpu.memref_squeeze %dma_wait3A_853 : memref<1x1000xi32, #tpu.memory_space<vmem>> -> memref<1000xi32, #tpu.memory_space<vmem>>
      %dma_wait3A_855 = tpu.memref_slice %arg2[%add3A_465] : memref<640000xi32, #tpu.memory_space<hbm>> -> memref<1000xi32, #tpu.memory_space<hbm>>
      %dma_wait3A_856 = arith.constant 0 : i32
      %dma_wait3A_857 = tpu.memref_slice %arg9[%run_scoped3A_466, %dma_wait3A_856] : memref<2x1000xi32, #tpu.memory_space<vmem>> -> memref<1x1000xi32, #tpu.memory_space<vmem>>
      %dma_wait3A_858 = tpu.memref_squeeze %dma_wait3A_857 : memref<1x1000xi32, #tpu.memory_space<vmem>> -> memref<1000xi32, #tpu.memory_space<vmem>>
      %dma_wait3A_859 = tpu.memref_slice %arg2[%add3A_465] : memref<640000xi32, #tpu.memory_space<hbm>> -> memref<1000xi32, #tpu.memory_space<hbm>>
      tpu.wait_dma2 semaphore(%run_scoped3A_843 : memref<!tpu.dma_semaphore, #tpu.memory_space<semaphore_mem>>) src(%dma_wait3A_859 : memref<1000xi32, #tpu.memory_space<hbm>>) dst(%dma_wait3A_858 : memref<1000xi32, #tpu.memory_space<vmem>>)
      tpu.yield
    }) : () -> ()
    %add3A_467 = arith.constant 320000 : i32
    %add3A_468 = arith.addi %add3A_467, %add3A_465 : i32
    %run_scoped3A_469 = arith.constant 0 : i32
    "tpu.region"() ({
      %run_scoped3A_843 = tpu.sem_alloc : memref<!tpu.dma_semaphore, #tpu.memory_space<semaphore_mem>>
      %dma_start3A_844 = arith.constant 0 : i32
      %dma_start3A_845 = tpu.memref_slice %arg10[%run_scoped3A_469, %dma_start3A_844] : memref<2x1000xi32, #tpu.memory_space<vmem>> -> memref<1x1000xi32, #tpu.memory_space<vmem>>
      %dma_start3A_846 = tpu.memref_squeeze %dma_start3A_845 : memref<1x1000xi32, #tpu.memory_space<vmem>> -> memref<1000xi32, #tpu.memory_space<vmem>>
      %dma_start3A_847 = tpu.memref_slice %arg2[%add3A_468] : memref<640000xi32, #tpu.memory_space<hbm>> -> memref<1000xi32, #tpu.memory_space<hbm>>
      %dma_start3A_848 = arith.constant 0 : i32
      %dma_start3A_849 = tpu.memref_slice %arg10[%run_scoped3A_469, %dma_start3A_848] : memref<2x1000xi32, #tpu.memory_space<vmem>> -> memref<1x1000xi32, #tpu.memory_space<vmem>>
      %dma_start3A_850 = tpu.memref_squeeze %dma_start3A_849 : memref<1x1000xi32, #tpu.memory_space<vmem>> -> memref<1000xi32, #tpu.memory_space<vmem>>
      %dma_start3A_851 = tpu.memref_slice %arg2[%add3A_468] : memref<640000xi32, #tpu.memory_space<hbm>> -> memref<1000xi32, #tpu.memory_space<hbm>>
      tpu.enqueue_dma source(%dma_start3A_851 : memref<1000xi32, #tpu.memory_space<hbm>>) target(%dma_start3A_850 : memref<1000xi32, #tpu.memory_space<vmem>>) target_semaphore(%run_scoped3A_843 : memref<!tpu.dma_semaphore, #tpu.memory_space<semaphore_mem>>)
      %dma_wait3A_852 = arith.constant 0 : i32
      %dma_wait3A_853 = tpu.memref_slice %arg10[%run_scoped3A_469, %dma_wait3A_852] : memref<2x1000xi32, #tpu.memory_space<vmem>> -> memref<1x1000xi32, #tpu.memory_space<vmem>>
      %dma_wait3A_854 = tpu.memref_squeeze %dma_wait3A_853 : memref<1x1000xi32, #tpu.memory_space<vmem>> -> memref<1000xi32, #tpu.memory_space<vmem>>
      %dma_wait3A_855 = tpu.memref_slice %arg2[%add3A_468] : memref<640000xi32, #tpu.memory_space<hbm>> -> memref<1000xi32, #tpu.memory_space<hbm>>
      %dma_wait3A_856 = arith.constant 0 : i32
      %dma_wait3A_857 = tpu.memref_slice %arg10[%run_scoped3A_469, %dma_wait3A_856] : memref<2x1000xi32, #tpu.memory_space<vmem>> -> memref<1x1000xi32, #tpu.memory_space<vmem>>
      %dma_wait3A_858 = tpu.memref_squeeze %dma_wait3A_857 : memref<1x1000xi32, #tpu.memory_space<vmem>> -> memref<1000xi32, #tpu.memory_space<vmem>>
      %dma_wait3A_859 = tpu.memref_slice %arg2[%add3A_468] : memref<640000xi32, #tpu.memory_space<hbm>> -> memref<1000xi32, #tpu.memory_space<hbm>>
      tpu.wait_dma2 semaphore(%run_scoped3A_843 : memref<!tpu.dma_semaphore, #tpu.memory_space<semaphore_mem>>) src(%dma_wait3A_859 : memref<1000xi32, #tpu.memory_space<hbm>>) dst(%dma_wait3A_858 : memref<1000xi32, #tpu.memory_space<vmem>>)
      tpu.yield
    }) : () -> ()
    %dma_start3A_470 = arith.constant 0 : i32
    %dma_start3A_471 = arith.constant 0 : i32
    %dma_start3A_472 = arith.constant 0 : i32
    %dma_start3A_473 = arith.constant 0 : i32
    %dma_start3A_474 = tpu.memref_slice %arg11[%dma_start3A_471, %dma_start3A_472, %dma_start3A_473] : memref<2x1000x16xf32, #tpu.memory_space<vmem>> -> memref<1x1000x16xf32, #tpu.memory_space<vmem>>
    %dma_start3A_475 = tpu.memref_squeeze %dma_start3A_474 : memref<1x1000x16xf32, #tpu.memory_space<vmem>> -> memref<1000x16xf32, #tpu.memory_space<vmem>>
    %dma_start3A_476 = arith.constant 0 : i32
    %dma_start3A_477 = tpu.memref_slice %arg9[%dma_start3A_470, %dma_start3A_476] : memref<2x1000xi32, #tpu.memory_space<vmem>> -> memref<1x1000xi32, #tpu.memory_space<vmem>>
    %dma_start3A_478 = tpu.memref_squeeze %dma_start3A_477 : memref<1x1000xi32, #tpu.memory_space<vmem>> -> memref<1000xi32, #tpu.memory_space<vmem>>
    %dma_start3A_479 = arith.constant 0 : i32
    %dma_start3A_480 = arith.constant 0 : i32
    %dma_start3A_481 = tpu.memref_slice %arg3[%dma_start3A_479, %dma_start3A_480] : memref<10000x16xf32, #tpu.memory_space<hbm>> -> memref<10000x16xf32, #tpu.memory_space<hbm>>
    tpu.enqueue_indirect_dma source(%dma_start3A_481 : memref<10000x16xf32, #tpu.memory_space<hbm>>) target(%dma_start3A_475 : memref<1000x16xf32, #tpu.memory_space<vmem>>) offsets(%dma_start3A_478 : memref<1000xi32, #tpu.memory_space<vmem>>) semaphore(%arg15 : memref<!tpu.dma_semaphore, #tpu.memory_space<semaphore_mem>>)
    %dma_start3A_482 = arith.constant 0 : i32
    %dma_start3A_483 = arith.constant 0 : i32
    %dma_start3A_484 = arith.constant 0 : i32
    %dma_start3A_485 = arith.constant 0 : i32
    %dma_start3A_486 = tpu.memref_slice %arg12[%dma_start3A_483, %dma_start3A_484, %dma_start3A_485] : memref<2x1000x16xf32, #tpu.memory_space<vmem>> -> memref<1x1000x16xf32, #tpu.memory_space<vmem>>
    %dma_start3A_487 = tpu.memref_squeeze %dma_start3A_486 : memref<1x1000x16xf32, #tpu.memory_space<vmem>> -> memref<1000x16xf32, #tpu.memory_space<vmem>>
    %dma_start3A_488 = arith.constant 0 : i32
    %dma_start3A_489 = tpu.memref_slice %arg9[%dma_start3A_482, %dma_start3A_488] : memref<2x1000xi32, #tpu.memory_space<vmem>> -> memref<1x1000xi32, #tpu.memory_space<vmem>>
    %dma_start3A_490 = tpu.memref_squeeze %dma_start3A_489 : memref<1x1000xi32, #tpu.memory_space<vmem>> -> memref<1000xi32, #tpu.memory_space<vmem>>
    %dma_start3A_491 = arith.constant 0 : i32
    %dma_start3A_492 = arith.constant 0 : i32
    %dma_start3A_493 = tpu.memref_slice %arg4[%dma_start3A_491, %dma_start3A_492] : memref<10000x16xf32, #tpu.memory_space<hbm>> -> memref<10000x16xf32, #tpu.memory_space<hbm>>
    tpu.enqueue_indirect_dma source(%dma_start3A_493 : memref<10000x16xf32, #tpu.memory_space<hbm>>) target(%dma_start3A_487 : memref<1000x16xf32, #tpu.memory_space<vmem>>) offsets(%dma_start3A_490 : memref<1000xi32, #tpu.memory_space<vmem>>) semaphore(%arg17 : memref<!tpu.dma_semaphore, #tpu.memory_space<semaphore_mem>>)
    %dma_start3A_494 = arith.constant 0 : i32
    %dma_start3A_495 = arith.constant 0 : i32
    %dma_start3A_496 = arith.constant 0 : i32
    %dma_start3A_497 = arith.constant 0 : i32
    %dma_start3A_498 = tpu.memref_slice %arg13[%dma_start3A_495, %dma_start3A_496, %dma_start3A_497] : memref<2x1000x16xf32, #tpu.memory_space<vmem>> -> memref<1x1000x16xf32, #tpu.memory_space<vmem>>
    %dma_start3A_499 = tpu.memref_squeeze %dma_start3A_498 : memref<1x1000x16xf32, #tpu.memory_space<vmem>> -> memref<1000x16xf32, #tpu.memory_space<vmem>>
    %dma_start3A_500 = arith.constant 0 : i32
    %dma_start3A_501 = tpu.memref_slice %arg10[%dma_start3A_494, %dma_start3A_500] : memref<2x1000xi32, #tpu.memory_space<vmem>> -> memref<1x1000xi32, #tpu.memory_space<vmem>>
    %dma_start3A_502 = tpu.memref_squeeze %dma_start3A_501 : memref<1x1000xi32, #tpu.memory_space<vmem>> -> memref<1000xi32, #tpu.memory_space<vmem>>
    %dma_start3A_503 = arith.constant 0 : i32
    %dma_start3A_504 = arith.constant 0 : i32
    %dma_start3A_505 = tpu.memref_slice %arg4[%dma_start3A_503, %dma_start3A_504] : memref<10000x16xf32, #tpu.memory_space<hbm>> -> memref<10000x16xf32, #tpu.memory_space<hbm>>
    tpu.enqueue_indirect_dma source(%dma_start3A_505 : memref<10000x16xf32, #tpu.memory_space<hbm>>) target(%dma_start3A_499 : memref<1000x16xf32, #tpu.memory_space<vmem>>) offsets(%dma_start3A_502 : memref<1000xi32, #tpu.memory_space<vmem>>) semaphore(%arg19 : memref<!tpu.dma_semaphore, #tpu.memory_space<semaphore_mem>>)
    %add3A_506 = arith.constant 5000 : i32
    %add3A_507 = arith.addi %mul3A_4, %add3A_506 : i32
    %dma_wait3A_508 = arith.constant 1 : i32
    %dma_wait3A_509 = arith.constant 1 : i32
    %dma_wait3A_510 = arith.constant 0 : i32
    %dma_wait3A_511 = arith.constant 0 : i32
    %dma_wait3A_512 = tpu.memref_slice %arg11[%dma_wait3A_509, %dma_wait3A_510, %dma_wait3A_511] : memref<2x1000x16xf32, #tpu.memory_space<vmem>> -> memref<1x1000x16xf32, #tpu.memory_space<vmem>>
    %dma_wait3A_513 = tpu.memref_squeeze %dma_wait3A_512 : memref<1x1000x16xf32, #tpu.memory_space<vmem>> -> memref<1000x16xf32, #tpu.memory_space<vmem>>
    %dma_wait3A_514 = arith.constant 0 : i32
    %dma_wait3A_515 = tpu.memref_slice %arg9[%dma_wait3A_508, %dma_wait3A_514] : memref<2x1000xi32, #tpu.memory_space<vmem>> -> memref<1x1000xi32, #tpu.memory_space<vmem>>
    %dma_wait3A_516 = tpu.memref_squeeze %dma_wait3A_515 : memref<1x1000xi32, #tpu.memory_space<vmem>> -> memref<1000xi32, #tpu.memory_space<vmem>>
    %dma_wait3A_517 = arith.constant 0 : i32
    %dma_wait3A_518 = arith.constant 0 : i32
    %dma_wait3A_519 = tpu.memref_slice %arg3[%dma_wait3A_517, %dma_wait3A_518] : memref<10000x16xf32, #tpu.memory_space<hbm>> -> memref<10000x16xf32, #tpu.memory_space<hbm>>
    tpu.wait_indirect_dma semaphore(%arg16 : memref<!tpu.dma_semaphore, #tpu.memory_space<semaphore_mem>>) src(%dma_wait3A_519 : memref<10000x16xf32, #tpu.memory_space<hbm>>) dst(%dma_wait3A_513 : memref<1000x16xf32, #tpu.memory_space<vmem>>)
    %run_scoped3A_520 = arith.constant 1 : i32
    %run_scoped3A_521 = arith.constant 1 : i32
    "tpu.region"() ({
      %run_scoped3A_843 = tpu.sem_alloc : memref<!tpu.dma_semaphore, #tpu.memory_space<semaphore_mem>>
      %dma_start3A_844 = arith.constant 0 : i32
      %dma_start3A_845 = arith.constant 0 : i32
      %dma_start3A_846 = tpu.memref_slice %arg11[%run_scoped3A_520, %dma_start3A_844, %dma_start3A_845] : memref<2x1000x16xf32, #tpu.memory_space<vmem>> -> memref<1x1000x16xf32, #tpu.memory_space<vmem>>
      %dma_start3A_847 = tpu.memref_squeeze %dma_start3A_846 : memref<1x1000x16xf32, #tpu.memory_space<vmem>> -> memref<1000x16xf32, #tpu.memory_space<vmem>>
      %dma_start3A_848 = arith.constant 0 : i32
      %dma_start3A_849 = tpu.memref_slice %arg10[%run_scoped3A_521, %dma_start3A_848] : memref<2x1000xi32, #tpu.memory_space<vmem>> -> memref<1x1000xi32, #tpu.memory_space<vmem>>
      %dma_start3A_850 = tpu.memref_squeeze %dma_start3A_849 : memref<1x1000xi32, #tpu.memory_space<vmem>> -> memref<1000xi32, #tpu.memory_space<vmem>>
      %dma_start3A_851 = arith.constant 0 : i32
      %dma_start3A_852 = arith.constant 0 : i32
      %dma_start3A_853 = tpu.memref_slice %arg14[%dma_start3A_851, %dma_start3A_852] : memref<10000x16xf32, #tpu.memory_space<vmem_shared>> -> memref<10000x16xf32, #tpu.memory_space<vmem_shared>>
      tpu.enqueue_indirect_dma source(%dma_start3A_847 : memref<1000x16xf32, #tpu.memory_space<vmem>>) target(%dma_start3A_853 : memref<10000x16xf32, #tpu.memory_space<vmem_shared>>) offsets(%dma_start3A_850 : memref<1000xi32, #tpu.memory_space<vmem>>) semaphore(%run_scoped3A_843 : memref<!tpu.dma_semaphore, #tpu.memory_space<semaphore_mem>>) {add = true}
      %dma_wait3A_854 = arith.constant 0 : i32
      %dma_wait3A_855 = arith.constant 0 : i32
      %dma_wait3A_856 = tpu.memref_slice %arg11[%run_scoped3A_520, %dma_wait3A_854, %dma_wait3A_855] : memref<2x1000x16xf32, #tpu.memory_space<vmem>> -> memref<1x1000x16xf32, #tpu.memory_space<vmem>>
      %dma_wait3A_857 = tpu.memref_squeeze %dma_wait3A_856 : memref<1x1000x16xf32, #tpu.memory_space<vmem>> -> memref<1000x16xf32, #tpu.memory_space<vmem>>
      %dma_wait3A_858 = arith.constant 0 : i32
      %dma_wait3A_859 = tpu.memref_slice %arg10[%run_scoped3A_521, %dma_wait3A_858] : memref<2x1000xi32, #tpu.memory_space<vmem>> -> memref<1x1000xi32, #tpu.memory_space<vmem>>
      %dma_wait3A_860 = tpu.memref_squeeze %dma_wait3A_859 : memref<1x1000xi32, #tpu.memory_space<vmem>> -> memref<1000xi32, #tpu.memory_space<vmem>>
      %dma_wait3A_861 = arith.constant 0 : i32
      %dma_wait3A_862 = arith.constant 0 : i32
      %dma_wait3A_863 = tpu.memref_slice %arg14[%dma_wait3A_861, %dma_wait3A_862] : memref<10000x16xf32, #tpu.memory_space<vmem_shared>> -> memref<10000x16xf32, #tpu.memory_space<vmem_shared>>
      tpu.wait_indirect_dma semaphore(%run_scoped3A_843 : memref<!tpu.dma_semaphore, #tpu.memory_space<semaphore_mem>>) src(%dma_wait3A_857 : memref<1000x16xf32, #tpu.memory_space<vmem>>) dst(%dma_wait3A_863 : memref<10000x16xf32, #tpu.memory_space<vmem_shared>>)
      tpu.yield
    }) : () -> ()
    %dma_wait3A_522 = arith.constant 1 : i32
    %dma_wait3A_523 = arith.constant 1 : i32
    %dma_wait3A_524 = arith.constant 0 : i32
    %dma_wait3A_525 = arith.constant 0 : i32
    %dma_wait3A_526 = tpu.memref_slice %arg12[%dma_wait3A_523, %dma_wait3A_524, %dma_wait3A_525] : memref<2x1000x16xf32, #tpu.memory_space<vmem>> -> memref<1x1000x16xf32, #tpu.memory_space<vmem>>
    %dma_wait3A_527 = tpu.memref_squeeze %dma_wait3A_526 : memref<1x1000x16xf32, #tpu.memory_space<vmem>> -> memref<1000x16xf32, #tpu.memory_space<vmem>>
    %dma_wait3A_528 = arith.constant 0 : i32
    %dma_wait3A_529 = tpu.memref_slice %arg9[%dma_wait3A_522, %dma_wait3A_528] : memref<2x1000xi32, #tpu.memory_space<vmem>> -> memref<1x1000xi32, #tpu.memory_space<vmem>>
    %dma_wait3A_530 = tpu.memref_squeeze %dma_wait3A_529 : memref<1x1000xi32, #tpu.memory_space<vmem>> -> memref<1000xi32, #tpu.memory_space<vmem>>
    %dma_wait3A_531 = arith.constant 0 : i32
    %dma_wait3A_532 = arith.constant 0 : i32
    %dma_wait3A_533 = tpu.memref_slice %arg4[%dma_wait3A_531, %dma_wait3A_532] : memref<10000x16xf32, #tpu.memory_space<hbm>> -> memref<10000x16xf32, #tpu.memory_space<hbm>>
    tpu.wait_indirect_dma semaphore(%arg18 : memref<!tpu.dma_semaphore, #tpu.memory_space<semaphore_mem>>) src(%dma_wait3A_533 : memref<10000x16xf32, #tpu.memory_space<hbm>>) dst(%dma_wait3A_527 : memref<1000x16xf32, #tpu.memory_space<vmem>>)
    %run_scoped3A_534 = arith.constant 1 : i32
    "tpu.region"() ({
      %run_scoped3A_843 = tpu.sem_alloc : memref<!tpu.dma_semaphore, #tpu.memory_space<semaphore_mem>>
      %dma_start3A_844 = arith.constant 0 : i32
      %dma_start3A_845 = arith.constant 0 : i32
      %dma_start3A_846 = tpu.memref_slice %arg12[%run_scoped3A_534, %dma_start3A_844, %dma_start3A_845] : memref<2x1000x16xf32, #tpu.memory_space<vmem>> -> memref<1x1000x16xf32, #tpu.memory_space<vmem>>
      %dma_start3A_847 = tpu.memref_squeeze %dma_start3A_846 : memref<1x1000x16xf32, #tpu.memory_space<vmem>> -> memref<1000x16xf32, #tpu.memory_space<vmem>>
      %dma_start3A_848 = arith.constant 0 : i32
      %dma_start3A_849 = tpu.memref_slice %arg7[%add3A_507, %dma_start3A_848] : memref<320000x16xf32, #tpu.memory_space<hbm>> -> memref<1000x16xf32, #tpu.memory_space<hbm>>
      %dma_start3A_850 = arith.constant 0 : i32
      %dma_start3A_851 = tpu.memref_slice %arg7[%add3A_507, %dma_start3A_850] : memref<320000x16xf32, #tpu.memory_space<hbm>> -> memref<1000x16xf32, #tpu.memory_space<hbm>>
      %dma_start3A_852 = arith.constant 0 : i32
      %dma_start3A_853 = arith.constant 0 : i32
      %dma_start3A_854 = tpu.memref_slice %arg12[%run_scoped3A_534, %dma_start3A_852, %dma_start3A_853] : memref<2x1000x16xf32, #tpu.memory_space<vmem>> -> memref<1x1000x16xf32, #tpu.memory_space<vmem>>
      %dma_start3A_855 = tpu.memref_squeeze %dma_start3A_854 : memref<1x1000x16xf32, #tpu.memory_space<vmem>> -> memref<1000x16xf32, #tpu.memory_space<vmem>>
      tpu.enqueue_dma source(%dma_start3A_855 : memref<1000x16xf32, #tpu.memory_space<vmem>>) target(%dma_start3A_851 : memref<1000x16xf32, #tpu.memory_space<hbm>>) target_semaphore(%run_scoped3A_843 : memref<!tpu.dma_semaphore, #tpu.memory_space<semaphore_mem>>)
      %dma_wait3A_856 = arith.constant 0 : i32
      %dma_wait3A_857 = arith.constant 0 : i32
      %dma_wait3A_858 = tpu.memref_slice %arg12[%run_scoped3A_534, %dma_wait3A_856, %dma_wait3A_857] : memref<2x1000x16xf32, #tpu.memory_space<vmem>> -> memref<1x1000x16xf32, #tpu.memory_space<vmem>>
      %dma_wait3A_859 = tpu.memref_squeeze %dma_wait3A_858 : memref<1x1000x16xf32, #tpu.memory_space<vmem>> -> memref<1000x16xf32, #tpu.memory_space<vmem>>
      %dma_wait3A_860 = arith.constant 0 : i32
      %dma_wait3A_861 = tpu.memref_slice %arg7[%add3A_507, %dma_wait3A_860] : memref<320000x16xf32, #tpu.memory_space<hbm>> -> memref<1000x16xf32, #tpu.memory_space<hbm>>
      %dma_wait3A_862 = arith.constant 0 : i32
      %dma_wait3A_863 = tpu.memref_slice %arg7[%add3A_507, %dma_wait3A_862] : memref<320000x16xf32, #tpu.memory_space<hbm>> -> memref<1000x16xf32, #tpu.memory_space<hbm>>
      %dma_wait3A_864 = arith.constant 0 : i32
      %dma_wait3A_865 = arith.constant 0 : i32
      %dma_wait3A_866 = tpu.memref_slice %arg12[%run_scoped3A_534, %dma_wait3A_864, %dma_wait3A_865] : memref<2x1000x16xf32, #tpu.memory_space<vmem>> -> memref<1x1000x16xf32, #tpu.memory_space<vmem>>
      %dma_wait3A_867 = tpu.memref_squeeze %dma_wait3A_866 : memref<1x1000x16xf32, #tpu.memory_space<vmem>> -> memref<1000x16xf32, #tpu.memory_space<vmem>>
      tpu.wait_dma2 semaphore(%run_scoped3A_843 : memref<!tpu.dma_semaphore, #tpu.memory_space<semaphore_mem>>) src(%dma_wait3A_867 : memref<1000x16xf32, #tpu.memory_space<vmem>>) dst(%dma_wait3A_863 : memref<1000x16xf32, #tpu.memory_space<hbm>>)
      tpu.yield
    }) : () -> ()
    %dma_wait3A_535 = arith.constant 1 : i32
    %dma_wait3A_536 = arith.constant 1 : i32
    %dma_wait3A_537 = arith.constant 0 : i32
    %dma_wait3A_538 = arith.constant 0 : i32
    %dma_wait3A_539 = tpu.memref_slice %arg13[%dma_wait3A_536, %dma_wait3A_537, %dma_wait3A_538] : memref<2x1000x16xf32, #tpu.memory_space<vmem>> -> memref<1x1000x16xf32, #tpu.memory_space<vmem>>
    %dma_wait3A_540 = tpu.memref_squeeze %dma_wait3A_539 : memref<1x1000x16xf32, #tpu.memory_space<vmem>> -> memref<1000x16xf32, #tpu.memory_space<vmem>>
    %dma_wait3A_541 = arith.constant 0 : i32
    %dma_wait3A_542 = tpu.memref_slice %arg10[%dma_wait3A_535, %dma_wait3A_541] : memref<2x1000xi32, #tpu.memory_space<vmem>> -> memref<1x1000xi32, #tpu.memory_space<vmem>>
    %dma_wait3A_543 = tpu.memref_squeeze %dma_wait3A_542 : memref<1x1000xi32, #tpu.memory_space<vmem>> -> memref<1000xi32, #tpu.memory_space<vmem>>
    %dma_wait3A_544 = arith.constant 0 : i32
    %dma_wait3A_545 = arith.constant 0 : i32
    %dma_wait3A_546 = tpu.memref_slice %arg4[%dma_wait3A_544, %dma_wait3A_545] : memref<10000x16xf32, #tpu.memory_space<hbm>> -> memref<10000x16xf32, #tpu.memory_space<hbm>>
    tpu.wait_indirect_dma semaphore(%arg20 : memref<!tpu.dma_semaphore, #tpu.memory_space<semaphore_mem>>) src(%dma_wait3A_546 : memref<10000x16xf32, #tpu.memory_space<hbm>>) dst(%dma_wait3A_540 : memref<1000x16xf32, #tpu.memory_space<vmem>>)
    %run_scoped3A_547 = arith.constant 1 : i32
    "tpu.region"() ({
      %run_scoped3A_843 = tpu.sem_alloc : memref<!tpu.dma_semaphore, #tpu.memory_space<semaphore_mem>>
      %dma_start3A_844 = arith.constant 0 : i32
      %dma_start3A_845 = arith.constant 0 : i32
      %dma_start3A_846 = tpu.memref_slice %arg13[%run_scoped3A_547, %dma_start3A_844, %dma_start3A_845] : memref<2x1000x16xf32, #tpu.memory_space<vmem>> -> memref<1x1000x16xf32, #tpu.memory_space<vmem>>
      %dma_start3A_847 = tpu.memref_squeeze %dma_start3A_846 : memref<1x1000x16xf32, #tpu.memory_space<vmem>> -> memref<1000x16xf32, #tpu.memory_space<vmem>>
      %dma_start3A_848 = arith.constant 0 : i32
      %dma_start3A_849 = tpu.memref_slice %arg8[%add3A_507, %dma_start3A_848] : memref<320000x16xf32, #tpu.memory_space<hbm>> -> memref<1000x16xf32, #tpu.memory_space<hbm>>
      %dma_start3A_850 = arith.constant 0 : i32
      %dma_start3A_851 = tpu.memref_slice %arg8[%add3A_507, %dma_start3A_850] : memref<320000x16xf32, #tpu.memory_space<hbm>> -> memref<1000x16xf32, #tpu.memory_space<hbm>>
      %dma_start3A_852 = arith.constant 0 : i32
      %dma_start3A_853 = arith.constant 0 : i32
      %dma_start3A_854 = tpu.memref_slice %arg13[%run_scoped3A_547, %dma_start3A_852, %dma_start3A_853] : memref<2x1000x16xf32, #tpu.memory_space<vmem>> -> memref<1x1000x16xf32, #tpu.memory_space<vmem>>
      %dma_start3A_855 = tpu.memref_squeeze %dma_start3A_854 : memref<1x1000x16xf32, #tpu.memory_space<vmem>> -> memref<1000x16xf32, #tpu.memory_space<vmem>>
      tpu.enqueue_dma source(%dma_start3A_855 : memref<1000x16xf32, #tpu.memory_space<vmem>>) target(%dma_start3A_851 : memref<1000x16xf32, #tpu.memory_space<hbm>>) target_semaphore(%run_scoped3A_843 : memref<!tpu.dma_semaphore, #tpu.memory_space<semaphore_mem>>)
      %dma_wait3A_856 = arith.constant 0 : i32
      %dma_wait3A_857 = arith.constant 0 : i32
      %dma_wait3A_858 = tpu.memref_slice %arg13[%run_scoped3A_547, %dma_wait3A_856, %dma_wait3A_857] : memref<2x1000x16xf32, #tpu.memory_space<vmem>> -> memref<1x1000x16xf32, #tpu.memory_space<vmem>>
      %dma_wait3A_859 = tpu.memref_squeeze %dma_wait3A_858 : memref<1x1000x16xf32, #tpu.memory_space<vmem>> -> memref<1000x16xf32, #tpu.memory_space<vmem>>
      %dma_wait3A_860 = arith.constant 0 : i32
      %dma_wait3A_861 = tpu.memref_slice %arg8[%add3A_507, %dma_wait3A_860] : memref<320000x16xf32, #tpu.memory_space<hbm>> -> memref<1000x16xf32, #tpu.memory_space<hbm>>
      %dma_wait3A_862 = arith.constant 0 : i32
      %dma_wait3A_863 = tpu.memref_slice %arg8[%add3A_507, %dma_wait3A_862] : memref<320000x16xf32, #tpu.memory_space<hbm>> -> memref<1000x16xf32, #tpu.memory_space<hbm>>
      %dma_wait3A_864 = arith.constant 0 : i32
      %dma_wait3A_865 = arith.constant 0 : i32
      %dma_wait3A_866 = tpu.memref_slice %arg13[%run_scoped3A_547, %dma_wait3A_864, %dma_wait3A_865] : memref<2x1000x16xf32, #tpu.memory_space<vmem>> -> memref<1x1000x16xf32, #tpu.memory_space<vmem>>
      %dma_wait3A_867 = tpu.memref_squeeze %dma_wait3A_866 : memref<1x1000x16xf32, #tpu.memory_space<vmem>> -> memref<1000x16xf32, #tpu.memory_space<vmem>>
      tpu.wait_dma2 semaphore(%run_scoped3A_843 : memref<!tpu.dma_semaphore, #tpu.memory_space<semaphore_mem>>) src(%dma_wait3A_867 : memref<1000x16xf32, #tpu.memory_space<vmem>>) dst(%dma_wait3A_863 : memref<1000x16xf32, #tpu.memory_space<hbm>>)
      tpu.yield
    }) : () -> ()
    %add3A_548 = arith.constant 7000 : i32
    %add3A_549 = arith.addi %mul3A_4, %add3A_548 : i32
    %run_scoped3A_550 = arith.constant 1 : i32
    "tpu.region"() ({
      %run_scoped3A_843 = tpu.sem_alloc : memref<!tpu.dma_semaphore, #tpu.memory_space<semaphore_mem>>
      %dma_start3A_844 = arith.constant 0 : i32
      %dma_start3A_845 = tpu.memref_slice %arg9[%run_scoped3A_550, %dma_start3A_844] : memref<2x1000xi32, #tpu.memory_space<vmem>> -> memref<1x1000xi32, #tpu.memory_space<vmem>>
      %dma_start3A_846 = tpu.memref_squeeze %dma_start3A_845 : memref<1x1000xi32, #tpu.memory_space<vmem>> -> memref<1000xi32, #tpu.memory_space<vmem>>
      %dma_start3A_847 = tpu.memref_slice %arg2[%add3A_549] : memref<640000xi32, #tpu.memory_space<hbm>> -> memref<1000xi32, #tpu.memory_space<hbm>>
      %dma_start3A_848 = arith.constant 0 : i32
      %dma_start3A_849 = tpu.memref_slice %arg9[%run_scoped3A_550, %dma_start3A_848] : memref<2x1000xi32, #tpu.memory_space<vmem>> -> memref<1x1000xi32, #tpu.memory_space<vmem>>
      %dma_start3A_850 = tpu.memref_squeeze %dma_start3A_849 : memref<1x1000xi32, #tpu.memory_space<vmem>> -> memref<1000xi32, #tpu.memory_space<vmem>>
      %dma_start3A_851 = tpu.memref_slice %arg2[%add3A_549] : memref<640000xi32, #tpu.memory_space<hbm>> -> memref<1000xi32, #tpu.memory_space<hbm>>
      tpu.enqueue_dma source(%dma_start3A_851 : memref<1000xi32, #tpu.memory_space<hbm>>) target(%dma_start3A_850 : memref<1000xi32, #tpu.memory_space<vmem>>) target_semaphore(%run_scoped3A_843 : memref<!tpu.dma_semaphore, #tpu.memory_space<semaphore_mem>>)
      %dma_wait3A_852 = arith.constant 0 : i32
      %dma_wait3A_853 = tpu.memref_slice %arg9[%run_scoped3A_550, %dma_wait3A_852] : memref<2x1000xi32, #tpu.memory_space<vmem>> -> memref<1x1000xi32, #tpu.memory_space<vmem>>
      %dma_wait3A_854 = tpu.memref_squeeze %dma_wait3A_853 : memref<1x1000xi32, #tpu.memory_space<vmem>> -> memref<1000xi32, #tpu.memory_space<vmem>>
      %dma_wait3A_855 = tpu.memref_slice %arg2[%add3A_549] : memref<640000xi32, #tpu.memory_space<hbm>> -> memref<1000xi32, #tpu.memory_space<hbm>>
      %dma_wait3A_856 = arith.constant 0 : i32
      %dma_wait3A_857 = tpu.memref_slice %arg9[%run_scoped3A_550, %dma_wait3A_856] : memref<2x1000xi32, #tpu.memory_space<vmem>> -> memref<1x1000xi32, #tpu.memory_space<vmem>>
      %dma_wait3A_858 = tpu.memref_squeeze %dma_wait3A_857 : memref<1x1000xi32, #tpu.memory_space<vmem>> -> memref<1000xi32, #tpu.memory_space<vmem>>
      %dma_wait3A_859 = tpu.memref_slice %arg2[%add3A_549] : memref<640000xi32, #tpu.memory_space<hbm>> -> memref<1000xi32, #tpu.memory_space<hbm>>
      tpu.wait_dma2 semaphore(%run_scoped3A_843 : memref<!tpu.dma_semaphore, #tpu.memory_space<semaphore_mem>>) src(%dma_wait3A_859 : memref<1000xi32, #tpu.memory_space<hbm>>) dst(%dma_wait3A_858 : memref<1000xi32, #tpu.memory_space<vmem>>)
      tpu.yield
    }) : () -> ()
    %add3A_551 = arith.constant 320000 : i32
    %add3A_552 = arith.addi %add3A_551, %add3A_549 : i32
    %run_scoped3A_553 = arith.constant 1 : i32
    "tpu.region"() ({
      %run_scoped3A_843 = tpu.sem_alloc : memref<!tpu.dma_semaphore, #tpu.memory_space<semaphore_mem>>
      %dma_start3A_844 = arith.constant 0 : i32
      %dma_start3A_845 = tpu.memref_slice %arg10[%run_scoped3A_553, %dma_start3A_844] : memref<2x1000xi32, #tpu.memory_space<vmem>> -> memref<1x1000xi32, #tpu.memory_space<vmem>>
      %dma_start3A_846 = tpu.memref_squeeze %dma_start3A_845 : memref<1x1000xi32, #tpu.memory_space<vmem>> -> memref<1000xi32, #tpu.memory_space<vmem>>
      %dma_start3A_847 = tpu.memref_slice %arg2[%add3A_552] : memref<640000xi32, #tpu.memory_space<hbm>> -> memref<1000xi32, #tpu.memory_space<hbm>>
      %dma_start3A_848 = arith.constant 0 : i32
      %dma_start3A_849 = tpu.memref_slice %arg10[%run_scoped3A_553, %dma_start3A_848] : memref<2x1000xi32, #tpu.memory_space<vmem>> -> memref<1x1000xi32, #tpu.memory_space<vmem>>
      %dma_start3A_850 = tpu.memref_squeeze %dma_start3A_849 : memref<1x1000xi32, #tpu.memory_space<vmem>> -> memref<1000xi32, #tpu.memory_space<vmem>>
      %dma_start3A_851 = tpu.memref_slice %arg2[%add3A_552] : memref<640000xi32, #tpu.memory_space<hbm>> -> memref<1000xi32, #tpu.memory_space<hbm>>
      tpu.enqueue_dma source(%dma_start3A_851 : memref<1000xi32, #tpu.memory_space<hbm>>) target(%dma_start3A_850 : memref<1000xi32, #tpu.memory_space<vmem>>) target_semaphore(%run_scoped3A_843 : memref<!tpu.dma_semaphore, #tpu.memory_space<semaphore_mem>>)
      %dma_wait3A_852 = arith.constant 0 : i32
      %dma_wait3A_853 = tpu.memref_slice %arg10[%run_scoped3A_553, %dma_wait3A_852] : memref<2x1000xi32, #tpu.memory_space<vmem>> -> memref<1x1000xi32, #tpu.memory_space<vmem>>
      %dma_wait3A_854 = tpu.memref_squeeze %dma_wait3A_853 : memref<1x1000xi32, #tpu.memory_space<vmem>> -> memref<1000xi32, #tpu.memory_space<vmem>>
      %dma_wait3A_855 = tpu.memref_slice %arg2[%add3A_552] : memref<640000xi32, #tpu.memory_space<hbm>> -> memref<1000xi32, #tpu.memory_space<hbm>>
      %dma_wait3A_856 = arith.constant 0 : i32
      %dma_wait3A_857 = tpu.memref_slice %arg10[%run_scoped3A_553, %dma_wait3A_856] : memref<2x1000xi32, #tpu.memory_space<vmem>> -> memref<1x1000xi32, #tpu.memory_space<vmem>>
      %dma_wait3A_858 = tpu.memref_squeeze %dma_wait3A_857 : memref<1x1000xi32, #tpu.memory_space<vmem>> -> memref<1000xi32, #tpu.memory_space<vmem>>
      %dma_wait3A_859 = tpu.memref_slice %arg2[%add3A_552] : memref<640000xi32, #tpu.memory_space<hbm>> -> memref<1000xi32, #tpu.memory_space<hbm>>
      tpu.wait_dma2 semaphore(%run_scoped3A_843 : memref<!tpu.dma_semaphore, #tpu.memory_space<semaphore_mem>>) src(%dma_wait3A_859 : memref<1000xi32, #tpu.memory_space<hbm>>) dst(%dma_wait3A_858 : memref<1000xi32, #tpu.memory_space<vmem>>)
      tpu.yield
    }) : () -> ()
    %dma_start3A_554 = arith.constant 1 : i32
    %dma_start3A_555 = arith.constant 1 : i32
    %dma_start3A_556 = arith.constant 0 : i32
    %dma_start3A_557 = arith.constant 0 : i32
    %dma_start3A_558 = tpu.memref_slice %arg11[%dma_start3A_555, %dma_start3A_556, %dma_start3A_557] : memref<2x1000x16xf32, #tpu.memory_space<vmem>> -> memref<1x1000x16xf32, #tpu.memory_space<vmem>>
    %dma_start3A_559 = tpu.memref_squeeze %dma_start3A_558 : memref<1x1000x16xf32, #tpu.memory_space<vmem>> -> memref<1000x16xf32, #tpu.memory_space<vmem>>
    %dma_start3A_560 = arith.constant 0 : i32
    %dma_start3A_561 = tpu.memref_slice %arg9[%dma_start3A_554, %dma_start3A_560] : memref<2x1000xi32, #tpu.memory_space<vmem>> -> memref<1x1000xi32, #tpu.memory_space<vmem>>
    %dma_start3A_562 = tpu.memref_squeeze %dma_start3A_561 : memref<1x1000xi32, #tpu.memory_space<vmem>> -> memref<1000xi32, #tpu.memory_space<vmem>>
    %dma_start3A_563 = arith.constant 0 : i32
    %dma_start3A_564 = arith.constant 0 : i32
    %dma_start3A_565 = tpu.memref_slice %arg3[%dma_start3A_563, %dma_start3A_564] : memref<10000x16xf32, #tpu.memory_space<hbm>> -> memref<10000x16xf32, #tpu.memory_space<hbm>>
    tpu.enqueue_indirect_dma source(%dma_start3A_565 : memref<10000x16xf32, #tpu.memory_space<hbm>>) target(%dma_start3A_559 : memref<1000x16xf32, #tpu.memory_space<vmem>>) offsets(%dma_start3A_562 : memref<1000xi32, #tpu.memory_space<vmem>>) semaphore(%arg16 : memref<!tpu.dma_semaphore, #tpu.memory_space<semaphore_mem>>)
    %dma_start3A_566 = arith.constant 1 : i32
    %dma_start3A_567 = arith.constant 1 : i32
    %dma_start3A_568 = arith.constant 0 : i32
    %dma_start3A_569 = arith.constant 0 : i32
    %dma_start3A_570 = tpu.memref_slice %arg12[%dma_start3A_567, %dma_start3A_568, %dma_start3A_569] : memref<2x1000x16xf32, #tpu.memory_space<vmem>> -> memref<1x1000x16xf32, #tpu.memory_space<vmem>>
    %dma_start3A_571 = tpu.memref_squeeze %dma_start3A_570 : memref<1x1000x16xf32, #tpu.memory_space<vmem>> -> memref<1000x16xf32, #tpu.memory_space<vmem>>
    %dma_start3A_572 = arith.constant 0 : i32
    %dma_start3A_573 = tpu.memref_slice %arg9[%dma_start3A_566, %dma_start3A_572] : memref<2x1000xi32, #tpu.memory_space<vmem>> -> memref<1x1000xi32, #tpu.memory_space<vmem>>
    %dma_start3A_574 = tpu.memref_squeeze %dma_start3A_573 : memref<1x1000xi32, #tpu.memory_space<vmem>> -> memref<1000xi32, #tpu.memory_space<vmem>>
    %dma_start3A_575 = arith.constant 0 : i32
    %dma_start3A_576 = arith.constant 0 : i32
    %dma_start3A_577 = tpu.memref_slice %arg4[%dma_start3A_575, %dma_start3A_576] : memref<10000x16xf32, #tpu.memory_space<hbm>> -> memref<10000x16xf32, #tpu.memory_space<hbm>>
    tpu.enqueue_indirect_dma source(%dma_start3A_577 : memref<10000x16xf32, #tpu.memory_space<hbm>>) target(%dma_start3A_571 : memref<1000x16xf32, #tpu.memory_space<vmem>>) offsets(%dma_start3A_574 : memref<1000xi32, #tpu.memory_space<vmem>>) semaphore(%arg18 : memref<!tpu.dma_semaphore, #tpu.memory_space<semaphore_mem>>)
    %dma_start3A_578 = arith.constant 1 : i32
    %dma_start3A_579 = arith.constant 1 : i32
    %dma_start3A_580 = arith.constant 0 : i32
    %dma_start3A_581 = arith.constant 0 : i32
    %dma_start3A_582 = tpu.memref_slice %arg13[%dma_start3A_579, %dma_start3A_580, %dma_start3A_581] : memref<2x1000x16xf32, #tpu.memory_space<vmem>> -> memref<1x1000x16xf32, #tpu.memory_space<vmem>>
    %dma_start3A_583 = tpu.memref_squeeze %dma_start3A_582 : memref<1x1000x16xf32, #tpu.memory_space<vmem>> -> memref<1000x16xf32, #tpu.memory_space<vmem>>
    %dma_start3A_584 = arith.constant 0 : i32
    %dma_start3A_585 = tpu.memref_slice %arg10[%dma_start3A_578, %dma_start3A_584] : memref<2x1000xi32, #tpu.memory_space<vmem>> -> memref<1x1000xi32, #tpu.memory_space<vmem>>
    %dma_start3A_586 = tpu.memref_squeeze %dma_start3A_585 : memref<1x1000xi32, #tpu.memory_space<vmem>> -> memref<1000xi32, #tpu.memory_space<vmem>>
    %dma_start3A_587 = arith.constant 0 : i32
    %dma_start3A_588 = arith.constant 0 : i32
    %dma_start3A_589 = tpu.memref_slice %arg4[%dma_start3A_587, %dma_start3A_588] : memref<10000x16xf32, #tpu.memory_space<hbm>> -> memref<10000x16xf32, #tpu.memory_space<hbm>>
    tpu.enqueue_indirect_dma source(%dma_start3A_589 : memref<10000x16xf32, #tpu.memory_space<hbm>>) target(%dma_start3A_583 : memref<1000x16xf32, #tpu.memory_space<vmem>>) offsets(%dma_start3A_586 : memref<1000xi32, #tpu.memory_space<vmem>>) semaphore(%arg20 : memref<!tpu.dma_semaphore, #tpu.memory_space<semaphore_mem>>)
    %add3A_590 = arith.constant 6000 : i32
    %add3A_591 = arith.addi %mul3A_4, %add3A_590 : i32
    %dma_wait3A_592 = arith.constant 0 : i32
    %dma_wait3A_593 = arith.constant 0 : i32
    %dma_wait3A_594 = arith.constant 0 : i32
    %dma_wait3A_595 = arith.constant 0 : i32
    %dma_wait3A_596 = tpu.memref_slice %arg11[%dma_wait3A_593, %dma_wait3A_594, %dma_wait3A_595] : memref<2x1000x16xf32, #tpu.memory_space<vmem>> -> memref<1x1000x16xf32, #tpu.memory_space<vmem>>
    %dma_wait3A_597 = tpu.memref_squeeze %dma_wait3A_596 : memref<1x1000x16xf32, #tpu.memory_space<vmem>> -> memref<1000x16xf32, #tpu.memory_space<vmem>>
    %dma_wait3A_598 = arith.constant 0 : i32
    %dma_wait3A_599 = tpu.memref_slice %arg9[%dma_wait3A_592, %dma_wait3A_598] : memref<2x1000xi32, #tpu.memory_space<vmem>> -> memref<1x1000xi32, #tpu.memory_space<vmem>>
    %dma_wait3A_600 = tpu.memref_squeeze %dma_wait3A_599 : memref<1x1000xi32, #tpu.memory_space<vmem>> -> memref<1000xi32, #tpu.memory_space<vmem>>
    %dma_wait3A_601 = arith.constant 0 : i32
    %dma_wait3A_602 = arith.constant 0 : i32
    %dma_wait3A_603 = tpu.memref_slice %arg3[%dma_wait3A_601, %dma_wait3A_602] : memref<10000x16xf32, #tpu.memory_space<hbm>> -> memref<10000x16xf32, #tpu.memory_space<hbm>>
    tpu.wait_indirect_dma semaphore(%arg15 : memref<!tpu.dma_semaphore, #tpu.memory_space<semaphore_mem>>) src(%dma_wait3A_603 : memref<10000x16xf32, #tpu.memory_space<hbm>>) dst(%dma_wait3A_597 : memref<1000x16xf32, #tpu.memory_space<vmem>>)
    %run_scoped3A_604 = arith.constant 0 : i32
    %run_scoped3A_605 = arith.constant 0 : i32
    "tpu.region"() ({
      %run_scoped3A_843 = tpu.sem_alloc : memref<!tpu.dma_semaphore, #tpu.memory_space<semaphore_mem>>
      %dma_start3A_844 = arith.constant 0 : i32
      %dma_start3A_845 = arith.constant 0 : i32
      %dma_start3A_846 = tpu.memref_slice %arg11[%run_scoped3A_604, %dma_start3A_844, %dma_start3A_845] : memref<2x1000x16xf32, #tpu.memory_space<vmem>> -> memref<1x1000x16xf32, #tpu.memory_space<vmem>>
      %dma_start3A_847 = tpu.memref_squeeze %dma_start3A_846 : memref<1x1000x16xf32, #tpu.memory_space<vmem>> -> memref<1000x16xf32, #tpu.memory_space<vmem>>
      %dma_start3A_848 = arith.constant 0 : i32
      %dma_start3A_849 = tpu.memref_slice %arg10[%run_scoped3A_605, %dma_start3A_848] : memref<2x1000xi32, #tpu.memory_space<vmem>> -> memref<1x1000xi32, #tpu.memory_space<vmem>>
      %dma_start3A_850 = tpu.memref_squeeze %dma_start3A_849 : memref<1x1000xi32, #tpu.memory_space<vmem>> -> memref<1000xi32, #tpu.memory_space<vmem>>
      %dma_start3A_851 = arith.constant 0 : i32
      %dma_start3A_852 = arith.constant 0 : i32
      %dma_start3A_853 = tpu.memref_slice %arg14[%dma_start3A_851, %dma_start3A_852] : memref<10000x16xf32, #tpu.memory_space<vmem_shared>> -> memref<10000x16xf32, #tpu.memory_space<vmem_shared>>
      tpu.enqueue_indirect_dma source(%dma_start3A_847 : memref<1000x16xf32, #tpu.memory_space<vmem>>) target(%dma_start3A_853 : memref<10000x16xf32, #tpu.memory_space<vmem_shared>>) offsets(%dma_start3A_850 : memref<1000xi32, #tpu.memory_space<vmem>>) semaphore(%run_scoped3A_843 : memref<!tpu.dma_semaphore, #tpu.memory_space<semaphore_mem>>) {add = true}
      %dma_wait3A_854 = arith.constant 0 : i32
      %dma_wait3A_855 = arith.constant 0 : i32
      %dma_wait3A_856 = tpu.memref_slice %arg11[%run_scoped3A_604, %dma_wait3A_854, %dma_wait3A_855] : memref<2x1000x16xf32, #tpu.memory_space<vmem>> -> memref<1x1000x16xf32, #tpu.memory_space<vmem>>
      %dma_wait3A_857 = tpu.memref_squeeze %dma_wait3A_856 : memref<1x1000x16xf32, #tpu.memory_space<vmem>> -> memref<1000x16xf32, #tpu.memory_space<vmem>>
      %dma_wait3A_858 = arith.constant 0 : i32
      %dma_wait3A_859 = tpu.memref_slice %arg10[%run_scoped3A_605, %dma_wait3A_858] : memref<2x1000xi32, #tpu.memory_space<vmem>> -> memref<1x1000xi32, #tpu.memory_space<vmem>>
      %dma_wait3A_860 = tpu.memref_squeeze %dma_wait3A_859 : memref<1x1000xi32, #tpu.memory_space<vmem>> -> memref<1000xi32, #tpu.memory_space<vmem>>
      %dma_wait3A_861 = arith.constant 0 : i32
      %dma_wait3A_862 = arith.constant 0 : i32
      %dma_wait3A_863 = tpu.memref_slice %arg14[%dma_wait3A_861, %dma_wait3A_862] : memref<10000x16xf32, #tpu.memory_space<vmem_shared>> -> memref<10000x16xf32, #tpu.memory_space<vmem_shared>>
      tpu.wait_indirect_dma semaphore(%run_scoped3A_843 : memref<!tpu.dma_semaphore, #tpu.memory_space<semaphore_mem>>) src(%dma_wait3A_857 : memref<1000x16xf32, #tpu.memory_space<vmem>>) dst(%dma_wait3A_863 : memref<10000x16xf32, #tpu.memory_space<vmem_shared>>)
      tpu.yield
    }) : () -> ()
    %dma_wait3A_606 = arith.constant 0 : i32
    %dma_wait3A_607 = arith.constant 0 : i32
    %dma_wait3A_608 = arith.constant 0 : i32
    %dma_wait3A_609 = arith.constant 0 : i32
    %dma_wait3A_610 = tpu.memref_slice %arg12[%dma_wait3A_607, %dma_wait3A_608, %dma_wait3A_609] : memref<2x1000x16xf32, #tpu.memory_space<vmem>> -> memref<1x1000x16xf32, #tpu.memory_space<vmem>>
    %dma_wait3A_611 = tpu.memref_squeeze %dma_wait3A_610 : memref<1x1000x16xf32, #tpu.memory_space<vmem>> -> memref<1000x16xf32, #tpu.memory_space<vmem>>
    %dma_wait3A_612 = arith.constant 0 : i32
    %dma_wait3A_613 = tpu.memref_slice %arg9[%dma_wait3A_606, %dma_wait3A_612] : memref<2x1000xi32, #tpu.memory_space<vmem>> -> memref<1x1000xi32, #tpu.memory_space<vmem>>
    %dma_wait3A_614 = tpu.memref_squeeze %dma_wait3A_613 : memref<1x1000xi32, #tpu.memory_space<vmem>> -> memref<1000xi32, #tpu.memory_space<vmem>>
    %dma_wait3A_615 = arith.constant 0 : i32
    %dma_wait3A_616 = arith.constant 0 : i32
    %dma_wait3A_617 = tpu.memref_slice %arg4[%dma_wait3A_615, %dma_wait3A_616] : memref<10000x16xf32, #tpu.memory_space<hbm>> -> memref<10000x16xf32, #tpu.memory_space<hbm>>
    tpu.wait_indirect_dma semaphore(%arg17 : memref<!tpu.dma_semaphore, #tpu.memory_space<semaphore_mem>>) src(%dma_wait3A_617 : memref<10000x16xf32, #tpu.memory_space<hbm>>) dst(%dma_wait3A_611 : memref<1000x16xf32, #tpu.memory_space<vmem>>)
    %run_scoped3A_618 = arith.constant 0 : i32
    "tpu.region"() ({
      %run_scoped3A_843 = tpu.sem_alloc : memref<!tpu.dma_semaphore, #tpu.memory_space<semaphore_mem>>
      %dma_start3A_844 = arith.constant 0 : i32
      %dma_start3A_845 = arith.constant 0 : i32
      %dma_start3A_846 = tpu.memref_slice %arg12[%run_scoped3A_618, %dma_start3A_844, %dma_start3A_845] : memref<2x1000x16xf32, #tpu.memory_space<vmem>> -> memref<1x1000x16xf32, #tpu.memory_space<vmem>>
      %dma_start3A_847 = tpu.memref_squeeze %dma_start3A_846 : memref<1x1000x16xf32, #tpu.memory_space<vmem>> -> memref<1000x16xf32, #tpu.memory_space<vmem>>
      %dma_start3A_848 = arith.constant 0 : i32
      %dma_start3A_849 = tpu.memref_slice %arg7[%add3A_591, %dma_start3A_848] : memref<320000x16xf32, #tpu.memory_space<hbm>> -> memref<1000x16xf32, #tpu.memory_space<hbm>>
      %dma_start3A_850 = arith.constant 0 : i32
      %dma_start3A_851 = tpu.memref_slice %arg7[%add3A_591, %dma_start3A_850] : memref<320000x16xf32, #tpu.memory_space<hbm>> -> memref<1000x16xf32, #tpu.memory_space<hbm>>
      %dma_start3A_852 = arith.constant 0 : i32
      %dma_start3A_853 = arith.constant 0 : i32
      %dma_start3A_854 = tpu.memref_slice %arg12[%run_scoped3A_618, %dma_start3A_852, %dma_start3A_853] : memref<2x1000x16xf32, #tpu.memory_space<vmem>> -> memref<1x1000x16xf32, #tpu.memory_space<vmem>>
      %dma_start3A_855 = tpu.memref_squeeze %dma_start3A_854 : memref<1x1000x16xf32, #tpu.memory_space<vmem>> -> memref<1000x16xf32, #tpu.memory_space<vmem>>
      tpu.enqueue_dma source(%dma_start3A_855 : memref<1000x16xf32, #tpu.memory_space<vmem>>) target(%dma_start3A_851 : memref<1000x16xf32, #tpu.memory_space<hbm>>) target_semaphore(%run_scoped3A_843 : memref<!tpu.dma_semaphore, #tpu.memory_space<semaphore_mem>>)
      %dma_wait3A_856 = arith.constant 0 : i32
      %dma_wait3A_857 = arith.constant 0 : i32
      %dma_wait3A_858 = tpu.memref_slice %arg12[%run_scoped3A_618, %dma_wait3A_856, %dma_wait3A_857] : memref<2x1000x16xf32, #tpu.memory_space<vmem>> -> memref<1x1000x16xf32, #tpu.memory_space<vmem>>
      %dma_wait3A_859 = tpu.memref_squeeze %dma_wait3A_858 : memref<1x1000x16xf32, #tpu.memory_space<vmem>> -> memref<1000x16xf32, #tpu.memory_space<vmem>>
      %dma_wait3A_860 = arith.constant 0 : i32
      %dma_wait3A_861 = tpu.memref_slice %arg7[%add3A_591, %dma_wait3A_860] : memref<320000x16xf32, #tpu.memory_space<hbm>> -> memref<1000x16xf32, #tpu.memory_space<hbm>>
      %dma_wait3A_862 = arith.constant 0 : i32
      %dma_wait3A_863 = tpu.memref_slice %arg7[%add3A_591, %dma_wait3A_862] : memref<320000x16xf32, #tpu.memory_space<hbm>> -> memref<1000x16xf32, #tpu.memory_space<hbm>>
      %dma_wait3A_864 = arith.constant 0 : i32
      %dma_wait3A_865 = arith.constant 0 : i32
      %dma_wait3A_866 = tpu.memref_slice %arg12[%run_scoped3A_618, %dma_wait3A_864, %dma_wait3A_865] : memref<2x1000x16xf32, #tpu.memory_space<vmem>> -> memref<1x1000x16xf32, #tpu.memory_space<vmem>>
      %dma_wait3A_867 = tpu.memref_squeeze %dma_wait3A_866 : memref<1x1000x16xf32, #tpu.memory_space<vmem>> -> memref<1000x16xf32, #tpu.memory_space<vmem>>
      tpu.wait_dma2 semaphore(%run_scoped3A_843 : memref<!tpu.dma_semaphore, #tpu.memory_space<semaphore_mem>>) src(%dma_wait3A_867 : memref<1000x16xf32, #tpu.memory_space<vmem>>) dst(%dma_wait3A_863 : memref<1000x16xf32, #tpu.memory_space<hbm>>)
      tpu.yield
    }) : () -> ()
    %dma_wait3A_619 = arith.constant 0 : i32
    %dma_wait3A_620 = arith.constant 0 : i32
    %dma_wait3A_621 = arith.constant 0 : i32
    %dma_wait3A_622 = arith.constant 0 : i32
    %dma_wait3A_623 = tpu.memref_slice %arg13[%dma_wait3A_620, %dma_wait3A_621, %dma_wait3A_622] : memref<2x1000x16xf32, #tpu.memory_space<vmem>> -> memref<1x1000x16xf32, #tpu.memory_space<vmem>>
    %dma_wait3A_624 = tpu.memref_squeeze %dma_wait3A_623 : memref<1x1000x16xf32, #tpu.memory_space<vmem>> -> memref<1000x16xf32, #tpu.memory_space<vmem>>
    %dma_wait3A_625 = arith.constant 0 : i32
    %dma_wait3A_626 = tpu.memref_slice %arg10[%dma_wait3A_619, %dma_wait3A_625] : memref<2x1000xi32, #tpu.memory_space<vmem>> -> memref<1x1000xi32, #tpu.memory_space<vmem>>
    %dma_wait3A_627 = tpu.memref_squeeze %dma_wait3A_626 : memref<1x1000xi32, #tpu.memory_space<vmem>> -> memref<1000xi32, #tpu.memory_space<vmem>>
    %dma_wait3A_628 = arith.constant 0 : i32
    %dma_wait3A_629 = arith.constant 0 : i32
    %dma_wait3A_630 = tpu.memref_slice %arg4[%dma_wait3A_628, %dma_wait3A_629] : memref<10000x16xf32, #tpu.memory_space<hbm>> -> memref<10000x16xf32, #tpu.memory_space<hbm>>
    tpu.wait_indirect_dma semaphore(%arg19 : memref<!tpu.dma_semaphore, #tpu.memory_space<semaphore_mem>>) src(%dma_wait3A_630 : memref<10000x16xf32, #tpu.memory_space<hbm>>) dst(%dma_wait3A_624 : memref<1000x16xf32, #tpu.memory_space<vmem>>)
    %run_scoped3A_631 = arith.constant 0 : i32
    "tpu.region"() ({
      %run_scoped3A_843 = tpu.sem_alloc : memref<!tpu.dma_semaphore, #tpu.memory_space<semaphore_mem>>
      %dma_start3A_844 = arith.constant 0 : i32
      %dma_start3A_845 = arith.constant 0 : i32
      %dma_start3A_846 = tpu.memref_slice %arg13[%run_scoped3A_631, %dma_start3A_844, %dma_start3A_845] : memref<2x1000x16xf32, #tpu.memory_space<vmem>> -> memref<1x1000x16xf32, #tpu.memory_space<vmem>>
      %dma_start3A_847 = tpu.memref_squeeze %dma_start3A_846 : memref<1x1000x16xf32, #tpu.memory_space<vmem>> -> memref<1000x16xf32, #tpu.memory_space<vmem>>
      %dma_start3A_848 = arith.constant 0 : i32
      %dma_start3A_849 = tpu.memref_slice %arg8[%add3A_591, %dma_start3A_848] : memref<320000x16xf32, #tpu.memory_space<hbm>> -> memref<1000x16xf32, #tpu.memory_space<hbm>>
      %dma_start3A_850 = arith.constant 0 : i32
      %dma_start3A_851 = tpu.memref_slice %arg8[%add3A_591, %dma_start3A_850] : memref<320000x16xf32, #tpu.memory_space<hbm>> -> memref<1000x16xf32, #tpu.memory_space<hbm>>
      %dma_start3A_852 = arith.constant 0 : i32
      %dma_start3A_853 = arith.constant 0 : i32
      %dma_start3A_854 = tpu.memref_slice %arg13[%run_scoped3A_631, %dma_start3A_852, %dma_start3A_853] : memref<2x1000x16xf32, #tpu.memory_space<vmem>> -> memref<1x1000x16xf32, #tpu.memory_space<vmem>>
      %dma_start3A_855 = tpu.memref_squeeze %dma_start3A_854 : memref<1x1000x16xf32, #tpu.memory_space<vmem>> -> memref<1000x16xf32, #tpu.memory_space<vmem>>
      tpu.enqueue_dma source(%dma_start3A_855 : memref<1000x16xf32, #tpu.memory_space<vmem>>) target(%dma_start3A_851 : memref<1000x16xf32, #tpu.memory_space<hbm>>) target_semaphore(%run_scoped3A_843 : memref<!tpu.dma_semaphore, #tpu.memory_space<semaphore_mem>>)
      %dma_wait3A_856 = arith.constant 0 : i32
      %dma_wait3A_857 = arith.constant 0 : i32
      %dma_wait3A_858 = tpu.memref_slice %arg13[%run_scoped3A_631, %dma_wait3A_856, %dma_wait3A_857] : memref<2x1000x16xf32, #tpu.memory_space<vmem>> -> memref<1x1000x16xf32, #tpu.memory_space<vmem>>
      %dma_wait3A_859 = tpu.memref_squeeze %dma_wait3A_858 : memref<1x1000x16xf32, #tpu.memory_space<vmem>> -> memref<1000x16xf32, #tpu.memory_space<vmem>>
      %dma_wait3A_860 = arith.constant 0 : i32
      %dma_wait3A_861 = tpu.memref_slice %arg8[%add3A_591, %dma_wait3A_860] : memref<320000x16xf32, #tpu.memory_space<hbm>> -> memref<1000x16xf32, #tpu.memory_space<hbm>>
      %dma_wait3A_862 = arith.constant 0 : i32
      %dma_wait3A_863 = tpu.memref_slice %arg8[%add3A_591, %dma_wait3A_862] : memref<320000x16xf32, #tpu.memory_space<hbm>> -> memref<1000x16xf32, #tpu.memory_space<hbm>>
      %dma_wait3A_864 = arith.constant 0 : i32
      %dma_wait3A_865 = arith.constant 0 : i32
      %dma_wait3A_866 = tpu.memref_slice %arg13[%run_scoped3A_631, %dma_wait3A_864, %dma_wait3A_865] : memref<2x1000x16xf32, #tpu.memory_space<vmem>> -> memref<1x1000x16xf32, #tpu.memory_space<vmem>>
      %dma_wait3A_867 = tpu.memref_squeeze %dma_wait3A_866 : memref<1x1000x16xf32, #tpu.memory_space<vmem>> -> memref<1000x16xf32, #tpu.memory_space<vmem>>
      tpu.wait_dma2 semaphore(%run_scoped3A_843 : memref<!tpu.dma_semaphore, #tpu.memory_space<semaphore_mem>>) src(%dma_wait3A_867 : memref<1000x16xf32, #tpu.memory_space<vmem>>) dst(%dma_wait3A_863 : memref<1000x16xf32, #tpu.memory_space<hbm>>)
      tpu.yield
    }) : () -> ()
    %add3A_632 = arith.constant 8000 : i32
    %add3A_633 = arith.addi %mul3A_4, %add3A_632 : i32
    %run_scoped3A_634 = arith.constant 0 : i32
    "tpu.region"() ({
      %run_scoped3A_843 = tpu.sem_alloc : memref<!tpu.dma_semaphore, #tpu.memory_space<semaphore_mem>>
      %dma_start3A_844 = arith.constant 0 : i32
      %dma_start3A_845 = tpu.memref_slice %arg9[%run_scoped3A_634, %dma_start3A_844] : memref<2x1000xi32, #tpu.memory_space<vmem>> -> memref<1x1000xi32, #tpu.memory_space<vmem>>
      %dma_start3A_846 = tpu.memref_squeeze %dma_start3A_845 : memref<1x1000xi32, #tpu.memory_space<vmem>> -> memref<1000xi32, #tpu.memory_space<vmem>>
      %dma_start3A_847 = tpu.memref_slice %arg2[%add3A_633] : memref<640000xi32, #tpu.memory_space<hbm>> -> memref<1000xi32, #tpu.memory_space<hbm>>
      %dma_start3A_848 = arith.constant 0 : i32
      %dma_start3A_849 = tpu.memref_slice %arg9[%run_scoped3A_634, %dma_start3A_848] : memref<2x1000xi32, #tpu.memory_space<vmem>> -> memref<1x1000xi32, #tpu.memory_space<vmem>>
      %dma_start3A_850 = tpu.memref_squeeze %dma_start3A_849 : memref<1x1000xi32, #tpu.memory_space<vmem>> -> memref<1000xi32, #tpu.memory_space<vmem>>
      %dma_start3A_851 = tpu.memref_slice %arg2[%add3A_633] : memref<640000xi32, #tpu.memory_space<hbm>> -> memref<1000xi32, #tpu.memory_space<hbm>>
      tpu.enqueue_dma source(%dma_start3A_851 : memref<1000xi32, #tpu.memory_space<hbm>>) target(%dma_start3A_850 : memref<1000xi32, #tpu.memory_space<vmem>>) target_semaphore(%run_scoped3A_843 : memref<!tpu.dma_semaphore, #tpu.memory_space<semaphore_mem>>)
      %dma_wait3A_852 = arith.constant 0 : i32
      %dma_wait3A_853 = tpu.memref_slice %arg9[%run_scoped3A_634, %dma_wait3A_852] : memref<2x1000xi32, #tpu.memory_space<vmem>> -> memref<1x1000xi32, #tpu.memory_space<vmem>>
      %dma_wait3A_854 = tpu.memref_squeeze %dma_wait3A_853 : memref<1x1000xi32, #tpu.memory_space<vmem>> -> memref<1000xi32, #tpu.memory_space<vmem>>
      %dma_wait3A_855 = tpu.memref_slice %arg2[%add3A_633] : memref<640000xi32, #tpu.memory_space<hbm>> -> memref<1000xi32, #tpu.memory_space<hbm>>
      %dma_wait3A_856 = arith.constant 0 : i32
      %dma_wait3A_857 = tpu.memref_slice %arg9[%run_scoped3A_634, %dma_wait3A_856] : memref<2x1000xi32, #tpu.memory_space<vmem>> -> memref<1x1000xi32, #tpu.memory_space<vmem>>
      %dma_wait3A_858 = tpu.memref_squeeze %dma_wait3A_857 : memref<1x1000xi32, #tpu.memory_space<vmem>> -> memref<1000xi32, #tpu.memory_space<vmem>>
      %dma_wait3A_859 = tpu.memref_slice %arg2[%add3A_633] : memref<640000xi32, #tpu.memory_space<hbm>> -> memref<1000xi32, #tpu.memory_space<hbm>>
      tpu.wait_dma2 semaphore(%run_scoped3A_843 : memref<!tpu.dma_semaphore, #tpu.memory_space<semaphore_mem>>) src(%dma_wait3A_859 : memref<1000xi32, #tpu.memory_space<hbm>>) dst(%dma_wait3A_858 : memref<1000xi32, #tpu.memory_space<vmem>>)
      tpu.yield
    }) : () -> ()
    %add3A_635 = arith.constant 320000 : i32
    %add3A_636 = arith.addi %add3A_635, %add3A_633 : i32
    %run_scoped3A_637 = arith.constant 0 : i32
    "tpu.region"() ({
      %run_scoped3A_843 = tpu.sem_alloc : memref<!tpu.dma_semaphore, #tpu.memory_space<semaphore_mem>>
      %dma_start3A_844 = arith.constant 0 : i32
      %dma_start3A_845 = tpu.memref_slice %arg10[%run_scoped3A_637, %dma_start3A_844] : memref<2x1000xi32, #tpu.memory_space<vmem>> -> memref<1x1000xi32, #tpu.memory_space<vmem>>
      %dma_start3A_846 = tpu.memref_squeeze %dma_start3A_845 : memref<1x1000xi32, #tpu.memory_space<vmem>> -> memref<1000xi32, #tpu.memory_space<vmem>>
      %dma_start3A_847 = tpu.memref_slice %arg2[%add3A_636] : memref<640000xi32, #tpu.memory_space<hbm>> -> memref<1000xi32, #tpu.memory_space<hbm>>
      %dma_start3A_848 = arith.constant 0 : i32
      %dma_start3A_849 = tpu.memref_slice %arg10[%run_scoped3A_637, %dma_start3A_848] : memref<2x1000xi32, #tpu.memory_space<vmem>> -> memref<1x1000xi32, #tpu.memory_space<vmem>>
      %dma_start3A_850 = tpu.memref_squeeze %dma_start3A_849 : memref<1x1000xi32, #tpu.memory_space<vmem>> -> memref<1000xi32, #tpu.memory_space<vmem>>
      %dma_start3A_851 = tpu.memref_slice %arg2[%add3A_636] : memref<640000xi32, #tpu.memory_space<hbm>> -> memref<1000xi32, #tpu.memory_space<hbm>>
      tpu.enqueue_dma source(%dma_start3A_851 : memref<1000xi32, #tpu.memory_space<hbm>>) target(%dma_start3A_850 : memref<1000xi32, #tpu.memory_space<vmem>>) target_semaphore(%run_scoped3A_843 : memref<!tpu.dma_semaphore, #tpu.memory_space<semaphore_mem>>)
      %dma_wait3A_852 = arith.constant 0 : i32
      %dma_wait3A_853 = tpu.memref_slice %arg10[%run_scoped3A_637, %dma_wait3A_852] : memref<2x1000xi32, #tpu.memory_space<vmem>> -> memref<1x1000xi32, #tpu.memory_space<vmem>>
      %dma_wait3A_854 = tpu.memref_squeeze %dma_wait3A_853 : memref<1x1000xi32, #tpu.memory_space<vmem>> -> memref<1000xi32, #tpu.memory_space<vmem>>
      %dma_wait3A_855 = tpu.memref_slice %arg2[%add3A_636] : memref<640000xi32, #tpu.memory_space<hbm>> -> memref<1000xi32, #tpu.memory_space<hbm>>
      %dma_wait3A_856 = arith.constant 0 : i32
      %dma_wait3A_857 = tpu.memref_slice %arg10[%run_scoped3A_637, %dma_wait3A_856] : memref<2x1000xi32, #tpu.memory_space<vmem>> -> memref<1x1000xi32, #tpu.memory_space<vmem>>
      %dma_wait3A_858 = tpu.memref_squeeze %dma_wait3A_857 : memref<1x1000xi32, #tpu.memory_space<vmem>> -> memref<1000xi32, #tpu.memory_space<vmem>>
      %dma_wait3A_859 = tpu.memref_slice %arg2[%add3A_636] : memref<640000xi32, #tpu.memory_space<hbm>> -> memref<1000xi32, #tpu.memory_space<hbm>>
      tpu.wait_dma2 semaphore(%run_scoped3A_843 : memref<!tpu.dma_semaphore, #tpu.memory_space<semaphore_mem>>) src(%dma_wait3A_859 : memref<1000xi32, #tpu.memory_space<hbm>>) dst(%dma_wait3A_858 : memref<1000xi32, #tpu.memory_space<vmem>>)
      tpu.yield
    }) : () -> ()
    %dma_start3A_638 = arith.constant 0 : i32
    %dma_start3A_639 = arith.constant 0 : i32
    %dma_start3A_640 = arith.constant 0 : i32
    %dma_start3A_641 = arith.constant 0 : i32
    %dma_start3A_642 = tpu.memref_slice %arg11[%dma_start3A_639, %dma_start3A_640, %dma_start3A_641] : memref<2x1000x16xf32, #tpu.memory_space<vmem>> -> memref<1x1000x16xf32, #tpu.memory_space<vmem>>
    %dma_start3A_643 = tpu.memref_squeeze %dma_start3A_642 : memref<1x1000x16xf32, #tpu.memory_space<vmem>> -> memref<1000x16xf32, #tpu.memory_space<vmem>>
    %dma_start3A_644 = arith.constant 0 : i32
    %dma_start3A_645 = tpu.memref_slice %arg9[%dma_start3A_638, %dma_start3A_644] : memref<2x1000xi32, #tpu.memory_space<vmem>> -> memref<1x1000xi32, #tpu.memory_space<vmem>>
    %dma_start3A_646 = tpu.memref_squeeze %dma_start3A_645 : memref<1x1000xi32, #tpu.memory_space<vmem>> -> memref<1000xi32, #tpu.memory_space<vmem>>
    %dma_start3A_647 = arith.constant 0 : i32
    %dma_start3A_648 = arith.constant 0 : i32
    %dma_start3A_649 = tpu.memref_slice %arg3[%dma_start3A_647, %dma_start3A_648] : memref<10000x16xf32, #tpu.memory_space<hbm>> -> memref<10000x16xf32, #tpu.memory_space<hbm>>
    tpu.enqueue_indirect_dma source(%dma_start3A_649 : memref<10000x16xf32, #tpu.memory_space<hbm>>) target(%dma_start3A_643 : memref<1000x16xf32, #tpu.memory_space<vmem>>) offsets(%dma_start3A_646 : memref<1000xi32, #tpu.memory_space<vmem>>) semaphore(%arg15 : memref<!tpu.dma_semaphore, #tpu.memory_space<semaphore_mem>>)
    %dma_start3A_650 = arith.constant 0 : i32
    %dma_start3A_651 = arith.constant 0 : i32
    %dma_start3A_652 = arith.constant 0 : i32
    %dma_start3A_653 = arith.constant 0 : i32
    %dma_start3A_654 = tpu.memref_slice %arg12[%dma_start3A_651, %dma_start3A_652, %dma_start3A_653] : memref<2x1000x16xf32, #tpu.memory_space<vmem>> -> memref<1x1000x16xf32, #tpu.memory_space<vmem>>
    %dma_start3A_655 = tpu.memref_squeeze %dma_start3A_654 : memref<1x1000x16xf32, #tpu.memory_space<vmem>> -> memref<1000x16xf32, #tpu.memory_space<vmem>>
    %dma_start3A_656 = arith.constant 0 : i32
    %dma_start3A_657 = tpu.memref_slice %arg9[%dma_start3A_650, %dma_start3A_656] : memref<2x1000xi32, #tpu.memory_space<vmem>> -> memref<1x1000xi32, #tpu.memory_space<vmem>>
    %dma_start3A_658 = tpu.memref_squeeze %dma_start3A_657 : memref<1x1000xi32, #tpu.memory_space<vmem>> -> memref<1000xi32, #tpu.memory_space<vmem>>
    %dma_start3A_659 = arith.constant 0 : i32
    %dma_start3A_660 = arith.constant 0 : i32
    %dma_start3A_661 = tpu.memref_slice %arg4[%dma_start3A_659, %dma_start3A_660] : memref<10000x16xf32, #tpu.memory_space<hbm>> -> memref<10000x16xf32, #tpu.memory_space<hbm>>
    tpu.enqueue_indirect_dma source(%dma_start3A_661 : memref<10000x16xf32, #tpu.memory_space<hbm>>) target(%dma_start3A_655 : memref<1000x16xf32, #tpu.memory_space<vmem>>) offsets(%dma_start3A_658 : memref<1000xi32, #tpu.memory_space<vmem>>) semaphore(%arg17 : memref<!tpu.dma_semaphore, #tpu.memory_space<semaphore_mem>>)
    %dma_start3A_662 = arith.constant 0 : i32
    %dma_start3A_663 = arith.constant 0 : i32
    %dma_start3A_664 = arith.constant 0 : i32
    %dma_start3A_665 = arith.constant 0 : i32
    %dma_start3A_666 = tpu.memref_slice %arg13[%dma_start3A_663, %dma_start3A_664, %dma_start3A_665] : memref<2x1000x16xf32, #tpu.memory_space<vmem>> -> memref<1x1000x16xf32, #tpu.memory_space<vmem>>
    %dma_start3A_667 = tpu.memref_squeeze %dma_start3A_666 : memref<1x1000x16xf32, #tpu.memory_space<vmem>> -> memref<1000x16xf32, #tpu.memory_space<vmem>>
    %dma_start3A_668 = arith.constant 0 : i32
    %dma_start3A_669 = tpu.memref_slice %arg10[%dma_start3A_662, %dma_start3A_668] : memref<2x1000xi32, #tpu.memory_space<vmem>> -> memref<1x1000xi32, #tpu.memory_space<vmem>>
    %dma_start3A_670 = tpu.memref_squeeze %dma_start3A_669 : memref<1x1000xi32, #tpu.memory_space<vmem>> -> memref<1000xi32, #tpu.memory_space<vmem>>
    %dma_start3A_671 = arith.constant 0 : i32
    %dma_start3A_672 = arith.constant 0 : i32
    %dma_start3A_673 = tpu.memref_slice %arg4[%dma_start3A_671, %dma_start3A_672] : memref<10000x16xf32, #tpu.memory_space<hbm>> -> memref<10000x16xf32, #tpu.memory_space<hbm>>
    tpu.enqueue_indirect_dma source(%dma_start3A_673 : memref<10000x16xf32, #tpu.memory_space<hbm>>) target(%dma_start3A_667 : memref<1000x16xf32, #tpu.memory_space<vmem>>) offsets(%dma_start3A_670 : memref<1000xi32, #tpu.memory_space<vmem>>) semaphore(%arg19 : memref<!tpu.dma_semaphore, #tpu.memory_space<semaphore_mem>>)
    %add3A_674 = arith.constant 7000 : i32
    %add3A_675 = arith.addi %mul3A_4, %add3A_674 : i32
    %dma_wait3A_676 = arith.constant 1 : i32
    %dma_wait3A_677 = arith.constant 1 : i32
    %dma_wait3A_678 = arith.constant 0 : i32
    %dma_wait3A_679 = arith.constant 0 : i32
    %dma_wait3A_680 = tpu.memref_slice %arg11[%dma_wait3A_677, %dma_wait3A_678, %dma_wait3A_679] : memref<2x1000x16xf32, #tpu.memory_space<vmem>> -> memref<1x1000x16xf32, #tpu.memory_space<vmem>>
    %dma_wait3A_681 = tpu.memref_squeeze %dma_wait3A_680 : memref<1x1000x16xf32, #tpu.memory_space<vmem>> -> memref<1000x16xf32, #tpu.memory_space<vmem>>
    %dma_wait3A_682 = arith.constant 0 : i32
    %dma_wait3A_683 = tpu.memref_slice %arg9[%dma_wait3A_676, %dma_wait3A_682] : memref<2x1000xi32, #tpu.memory_space<vmem>> -> memref<1x1000xi32, #tpu.memory_space<vmem>>
    %dma_wait3A_684 = tpu.memref_squeeze %dma_wait3A_683 : memref<1x1000xi32, #tpu.memory_space<vmem>> -> memref<1000xi32, #tpu.memory_space<vmem>>
    %dma_wait3A_685 = arith.constant 0 : i32
    %dma_wait3A_686 = arith.constant 0 : i32
    %dma_wait3A_687 = tpu.memref_slice %arg3[%dma_wait3A_685, %dma_wait3A_686] : memref<10000x16xf32, #tpu.memory_space<hbm>> -> memref<10000x16xf32, #tpu.memory_space<hbm>>
    tpu.wait_indirect_dma semaphore(%arg16 : memref<!tpu.dma_semaphore, #tpu.memory_space<semaphore_mem>>) src(%dma_wait3A_687 : memref<10000x16xf32, #tpu.memory_space<hbm>>) dst(%dma_wait3A_681 : memref<1000x16xf32, #tpu.memory_space<vmem>>)
    %run_scoped3A_688 = arith.constant 1 : i32
    %run_scoped3A_689 = arith.constant 1 : i32
    "tpu.region"() ({
      %run_scoped3A_843 = tpu.sem_alloc : memref<!tpu.dma_semaphore, #tpu.memory_space<semaphore_mem>>
      %dma_start3A_844 = arith.constant 0 : i32
      %dma_start3A_845 = arith.constant 0 : i32
      %dma_start3A_846 = tpu.memref_slice %arg11[%run_scoped3A_688, %dma_start3A_844, %dma_start3A_845] : memref<2x1000x16xf32, #tpu.memory_space<vmem>> -> memref<1x1000x16xf32, #tpu.memory_space<vmem>>
      %dma_start3A_847 = tpu.memref_squeeze %dma_start3A_846 : memref<1x1000x16xf32, #tpu.memory_space<vmem>> -> memref<1000x16xf32, #tpu.memory_space<vmem>>
      %dma_start3A_848 = arith.constant 0 : i32
      %dma_start3A_849 = tpu.memref_slice %arg10[%run_scoped3A_689, %dma_start3A_848] : memref<2x1000xi32, #tpu.memory_space<vmem>> -> memref<1x1000xi32, #tpu.memory_space<vmem>>
      %dma_start3A_850 = tpu.memref_squeeze %dma_start3A_849 : memref<1x1000xi32, #tpu.memory_space<vmem>> -> memref<1000xi32, #tpu.memory_space<vmem>>
      %dma_start3A_851 = arith.constant 0 : i32
      %dma_start3A_852 = arith.constant 0 : i32
      %dma_start3A_853 = tpu.memref_slice %arg14[%dma_start3A_851, %dma_start3A_852] : memref<10000x16xf32, #tpu.memory_space<vmem_shared>> -> memref<10000x16xf32, #tpu.memory_space<vmem_shared>>
      tpu.enqueue_indirect_dma source(%dma_start3A_847 : memref<1000x16xf32, #tpu.memory_space<vmem>>) target(%dma_start3A_853 : memref<10000x16xf32, #tpu.memory_space<vmem_shared>>) offsets(%dma_start3A_850 : memref<1000xi32, #tpu.memory_space<vmem>>) semaphore(%run_scoped3A_843 : memref<!tpu.dma_semaphore, #tpu.memory_space<semaphore_mem>>) {add = true}
      %dma_wait3A_854 = arith.constant 0 : i32
      %dma_wait3A_855 = arith.constant 0 : i32
      %dma_wait3A_856 = tpu.memref_slice %arg11[%run_scoped3A_688, %dma_wait3A_854, %dma_wait3A_855] : memref<2x1000x16xf32, #tpu.memory_space<vmem>> -> memref<1x1000x16xf32, #tpu.memory_space<vmem>>
      %dma_wait3A_857 = tpu.memref_squeeze %dma_wait3A_856 : memref<1x1000x16xf32, #tpu.memory_space<vmem>> -> memref<1000x16xf32, #tpu.memory_space<vmem>>
      %dma_wait3A_858 = arith.constant 0 : i32
      %dma_wait3A_859 = tpu.memref_slice %arg10[%run_scoped3A_689, %dma_wait3A_858] : memref<2x1000xi32, #tpu.memory_space<vmem>> -> memref<1x1000xi32, #tpu.memory_space<vmem>>
      %dma_wait3A_860 = tpu.memref_squeeze %dma_wait3A_859 : memref<1x1000xi32, #tpu.memory_space<vmem>> -> memref<1000xi32, #tpu.memory_space<vmem>>
      %dma_wait3A_861 = arith.constant 0 : i32
      %dma_wait3A_862 = arith.constant 0 : i32
      %dma_wait3A_863 = tpu.memref_slice %arg14[%dma_wait3A_861, %dma_wait3A_862] : memref<10000x16xf32, #tpu.memory_space<vmem_shared>> -> memref<10000x16xf32, #tpu.memory_space<vmem_shared>>
      tpu.wait_indirect_dma semaphore(%run_scoped3A_843 : memref<!tpu.dma_semaphore, #tpu.memory_space<semaphore_mem>>) src(%dma_wait3A_857 : memref<1000x16xf32, #tpu.memory_space<vmem>>) dst(%dma_wait3A_863 : memref<10000x16xf32, #tpu.memory_space<vmem_shared>>)
      tpu.yield
    }) : () -> ()
    %dma_wait3A_690 = arith.constant 1 : i32
    %dma_wait3A_691 = arith.constant 1 : i32
    %dma_wait3A_692 = arith.constant 0 : i32
    %dma_wait3A_693 = arith.constant 0 : i32
    %dma_wait3A_694 = tpu.memref_slice %arg12[%dma_wait3A_691, %dma_wait3A_692, %dma_wait3A_693] : memref<2x1000x16xf32, #tpu.memory_space<vmem>> -> memref<1x1000x16xf32, #tpu.memory_space<vmem>>
    %dma_wait3A_695 = tpu.memref_squeeze %dma_wait3A_694 : memref<1x1000x16xf32, #tpu.memory_space<vmem>> -> memref<1000x16xf32, #tpu.memory_space<vmem>>
    %dma_wait3A_696 = arith.constant 0 : i32
    %dma_wait3A_697 = tpu.memref_slice %arg9[%dma_wait3A_690, %dma_wait3A_696] : memref<2x1000xi32, #tpu.memory_space<vmem>> -> memref<1x1000xi32, #tpu.memory_space<vmem>>
    %dma_wait3A_698 = tpu.memref_squeeze %dma_wait3A_697 : memref<1x1000xi32, #tpu.memory_space<vmem>> -> memref<1000xi32, #tpu.memory_space<vmem>>
    %dma_wait3A_699 = arith.constant 0 : i32
    %dma_wait3A_700 = arith.constant 0 : i32
    %dma_wait3A_701 = tpu.memref_slice %arg4[%dma_wait3A_699, %dma_wait3A_700] : memref<10000x16xf32, #tpu.memory_space<hbm>> -> memref<10000x16xf32, #tpu.memory_space<hbm>>
    tpu.wait_indirect_dma semaphore(%arg18 : memref<!tpu.dma_semaphore, #tpu.memory_space<semaphore_mem>>) src(%dma_wait3A_701 : memref<10000x16xf32, #tpu.memory_space<hbm>>) dst(%dma_wait3A_695 : memref<1000x16xf32, #tpu.memory_space<vmem>>)
    %run_scoped3A_702 = arith.constant 1 : i32
    "tpu.region"() ({
      %run_scoped3A_843 = tpu.sem_alloc : memref<!tpu.dma_semaphore, #tpu.memory_space<semaphore_mem>>
      %dma_start3A_844 = arith.constant 0 : i32
      %dma_start3A_845 = arith.constant 0 : i32
      %dma_start3A_846 = tpu.memref_slice %arg12[%run_scoped3A_702, %dma_start3A_844, %dma_start3A_845] : memref<2x1000x16xf32, #tpu.memory_space<vmem>> -> memref<1x1000x16xf32, #tpu.memory_space<vmem>>
      %dma_start3A_847 = tpu.memref_squeeze %dma_start3A_846 : memref<1x1000x16xf32, #tpu.memory_space<vmem>> -> memref<1000x16xf32, #tpu.memory_space<vmem>>
      %dma_start3A_848 = arith.constant 0 : i32
      %dma_start3A_849 = tpu.memref_slice %arg7[%add3A_675, %dma_start3A_848] : memref<320000x16xf32, #tpu.memory_space<hbm>> -> memref<1000x16xf32, #tpu.memory_space<hbm>>
      %dma_start3A_850 = arith.constant 0 : i32
      %dma_start3A_851 = tpu.memref_slice %arg7[%add3A_675, %dma_start3A_850] : memref<320000x16xf32, #tpu.memory_space<hbm>> -> memref<1000x16xf32, #tpu.memory_space<hbm>>
      %dma_start3A_852 = arith.constant 0 : i32
      %dma_start3A_853 = arith.constant 0 : i32
      %dma_start3A_854 = tpu.memref_slice %arg12[%run_scoped3A_702, %dma_start3A_852, %dma_start3A_853] : memref<2x1000x16xf32, #tpu.memory_space<vmem>> -> memref<1x1000x16xf32, #tpu.memory_space<vmem>>
      %dma_start3A_855 = tpu.memref_squeeze %dma_start3A_854 : memref<1x1000x16xf32, #tpu.memory_space<vmem>> -> memref<1000x16xf32, #tpu.memory_space<vmem>>
      tpu.enqueue_dma source(%dma_start3A_855 : memref<1000x16xf32, #tpu.memory_space<vmem>>) target(%dma_start3A_851 : memref<1000x16xf32, #tpu.memory_space<hbm>>) target_semaphore(%run_scoped3A_843 : memref<!tpu.dma_semaphore, #tpu.memory_space<semaphore_mem>>)
      %dma_wait3A_856 = arith.constant 0 : i32
      %dma_wait3A_857 = arith.constant 0 : i32
      %dma_wait3A_858 = tpu.memref_slice %arg12[%run_scoped3A_702, %dma_wait3A_856, %dma_wait3A_857] : memref<2x1000x16xf32, #tpu.memory_space<vmem>> -> memref<1x1000x16xf32, #tpu.memory_space<vmem>>
      %dma_wait3A_859 = tpu.memref_squeeze %dma_wait3A_858 : memref<1x1000x16xf32, #tpu.memory_space<vmem>> -> memref<1000x16xf32, #tpu.memory_space<vmem>>
      %dma_wait3A_860 = arith.constant 0 : i32
      %dma_wait3A_861 = tpu.memref_slice %arg7[%add3A_675, %dma_wait3A_860] : memref<320000x16xf32, #tpu.memory_space<hbm>> -> memref<1000x16xf32, #tpu.memory_space<hbm>>
      %dma_wait3A_862 = arith.constant 0 : i32
      %dma_wait3A_863 = tpu.memref_slice %arg7[%add3A_675, %dma_wait3A_862] : memref<320000x16xf32, #tpu.memory_space<hbm>> -> memref<1000x16xf32, #tpu.memory_space<hbm>>
      %dma_wait3A_864 = arith.constant 0 : i32
      %dma_wait3A_865 = arith.constant 0 : i32
      %dma_wait3A_866 = tpu.memref_slice %arg12[%run_scoped3A_702, %dma_wait3A_864, %dma_wait3A_865] : memref<2x1000x16xf32, #tpu.memory_space<vmem>> -> memref<1x1000x16xf32, #tpu.memory_space<vmem>>
      %dma_wait3A_867 = tpu.memref_squeeze %dma_wait3A_866 : memref<1x1000x16xf32, #tpu.memory_space<vmem>> -> memref<1000x16xf32, #tpu.memory_space<vmem>>
      tpu.wait_dma2 semaphore(%run_scoped3A_843 : memref<!tpu.dma_semaphore, #tpu.memory_space<semaphore_mem>>) src(%dma_wait3A_867 : memref<1000x16xf32, #tpu.memory_space<vmem>>) dst(%dma_wait3A_863 : memref<1000x16xf32, #tpu.memory_space<hbm>>)
      tpu.yield
    }) : () -> ()
    %dma_wait3A_703 = arith.constant 1 : i32
    %dma_wait3A_704 = arith.constant 1 : i32
    %dma_wait3A_705 = arith.constant 0 : i32
    %dma_wait3A_706 = arith.constant 0 : i32
    %dma_wait3A_707 = tpu.memref_slice %arg13[%dma_wait3A_704, %dma_wait3A_705, %dma_wait3A_706] : memref<2x1000x16xf32, #tpu.memory_space<vmem>> -> memref<1x1000x16xf32, #tpu.memory_space<vmem>>
    %dma_wait3A_708 = tpu.memref_squeeze %dma_wait3A_707 : memref<1x1000x16xf32, #tpu.memory_space<vmem>> -> memref<1000x16xf32, #tpu.memory_space<vmem>>
    %dma_wait3A_709 = arith.constant 0 : i32
    %dma_wait3A_710 = tpu.memref_slice %arg10[%dma_wait3A_703, %dma_wait3A_709] : memref<2x1000xi32, #tpu.memory_space<vmem>> -> memref<1x1000xi32, #tpu.memory_space<vmem>>
    %dma_wait3A_711 = tpu.memref_squeeze %dma_wait3A_710 : memref<1x1000xi32, #tpu.memory_space<vmem>> -> memref<1000xi32, #tpu.memory_space<vmem>>
    %dma_wait3A_712 = arith.constant 0 : i32
    %dma_wait3A_713 = arith.constant 0 : i32
    %dma_wait3A_714 = tpu.memref_slice %arg4[%dma_wait3A_712, %dma_wait3A_713] : memref<10000x16xf32, #tpu.memory_space<hbm>> -> memref<10000x16xf32, #tpu.memory_space<hbm>>
    tpu.wait_indirect_dma semaphore(%arg20 : memref<!tpu.dma_semaphore, #tpu.memory_space<semaphore_mem>>) src(%dma_wait3A_714 : memref<10000x16xf32, #tpu.memory_space<hbm>>) dst(%dma_wait3A_708 : memref<1000x16xf32, #tpu.memory_space<vmem>>)
    %run_scoped3A_715 = arith.constant 1 : i32
    "tpu.region"() ({
      %run_scoped3A_843 = tpu.sem_alloc : memref<!tpu.dma_semaphore, #tpu.memory_space<semaphore_mem>>
      %dma_start3A_844 = arith.constant 0 : i32
      %dma_start3A_845 = arith.constant 0 : i32
      %dma_start3A_846 = tpu.memref_slice %arg13[%run_scoped3A_715, %dma_start3A_844, %dma_start3A_845] : memref<2x1000x16xf32, #tpu.memory_space<vmem>> -> memref<1x1000x16xf32, #tpu.memory_space<vmem>>
      %dma_start3A_847 = tpu.memref_squeeze %dma_start3A_846 : memref<1x1000x16xf32, #tpu.memory_space<vmem>> -> memref<1000x16xf32, #tpu.memory_space<vmem>>
      %dma_start3A_848 = arith.constant 0 : i32
      %dma_start3A_849 = tpu.memref_slice %arg8[%add3A_675, %dma_start3A_848] : memref<320000x16xf32, #tpu.memory_space<hbm>> -> memref<1000x16xf32, #tpu.memory_space<hbm>>
      %dma_start3A_850 = arith.constant 0 : i32
      %dma_start3A_851 = tpu.memref_slice %arg8[%add3A_675, %dma_start3A_850] : memref<320000x16xf32, #tpu.memory_space<hbm>> -> memref<1000x16xf32, #tpu.memory_space<hbm>>
      %dma_start3A_852 = arith.constant 0 : i32
      %dma_start3A_853 = arith.constant 0 : i32
      %dma_start3A_854 = tpu.memref_slice %arg13[%run_scoped3A_715, %dma_start3A_852, %dma_start3A_853] : memref<2x1000x16xf32, #tpu.memory_space<vmem>> -> memref<1x1000x16xf32, #tpu.memory_space<vmem>>
      %dma_start3A_855 = tpu.memref_squeeze %dma_start3A_854 : memref<1x1000x16xf32, #tpu.memory_space<vmem>> -> memref<1000x16xf32, #tpu.memory_space<vmem>>
      tpu.enqueue_dma source(%dma_start3A_855 : memref<1000x16xf32, #tpu.memory_space<vmem>>) target(%dma_start3A_851 : memref<1000x16xf32, #tpu.memory_space<hbm>>) target_semaphore(%run_scoped3A_843 : memref<!tpu.dma_semaphore, #tpu.memory_space<semaphore_mem>>)
      %dma_wait3A_856 = arith.constant 0 : i32
      %dma_wait3A_857 = arith.constant 0 : i32
      %dma_wait3A_858 = tpu.memref_slice %arg13[%run_scoped3A_715, %dma_wait3A_856, %dma_wait3A_857] : memref<2x1000x16xf32, #tpu.memory_space<vmem>> -> memref<1x1000x16xf32, #tpu.memory_space<vmem>>
      %dma_wait3A_859 = tpu.memref_squeeze %dma_wait3A_858 : memref<1x1000x16xf32, #tpu.memory_space<vmem>> -> memref<1000x16xf32, #tpu.memory_space<vmem>>
      %dma_wait3A_860 = arith.constant 0 : i32
      %dma_wait3A_861 = tpu.memref_slice %arg8[%add3A_675, %dma_wait3A_860] : memref<320000x16xf32, #tpu.memory_space<hbm>> -> memref<1000x16xf32, #tpu.memory_space<hbm>>
      %dma_wait3A_862 = arith.constant 0 : i32
      %dma_wait3A_863 = tpu.memref_slice %arg8[%add3A_675, %dma_wait3A_862] : memref<320000x16xf32, #tpu.memory_space<hbm>> -> memref<1000x16xf32, #tpu.memory_space<hbm>>
      %dma_wait3A_864 = arith.constant 0 : i32
      %dma_wait3A_865 = arith.constant 0 : i32
      %dma_wait3A_866 = tpu.memref_slice %arg13[%run_scoped3A_715, %dma_wait3A_864, %dma_wait3A_865] : memref<2x1000x16xf32, #tpu.memory_space<vmem>> -> memref<1x1000x16xf32, #tpu.memory_space<vmem>>
      %dma_wait3A_867 = tpu.memref_squeeze %dma_wait3A_866 : memref<1x1000x16xf32, #tpu.memory_space<vmem>> -> memref<1000x16xf32, #tpu.memory_space<vmem>>
      tpu.wait_dma2 semaphore(%run_scoped3A_843 : memref<!tpu.dma_semaphore, #tpu.memory_space<semaphore_mem>>) src(%dma_wait3A_867 : memref<1000x16xf32, #tpu.memory_space<vmem>>) dst(%dma_wait3A_863 : memref<1000x16xf32, #tpu.memory_space<hbm>>)
      tpu.yield
    }) : () -> ()
    %add3A_716 = arith.constant 9000 : i32
    %add3A_717 = arith.addi %mul3A_4, %add3A_716 : i32
    %run_scoped3A_718 = arith.constant 1 : i32
    "tpu.region"() ({
      %run_scoped3A_843 = tpu.sem_alloc : memref<!tpu.dma_semaphore, #tpu.memory_space<semaphore_mem>>
      %dma_start3A_844 = arith.constant 0 : i32
      %dma_start3A_845 = tpu.memref_slice %arg9[%run_scoped3A_718, %dma_start3A_844] : memref<2x1000xi32, #tpu.memory_space<vmem>> -> memref<1x1000xi32, #tpu.memory_space<vmem>>
      %dma_start3A_846 = tpu.memref_squeeze %dma_start3A_845 : memref<1x1000xi32, #tpu.memory_space<vmem>> -> memref<1000xi32, #tpu.memory_space<vmem>>
      %dma_start3A_847 = tpu.memref_slice %arg2[%add3A_717] : memref<640000xi32, #tpu.memory_space<hbm>> -> memref<1000xi32, #tpu.memory_space<hbm>>
      %dma_start3A_848 = arith.constant 0 : i32
      %dma_start3A_849 = tpu.memref_slice %arg9[%run_scoped3A_718, %dma_start3A_848] : memref<2x1000xi32, #tpu.memory_space<vmem>> -> memref<1x1000xi32, #tpu.memory_space<vmem>>
      %dma_start3A_850 = tpu.memref_squeeze %dma_start3A_849 : memref<1x1000xi32, #tpu.memory_space<vmem>> -> memref<1000xi32, #tpu.memory_space<vmem>>
      %dma_start3A_851 = tpu.memref_slice %arg2[%add3A_717] : memref<640000xi32, #tpu.memory_space<hbm>> -> memref<1000xi32, #tpu.memory_space<hbm>>
      tpu.enqueue_dma source(%dma_start3A_851 : memref<1000xi32, #tpu.memory_space<hbm>>) target(%dma_start3A_850 : memref<1000xi32, #tpu.memory_space<vmem>>) target_semaphore(%run_scoped3A_843 : memref<!tpu.dma_semaphore, #tpu.memory_space<semaphore_mem>>)
      %dma_wait3A_852 = arith.constant 0 : i32
      %dma_wait3A_853 = tpu.memref_slice %arg9[%run_scoped3A_718, %dma_wait3A_852] : memref<2x1000xi32, #tpu.memory_space<vmem>> -> memref<1x1000xi32, #tpu.memory_space<vmem>>
      %dma_wait3A_854 = tpu.memref_squeeze %dma_wait3A_853 : memref<1x1000xi32, #tpu.memory_space<vmem>> -> memref<1000xi32, #tpu.memory_space<vmem>>
      %dma_wait3A_855 = tpu.memref_slice %arg2[%add3A_717] : memref<640000xi32, #tpu.memory_space<hbm>> -> memref<1000xi32, #tpu.memory_space<hbm>>
      %dma_wait3A_856 = arith.constant 0 : i32
      %dma_wait3A_857 = tpu.memref_slice %arg9[%run_scoped3A_718, %dma_wait3A_856] : memref<2x1000xi32, #tpu.memory_space<vmem>> -> memref<1x1000xi32, #tpu.memory_space<vmem>>
      %dma_wait3A_858 = tpu.memref_squeeze %dma_wait3A_857 : memref<1x1000xi32, #tpu.memory_space<vmem>> -> memref<1000xi32, #tpu.memory_space<vmem>>
      %dma_wait3A_859 = tpu.memref_slice %arg2[%add3A_717] : memref<640000xi32, #tpu.memory_space<hbm>> -> memref<1000xi32, #tpu.memory_space<hbm>>
      tpu.wait_dma2 semaphore(%run_scoped3A_843 : memref<!tpu.dma_semaphore, #tpu.memory_space<semaphore_mem>>) src(%dma_wait3A_859 : memref<1000xi32, #tpu.memory_space<hbm>>) dst(%dma_wait3A_858 : memref<1000xi32, #tpu.memory_space<vmem>>)
      tpu.yield
    }) : () -> ()
    %add3A_719 = arith.constant 320000 : i32
    %add3A_720 = arith.addi %add3A_719, %add3A_717 : i32
    %run_scoped3A_721 = arith.constant 1 : i32
    "tpu.region"() ({
      %run_scoped3A_843 = tpu.sem_alloc : memref<!tpu.dma_semaphore, #tpu.memory_space<semaphore_mem>>
      %dma_start3A_844 = arith.constant 0 : i32
      %dma_start3A_845 = tpu.memref_slice %arg10[%run_scoped3A_721, %dma_start3A_844] : memref<2x1000xi32, #tpu.memory_space<vmem>> -> memref<1x1000xi32, #tpu.memory_space<vmem>>
      %dma_start3A_846 = tpu.memref_squeeze %dma_start3A_845 : memref<1x1000xi32, #tpu.memory_space<vmem>> -> memref<1000xi32, #tpu.memory_space<vmem>>
      %dma_start3A_847 = tpu.memref_slice %arg2[%add3A_720] : memref<640000xi32, #tpu.memory_space<hbm>> -> memref<1000xi32, #tpu.memory_space<hbm>>
      %dma_start3A_848 = arith.constant 0 : i32
      %dma_start3A_849 = tpu.memref_slice %arg10[%run_scoped3A_721, %dma_start3A_848] : memref<2x1000xi32, #tpu.memory_space<vmem>> -> memref<1x1000xi32, #tpu.memory_space<vmem>>
      %dma_start3A_850 = tpu.memref_squeeze %dma_start3A_849 : memref<1x1000xi32, #tpu.memory_space<vmem>> -> memref<1000xi32, #tpu.memory_space<vmem>>
      %dma_start3A_851 = tpu.memref_slice %arg2[%add3A_720] : memref<640000xi32, #tpu.memory_space<hbm>> -> memref<1000xi32, #tpu.memory_space<hbm>>
      tpu.enqueue_dma source(%dma_start3A_851 : memref<1000xi32, #tpu.memory_space<hbm>>) target(%dma_start3A_850 : memref<1000xi32, #tpu.memory_space<vmem>>) target_semaphore(%run_scoped3A_843 : memref<!tpu.dma_semaphore, #tpu.memory_space<semaphore_mem>>)
      %dma_wait3A_852 = arith.constant 0 : i32
      %dma_wait3A_853 = tpu.memref_slice %arg10[%run_scoped3A_721, %dma_wait3A_852] : memref<2x1000xi32, #tpu.memory_space<vmem>> -> memref<1x1000xi32, #tpu.memory_space<vmem>>
      %dma_wait3A_854 = tpu.memref_squeeze %dma_wait3A_853 : memref<1x1000xi32, #tpu.memory_space<vmem>> -> memref<1000xi32, #tpu.memory_space<vmem>>
      %dma_wait3A_855 = tpu.memref_slice %arg2[%add3A_720] : memref<640000xi32, #tpu.memory_space<hbm>> -> memref<1000xi32, #tpu.memory_space<hbm>>
      %dma_wait3A_856 = arith.constant 0 : i32
      %dma_wait3A_857 = tpu.memref_slice %arg10[%run_scoped3A_721, %dma_wait3A_856] : memref<2x1000xi32, #tpu.memory_space<vmem>> -> memref<1x1000xi32, #tpu.memory_space<vmem>>
      %dma_wait3A_858 = tpu.memref_squeeze %dma_wait3A_857 : memref<1x1000xi32, #tpu.memory_space<vmem>> -> memref<1000xi32, #tpu.memory_space<vmem>>
      %dma_wait3A_859 = tpu.memref_slice %arg2[%add3A_720] : memref<640000xi32, #tpu.memory_space<hbm>> -> memref<1000xi32, #tpu.memory_space<hbm>>
      tpu.wait_dma2 semaphore(%run_scoped3A_843 : memref<!tpu.dma_semaphore, #tpu.memory_space<semaphore_mem>>) src(%dma_wait3A_859 : memref<1000xi32, #tpu.memory_space<hbm>>) dst(%dma_wait3A_858 : memref<1000xi32, #tpu.memory_space<vmem>>)
      tpu.yield
    }) : () -> ()
    %dma_start3A_722 = arith.constant 1 : i32
    %dma_start3A_723 = arith.constant 1 : i32
    %dma_start3A_724 = arith.constant 0 : i32
    %dma_start3A_725 = arith.constant 0 : i32
    %dma_start3A_726 = tpu.memref_slice %arg11[%dma_start3A_723, %dma_start3A_724, %dma_start3A_725] : memref<2x1000x16xf32, #tpu.memory_space<vmem>> -> memref<1x1000x16xf32, #tpu.memory_space<vmem>>
    %dma_start3A_727 = tpu.memref_squeeze %dma_start3A_726 : memref<1x1000x16xf32, #tpu.memory_space<vmem>> -> memref<1000x16xf32, #tpu.memory_space<vmem>>
    %dma_start3A_728 = arith.constant 0 : i32
    %dma_start3A_729 = tpu.memref_slice %arg9[%dma_start3A_722, %dma_start3A_728] : memref<2x1000xi32, #tpu.memory_space<vmem>> -> memref<1x1000xi32, #tpu.memory_space<vmem>>
    %dma_start3A_730 = tpu.memref_squeeze %dma_start3A_729 : memref<1x1000xi32, #tpu.memory_space<vmem>> -> memref<1000xi32, #tpu.memory_space<vmem>>
    %dma_start3A_731 = arith.constant 0 : i32
    %dma_start3A_732 = arith.constant 0 : i32
    %dma_start3A_733 = tpu.memref_slice %arg3[%dma_start3A_731, %dma_start3A_732] : memref<10000x16xf32, #tpu.memory_space<hbm>> -> memref<10000x16xf32, #tpu.memory_space<hbm>>
    tpu.enqueue_indirect_dma source(%dma_start3A_733 : memref<10000x16xf32, #tpu.memory_space<hbm>>) target(%dma_start3A_727 : memref<1000x16xf32, #tpu.memory_space<vmem>>) offsets(%dma_start3A_730 : memref<1000xi32, #tpu.memory_space<vmem>>) semaphore(%arg16 : memref<!tpu.dma_semaphore, #tpu.memory_space<semaphore_mem>>)
    %dma_start3A_734 = arith.constant 1 : i32
    %dma_start3A_735 = arith.constant 1 : i32
    %dma_start3A_736 = arith.constant 0 : i32
    %dma_start3A_737 = arith.constant 0 : i32
    %dma_start3A_738 = tpu.memref_slice %arg12[%dma_start3A_735, %dma_start3A_736, %dma_start3A_737] : memref<2x1000x16xf32, #tpu.memory_space<vmem>> -> memref<1x1000x16xf32, #tpu.memory_space<vmem>>
    %dma_start3A_739 = tpu.memref_squeeze %dma_start3A_738 : memref<1x1000x16xf32, #tpu.memory_space<vmem>> -> memref<1000x16xf32, #tpu.memory_space<vmem>>
    %dma_start3A_740 = arith.constant 0 : i32
    %dma_start3A_741 = tpu.memref_slice %arg9[%dma_start3A_734, %dma_start3A_740] : memref<2x1000xi32, #tpu.memory_space<vmem>> -> memref<1x1000xi32, #tpu.memory_space<vmem>>
    %dma_start3A_742 = tpu.memref_squeeze %dma_start3A_741 : memref<1x1000xi32, #tpu.memory_space<vmem>> -> memref<1000xi32, #tpu.memory_space<vmem>>
    %dma_start3A_743 = arith.constant 0 : i32
    %dma_start3A_744 = arith.constant 0 : i32
    %dma_start3A_745 = tpu.memref_slice %arg4[%dma_start3A_743, %dma_start3A_744] : memref<10000x16xf32, #tpu.memory_space<hbm>> -> memref<10000x16xf32, #tpu.memory_space<hbm>>
    tpu.enqueue_indirect_dma source(%dma_start3A_745 : memref<10000x16xf32, #tpu.memory_space<hbm>>) target(%dma_start3A_739 : memref<1000x16xf32, #tpu.memory_space<vmem>>) offsets(%dma_start3A_742 : memref<1000xi32, #tpu.memory_space<vmem>>) semaphore(%arg18 : memref<!tpu.dma_semaphore, #tpu.memory_space<semaphore_mem>>)
    %dma_start3A_746 = arith.constant 1 : i32
    %dma_start3A_747 = arith.constant 1 : i32
    %dma_start3A_748 = arith.constant 0 : i32
    %dma_start3A_749 = arith.constant 0 : i32
    %dma_start3A_750 = tpu.memref_slice %arg13[%dma_start3A_747, %dma_start3A_748, %dma_start3A_749] : memref<2x1000x16xf32, #tpu.memory_space<vmem>> -> memref<1x1000x16xf32, #tpu.memory_space<vmem>>
    %dma_start3A_751 = tpu.memref_squeeze %dma_start3A_750 : memref<1x1000x16xf32, #tpu.memory_space<vmem>> -> memref<1000x16xf32, #tpu.memory_space<vmem>>
    %dma_start3A_752 = arith.constant 0 : i32
    %dma_start3A_753 = tpu.memref_slice %arg10[%dma_start3A_746, %dma_start3A_752] : memref<2x1000xi32, #tpu.memory_space<vmem>> -> memref<1x1000xi32, #tpu.memory_space<vmem>>
    %dma_start3A_754 = tpu.memref_squeeze %dma_start3A_753 : memref<1x1000xi32, #tpu.memory_space<vmem>> -> memref<1000xi32, #tpu.memory_space<vmem>>
    %dma_start3A_755 = arith.constant 0 : i32
    %dma_start3A_756 = arith.constant 0 : i32
    %dma_start3A_757 = tpu.memref_slice %arg4[%dma_start3A_755, %dma_start3A_756] : memref<10000x16xf32, #tpu.memory_space<hbm>> -> memref<10000x16xf32, #tpu.memory_space<hbm>>
    tpu.enqueue_indirect_dma source(%dma_start3A_757 : memref<10000x16xf32, #tpu.memory_space<hbm>>) target(%dma_start3A_751 : memref<1000x16xf32, #tpu.memory_space<vmem>>) offsets(%dma_start3A_754 : memref<1000xi32, #tpu.memory_space<vmem>>) semaphore(%arg20 : memref<!tpu.dma_semaphore, #tpu.memory_space<semaphore_mem>>)
    %add3A_758 = arith.constant 8000 : i32
    %add3A_759 = arith.addi %mul3A_4, %add3A_758 : i32
    %dma_wait3A_760 = arith.constant 0 : i32
    %dma_wait3A_761 = arith.constant 0 : i32
    %dma_wait3A_762 = arith.constant 0 : i32
    %dma_wait3A_763 = arith.constant 0 : i32
    %dma_wait3A_764 = tpu.memref_slice %arg11[%dma_wait3A_761, %dma_wait3A_762, %dma_wait3A_763] : memref<2x1000x16xf32, #tpu.memory_space<vmem>> -> memref<1x1000x16xf32, #tpu.memory_space<vmem>>
    %dma_wait3A_765 = tpu.memref_squeeze %dma_wait3A_764 : memref<1x1000x16xf32, #tpu.memory_space<vmem>> -> memref<1000x16xf32, #tpu.memory_space<vmem>>
    %dma_wait3A_766 = arith.constant 0 : i32
    %dma_wait3A_767 = tpu.memref_slice %arg9[%dma_wait3A_760, %dma_wait3A_766] : memref<2x1000xi32, #tpu.memory_space<vmem>> -> memref<1x1000xi32, #tpu.memory_space<vmem>>
    %dma_wait3A_768 = tpu.memref_squeeze %dma_wait3A_767 : memref<1x1000xi32, #tpu.memory_space<vmem>> -> memref<1000xi32, #tpu.memory_space<vmem>>
    %dma_wait3A_769 = arith.constant 0 : i32
    %dma_wait3A_770 = arith.constant 0 : i32
    %dma_wait3A_771 = tpu.memref_slice %arg3[%dma_wait3A_769, %dma_wait3A_770] : memref<10000x16xf32, #tpu.memory_space<hbm>> -> memref<10000x16xf32, #tpu.memory_space<hbm>>
    tpu.wait_indirect_dma semaphore(%arg15 : memref<!tpu.dma_semaphore, #tpu.memory_space<semaphore_mem>>) src(%dma_wait3A_771 : memref<10000x16xf32, #tpu.memory_space<hbm>>) dst(%dma_wait3A_765 : memref<1000x16xf32, #tpu.memory_space<vmem>>)
    %run_scoped3A_772 = arith.constant 0 : i32
    %run_scoped3A_773 = arith.constant 0 : i32
    "tpu.region"() ({
      %run_scoped3A_843 = tpu.sem_alloc : memref<!tpu.dma_semaphore, #tpu.memory_space<semaphore_mem>>
      %dma_start3A_844 = arith.constant 0 : i32
      %dma_start3A_845 = arith.constant 0 : i32
      %dma_start3A_846 = tpu.memref_slice %arg11[%run_scoped3A_772, %dma_start3A_844, %dma_start3A_845] : memref<2x1000x16xf32, #tpu.memory_space<vmem>> -> memref<1x1000x16xf32, #tpu.memory_space<vmem>>
      %dma_start3A_847 = tpu.memref_squeeze %dma_start3A_846 : memref<1x1000x16xf32, #tpu.memory_space<vmem>> -> memref<1000x16xf32, #tpu.memory_space<vmem>>
      %dma_start3A_848 = arith.constant 0 : i32
      %dma_start3A_849 = tpu.memref_slice %arg10[%run_scoped3A_773, %dma_start3A_848] : memref<2x1000xi32, #tpu.memory_space<vmem>> -> memref<1x1000xi32, #tpu.memory_space<vmem>>
      %dma_start3A_850 = tpu.memref_squeeze %dma_start3A_849 : memref<1x1000xi32, #tpu.memory_space<vmem>> -> memref<1000xi32, #tpu.memory_space<vmem>>
      %dma_start3A_851 = arith.constant 0 : i32
      %dma_start3A_852 = arith.constant 0 : i32
      %dma_start3A_853 = tpu.memref_slice %arg14[%dma_start3A_851, %dma_start3A_852] : memref<10000x16xf32, #tpu.memory_space<vmem_shared>> -> memref<10000x16xf32, #tpu.memory_space<vmem_shared>>
      tpu.enqueue_indirect_dma source(%dma_start3A_847 : memref<1000x16xf32, #tpu.memory_space<vmem>>) target(%dma_start3A_853 : memref<10000x16xf32, #tpu.memory_space<vmem_shared>>) offsets(%dma_start3A_850 : memref<1000xi32, #tpu.memory_space<vmem>>) semaphore(%run_scoped3A_843 : memref<!tpu.dma_semaphore, #tpu.memory_space<semaphore_mem>>) {add = true}
      %dma_wait3A_854 = arith.constant 0 : i32
      %dma_wait3A_855 = arith.constant 0 : i32
      %dma_wait3A_856 = tpu.memref_slice %arg11[%run_scoped3A_772, %dma_wait3A_854, %dma_wait3A_855] : memref<2x1000x16xf32, #tpu.memory_space<vmem>> -> memref<1x1000x16xf32, #tpu.memory_space<vmem>>
      %dma_wait3A_857 = tpu.memref_squeeze %dma_wait3A_856 : memref<1x1000x16xf32, #tpu.memory_space<vmem>> -> memref<1000x16xf32, #tpu.memory_space<vmem>>
      %dma_wait3A_858 = arith.constant 0 : i32
      %dma_wait3A_859 = tpu.memref_slice %arg10[%run_scoped3A_773, %dma_wait3A_858] : memref<2x1000xi32, #tpu.memory_space<vmem>> -> memref<1x1000xi32, #tpu.memory_space<vmem>>
      %dma_wait3A_860 = tpu.memref_squeeze %dma_wait3A_859 : memref<1x1000xi32, #tpu.memory_space<vmem>> -> memref<1000xi32, #tpu.memory_space<vmem>>
      %dma_wait3A_861 = arith.constant 0 : i32
      %dma_wait3A_862 = arith.constant 0 : i32
      %dma_wait3A_863 = tpu.memref_slice %arg14[%dma_wait3A_861, %dma_wait3A_862] : memref<10000x16xf32, #tpu.memory_space<vmem_shared>> -> memref<10000x16xf32, #tpu.memory_space<vmem_shared>>
      tpu.wait_indirect_dma semaphore(%run_scoped3A_843 : memref<!tpu.dma_semaphore, #tpu.memory_space<semaphore_mem>>) src(%dma_wait3A_857 : memref<1000x16xf32, #tpu.memory_space<vmem>>) dst(%dma_wait3A_863 : memref<10000x16xf32, #tpu.memory_space<vmem_shared>>)
      tpu.yield
    }) : () -> ()
    %dma_wait3A_774 = arith.constant 0 : i32
    %dma_wait3A_775 = arith.constant 0 : i32
    %dma_wait3A_776 = arith.constant 0 : i32
    %dma_wait3A_777 = arith.constant 0 : i32
    %dma_wait3A_778 = tpu.memref_slice %arg12[%dma_wait3A_775, %dma_wait3A_776, %dma_wait3A_777] : memref<2x1000x16xf32, #tpu.memory_space<vmem>> -> memref<1x1000x16xf32, #tpu.memory_space<vmem>>
    %dma_wait3A_779 = tpu.memref_squeeze %dma_wait3A_778 : memref<1x1000x16xf32, #tpu.memory_space<vmem>> -> memref<1000x16xf32, #tpu.memory_space<vmem>>
    %dma_wait3A_780 = arith.constant 0 : i32
    %dma_wait3A_781 = tpu.memref_slice %arg9[%dma_wait3A_774, %dma_wait3A_780] : memref<2x1000xi32, #tpu.memory_space<vmem>> -> memref<1x1000xi32, #tpu.memory_space<vmem>>
    %dma_wait3A_782 = tpu.memref_squeeze %dma_wait3A_781 : memref<1x1000xi32, #tpu.memory_space<vmem>> -> memref<1000xi32, #tpu.memory_space<vmem>>
    %dma_wait3A_783 = arith.constant 0 : i32
    %dma_wait3A_784 = arith.constant 0 : i32
    %dma_wait3A_785 = tpu.memref_slice %arg4[%dma_wait3A_783, %dma_wait3A_784] : memref<10000x16xf32, #tpu.memory_space<hbm>> -> memref<10000x16xf32, #tpu.memory_space<hbm>>
    tpu.wait_indirect_dma semaphore(%arg17 : memref<!tpu.dma_semaphore, #tpu.memory_space<semaphore_mem>>) src(%dma_wait3A_785 : memref<10000x16xf32, #tpu.memory_space<hbm>>) dst(%dma_wait3A_779 : memref<1000x16xf32, #tpu.memory_space<vmem>>)
    %run_scoped3A_786 = arith.constant 0 : i32
    "tpu.region"() ({
      %run_scoped3A_843 = tpu.sem_alloc : memref<!tpu.dma_semaphore, #tpu.memory_space<semaphore_mem>>
      %dma_start3A_844 = arith.constant 0 : i32
      %dma_start3A_845 = arith.constant 0 : i32
      %dma_start3A_846 = tpu.memref_slice %arg12[%run_scoped3A_786, %dma_start3A_844, %dma_start3A_845] : memref<2x1000x16xf32, #tpu.memory_space<vmem>> -> memref<1x1000x16xf32, #tpu.memory_space<vmem>>
      %dma_start3A_847 = tpu.memref_squeeze %dma_start3A_846 : memref<1x1000x16xf32, #tpu.memory_space<vmem>> -> memref<1000x16xf32, #tpu.memory_space<vmem>>
      %dma_start3A_848 = arith.constant 0 : i32
      %dma_start3A_849 = tpu.memref_slice %arg7[%add3A_759, %dma_start3A_848] : memref<320000x16xf32, #tpu.memory_space<hbm>> -> memref<1000x16xf32, #tpu.memory_space<hbm>>
      %dma_start3A_850 = arith.constant 0 : i32
      %dma_start3A_851 = tpu.memref_slice %arg7[%add3A_759, %dma_start3A_850] : memref<320000x16xf32, #tpu.memory_space<hbm>> -> memref<1000x16xf32, #tpu.memory_space<hbm>>
      %dma_start3A_852 = arith.constant 0 : i32
      %dma_start3A_853 = arith.constant 0 : i32
      %dma_start3A_854 = tpu.memref_slice %arg12[%run_scoped3A_786, %dma_start3A_852, %dma_start3A_853] : memref<2x1000x16xf32, #tpu.memory_space<vmem>> -> memref<1x1000x16xf32, #tpu.memory_space<vmem>>
      %dma_start3A_855 = tpu.memref_squeeze %dma_start3A_854 : memref<1x1000x16xf32, #tpu.memory_space<vmem>> -> memref<1000x16xf32, #tpu.memory_space<vmem>>
      tpu.enqueue_dma source(%dma_start3A_855 : memref<1000x16xf32, #tpu.memory_space<vmem>>) target(%dma_start3A_851 : memref<1000x16xf32, #tpu.memory_space<hbm>>) target_semaphore(%run_scoped3A_843 : memref<!tpu.dma_semaphore, #tpu.memory_space<semaphore_mem>>)
      %dma_wait3A_856 = arith.constant 0 : i32
      %dma_wait3A_857 = arith.constant 0 : i32
      %dma_wait3A_858 = tpu.memref_slice %arg12[%run_scoped3A_786, %dma_wait3A_856, %dma_wait3A_857] : memref<2x1000x16xf32, #tpu.memory_space<vmem>> -> memref<1x1000x16xf32, #tpu.memory_space<vmem>>
      %dma_wait3A_859 = tpu.memref_squeeze %dma_wait3A_858 : memref<1x1000x16xf32, #tpu.memory_space<vmem>> -> memref<1000x16xf32, #tpu.memory_space<vmem>>
      %dma_wait3A_860 = arith.constant 0 : i32
      %dma_wait3A_861 = tpu.memref_slice %arg7[%add3A_759, %dma_wait3A_860] : memref<320000x16xf32, #tpu.memory_space<hbm>> -> memref<1000x16xf32, #tpu.memory_space<hbm>>
      %dma_wait3A_862 = arith.constant 0 : i32
      %dma_wait3A_863 = tpu.memref_slice %arg7[%add3A_759, %dma_wait3A_862] : memref<320000x16xf32, #tpu.memory_space<hbm>> -> memref<1000x16xf32, #tpu.memory_space<hbm>>
      %dma_wait3A_864 = arith.constant 0 : i32
      %dma_wait3A_865 = arith.constant 0 : i32
      %dma_wait3A_866 = tpu.memref_slice %arg12[%run_scoped3A_786, %dma_wait3A_864, %dma_wait3A_865] : memref<2x1000x16xf32, #tpu.memory_space<vmem>> -> memref<1x1000x16xf32, #tpu.memory_space<vmem>>
      %dma_wait3A_867 = tpu.memref_squeeze %dma_wait3A_866 : memref<1x1000x16xf32, #tpu.memory_space<vmem>> -> memref<1000x16xf32, #tpu.memory_space<vmem>>
      tpu.wait_dma2 semaphore(%run_scoped3A_843 : memref<!tpu.dma_semaphore, #tpu.memory_space<semaphore_mem>>) src(%dma_wait3A_867 : memref<1000x16xf32, #tpu.memory_space<vmem>>) dst(%dma_wait3A_863 : memref<1000x16xf32, #tpu.memory_space<hbm>>)
      tpu.yield
    }) : () -> ()
    %dma_wait3A_787 = arith.constant 0 : i32
    %dma_wait3A_788 = arith.constant 0 : i32
    %dma_wait3A_789 = arith.constant 0 : i32
    %dma_wait3A_790 = arith.constant 0 : i32
    %dma_wait3A_791 = tpu.memref_slice %arg13[%dma_wait3A_788, %dma_wait3A_789, %dma_wait3A_790] : memref<2x1000x16xf32, #tpu.memory_space<vmem>> -> memref<1x1000x16xf32, #tpu.memory_space<vmem>>
    %dma_wait3A_792 = tpu.memref_squeeze %dma_wait3A_791 : memref<1x1000x16xf32, #tpu.memory_space<vmem>> -> memref<1000x16xf32, #tpu.memory_space<vmem>>
    %dma_wait3A_793 = arith.constant 0 : i32
    %dma_wait3A_794 = tpu.memref_slice %arg10[%dma_wait3A_787, %dma_wait3A_793] : memref<2x1000xi32, #tpu.memory_space<vmem>> -> memref<1x1000xi32, #tpu.memory_space<vmem>>
    %dma_wait3A_795 = tpu.memref_squeeze %dma_wait3A_794 : memref<1x1000xi32, #tpu.memory_space<vmem>> -> memref<1000xi32, #tpu.memory_space<vmem>>
    %dma_wait3A_796 = arith.constant 0 : i32
    %dma_wait3A_797 = arith.constant 0 : i32
    %dma_wait3A_798 = tpu.memref_slice %arg4[%dma_wait3A_796, %dma_wait3A_797] : memref<10000x16xf32, #tpu.memory_space<hbm>> -> memref<10000x16xf32, #tpu.memory_space<hbm>>
    tpu.wait_indirect_dma semaphore(%arg19 : memref<!tpu.dma_semaphore, #tpu.memory_space<semaphore_mem>>) src(%dma_wait3A_798 : memref<10000x16xf32, #tpu.memory_space<hbm>>) dst(%dma_wait3A_792 : memref<1000x16xf32, #tpu.memory_space<vmem>>)
    %run_scoped3A_799 = arith.constant 0 : i32
    "tpu.region"() ({
      %run_scoped3A_843 = tpu.sem_alloc : memref<!tpu.dma_semaphore, #tpu.memory_space<semaphore_mem>>
      %dma_start3A_844 = arith.constant 0 : i32
      %dma_start3A_845 = arith.constant 0 : i32
      %dma_start3A_846 = tpu.memref_slice %arg13[%run_scoped3A_799, %dma_start3A_844, %dma_start3A_845] : memref<2x1000x16xf32, #tpu.memory_space<vmem>> -> memref<1x1000x16xf32, #tpu.memory_space<vmem>>
      %dma_start3A_847 = tpu.memref_squeeze %dma_start3A_846 : memref<1x1000x16xf32, #tpu.memory_space<vmem>> -> memref<1000x16xf32, #tpu.memory_space<vmem>>
      %dma_start3A_848 = arith.constant 0 : i32
      %dma_start3A_849 = tpu.memref_slice %arg8[%add3A_759, %dma_start3A_848] : memref<320000x16xf32, #tpu.memory_space<hbm>> -> memref<1000x16xf32, #tpu.memory_space<hbm>>
      %dma_start3A_850 = arith.constant 0 : i32
      %dma_start3A_851 = tpu.memref_slice %arg8[%add3A_759, %dma_start3A_850] : memref<320000x16xf32, #tpu.memory_space<hbm>> -> memref<1000x16xf32, #tpu.memory_space<hbm>>
      %dma_start3A_852 = arith.constant 0 : i32
      %dma_start3A_853 = arith.constant 0 : i32
      %dma_start3A_854 = tpu.memref_slice %arg13[%run_scoped3A_799, %dma_start3A_852, %dma_start3A_853] : memref<2x1000x16xf32, #tpu.memory_space<vmem>> -> memref<1x1000x16xf32, #tpu.memory_space<vmem>>
      %dma_start3A_855 = tpu.memref_squeeze %dma_start3A_854 : memref<1x1000x16xf32, #tpu.memory_space<vmem>> -> memref<1000x16xf32, #tpu.memory_space<vmem>>
      tpu.enqueue_dma source(%dma_start3A_855 : memref<1000x16xf32, #tpu.memory_space<vmem>>) target(%dma_start3A_851 : memref<1000x16xf32, #tpu.memory_space<hbm>>) target_semaphore(%run_scoped3A_843 : memref<!tpu.dma_semaphore, #tpu.memory_space<semaphore_mem>>)
      %dma_wait3A_856 = arith.constant 0 : i32
      %dma_wait3A_857 = arith.constant 0 : i32
      %dma_wait3A_858 = tpu.memref_slice %arg13[%run_scoped3A_799, %dma_wait3A_856, %dma_wait3A_857] : memref<2x1000x16xf32, #tpu.memory_space<vmem>> -> memref<1x1000x16xf32, #tpu.memory_space<vmem>>
      %dma_wait3A_859 = tpu.memref_squeeze %dma_wait3A_858 : memref<1x1000x16xf32, #tpu.memory_space<vmem>> -> memref<1000x16xf32, #tpu.memory_space<vmem>>
      %dma_wait3A_860 = arith.constant 0 : i32
      %dma_wait3A_861 = tpu.memref_slice %arg8[%add3A_759, %dma_wait3A_860] : memref<320000x16xf32, #tpu.memory_space<hbm>> -> memref<1000x16xf32, #tpu.memory_space<hbm>>
      %dma_wait3A_862 = arith.constant 0 : i32
      %dma_wait3A_863 = tpu.memref_slice %arg8[%add3A_759, %dma_wait3A_862] : memref<320000x16xf32, #tpu.memory_space<hbm>> -> memref<1000x16xf32, #tpu.memory_space<hbm>>
      %dma_wait3A_864 = arith.constant 0 : i32
      %dma_wait3A_865 = arith.constant 0 : i32
      %dma_wait3A_866 = tpu.memref_slice %arg13[%run_scoped3A_799, %dma_wait3A_864, %dma_wait3A_865] : memref<2x1000x16xf32, #tpu.memory_space<vmem>> -> memref<1x1000x16xf32, #tpu.memory_space<vmem>>
      %dma_wait3A_867 = tpu.memref_squeeze %dma_wait3A_866 : memref<1x1000x16xf32, #tpu.memory_space<vmem>> -> memref<1000x16xf32, #tpu.memory_space<vmem>>
      tpu.wait_dma2 semaphore(%run_scoped3A_843 : memref<!tpu.dma_semaphore, #tpu.memory_space<semaphore_mem>>) src(%dma_wait3A_867 : memref<1000x16xf32, #tpu.memory_space<vmem>>) dst(%dma_wait3A_863 : memref<1000x16xf32, #tpu.memory_space<hbm>>)
      tpu.yield
    }) : () -> ()
    %add3A_800 = arith.constant 9000 : i32
    %add3A_801 = arith.addi %mul3A_4, %add3A_800 : i32
    %dma_wait3A_802 = arith.constant 1 : i32
    %dma_wait3A_803 = arith.constant 1 : i32
    %dma_wait3A_804 = arith.constant 0 : i32
    %dma_wait3A_805 = arith.constant 0 : i32
    %dma_wait3A_806 = tpu.memref_slice %arg11[%dma_wait3A_803, %dma_wait3A_804, %dma_wait3A_805] : memref<2x1000x16xf32, #tpu.memory_space<vmem>> -> memref<1x1000x16xf32, #tpu.memory_space<vmem>>
    %dma_wait3A_807 = tpu.memref_squeeze %dma_wait3A_806 : memref<1x1000x16xf32, #tpu.memory_space<vmem>> -> memref<1000x16xf32, #tpu.memory_space<vmem>>
    %dma_wait3A_808 = arith.constant 0 : i32
    %dma_wait3A_809 = tpu.memref_slice %arg9[%dma_wait3A_802, %dma_wait3A_808] : memref<2x1000xi32, #tpu.memory_space<vmem>> -> memref<1x1000xi32, #tpu.memory_space<vmem>>
    %dma_wait3A_810 = tpu.memref_squeeze %dma_wait3A_809 : memref<1x1000xi32, #tpu.memory_space<vmem>> -> memref<1000xi32, #tpu.memory_space<vmem>>
    %dma_wait3A_811 = arith.constant 0 : i32
    %dma_wait3A_812 = arith.constant 0 : i32
    %dma_wait3A_813 = tpu.memref_slice %arg3[%dma_wait3A_811, %dma_wait3A_812] : memref<10000x16xf32, #tpu.memory_space<hbm>> -> memref<10000x16xf32, #tpu.memory_space<hbm>>
    tpu.wait_indirect_dma semaphore(%arg16 : memref<!tpu.dma_semaphore, #tpu.memory_space<semaphore_mem>>) src(%dma_wait3A_813 : memref<10000x16xf32, #tpu.memory_space<hbm>>) dst(%dma_wait3A_807 : memref<1000x16xf32, #tpu.memory_space<vmem>>)
    %run_scoped3A_814 = arith.constant 1 : i32
    %run_scoped3A_815 = arith.constant 1 : i32
    "tpu.region"() ({
      %run_scoped3A_843 = tpu.sem_alloc : memref<!tpu.dma_semaphore, #tpu.memory_space<semaphore_mem>>
      %dma_start3A_844 = arith.constant 0 : i32
      %dma_start3A_845 = arith.constant 0 : i32
      %dma_start3A_846 = tpu.memref_slice %arg11[%run_scoped3A_814, %dma_start3A_844, %dma_start3A_845] : memref<2x1000x16xf32, #tpu.memory_space<vmem>> -> memref<1x1000x16xf32, #tpu.memory_space<vmem>>
      %dma_start3A_847 = tpu.memref_squeeze %dma_start3A_846 : memref<1x1000x16xf32, #tpu.memory_space<vmem>> -> memref<1000x16xf32, #tpu.memory_space<vmem>>
      %dma_start3A_848 = arith.constant 0 : i32
      %dma_start3A_849 = tpu.memref_slice %arg10[%run_scoped3A_815, %dma_start3A_848] : memref<2x1000xi32, #tpu.memory_space<vmem>> -> memref<1x1000xi32, #tpu.memory_space<vmem>>
      %dma_start3A_850 = tpu.memref_squeeze %dma_start3A_849 : memref<1x1000xi32, #tpu.memory_space<vmem>> -> memref<1000xi32, #tpu.memory_space<vmem>>
      %dma_start3A_851 = arith.constant 0 : i32
      %dma_start3A_852 = arith.constant 0 : i32
      %dma_start3A_853 = tpu.memref_slice %arg14[%dma_start3A_851, %dma_start3A_852] : memref<10000x16xf32, #tpu.memory_space<vmem_shared>> -> memref<10000x16xf32, #tpu.memory_space<vmem_shared>>
      tpu.enqueue_indirect_dma source(%dma_start3A_847 : memref<1000x16xf32, #tpu.memory_space<vmem>>) target(%dma_start3A_853 : memref<10000x16xf32, #tpu.memory_space<vmem_shared>>) offsets(%dma_start3A_850 : memref<1000xi32, #tpu.memory_space<vmem>>) semaphore(%run_scoped3A_843 : memref<!tpu.dma_semaphore, #tpu.memory_space<semaphore_mem>>) {add = true}
      %dma_wait3A_854 = arith.constant 0 : i32
      %dma_wait3A_855 = arith.constant 0 : i32
      %dma_wait3A_856 = tpu.memref_slice %arg11[%run_scoped3A_814, %dma_wait3A_854, %dma_wait3A_855] : memref<2x1000x16xf32, #tpu.memory_space<vmem>> -> memref<1x1000x16xf32, #tpu.memory_space<vmem>>
      %dma_wait3A_857 = tpu.memref_squeeze %dma_wait3A_856 : memref<1x1000x16xf32, #tpu.memory_space<vmem>> -> memref<1000x16xf32, #tpu.memory_space<vmem>>
      %dma_wait3A_858 = arith.constant 0 : i32
      %dma_wait3A_859 = tpu.memref_slice %arg10[%run_scoped3A_815, %dma_wait3A_858] : memref<2x1000xi32, #tpu.memory_space<vmem>> -> memref<1x1000xi32, #tpu.memory_space<vmem>>
      %dma_wait3A_860 = tpu.memref_squeeze %dma_wait3A_859 : memref<1x1000xi32, #tpu.memory_space<vmem>> -> memref<1000xi32, #tpu.memory_space<vmem>>
      %dma_wait3A_861 = arith.constant 0 : i32
      %dma_wait3A_862 = arith.constant 0 : i32
      %dma_wait3A_863 = tpu.memref_slice %arg14[%dma_wait3A_861, %dma_wait3A_862] : memref<10000x16xf32, #tpu.memory_space<vmem_shared>> -> memref<10000x16xf32, #tpu.memory_space<vmem_shared>>
      tpu.wait_indirect_dma semaphore(%run_scoped3A_843 : memref<!tpu.dma_semaphore, #tpu.memory_space<semaphore_mem>>) src(%dma_wait3A_857 : memref<1000x16xf32, #tpu.memory_space<vmem>>) dst(%dma_wait3A_863 : memref<10000x16xf32, #tpu.memory_space<vmem_shared>>)
      tpu.yield
    }) : () -> ()
    %dma_wait3A_816 = arith.constant 1 : i32
    %dma_wait3A_817 = arith.constant 1 : i32
    %dma_wait3A_818 = arith.constant 0 : i32
    %dma_wait3A_819 = arith.constant 0 : i32
    %dma_wait3A_820 = tpu.memref_slice %arg12[%dma_wait3A_817, %dma_wait3A_818, %dma_wait3A_819] : memref<2x1000x16xf32, #tpu.memory_space<vmem>> -> memref<1x1000x16xf32, #tpu.memory_space<vmem>>
    %dma_wait3A_821 = tpu.memref_squeeze %dma_wait3A_820 : memref<1x1000x16xf32, #tpu.memory_space<vmem>> -> memref<1000x16xf32, #tpu.memory_space<vmem>>
    %dma_wait3A_822 = arith.constant 0 : i32
    %dma_wait3A_823 = tpu.memref_slice %arg9[%dma_wait3A_816, %dma_wait3A_822] : memref<2x1000xi32, #tpu.memory_space<vmem>> -> memref<1x1000xi32, #tpu.memory_space<vmem>>
    %dma_wait3A_824 = tpu.memref_squeeze %dma_wait3A_823 : memref<1x1000xi32, #tpu.memory_space<vmem>> -> memref<1000xi32, #tpu.memory_space<vmem>>
    %dma_wait3A_825 = arith.constant 0 : i32
    %dma_wait3A_826 = arith.constant 0 : i32
    %dma_wait3A_827 = tpu.memref_slice %arg4[%dma_wait3A_825, %dma_wait3A_826] : memref<10000x16xf32, #tpu.memory_space<hbm>> -> memref<10000x16xf32, #tpu.memory_space<hbm>>
    tpu.wait_indirect_dma semaphore(%arg18 : memref<!tpu.dma_semaphore, #tpu.memory_space<semaphore_mem>>) src(%dma_wait3A_827 : memref<10000x16xf32, #tpu.memory_space<hbm>>) dst(%dma_wait3A_821 : memref<1000x16xf32, #tpu.memory_space<vmem>>)
    %run_scoped3A_828 = arith.constant 1 : i32
    "tpu.region"() ({
      %run_scoped3A_843 = tpu.sem_alloc : memref<!tpu.dma_semaphore, #tpu.memory_space<semaphore_mem>>
      %dma_start3A_844 = arith.constant 0 : i32
      %dma_start3A_845 = arith.constant 0 : i32
      %dma_start3A_846 = tpu.memref_slice %arg12[%run_scoped3A_828, %dma_start3A_844, %dma_start3A_845] : memref<2x1000x16xf32, #tpu.memory_space<vmem>> -> memref<1x1000x16xf32, #tpu.memory_space<vmem>>
      %dma_start3A_847 = tpu.memref_squeeze %dma_start3A_846 : memref<1x1000x16xf32, #tpu.memory_space<vmem>> -> memref<1000x16xf32, #tpu.memory_space<vmem>>
      %dma_start3A_848 = arith.constant 0 : i32
      %dma_start3A_849 = tpu.memref_slice %arg7[%add3A_801, %dma_start3A_848] : memref<320000x16xf32, #tpu.memory_space<hbm>> -> memref<1000x16xf32, #tpu.memory_space<hbm>>
      %dma_start3A_850 = arith.constant 0 : i32
      %dma_start3A_851 = tpu.memref_slice %arg7[%add3A_801, %dma_start3A_850] : memref<320000x16xf32, #tpu.memory_space<hbm>> -> memref<1000x16xf32, #tpu.memory_space<hbm>>
      %dma_start3A_852 = arith.constant 0 : i32
      %dma_start3A_853 = arith.constant 0 : i32
      %dma_start3A_854 = tpu.memref_slice %arg12[%run_scoped3A_828, %dma_start3A_852, %dma_start3A_853] : memref<2x1000x16xf32, #tpu.memory_space<vmem>> -> memref<1x1000x16xf32, #tpu.memory_space<vmem>>
      %dma_start3A_855 = tpu.memref_squeeze %dma_start3A_854 : memref<1x1000x16xf32, #tpu.memory_space<vmem>> -> memref<1000x16xf32, #tpu.memory_space<vmem>>
      tpu.enqueue_dma source(%dma_start3A_855 : memref<1000x16xf32, #tpu.memory_space<vmem>>) target(%dma_start3A_851 : memref<1000x16xf32, #tpu.memory_space<hbm>>) target_semaphore(%run_scoped3A_843 : memref<!tpu.dma_semaphore, #tpu.memory_space<semaphore_mem>>)
      %dma_wait3A_856 = arith.constant 0 : i32
      %dma_wait3A_857 = arith.constant 0 : i32
      %dma_wait3A_858 = tpu.memref_slice %arg12[%run_scoped3A_828, %dma_wait3A_856, %dma_wait3A_857] : memref<2x1000x16xf32, #tpu.memory_space<vmem>> -> memref<1x1000x16xf32, #tpu.memory_space<vmem>>
      %dma_wait3A_859 = tpu.memref_squeeze %dma_wait3A_858 : memref<1x1000x16xf32, #tpu.memory_space<vmem>> -> memref<1000x16xf32, #tpu.memory_space<vmem>>
      %dma_wait3A_860 = arith.constant 0 : i32
      %dma_wait3A_861 = tpu.memref_slice %arg7[%add3A_801, %dma_wait3A_860] : memref<320000x16xf32, #tpu.memory_space<hbm>> -> memref<1000x16xf32, #tpu.memory_space<hbm>>
      %dma_wait3A_862 = arith.constant 0 : i32
      %dma_wait3A_863 = tpu.memref_slice %arg7[%add3A_801, %dma_wait3A_862] : memref<320000x16xf32, #tpu.memory_space<hbm>> -> memref<1000x16xf32, #tpu.memory_space<hbm>>
      %dma_wait3A_864 = arith.constant 0 : i32
      %dma_wait3A_865 = arith.constant 0 : i32
      %dma_wait3A_866 = tpu.memref_slice %arg12[%run_scoped3A_828, %dma_wait3A_864, %dma_wait3A_865] : memref<2x1000x16xf32, #tpu.memory_space<vmem>> -> memref<1x1000x16xf32, #tpu.memory_space<vmem>>
      %dma_wait3A_867 = tpu.memref_squeeze %dma_wait3A_866 : memref<1x1000x16xf32, #tpu.memory_space<vmem>> -> memref<1000x16xf32, #tpu.memory_space<vmem>>
      tpu.wait_dma2 semaphore(%run_scoped3A_843 : memref<!tpu.dma_semaphore, #tpu.memory_space<semaphore_mem>>) src(%dma_wait3A_867 : memref<1000x16xf32, #tpu.memory_space<vmem>>) dst(%dma_wait3A_863 : memref<1000x16xf32, #tpu.memory_space<hbm>>)
      tpu.yield
    }) : () -> ()
    %dma_wait3A_829 = arith.constant 1 : i32
    %dma_wait3A_830 = arith.constant 1 : i32
    %dma_wait3A_831 = arith.constant 0 : i32
    %dma_wait3A_832 = arith.constant 0 : i32
    %dma_wait3A_833 = tpu.memref_slice %arg13[%dma_wait3A_830, %dma_wait3A_831, %dma_wait3A_832] : memref<2x1000x16xf32, #tpu.memory_space<vmem>> -> memref<1x1000x16xf32, #tpu.memory_space<vmem>>
    %dma_wait3A_834 = tpu.memref_squeeze %dma_wait3A_833 : memref<1x1000x16xf32, #tpu.memory_space<vmem>> -> memref<1000x16xf32, #tpu.memory_space<vmem>>
    %dma_wait3A_835 = arith.constant 0 : i32
    %dma_wait3A_836 = tpu.memref_slice %arg10[%dma_wait3A_829, %dma_wait3A_835] : memref<2x1000xi32, #tpu.memory_space<vmem>> -> memref<1x1000xi32, #tpu.memory_space<vmem>>
    %dma_wait3A_837 = tpu.memref_squeeze %dma_wait3A_836 : memref<1x1000xi32, #tpu.memory_space<vmem>> -> memref<1000xi32, #tpu.memory_space<vmem>>
    %dma_wait3A_838 = arith.constant 0 : i32
    %dma_wait3A_839 = arith.constant 0 : i32
    %dma_wait3A_840 = tpu.memref_slice %arg4[%dma_wait3A_838, %dma_wait3A_839] : memref<10000x16xf32, #tpu.memory_space<hbm>> -> memref<10000x16xf32, #tpu.memory_space<hbm>>
    tpu.wait_indirect_dma semaphore(%arg20 : memref<!tpu.dma_semaphore, #tpu.memory_space<semaphore_mem>>) src(%dma_wait3A_840 : memref<10000x16xf32, #tpu.memory_space<hbm>>) dst(%dma_wait3A_834 : memref<1000x16xf32, #tpu.memory_space<vmem>>)
    %run_scoped3A_841 = arith.constant 1 : i32
    "tpu.region"() ({
      %run_scoped3A_843 = tpu.sem_alloc : memref<!tpu.dma_semaphore, #tpu.memory_space<semaphore_mem>>
      %dma_start3A_844 = arith.constant 0 : i32
      %dma_start3A_845 = arith.constant 0 : i32
      %dma_start3A_846 = tpu.memref_slice %arg13[%run_scoped3A_841, %dma_start3A_844, %dma_start3A_845] : memref<2x1000x16xf32, #tpu.memory_space<vmem>> -> memref<1x1000x16xf32, #tpu.memory_space<vmem>>
      %dma_start3A_847 = tpu.memref_squeeze %dma_start3A_846 : memref<1x1000x16xf32, #tpu.memory_space<vmem>> -> memref<1000x16xf32, #tpu.memory_space<vmem>>
      %dma_start3A_848 = arith.constant 0 : i32
      %dma_start3A_849 = tpu.memref_slice %arg8[%add3A_801, %dma_start3A_848] : memref<320000x16xf32, #tpu.memory_space<hbm>> -> memref<1000x16xf32, #tpu.memory_space<hbm>>
      %dma_start3A_850 = arith.constant 0 : i32
      %dma_start3A_851 = tpu.memref_slice %arg8[%add3A_801, %dma_start3A_850] : memref<320000x16xf32, #tpu.memory_space<hbm>> -> memref<1000x16xf32, #tpu.memory_space<hbm>>
      %dma_start3A_852 = arith.constant 0 : i32
      %dma_start3A_853 = arith.constant 0 : i32
      %dma_start3A_854 = tpu.memref_slice %arg13[%run_scoped3A_841, %dma_start3A_852, %dma_start3A_853] : memref<2x1000x16xf32, #tpu.memory_space<vmem>> -> memref<1x1000x16xf32, #tpu.memory_space<vmem>>
      %dma_start3A_855 = tpu.memref_squeeze %dma_start3A_854 : memref<1x1000x16xf32, #tpu.memory_space<vmem>> -> memref<1000x16xf32, #tpu.memory_space<vmem>>
      tpu.enqueue_dma source(%dma_start3A_855 : memref<1000x16xf32, #tpu.memory_space<vmem>>) target(%dma_start3A_851 : memref<1000x16xf32, #tpu.memory_space<hbm>>) target_semaphore(%run_scoped3A_843 : memref<!tpu.dma_semaphore, #tpu.memory_space<semaphore_mem>>)
      %dma_wait3A_856 = arith.constant 0 : i32
      %dma_wait3A_857 = arith.constant 0 : i32
      %dma_wait3A_858 = tpu.memref_slice %arg13[%run_scoped3A_841, %dma_wait3A_856, %dma_wait3A_857] : memref<2x1000x16xf32, #tpu.memory_space<vmem>> -> memref<1x1000x16xf32, #tpu.memory_space<vmem>>
      %dma_wait3A_859 = tpu.memref_squeeze %dma_wait3A_858 : memref<1x1000x16xf32, #tpu.memory_space<vmem>> -> memref<1000x16xf32, #tpu.memory_space<vmem>>
      %dma_wait3A_860 = arith.constant 0 : i32
      %dma_wait3A_861 = tpu.memref_slice %arg8[%add3A_801, %dma_wait3A_860] : memref<320000x16xf32, #tpu.memory_space<hbm>> -> memref<1000x16xf32, #tpu.memory_space<hbm>>
      %dma_wait3A_862 = arith.constant 0 : i32
      %dma_wait3A_863 = tpu.memref_slice %arg8[%add3A_801, %dma_wait3A_862] : memref<320000x16xf32, #tpu.memory_space<hbm>> -> memref<1000x16xf32, #tpu.memory_space<hbm>>
      %dma_wait3A_864 = arith.constant 0 : i32
      %dma_wait3A_865 = arith.constant 0 : i32
      %dma_wait3A_866 = tpu.memref_slice %arg13[%run_scoped3A_841, %dma_wait3A_864, %dma_wait3A_865] : memref<2x1000x16xf32, #tpu.memory_space<vmem>> -> memref<1x1000x16xf32, #tpu.memory_space<vmem>>
      %dma_wait3A_867 = tpu.memref_squeeze %dma_wait3A_866 : memref<1x1000x16xf32, #tpu.memory_space<vmem>> -> memref<1000x16xf32, #tpu.memory_space<vmem>>
      tpu.wait_dma2 semaphore(%run_scoped3A_843 : memref<!tpu.dma_semaphore, #tpu.memory_space<semaphore_mem>>) src(%dma_wait3A_867 : memref<1000x16xf32, #tpu.memory_space<vmem>>) dst(%dma_wait3A_863 : memref<1000x16xf32, #tpu.memory_space<hbm>>)
      tpu.yield
    }) : () -> ()
    %barrier3A_842 = arith.constant 0 : index
    tpu.barrier barrier_id(%barrier3A_842)
    "tpu.region"() ({
      %run_scoped3A_843 = tpu.sem_alloc : memref<!tpu.dma_semaphore, #tpu.memory_space<semaphore_mem>>
      %dma_start3A_844 = arith.constant 0 : i32
      %dma_start3A_845 = tpu.memref_slice %arg6[%arg0, %mul3A_2, %dma_start3A_844] : memref<2x10000x16xf32, #tpu.memory_space<hbm>> -> memref<1x625x16xf32, #tpu.memory_space<hbm>>
      %dma_start3A_846 = tpu.memref_squeeze %dma_start3A_845 : memref<1x625x16xf32, #tpu.memory_space<hbm>> -> memref<625x16xf32, #tpu.memory_space<hbm>>
      %dma_start3A_847 = arith.constant 0 : i32
      %dma_start3A_848 = tpu.memref_slice %arg14[%mul3A_2, %dma_start3A_847] : memref<10000x16xf32, #tpu.memory_space<vmem_shared>> -> memref<625x16xf32, #tpu.memory_space<vmem_shared>>
      tpu.enqueue_dma source(%dma_start3A_848 : memref<625x16xf32, #tpu.memory_space<vmem_shared>>) target(%dma_start3A_846 : memref<625x16xf32, #tpu.memory_space<hbm>>) target_semaphore(%run_scoped3A_843 : memref<!tpu.dma_semaphore, #tpu.memory_space<semaphore_mem>>)
      %dma_wait3A_849 = arith.constant 0 : i32
      %dma_wait3A_850 = tpu.memref_slice %arg6[%arg0, %mul3A_2, %dma_wait3A_849] : memref<2x10000x16xf32, #tpu.memory_space<hbm>> -> memref<1x625x16xf32, #tpu.memory_space<hbm>>
      %dma_wait3A_851 = tpu.memref_squeeze %dma_wait3A_850 : memref<1x625x16xf32, #tpu.memory_space<hbm>> -> memref<625x16xf32, #tpu.memory_space<hbm>>
      %dma_wait3A_852 = arith.constant 0 : i32
      %dma_wait3A_853 = tpu.memref_slice %arg14[%mul3A_2, %dma_wait3A_852] : memref<10000x16xf32, #tpu.memory_space<vmem_shared>> -> memref<625x16xf32, #tpu.memory_space<vmem_shared>>
      tpu.wait_dma2 semaphore(%run_scoped3A_843 : memref<!tpu.dma_semaphore, #tpu.memory_space<semaphore_mem>>) src(%dma_wait3A_853 : memref<625x16xf32, #tpu.memory_space<vmem_shared>>) dst(%dma_wait3A_851 : memref<625x16xf32, #tpu.memory_space<hbm>>)
      tpu.yield
    }) : () -> ()
    return
  }
}

#map = affine_map<(d0, d1) -> (0)>
#map1 = affine_map<(d0, d1) -> (0, 0)>
#map2 = affine_map<(d0, d1) -> (0, 0, 0)>
module attributes {stable_mosaic.version = 14 : i64} {
  func.func @agg_kernel(%arg0: i32, %arg1: i32, %arg2: memref<640000xi32, #tpu.memory_space<hbm>>, %arg3: memref<10000x16xf32, #tpu.memory_space<hbm>>, %arg4: memref<10000x16xf32, #tpu.memory_space<hbm>>, %arg5: memref<2x10000x16xf32, #tpu.memory_space<hbm>>, %arg6: memref<2x2000xi32, #tpu.memory_space<vmem>>, %arg7: memref<2x2000xi32, #tpu.memory_space<vmem>>, %arg8: memref<2x2000x16xf32, #tpu.memory_space<vmem>>, %arg9: memref<10000x16xf32, #tpu.memory_space<vmem_shared>>, %arg10: memref<!tpu.dma_semaphore, #tpu.memory_space<semaphore_mem>>) attributes {dimension_semantics = [#tpu.dimension_semantics<core_parallel>, #tpu.dimension_semantics<subcore_parallel>], iteration_bounds = array<i64: 2, 16>, scalar_prefetch = 0 : i64, scratch_operands = 5 : i64, tpu.core_type = #tpu.core_type<sc_vector_subcore>, window_params = [{transform_indices = #map}, {transform_indices = #map1}, {transform_indices = #map1}, {transform_indices = #map2}]} {
    %mul3A = arith.constant 2 : i32
    %mul3A_0 = arith.muli %arg1, %mul3A : i32
    %add3A = arith.addi %mul3A_0, %arg0 : i32
    %mul3A_1 = arith.constant 625 : i32
    %mul3A_2 = arith.muli %arg1, %mul3A_1 : i32
    "tpu.region"() ({
      %run_scoped3A_161 = tpu.sem_alloc : memref<!tpu.dma_semaphore, #tpu.memory_space<semaphore_mem>>
      %dma_start3A_162 = arith.constant 0 : i32
      %dma_start3A_163 = tpu.memref_slice %arg9[%mul3A_2, %dma_start3A_162] : memref<10000x16xf32, #tpu.memory_space<vmem_shared>> -> memref<625x16xf32, #tpu.memory_space<vmem_shared>>
      %dma_start3A_164 = arith.constant 0 : i32
      %dma_start3A_165 = tpu.memref_slice %arg4[%mul3A_2, %dma_start3A_164] : memref<10000x16xf32, #tpu.memory_space<hbm>> -> memref<625x16xf32, #tpu.memory_space<hbm>>
      tpu.enqueue_dma source(%dma_start3A_165 : memref<625x16xf32, #tpu.memory_space<hbm>>) target(%dma_start3A_163 : memref<625x16xf32, #tpu.memory_space<vmem_shared>>) target_semaphore(%run_scoped3A_161 : memref<!tpu.dma_semaphore, #tpu.memory_space<semaphore_mem>>)
      %dma_wait3A_166 = arith.constant 0 : i32
      %dma_wait3A_167 = tpu.memref_slice %arg9[%mul3A_2, %dma_wait3A_166] : memref<10000x16xf32, #tpu.memory_space<vmem_shared>> -> memref<625x16xf32, #tpu.memory_space<vmem_shared>>
      %dma_wait3A_168 = arith.constant 0 : i32
      %dma_wait3A_169 = tpu.memref_slice %arg4[%mul3A_2, %dma_wait3A_168] : memref<10000x16xf32, #tpu.memory_space<hbm>> -> memref<625x16xf32, #tpu.memory_space<hbm>>
      tpu.wait_dma2 semaphore(%run_scoped3A_161 : memref<!tpu.dma_semaphore, #tpu.memory_space<semaphore_mem>>) src(%dma_wait3A_169 : memref<625x16xf32, #tpu.memory_space<hbm>>) dst(%dma_wait3A_167 : memref<625x16xf32, #tpu.memory_space<vmem_shared>>)
      tpu.yield
    }) : () -> ()
    %barrier3A = arith.constant 0 : index
    tpu.barrier barrier_id(%barrier3A)
    %mul3A_3 = arith.constant 10000 : i32
    %mul3A_4 = arith.muli %add3A, %mul3A_3 : i32
    %run_scoped3A = arith.constant 0 : i32
    "tpu.region"() ({
      %run_scoped3A_161 = tpu.sem_alloc : memref<!tpu.dma_semaphore, #tpu.memory_space<semaphore_mem>>
      %dma_start3A_162 = arith.constant 0 : i32
      %dma_start3A_163 = tpu.memref_slice %arg6[%run_scoped3A, %dma_start3A_162] : memref<2x2000xi32, #tpu.memory_space<vmem>> -> memref<1x2000xi32, #tpu.memory_space<vmem>>
      %dma_start3A_164 = tpu.memref_squeeze %dma_start3A_163 : memref<1x2000xi32, #tpu.memory_space<vmem>> -> memref<2000xi32, #tpu.memory_space<vmem>>
      %dma_start3A_165 = tpu.memref_slice %arg2[%mul3A_4] : memref<640000xi32, #tpu.memory_space<hbm>> -> memref<2000xi32, #tpu.memory_space<hbm>>
      %dma_start3A_166 = arith.constant 0 : i32
      %dma_start3A_167 = tpu.memref_slice %arg6[%run_scoped3A, %dma_start3A_166] : memref<2x2000xi32, #tpu.memory_space<vmem>> -> memref<1x2000xi32, #tpu.memory_space<vmem>>
      %dma_start3A_168 = tpu.memref_squeeze %dma_start3A_167 : memref<1x2000xi32, #tpu.memory_space<vmem>> -> memref<2000xi32, #tpu.memory_space<vmem>>
      %dma_start3A_169 = tpu.memref_slice %arg2[%mul3A_4] : memref<640000xi32, #tpu.memory_space<hbm>> -> memref<2000xi32, #tpu.memory_space<hbm>>
      tpu.enqueue_dma source(%dma_start3A_169 : memref<2000xi32, #tpu.memory_space<hbm>>) target(%dma_start3A_168 : memref<2000xi32, #tpu.memory_space<vmem>>) target_semaphore(%run_scoped3A_161 : memref<!tpu.dma_semaphore, #tpu.memory_space<semaphore_mem>>)
      %dma_wait3A_170 = arith.constant 0 : i32
      %dma_wait3A_171 = tpu.memref_slice %arg6[%run_scoped3A, %dma_wait3A_170] : memref<2x2000xi32, #tpu.memory_space<vmem>> -> memref<1x2000xi32, #tpu.memory_space<vmem>>
      %dma_wait3A_172 = tpu.memref_squeeze %dma_wait3A_171 : memref<1x2000xi32, #tpu.memory_space<vmem>> -> memref<2000xi32, #tpu.memory_space<vmem>>
      %dma_wait3A_173 = tpu.memref_slice %arg2[%mul3A_4] : memref<640000xi32, #tpu.memory_space<hbm>> -> memref<2000xi32, #tpu.memory_space<hbm>>
      %dma_wait3A_174 = arith.constant 0 : i32
      %dma_wait3A_175 = tpu.memref_slice %arg6[%run_scoped3A, %dma_wait3A_174] : memref<2x2000xi32, #tpu.memory_space<vmem>> -> memref<1x2000xi32, #tpu.memory_space<vmem>>
      %dma_wait3A_176 = tpu.memref_squeeze %dma_wait3A_175 : memref<1x2000xi32, #tpu.memory_space<vmem>> -> memref<2000xi32, #tpu.memory_space<vmem>>
      %dma_wait3A_177 = tpu.memref_slice %arg2[%mul3A_4] : memref<640000xi32, #tpu.memory_space<hbm>> -> memref<2000xi32, #tpu.memory_space<hbm>>
      tpu.wait_dma2 semaphore(%run_scoped3A_161 : memref<!tpu.dma_semaphore, #tpu.memory_space<semaphore_mem>>) src(%dma_wait3A_177 : memref<2000xi32, #tpu.memory_space<hbm>>) dst(%dma_wait3A_176 : memref<2000xi32, #tpu.memory_space<vmem>>)
      tpu.yield
    }) : () -> ()
    %add3A_5 = arith.constant 320000 : i32
    %add3A_6 = arith.addi %add3A_5, %mul3A_4 : i32
    %run_scoped3A_7 = arith.constant 0 : i32
    "tpu.region"() ({
      %run_scoped3A_161 = tpu.sem_alloc : memref<!tpu.dma_semaphore, #tpu.memory_space<semaphore_mem>>
      %dma_start3A_162 = arith.constant 0 : i32
      %dma_start3A_163 = tpu.memref_slice %arg7[%run_scoped3A_7, %dma_start3A_162] : memref<2x2000xi32, #tpu.memory_space<vmem>> -> memref<1x2000xi32, #tpu.memory_space<vmem>>
      %dma_start3A_164 = tpu.memref_squeeze %dma_start3A_163 : memref<1x2000xi32, #tpu.memory_space<vmem>> -> memref<2000xi32, #tpu.memory_space<vmem>>
      %dma_start3A_165 = tpu.memref_slice %arg2[%add3A_6] : memref<640000xi32, #tpu.memory_space<hbm>> -> memref<2000xi32, #tpu.memory_space<hbm>>
      %dma_start3A_166 = arith.constant 0 : i32
      %dma_start3A_167 = tpu.memref_slice %arg7[%run_scoped3A_7, %dma_start3A_166] : memref<2x2000xi32, #tpu.memory_space<vmem>> -> memref<1x2000xi32, #tpu.memory_space<vmem>>
      %dma_start3A_168 = tpu.memref_squeeze %dma_start3A_167 : memref<1x2000xi32, #tpu.memory_space<vmem>> -> memref<2000xi32, #tpu.memory_space<vmem>>
      %dma_start3A_169 = tpu.memref_slice %arg2[%add3A_6] : memref<640000xi32, #tpu.memory_space<hbm>> -> memref<2000xi32, #tpu.memory_space<hbm>>
      tpu.enqueue_dma source(%dma_start3A_169 : memref<2000xi32, #tpu.memory_space<hbm>>) target(%dma_start3A_168 : memref<2000xi32, #tpu.memory_space<vmem>>) target_semaphore(%run_scoped3A_161 : memref<!tpu.dma_semaphore, #tpu.memory_space<semaphore_mem>>)
      %dma_wait3A_170 = arith.constant 0 : i32
      %dma_wait3A_171 = tpu.memref_slice %arg7[%run_scoped3A_7, %dma_wait3A_170] : memref<2x2000xi32, #tpu.memory_space<vmem>> -> memref<1x2000xi32, #tpu.memory_space<vmem>>
      %dma_wait3A_172 = tpu.memref_squeeze %dma_wait3A_171 : memref<1x2000xi32, #tpu.memory_space<vmem>> -> memref<2000xi32, #tpu.memory_space<vmem>>
      %dma_wait3A_173 = tpu.memref_slice %arg2[%add3A_6] : memref<640000xi32, #tpu.memory_space<hbm>> -> memref<2000xi32, #tpu.memory_space<hbm>>
      %dma_wait3A_174 = arith.constant 0 : i32
      %dma_wait3A_175 = tpu.memref_slice %arg7[%run_scoped3A_7, %dma_wait3A_174] : memref<2x2000xi32, #tpu.memory_space<vmem>> -> memref<1x2000xi32, #tpu.memory_space<vmem>>
      %dma_wait3A_176 = tpu.memref_squeeze %dma_wait3A_175 : memref<1x2000xi32, #tpu.memory_space<vmem>> -> memref<2000xi32, #tpu.memory_space<vmem>>
      %dma_wait3A_177 = tpu.memref_slice %arg2[%add3A_6] : memref<640000xi32, #tpu.memory_space<hbm>> -> memref<2000xi32, #tpu.memory_space<hbm>>
      tpu.wait_dma2 semaphore(%run_scoped3A_161 : memref<!tpu.dma_semaphore, #tpu.memory_space<semaphore_mem>>) src(%dma_wait3A_177 : memref<2000xi32, #tpu.memory_space<hbm>>) dst(%dma_wait3A_176 : memref<2000xi32, #tpu.memory_space<vmem>>)
      tpu.yield
    }) : () -> ()
    %dma_start3A = arith.constant 0 : i32
    %dma_start3A_8 = arith.constant 0 : i32
    %dma_start3A_9 = arith.constant 0 : i32
    %dma_start3A_10 = arith.constant 0 : i32
    %dma_start3A_11 = tpu.memref_slice %arg8[%dma_start3A_8, %dma_start3A_9, %dma_start3A_10] : memref<2x2000x16xf32, #tpu.memory_space<vmem>> -> memref<1x2000x16xf32, #tpu.memory_space<vmem>>
    %dma_start3A_12 = tpu.memref_squeeze %dma_start3A_11 : memref<1x2000x16xf32, #tpu.memory_space<vmem>> -> memref<2000x16xf32, #tpu.memory_space<vmem>>
    %dma_start3A_13 = arith.constant 0 : i32
    %dma_start3A_14 = tpu.memref_slice %arg6[%dma_start3A, %dma_start3A_13] : memref<2x2000xi32, #tpu.memory_space<vmem>> -> memref<1x2000xi32, #tpu.memory_space<vmem>>
    %dma_start3A_15 = tpu.memref_squeeze %dma_start3A_14 : memref<1x2000xi32, #tpu.memory_space<vmem>> -> memref<2000xi32, #tpu.memory_space<vmem>>
    %dma_start3A_16 = arith.constant 0 : i32
    %dma_start3A_17 = arith.constant 0 : i32
    %dma_start3A_18 = tpu.memref_slice %arg3[%dma_start3A_16, %dma_start3A_17] : memref<10000x16xf32, #tpu.memory_space<hbm>> -> memref<10000x16xf32, #tpu.memory_space<hbm>>
    tpu.enqueue_indirect_dma source(%dma_start3A_18 : memref<10000x16xf32, #tpu.memory_space<hbm>>) target(%dma_start3A_12 : memref<2000x16xf32, #tpu.memory_space<vmem>>) offsets(%dma_start3A_15 : memref<2000xi32, #tpu.memory_space<vmem>>) semaphore(%arg10 : memref<!tpu.dma_semaphore, #tpu.memory_space<semaphore_mem>>)
    %add3A_19 = arith.constant 2000 : i32
    %add3A_20 = arith.addi %mul3A_4, %add3A_19 : i32
    %run_scoped3A_21 = arith.constant 1 : i32
    "tpu.region"() ({
      %run_scoped3A_161 = tpu.sem_alloc : memref<!tpu.dma_semaphore, #tpu.memory_space<semaphore_mem>>
      %dma_start3A_162 = arith.constant 0 : i32
      %dma_start3A_163 = tpu.memref_slice %arg6[%run_scoped3A_21, %dma_start3A_162] : memref<2x2000xi32, #tpu.memory_space<vmem>> -> memref<1x2000xi32, #tpu.memory_space<vmem>>
      %dma_start3A_164 = tpu.memref_squeeze %dma_start3A_163 : memref<1x2000xi32, #tpu.memory_space<vmem>> -> memref<2000xi32, #tpu.memory_space<vmem>>
      %dma_start3A_165 = tpu.memref_slice %arg2[%add3A_20] : memref<640000xi32, #tpu.memory_space<hbm>> -> memref<2000xi32, #tpu.memory_space<hbm>>
      %dma_start3A_166 = arith.constant 0 : i32
      %dma_start3A_167 = tpu.memref_slice %arg6[%run_scoped3A_21, %dma_start3A_166] : memref<2x2000xi32, #tpu.memory_space<vmem>> -> memref<1x2000xi32, #tpu.memory_space<vmem>>
      %dma_start3A_168 = tpu.memref_squeeze %dma_start3A_167 : memref<1x2000xi32, #tpu.memory_space<vmem>> -> memref<2000xi32, #tpu.memory_space<vmem>>
      %dma_start3A_169 = tpu.memref_slice %arg2[%add3A_20] : memref<640000xi32, #tpu.memory_space<hbm>> -> memref<2000xi32, #tpu.memory_space<hbm>>
      tpu.enqueue_dma source(%dma_start3A_169 : memref<2000xi32, #tpu.memory_space<hbm>>) target(%dma_start3A_168 : memref<2000xi32, #tpu.memory_space<vmem>>) target_semaphore(%run_scoped3A_161 : memref<!tpu.dma_semaphore, #tpu.memory_space<semaphore_mem>>)
      %dma_wait3A_170 = arith.constant 0 : i32
      %dma_wait3A_171 = tpu.memref_slice %arg6[%run_scoped3A_21, %dma_wait3A_170] : memref<2x2000xi32, #tpu.memory_space<vmem>> -> memref<1x2000xi32, #tpu.memory_space<vmem>>
      %dma_wait3A_172 = tpu.memref_squeeze %dma_wait3A_171 : memref<1x2000xi32, #tpu.memory_space<vmem>> -> memref<2000xi32, #tpu.memory_space<vmem>>
      %dma_wait3A_173 = tpu.memref_slice %arg2[%add3A_20] : memref<640000xi32, #tpu.memory_space<hbm>> -> memref<2000xi32, #tpu.memory_space<hbm>>
      %dma_wait3A_174 = arith.constant 0 : i32
      %dma_wait3A_175 = tpu.memref_slice %arg6[%run_scoped3A_21, %dma_wait3A_174] : memref<2x2000xi32, #tpu.memory_space<vmem>> -> memref<1x2000xi32, #tpu.memory_space<vmem>>
      %dma_wait3A_176 = tpu.memref_squeeze %dma_wait3A_175 : memref<1x2000xi32, #tpu.memory_space<vmem>> -> memref<2000xi32, #tpu.memory_space<vmem>>
      %dma_wait3A_177 = tpu.memref_slice %arg2[%add3A_20] : memref<640000xi32, #tpu.memory_space<hbm>> -> memref<2000xi32, #tpu.memory_space<hbm>>
      tpu.wait_dma2 semaphore(%run_scoped3A_161 : memref<!tpu.dma_semaphore, #tpu.memory_space<semaphore_mem>>) src(%dma_wait3A_177 : memref<2000xi32, #tpu.memory_space<hbm>>) dst(%dma_wait3A_176 : memref<2000xi32, #tpu.memory_space<vmem>>)
      tpu.yield
    }) : () -> ()
    %add3A_22 = arith.constant 320000 : i32
    %add3A_23 = arith.addi %add3A_22, %add3A_20 : i32
    %run_scoped3A_24 = arith.constant 1 : i32
    "tpu.region"() ({
      %run_scoped3A_161 = tpu.sem_alloc : memref<!tpu.dma_semaphore, #tpu.memory_space<semaphore_mem>>
      %dma_start3A_162 = arith.constant 0 : i32
      %dma_start3A_163 = tpu.memref_slice %arg7[%run_scoped3A_24, %dma_start3A_162] : memref<2x2000xi32, #tpu.memory_space<vmem>> -> memref<1x2000xi32, #tpu.memory_space<vmem>>
      %dma_start3A_164 = tpu.memref_squeeze %dma_start3A_163 : memref<1x2000xi32, #tpu.memory_space<vmem>> -> memref<2000xi32, #tpu.memory_space<vmem>>
      %dma_start3A_165 = tpu.memref_slice %arg2[%add3A_23] : memref<640000xi32, #tpu.memory_space<hbm>> -> memref<2000xi32, #tpu.memory_space<hbm>>
      %dma_start3A_166 = arith.constant 0 : i32
      %dma_start3A_167 = tpu.memref_slice %arg7[%run_scoped3A_24, %dma_start3A_166] : memref<2x2000xi32, #tpu.memory_space<vmem>> -> memref<1x2000xi32, #tpu.memory_space<vmem>>
      %dma_start3A_168 = tpu.memref_squeeze %dma_start3A_167 : memref<1x2000xi32, #tpu.memory_space<vmem>> -> memref<2000xi32, #tpu.memory_space<vmem>>
      %dma_start3A_169 = tpu.memref_slice %arg2[%add3A_23] : memref<640000xi32, #tpu.memory_space<hbm>> -> memref<2000xi32, #tpu.memory_space<hbm>>
      tpu.enqueue_dma source(%dma_start3A_169 : memref<2000xi32, #tpu.memory_space<hbm>>) target(%dma_start3A_168 : memref<2000xi32, #tpu.memory_space<vmem>>) target_semaphore(%run_scoped3A_161 : memref<!tpu.dma_semaphore, #tpu.memory_space<semaphore_mem>>)
      %dma_wait3A_170 = arith.constant 0 : i32
      %dma_wait3A_171 = tpu.memref_slice %arg7[%run_scoped3A_24, %dma_wait3A_170] : memref<2x2000xi32, #tpu.memory_space<vmem>> -> memref<1x2000xi32, #tpu.memory_space<vmem>>
      %dma_wait3A_172 = tpu.memref_squeeze %dma_wait3A_171 : memref<1x2000xi32, #tpu.memory_space<vmem>> -> memref<2000xi32, #tpu.memory_space<vmem>>
      %dma_wait3A_173 = tpu.memref_slice %arg2[%add3A_23] : memref<640000xi32, #tpu.memory_space<hbm>> -> memref<2000xi32, #tpu.memory_space<hbm>>
      %dma_wait3A_174 = arith.constant 0 : i32
      %dma_wait3A_175 = tpu.memref_slice %arg7[%run_scoped3A_24, %dma_wait3A_174] : memref<2x2000xi32, #tpu.memory_space<vmem>> -> memref<1x2000xi32, #tpu.memory_space<vmem>>
      %dma_wait3A_176 = tpu.memref_squeeze %dma_wait3A_175 : memref<1x2000xi32, #tpu.memory_space<vmem>> -> memref<2000xi32, #tpu.memory_space<vmem>>
      %dma_wait3A_177 = tpu.memref_slice %arg2[%add3A_23] : memref<640000xi32, #tpu.memory_space<hbm>> -> memref<2000xi32, #tpu.memory_space<hbm>>
      tpu.wait_dma2 semaphore(%run_scoped3A_161 : memref<!tpu.dma_semaphore, #tpu.memory_space<semaphore_mem>>) src(%dma_wait3A_177 : memref<2000xi32, #tpu.memory_space<hbm>>) dst(%dma_wait3A_176 : memref<2000xi32, #tpu.memory_space<vmem>>)
      tpu.yield
    }) : () -> ()
    %dma_wait3A = arith.constant 0 : i32
    %dma_wait3A_25 = arith.constant 0 : i32
    %dma_wait3A_26 = arith.constant 0 : i32
    %dma_wait3A_27 = arith.constant 0 : i32
    %dma_wait3A_28 = tpu.memref_slice %arg8[%dma_wait3A_25, %dma_wait3A_26, %dma_wait3A_27] : memref<2x2000x16xf32, #tpu.memory_space<vmem>> -> memref<1x2000x16xf32, #tpu.memory_space<vmem>>
    %dma_wait3A_29 = tpu.memref_squeeze %dma_wait3A_28 : memref<1x2000x16xf32, #tpu.memory_space<vmem>> -> memref<2000x16xf32, #tpu.memory_space<vmem>>
    %dma_wait3A_30 = arith.constant 0 : i32
    %dma_wait3A_31 = tpu.memref_slice %arg6[%dma_wait3A, %dma_wait3A_30] : memref<2x2000xi32, #tpu.memory_space<vmem>> -> memref<1x2000xi32, #tpu.memory_space<vmem>>
    %dma_wait3A_32 = tpu.memref_squeeze %dma_wait3A_31 : memref<1x2000xi32, #tpu.memory_space<vmem>> -> memref<2000xi32, #tpu.memory_space<vmem>>
    %dma_wait3A_33 = arith.constant 0 : i32
    %dma_wait3A_34 = arith.constant 0 : i32
    %dma_wait3A_35 = tpu.memref_slice %arg3[%dma_wait3A_33, %dma_wait3A_34] : memref<10000x16xf32, #tpu.memory_space<hbm>> -> memref<10000x16xf32, #tpu.memory_space<hbm>>
    tpu.wait_indirect_dma semaphore(%arg10 : memref<!tpu.dma_semaphore, #tpu.memory_space<semaphore_mem>>) src(%dma_wait3A_35 : memref<10000x16xf32, #tpu.memory_space<hbm>>) dst(%dma_wait3A_29 : memref<2000x16xf32, #tpu.memory_space<vmem>>)
    %dma_start3A_36 = arith.constant 1 : i32
    %dma_start3A_37 = arith.constant 1 : i32
    %dma_start3A_38 = arith.constant 0 : i32
    %dma_start3A_39 = arith.constant 0 : i32
    %dma_start3A_40 = tpu.memref_slice %arg8[%dma_start3A_37, %dma_start3A_38, %dma_start3A_39] : memref<2x2000x16xf32, #tpu.memory_space<vmem>> -> memref<1x2000x16xf32, #tpu.memory_space<vmem>>
    %dma_start3A_41 = tpu.memref_squeeze %dma_start3A_40 : memref<1x2000x16xf32, #tpu.memory_space<vmem>> -> memref<2000x16xf32, #tpu.memory_space<vmem>>
    %dma_start3A_42 = arith.constant 0 : i32
    %dma_start3A_43 = tpu.memref_slice %arg6[%dma_start3A_36, %dma_start3A_42] : memref<2x2000xi32, #tpu.memory_space<vmem>> -> memref<1x2000xi32, #tpu.memory_space<vmem>>
    %dma_start3A_44 = tpu.memref_squeeze %dma_start3A_43 : memref<1x2000xi32, #tpu.memory_space<vmem>> -> memref<2000xi32, #tpu.memory_space<vmem>>
    %dma_start3A_45 = arith.constant 0 : i32
    %dma_start3A_46 = arith.constant 0 : i32
    %dma_start3A_47 = tpu.memref_slice %arg3[%dma_start3A_45, %dma_start3A_46] : memref<10000x16xf32, #tpu.memory_space<hbm>> -> memref<10000x16xf32, #tpu.memory_space<hbm>>
    tpu.enqueue_indirect_dma source(%dma_start3A_47 : memref<10000x16xf32, #tpu.memory_space<hbm>>) target(%dma_start3A_41 : memref<2000x16xf32, #tpu.memory_space<vmem>>) offsets(%dma_start3A_44 : memref<2000xi32, #tpu.memory_space<vmem>>) semaphore(%arg10 : memref<!tpu.dma_semaphore, #tpu.memory_space<semaphore_mem>>)
    %run_scoped3A_48 = arith.constant 0 : i32
    %run_scoped3A_49 = arith.constant 0 : i32
    "tpu.region"() ({
      %run_scoped3A_161 = tpu.sem_alloc : memref<!tpu.dma_semaphore, #tpu.memory_space<semaphore_mem>>
      %dma_start3A_162 = arith.constant 0 : i32
      %dma_start3A_163 = arith.constant 0 : i32
      %dma_start3A_164 = tpu.memref_slice %arg8[%run_scoped3A_48, %dma_start3A_162, %dma_start3A_163] : memref<2x2000x16xf32, #tpu.memory_space<vmem>> -> memref<1x2000x16xf32, #tpu.memory_space<vmem>>
      %dma_start3A_165 = tpu.memref_squeeze %dma_start3A_164 : memref<1x2000x16xf32, #tpu.memory_space<vmem>> -> memref<2000x16xf32, #tpu.memory_space<vmem>>
      %dma_start3A_166 = arith.constant 0 : i32
      %dma_start3A_167 = tpu.memref_slice %arg7[%run_scoped3A_49, %dma_start3A_166] : memref<2x2000xi32, #tpu.memory_space<vmem>> -> memref<1x2000xi32, #tpu.memory_space<vmem>>
      %dma_start3A_168 = tpu.memref_squeeze %dma_start3A_167 : memref<1x2000xi32, #tpu.memory_space<vmem>> -> memref<2000xi32, #tpu.memory_space<vmem>>
      %dma_start3A_169 = arith.constant 0 : i32
      %dma_start3A_170 = arith.constant 0 : i32
      %dma_start3A_171 = tpu.memref_slice %arg9[%dma_start3A_169, %dma_start3A_170] : memref<10000x16xf32, #tpu.memory_space<vmem_shared>> -> memref<10000x16xf32, #tpu.memory_space<vmem_shared>>
      tpu.enqueue_indirect_dma source(%dma_start3A_165 : memref<2000x16xf32, #tpu.memory_space<vmem>>) target(%dma_start3A_171 : memref<10000x16xf32, #tpu.memory_space<vmem_shared>>) offsets(%dma_start3A_168 : memref<2000xi32, #tpu.memory_space<vmem>>) semaphore(%run_scoped3A_161 : memref<!tpu.dma_semaphore, #tpu.memory_space<semaphore_mem>>) {add = true}
      %dma_wait3A_172 = arith.constant 0 : i32
      %dma_wait3A_173 = arith.constant 0 : i32
      %dma_wait3A_174 = tpu.memref_slice %arg8[%run_scoped3A_48, %dma_wait3A_172, %dma_wait3A_173] : memref<2x2000x16xf32, #tpu.memory_space<vmem>> -> memref<1x2000x16xf32, #tpu.memory_space<vmem>>
      %dma_wait3A_175 = tpu.memref_squeeze %dma_wait3A_174 : memref<1x2000x16xf32, #tpu.memory_space<vmem>> -> memref<2000x16xf32, #tpu.memory_space<vmem>>
      %dma_wait3A_176 = arith.constant 0 : i32
      %dma_wait3A_177 = tpu.memref_slice %arg7[%run_scoped3A_49, %dma_wait3A_176] : memref<2x2000xi32, #tpu.memory_space<vmem>> -> memref<1x2000xi32, #tpu.memory_space<vmem>>
      %dma_wait3A_178 = tpu.memref_squeeze %dma_wait3A_177 : memref<1x2000xi32, #tpu.memory_space<vmem>> -> memref<2000xi32, #tpu.memory_space<vmem>>
      %dma_wait3A_179 = arith.constant 0 : i32
      %dma_wait3A_180 = arith.constant 0 : i32
      %dma_wait3A_181 = tpu.memref_slice %arg9[%dma_wait3A_179, %dma_wait3A_180] : memref<10000x16xf32, #tpu.memory_space<vmem_shared>> -> memref<10000x16xf32, #tpu.memory_space<vmem_shared>>
      tpu.wait_indirect_dma semaphore(%run_scoped3A_161 : memref<!tpu.dma_semaphore, #tpu.memory_space<semaphore_mem>>) src(%dma_wait3A_175 : memref<2000x16xf32, #tpu.memory_space<vmem>>) dst(%dma_wait3A_181 : memref<10000x16xf32, #tpu.memory_space<vmem_shared>>)
      tpu.yield
    }) : () -> ()
    %add3A_50 = arith.constant 4000 : i32
    %add3A_51 = arith.addi %mul3A_4, %add3A_50 : i32
    %run_scoped3A_52 = arith.constant 0 : i32
    "tpu.region"() ({
      %run_scoped3A_161 = tpu.sem_alloc : memref<!tpu.dma_semaphore, #tpu.memory_space<semaphore_mem>>
      %dma_start3A_162 = arith.constant 0 : i32
      %dma_start3A_163 = tpu.memref_slice %arg6[%run_scoped3A_52, %dma_start3A_162] : memref<2x2000xi32, #tpu.memory_space<vmem>> -> memref<1x2000xi32, #tpu.memory_space<vmem>>
      %dma_start3A_164 = tpu.memref_squeeze %dma_start3A_163 : memref<1x2000xi32, #tpu.memory_space<vmem>> -> memref<2000xi32, #tpu.memory_space<vmem>>
      %dma_start3A_165 = tpu.memref_slice %arg2[%add3A_51] : memref<640000xi32, #tpu.memory_space<hbm>> -> memref<2000xi32, #tpu.memory_space<hbm>>
      %dma_start3A_166 = arith.constant 0 : i32
      %dma_start3A_167 = tpu.memref_slice %arg6[%run_scoped3A_52, %dma_start3A_166] : memref<2x2000xi32, #tpu.memory_space<vmem>> -> memref<1x2000xi32, #tpu.memory_space<vmem>>
      %dma_start3A_168 = tpu.memref_squeeze %dma_start3A_167 : memref<1x2000xi32, #tpu.memory_space<vmem>> -> memref<2000xi32, #tpu.memory_space<vmem>>
      %dma_start3A_169 = tpu.memref_slice %arg2[%add3A_51] : memref<640000xi32, #tpu.memory_space<hbm>> -> memref<2000xi32, #tpu.memory_space<hbm>>
      tpu.enqueue_dma source(%dma_start3A_169 : memref<2000xi32, #tpu.memory_space<hbm>>) target(%dma_start3A_168 : memref<2000xi32, #tpu.memory_space<vmem>>) target_semaphore(%run_scoped3A_161 : memref<!tpu.dma_semaphore, #tpu.memory_space<semaphore_mem>>)
      %dma_wait3A_170 = arith.constant 0 : i32
      %dma_wait3A_171 = tpu.memref_slice %arg6[%run_scoped3A_52, %dma_wait3A_170] : memref<2x2000xi32, #tpu.memory_space<vmem>> -> memref<1x2000xi32, #tpu.memory_space<vmem>>
      %dma_wait3A_172 = tpu.memref_squeeze %dma_wait3A_171 : memref<1x2000xi32, #tpu.memory_space<vmem>> -> memref<2000xi32, #tpu.memory_space<vmem>>
      %dma_wait3A_173 = tpu.memref_slice %arg2[%add3A_51] : memref<640000xi32, #tpu.memory_space<hbm>> -> memref<2000xi32, #tpu.memory_space<hbm>>
      %dma_wait3A_174 = arith.constant 0 : i32
      %dma_wait3A_175 = tpu.memref_slice %arg6[%run_scoped3A_52, %dma_wait3A_174] : memref<2x2000xi32, #tpu.memory_space<vmem>> -> memref<1x2000xi32, #tpu.memory_space<vmem>>
      %dma_wait3A_176 = tpu.memref_squeeze %dma_wait3A_175 : memref<1x2000xi32, #tpu.memory_space<vmem>> -> memref<2000xi32, #tpu.memory_space<vmem>>
      %dma_wait3A_177 = tpu.memref_slice %arg2[%add3A_51] : memref<640000xi32, #tpu.memory_space<hbm>> -> memref<2000xi32, #tpu.memory_space<hbm>>
      tpu.wait_dma2 semaphore(%run_scoped3A_161 : memref<!tpu.dma_semaphore, #tpu.memory_space<semaphore_mem>>) src(%dma_wait3A_177 : memref<2000xi32, #tpu.memory_space<hbm>>) dst(%dma_wait3A_176 : memref<2000xi32, #tpu.memory_space<vmem>>)
      tpu.yield
    }) : () -> ()
    %add3A_53 = arith.constant 320000 : i32
    %add3A_54 = arith.addi %add3A_53, %add3A_51 : i32
    %run_scoped3A_55 = arith.constant 0 : i32
    "tpu.region"() ({
      %run_scoped3A_161 = tpu.sem_alloc : memref<!tpu.dma_semaphore, #tpu.memory_space<semaphore_mem>>
      %dma_start3A_162 = arith.constant 0 : i32
      %dma_start3A_163 = tpu.memref_slice %arg7[%run_scoped3A_55, %dma_start3A_162] : memref<2x2000xi32, #tpu.memory_space<vmem>> -> memref<1x2000xi32, #tpu.memory_space<vmem>>
      %dma_start3A_164 = tpu.memref_squeeze %dma_start3A_163 : memref<1x2000xi32, #tpu.memory_space<vmem>> -> memref<2000xi32, #tpu.memory_space<vmem>>
      %dma_start3A_165 = tpu.memref_slice %arg2[%add3A_54] : memref<640000xi32, #tpu.memory_space<hbm>> -> memref<2000xi32, #tpu.memory_space<hbm>>
      %dma_start3A_166 = arith.constant 0 : i32
      %dma_start3A_167 = tpu.memref_slice %arg7[%run_scoped3A_55, %dma_start3A_166] : memref<2x2000xi32, #tpu.memory_space<vmem>> -> memref<1x2000xi32, #tpu.memory_space<vmem>>
      %dma_start3A_168 = tpu.memref_squeeze %dma_start3A_167 : memref<1x2000xi32, #tpu.memory_space<vmem>> -> memref<2000xi32, #tpu.memory_space<vmem>>
      %dma_start3A_169 = tpu.memref_slice %arg2[%add3A_54] : memref<640000xi32, #tpu.memory_space<hbm>> -> memref<2000xi32, #tpu.memory_space<hbm>>
      tpu.enqueue_dma source(%dma_start3A_169 : memref<2000xi32, #tpu.memory_space<hbm>>) target(%dma_start3A_168 : memref<2000xi32, #tpu.memory_space<vmem>>) target_semaphore(%run_scoped3A_161 : memref<!tpu.dma_semaphore, #tpu.memory_space<semaphore_mem>>)
      %dma_wait3A_170 = arith.constant 0 : i32
      %dma_wait3A_171 = tpu.memref_slice %arg7[%run_scoped3A_55, %dma_wait3A_170] : memref<2x2000xi32, #tpu.memory_space<vmem>> -> memref<1x2000xi32, #tpu.memory_space<vmem>>
      %dma_wait3A_172 = tpu.memref_squeeze %dma_wait3A_171 : memref<1x2000xi32, #tpu.memory_space<vmem>> -> memref<2000xi32, #tpu.memory_space<vmem>>
      %dma_wait3A_173 = tpu.memref_slice %arg2[%add3A_54] : memref<640000xi32, #tpu.memory_space<hbm>> -> memref<2000xi32, #tpu.memory_space<hbm>>
      %dma_wait3A_174 = arith.constant 0 : i32
      %dma_wait3A_175 = tpu.memref_slice %arg7[%run_scoped3A_55, %dma_wait3A_174] : memref<2x2000xi32, #tpu.memory_space<vmem>> -> memref<1x2000xi32, #tpu.memory_space<vmem>>
      %dma_wait3A_176 = tpu.memref_squeeze %dma_wait3A_175 : memref<1x2000xi32, #tpu.memory_space<vmem>> -> memref<2000xi32, #tpu.memory_space<vmem>>
      %dma_wait3A_177 = tpu.memref_slice %arg2[%add3A_54] : memref<640000xi32, #tpu.memory_space<hbm>> -> memref<2000xi32, #tpu.memory_space<hbm>>
      tpu.wait_dma2 semaphore(%run_scoped3A_161 : memref<!tpu.dma_semaphore, #tpu.memory_space<semaphore_mem>>) src(%dma_wait3A_177 : memref<2000xi32, #tpu.memory_space<hbm>>) dst(%dma_wait3A_176 : memref<2000xi32, #tpu.memory_space<vmem>>)
      tpu.yield
    }) : () -> ()
    %dma_wait3A_56 = arith.constant 1 : i32
    %dma_wait3A_57 = arith.constant 1 : i32
    %dma_wait3A_58 = arith.constant 0 : i32
    %dma_wait3A_59 = arith.constant 0 : i32
    %dma_wait3A_60 = tpu.memref_slice %arg8[%dma_wait3A_57, %dma_wait3A_58, %dma_wait3A_59] : memref<2x2000x16xf32, #tpu.memory_space<vmem>> -> memref<1x2000x16xf32, #tpu.memory_space<vmem>>
    %dma_wait3A_61 = tpu.memref_squeeze %dma_wait3A_60 : memref<1x2000x16xf32, #tpu.memory_space<vmem>> -> memref<2000x16xf32, #tpu.memory_space<vmem>>
    %dma_wait3A_62 = arith.constant 0 : i32
    %dma_wait3A_63 = tpu.memref_slice %arg6[%dma_wait3A_56, %dma_wait3A_62] : memref<2x2000xi32, #tpu.memory_space<vmem>> -> memref<1x2000xi32, #tpu.memory_space<vmem>>
    %dma_wait3A_64 = tpu.memref_squeeze %dma_wait3A_63 : memref<1x2000xi32, #tpu.memory_space<vmem>> -> memref<2000xi32, #tpu.memory_space<vmem>>
    %dma_wait3A_65 = arith.constant 0 : i32
    %dma_wait3A_66 = arith.constant 0 : i32
    %dma_wait3A_67 = tpu.memref_slice %arg3[%dma_wait3A_65, %dma_wait3A_66] : memref<10000x16xf32, #tpu.memory_space<hbm>> -> memref<10000x16xf32, #tpu.memory_space<hbm>>
    tpu.wait_indirect_dma semaphore(%arg10 : memref<!tpu.dma_semaphore, #tpu.memory_space<semaphore_mem>>) src(%dma_wait3A_67 : memref<10000x16xf32, #tpu.memory_space<hbm>>) dst(%dma_wait3A_61 : memref<2000x16xf32, #tpu.memory_space<vmem>>)
    %dma_start3A_68 = arith.constant 0 : i32
    %dma_start3A_69 = arith.constant 0 : i32
    %dma_start3A_70 = arith.constant 0 : i32
    %dma_start3A_71 = arith.constant 0 : i32
    %dma_start3A_72 = tpu.memref_slice %arg8[%dma_start3A_69, %dma_start3A_70, %dma_start3A_71] : memref<2x2000x16xf32, #tpu.memory_space<vmem>> -> memref<1x2000x16xf32, #tpu.memory_space<vmem>>
    %dma_start3A_73 = tpu.memref_squeeze %dma_start3A_72 : memref<1x2000x16xf32, #tpu.memory_space<vmem>> -> memref<2000x16xf32, #tpu.memory_space<vmem>>
    %dma_start3A_74 = arith.constant 0 : i32
    %dma_start3A_75 = tpu.memref_slice %arg6[%dma_start3A_68, %dma_start3A_74] : memref<2x2000xi32, #tpu.memory_space<vmem>> -> memref<1x2000xi32, #tpu.memory_space<vmem>>
    %dma_start3A_76 = tpu.memref_squeeze %dma_start3A_75 : memref<1x2000xi32, #tpu.memory_space<vmem>> -> memref<2000xi32, #tpu.memory_space<vmem>>
    %dma_start3A_77 = arith.constant 0 : i32
    %dma_start3A_78 = arith.constant 0 : i32
    %dma_start3A_79 = tpu.memref_slice %arg3[%dma_start3A_77, %dma_start3A_78] : memref<10000x16xf32, #tpu.memory_space<hbm>> -> memref<10000x16xf32, #tpu.memory_space<hbm>>
    tpu.enqueue_indirect_dma source(%dma_start3A_79 : memref<10000x16xf32, #tpu.memory_space<hbm>>) target(%dma_start3A_73 : memref<2000x16xf32, #tpu.memory_space<vmem>>) offsets(%dma_start3A_76 : memref<2000xi32, #tpu.memory_space<vmem>>) semaphore(%arg10 : memref<!tpu.dma_semaphore, #tpu.memory_space<semaphore_mem>>)
    %run_scoped3A_80 = arith.constant 1 : i32
    %run_scoped3A_81 = arith.constant 1 : i32
    "tpu.region"() ({
      %run_scoped3A_161 = tpu.sem_alloc : memref<!tpu.dma_semaphore, #tpu.memory_space<semaphore_mem>>
      %dma_start3A_162 = arith.constant 0 : i32
      %dma_start3A_163 = arith.constant 0 : i32
      %dma_start3A_164 = tpu.memref_slice %arg8[%run_scoped3A_80, %dma_start3A_162, %dma_start3A_163] : memref<2x2000x16xf32, #tpu.memory_space<vmem>> -> memref<1x2000x16xf32, #tpu.memory_space<vmem>>
      %dma_start3A_165 = tpu.memref_squeeze %dma_start3A_164 : memref<1x2000x16xf32, #tpu.memory_space<vmem>> -> memref<2000x16xf32, #tpu.memory_space<vmem>>
      %dma_start3A_166 = arith.constant 0 : i32
      %dma_start3A_167 = tpu.memref_slice %arg7[%run_scoped3A_81, %dma_start3A_166] : memref<2x2000xi32, #tpu.memory_space<vmem>> -> memref<1x2000xi32, #tpu.memory_space<vmem>>
      %dma_start3A_168 = tpu.memref_squeeze %dma_start3A_167 : memref<1x2000xi32, #tpu.memory_space<vmem>> -> memref<2000xi32, #tpu.memory_space<vmem>>
      %dma_start3A_169 = arith.constant 0 : i32
      %dma_start3A_170 = arith.constant 0 : i32
      %dma_start3A_171 = tpu.memref_slice %arg9[%dma_start3A_169, %dma_start3A_170] : memref<10000x16xf32, #tpu.memory_space<vmem_shared>> -> memref<10000x16xf32, #tpu.memory_space<vmem_shared>>
      tpu.enqueue_indirect_dma source(%dma_start3A_165 : memref<2000x16xf32, #tpu.memory_space<vmem>>) target(%dma_start3A_171 : memref<10000x16xf32, #tpu.memory_space<vmem_shared>>) offsets(%dma_start3A_168 : memref<2000xi32, #tpu.memory_space<vmem>>) semaphore(%run_scoped3A_161 : memref<!tpu.dma_semaphore, #tpu.memory_space<semaphore_mem>>) {add = true}
      %dma_wait3A_172 = arith.constant 0 : i32
      %dma_wait3A_173 = arith.constant 0 : i32
      %dma_wait3A_174 = tpu.memref_slice %arg8[%run_scoped3A_80, %dma_wait3A_172, %dma_wait3A_173] : memref<2x2000x16xf32, #tpu.memory_space<vmem>> -> memref<1x2000x16xf32, #tpu.memory_space<vmem>>
      %dma_wait3A_175 = tpu.memref_squeeze %dma_wait3A_174 : memref<1x2000x16xf32, #tpu.memory_space<vmem>> -> memref<2000x16xf32, #tpu.memory_space<vmem>>
      %dma_wait3A_176 = arith.constant 0 : i32
      %dma_wait3A_177 = tpu.memref_slice %arg7[%run_scoped3A_81, %dma_wait3A_176] : memref<2x2000xi32, #tpu.memory_space<vmem>> -> memref<1x2000xi32, #tpu.memory_space<vmem>>
      %dma_wait3A_178 = tpu.memref_squeeze %dma_wait3A_177 : memref<1x2000xi32, #tpu.memory_space<vmem>> -> memref<2000xi32, #tpu.memory_space<vmem>>
      %dma_wait3A_179 = arith.constant 0 : i32
      %dma_wait3A_180 = arith.constant 0 : i32
      %dma_wait3A_181 = tpu.memref_slice %arg9[%dma_wait3A_179, %dma_wait3A_180] : memref<10000x16xf32, #tpu.memory_space<vmem_shared>> -> memref<10000x16xf32, #tpu.memory_space<vmem_shared>>
      tpu.wait_indirect_dma semaphore(%run_scoped3A_161 : memref<!tpu.dma_semaphore, #tpu.memory_space<semaphore_mem>>) src(%dma_wait3A_175 : memref<2000x16xf32, #tpu.memory_space<vmem>>) dst(%dma_wait3A_181 : memref<10000x16xf32, #tpu.memory_space<vmem_shared>>)
      tpu.yield
    }) : () -> ()
    %add3A_82 = arith.constant 6000 : i32
    %add3A_83 = arith.addi %mul3A_4, %add3A_82 : i32
    %run_scoped3A_84 = arith.constant 1 : i32
    "tpu.region"() ({
      %run_scoped3A_161 = tpu.sem_alloc : memref<!tpu.dma_semaphore, #tpu.memory_space<semaphore_mem>>
      %dma_start3A_162 = arith.constant 0 : i32
      %dma_start3A_163 = tpu.memref_slice %arg6[%run_scoped3A_84, %dma_start3A_162] : memref<2x2000xi32, #tpu.memory_space<vmem>> -> memref<1x2000xi32, #tpu.memory_space<vmem>>
      %dma_start3A_164 = tpu.memref_squeeze %dma_start3A_163 : memref<1x2000xi32, #tpu.memory_space<vmem>> -> memref<2000xi32, #tpu.memory_space<vmem>>
      %dma_start3A_165 = tpu.memref_slice %arg2[%add3A_83] : memref<640000xi32, #tpu.memory_space<hbm>> -> memref<2000xi32, #tpu.memory_space<hbm>>
      %dma_start3A_166 = arith.constant 0 : i32
      %dma_start3A_167 = tpu.memref_slice %arg6[%run_scoped3A_84, %dma_start3A_166] : memref<2x2000xi32, #tpu.memory_space<vmem>> -> memref<1x2000xi32, #tpu.memory_space<vmem>>
      %dma_start3A_168 = tpu.memref_squeeze %dma_start3A_167 : memref<1x2000xi32, #tpu.memory_space<vmem>> -> memref<2000xi32, #tpu.memory_space<vmem>>
      %dma_start3A_169 = tpu.memref_slice %arg2[%add3A_83] : memref<640000xi32, #tpu.memory_space<hbm>> -> memref<2000xi32, #tpu.memory_space<hbm>>
      tpu.enqueue_dma source(%dma_start3A_169 : memref<2000xi32, #tpu.memory_space<hbm>>) target(%dma_start3A_168 : memref<2000xi32, #tpu.memory_space<vmem>>) target_semaphore(%run_scoped3A_161 : memref<!tpu.dma_semaphore, #tpu.memory_space<semaphore_mem>>)
      %dma_wait3A_170 = arith.constant 0 : i32
      %dma_wait3A_171 = tpu.memref_slice %arg6[%run_scoped3A_84, %dma_wait3A_170] : memref<2x2000xi32, #tpu.memory_space<vmem>> -> memref<1x2000xi32, #tpu.memory_space<vmem>>
      %dma_wait3A_172 = tpu.memref_squeeze %dma_wait3A_171 : memref<1x2000xi32, #tpu.memory_space<vmem>> -> memref<2000xi32, #tpu.memory_space<vmem>>
      %dma_wait3A_173 = tpu.memref_slice %arg2[%add3A_83] : memref<640000xi32, #tpu.memory_space<hbm>> -> memref<2000xi32, #tpu.memory_space<hbm>>
      %dma_wait3A_174 = arith.constant 0 : i32
      %dma_wait3A_175 = tpu.memref_slice %arg6[%run_scoped3A_84, %dma_wait3A_174] : memref<2x2000xi32, #tpu.memory_space<vmem>> -> memref<1x2000xi32, #tpu.memory_space<vmem>>
      %dma_wait3A_176 = tpu.memref_squeeze %dma_wait3A_175 : memref<1x2000xi32, #tpu.memory_space<vmem>> -> memref<2000xi32, #tpu.memory_space<vmem>>
      %dma_wait3A_177 = tpu.memref_slice %arg2[%add3A_83] : memref<640000xi32, #tpu.memory_space<hbm>> -> memref<2000xi32, #tpu.memory_space<hbm>>
      tpu.wait_dma2 semaphore(%run_scoped3A_161 : memref<!tpu.dma_semaphore, #tpu.memory_space<semaphore_mem>>) src(%dma_wait3A_177 : memref<2000xi32, #tpu.memory_space<hbm>>) dst(%dma_wait3A_176 : memref<2000xi32, #tpu.memory_space<vmem>>)
      tpu.yield
    }) : () -> ()
    %add3A_85 = arith.constant 320000 : i32
    %add3A_86 = arith.addi %add3A_85, %add3A_83 : i32
    %run_scoped3A_87 = arith.constant 1 : i32
    "tpu.region"() ({
      %run_scoped3A_161 = tpu.sem_alloc : memref<!tpu.dma_semaphore, #tpu.memory_space<semaphore_mem>>
      %dma_start3A_162 = arith.constant 0 : i32
      %dma_start3A_163 = tpu.memref_slice %arg7[%run_scoped3A_87, %dma_start3A_162] : memref<2x2000xi32, #tpu.memory_space<vmem>> -> memref<1x2000xi32, #tpu.memory_space<vmem>>
      %dma_start3A_164 = tpu.memref_squeeze %dma_start3A_163 : memref<1x2000xi32, #tpu.memory_space<vmem>> -> memref<2000xi32, #tpu.memory_space<vmem>>
      %dma_start3A_165 = tpu.memref_slice %arg2[%add3A_86] : memref<640000xi32, #tpu.memory_space<hbm>> -> memref<2000xi32, #tpu.memory_space<hbm>>
      %dma_start3A_166 = arith.constant 0 : i32
      %dma_start3A_167 = tpu.memref_slice %arg7[%run_scoped3A_87, %dma_start3A_166] : memref<2x2000xi32, #tpu.memory_space<vmem>> -> memref<1x2000xi32, #tpu.memory_space<vmem>>
      %dma_start3A_168 = tpu.memref_squeeze %dma_start3A_167 : memref<1x2000xi32, #tpu.memory_space<vmem>> -> memref<2000xi32, #tpu.memory_space<vmem>>
      %dma_start3A_169 = tpu.memref_slice %arg2[%add3A_86] : memref<640000xi32, #tpu.memory_space<hbm>> -> memref<2000xi32, #tpu.memory_space<hbm>>
      tpu.enqueue_dma source(%dma_start3A_169 : memref<2000xi32, #tpu.memory_space<hbm>>) target(%dma_start3A_168 : memref<2000xi32, #tpu.memory_space<vmem>>) target_semaphore(%run_scoped3A_161 : memref<!tpu.dma_semaphore, #tpu.memory_space<semaphore_mem>>)
      %dma_wait3A_170 = arith.constant 0 : i32
      %dma_wait3A_171 = tpu.memref_slice %arg7[%run_scoped3A_87, %dma_wait3A_170] : memref<2x2000xi32, #tpu.memory_space<vmem>> -> memref<1x2000xi32, #tpu.memory_space<vmem>>
      %dma_wait3A_172 = tpu.memref_squeeze %dma_wait3A_171 : memref<1x2000xi32, #tpu.memory_space<vmem>> -> memref<2000xi32, #tpu.memory_space<vmem>>
      %dma_wait3A_173 = tpu.memref_slice %arg2[%add3A_86] : memref<640000xi32, #tpu.memory_space<hbm>> -> memref<2000xi32, #tpu.memory_space<hbm>>
      %dma_wait3A_174 = arith.constant 0 : i32
      %dma_wait3A_175 = tpu.memref_slice %arg7[%run_scoped3A_87, %dma_wait3A_174] : memref<2x2000xi32, #tpu.memory_space<vmem>> -> memref<1x2000xi32, #tpu.memory_space<vmem>>
      %dma_wait3A_176 = tpu.memref_squeeze %dma_wait3A_175 : memref<1x2000xi32, #tpu.memory_space<vmem>> -> memref<2000xi32, #tpu.memory_space<vmem>>
      %dma_wait3A_177 = tpu.memref_slice %arg2[%add3A_86] : memref<640000xi32, #tpu.memory_space<hbm>> -> memref<2000xi32, #tpu.memory_space<hbm>>
      tpu.wait_dma2 semaphore(%run_scoped3A_161 : memref<!tpu.dma_semaphore, #tpu.memory_space<semaphore_mem>>) src(%dma_wait3A_177 : memref<2000xi32, #tpu.memory_space<hbm>>) dst(%dma_wait3A_176 : memref<2000xi32, #tpu.memory_space<vmem>>)
      tpu.yield
    }) : () -> ()
    %dma_wait3A_88 = arith.constant 0 : i32
    %dma_wait3A_89 = arith.constant 0 : i32
    %dma_wait3A_90 = arith.constant 0 : i32
    %dma_wait3A_91 = arith.constant 0 : i32
    %dma_wait3A_92 = tpu.memref_slice %arg8[%dma_wait3A_89, %dma_wait3A_90, %dma_wait3A_91] : memref<2x2000x16xf32, #tpu.memory_space<vmem>> -> memref<1x2000x16xf32, #tpu.memory_space<vmem>>
    %dma_wait3A_93 = tpu.memref_squeeze %dma_wait3A_92 : memref<1x2000x16xf32, #tpu.memory_space<vmem>> -> memref<2000x16xf32, #tpu.memory_space<vmem>>
    %dma_wait3A_94 = arith.constant 0 : i32
    %dma_wait3A_95 = tpu.memref_slice %arg6[%dma_wait3A_88, %dma_wait3A_94] : memref<2x2000xi32, #tpu.memory_space<vmem>> -> memref<1x2000xi32, #tpu.memory_space<vmem>>
    %dma_wait3A_96 = tpu.memref_squeeze %dma_wait3A_95 : memref<1x2000xi32, #tpu.memory_space<vmem>> -> memref<2000xi32, #tpu.memory_space<vmem>>
    %dma_wait3A_97 = arith.constant 0 : i32
    %dma_wait3A_98 = arith.constant 0 : i32
    %dma_wait3A_99 = tpu.memref_slice %arg3[%dma_wait3A_97, %dma_wait3A_98] : memref<10000x16xf32, #tpu.memory_space<hbm>> -> memref<10000x16xf32, #tpu.memory_space<hbm>>
    tpu.wait_indirect_dma semaphore(%arg10 : memref<!tpu.dma_semaphore, #tpu.memory_space<semaphore_mem>>) src(%dma_wait3A_99 : memref<10000x16xf32, #tpu.memory_space<hbm>>) dst(%dma_wait3A_93 : memref<2000x16xf32, #tpu.memory_space<vmem>>)
    %dma_start3A_100 = arith.constant 1 : i32
    %dma_start3A_101 = arith.constant 1 : i32
    %dma_start3A_102 = arith.constant 0 : i32
    %dma_start3A_103 = arith.constant 0 : i32
    %dma_start3A_104 = tpu.memref_slice %arg8[%dma_start3A_101, %dma_start3A_102, %dma_start3A_103] : memref<2x2000x16xf32, #tpu.memory_space<vmem>> -> memref<1x2000x16xf32, #tpu.memory_space<vmem>>
    %dma_start3A_105 = tpu.memref_squeeze %dma_start3A_104 : memref<1x2000x16xf32, #tpu.memory_space<vmem>> -> memref<2000x16xf32, #tpu.memory_space<vmem>>
    %dma_start3A_106 = arith.constant 0 : i32
    %dma_start3A_107 = tpu.memref_slice %arg6[%dma_start3A_100, %dma_start3A_106] : memref<2x2000xi32, #tpu.memory_space<vmem>> -> memref<1x2000xi32, #tpu.memory_space<vmem>>
    %dma_start3A_108 = tpu.memref_squeeze %dma_start3A_107 : memref<1x2000xi32, #tpu.memory_space<vmem>> -> memref<2000xi32, #tpu.memory_space<vmem>>
    %dma_start3A_109 = arith.constant 0 : i32
    %dma_start3A_110 = arith.constant 0 : i32
    %dma_start3A_111 = tpu.memref_slice %arg3[%dma_start3A_109, %dma_start3A_110] : memref<10000x16xf32, #tpu.memory_space<hbm>> -> memref<10000x16xf32, #tpu.memory_space<hbm>>
    tpu.enqueue_indirect_dma source(%dma_start3A_111 : memref<10000x16xf32, #tpu.memory_space<hbm>>) target(%dma_start3A_105 : memref<2000x16xf32, #tpu.memory_space<vmem>>) offsets(%dma_start3A_108 : memref<2000xi32, #tpu.memory_space<vmem>>) semaphore(%arg10 : memref<!tpu.dma_semaphore, #tpu.memory_space<semaphore_mem>>)
    %run_scoped3A_112 = arith.constant 0 : i32
    %run_scoped3A_113 = arith.constant 0 : i32
    "tpu.region"() ({
      %run_scoped3A_161 = tpu.sem_alloc : memref<!tpu.dma_semaphore, #tpu.memory_space<semaphore_mem>>
      %dma_start3A_162 = arith.constant 0 : i32
      %dma_start3A_163 = arith.constant 0 : i32
      %dma_start3A_164 = tpu.memref_slice %arg8[%run_scoped3A_112, %dma_start3A_162, %dma_start3A_163] : memref<2x2000x16xf32, #tpu.memory_space<vmem>> -> memref<1x2000x16xf32, #tpu.memory_space<vmem>>
      %dma_start3A_165 = tpu.memref_squeeze %dma_start3A_164 : memref<1x2000x16xf32, #tpu.memory_space<vmem>> -> memref<2000x16xf32, #tpu.memory_space<vmem>>
      %dma_start3A_166 = arith.constant 0 : i32
      %dma_start3A_167 = tpu.memref_slice %arg7[%run_scoped3A_113, %dma_start3A_166] : memref<2x2000xi32, #tpu.memory_space<vmem>> -> memref<1x2000xi32, #tpu.memory_space<vmem>>
      %dma_start3A_168 = tpu.memref_squeeze %dma_start3A_167 : memref<1x2000xi32, #tpu.memory_space<vmem>> -> memref<2000xi32, #tpu.memory_space<vmem>>
      %dma_start3A_169 = arith.constant 0 : i32
      %dma_start3A_170 = arith.constant 0 : i32
      %dma_start3A_171 = tpu.memref_slice %arg9[%dma_start3A_169, %dma_start3A_170] : memref<10000x16xf32, #tpu.memory_space<vmem_shared>> -> memref<10000x16xf32, #tpu.memory_space<vmem_shared>>
      tpu.enqueue_indirect_dma source(%dma_start3A_165 : memref<2000x16xf32, #tpu.memory_space<vmem>>) target(%dma_start3A_171 : memref<10000x16xf32, #tpu.memory_space<vmem_shared>>) offsets(%dma_start3A_168 : memref<2000xi32, #tpu.memory_space<vmem>>) semaphore(%run_scoped3A_161 : memref<!tpu.dma_semaphore, #tpu.memory_space<semaphore_mem>>) {add = true}
      %dma_wait3A_172 = arith.constant 0 : i32
      %dma_wait3A_173 = arith.constant 0 : i32
      %dma_wait3A_174 = tpu.memref_slice %arg8[%run_scoped3A_112, %dma_wait3A_172, %dma_wait3A_173] : memref<2x2000x16xf32, #tpu.memory_space<vmem>> -> memref<1x2000x16xf32, #tpu.memory_space<vmem>>
      %dma_wait3A_175 = tpu.memref_squeeze %dma_wait3A_174 : memref<1x2000x16xf32, #tpu.memory_space<vmem>> -> memref<2000x16xf32, #tpu.memory_space<vmem>>
      %dma_wait3A_176 = arith.constant 0 : i32
      %dma_wait3A_177 = tpu.memref_slice %arg7[%run_scoped3A_113, %dma_wait3A_176] : memref<2x2000xi32, #tpu.memory_space<vmem>> -> memref<1x2000xi32, #tpu.memory_space<vmem>>
      %dma_wait3A_178 = tpu.memref_squeeze %dma_wait3A_177 : memref<1x2000xi32, #tpu.memory_space<vmem>> -> memref<2000xi32, #tpu.memory_space<vmem>>
      %dma_wait3A_179 = arith.constant 0 : i32
      %dma_wait3A_180 = arith.constant 0 : i32
      %dma_wait3A_181 = tpu.memref_slice %arg9[%dma_wait3A_179, %dma_wait3A_180] : memref<10000x16xf32, #tpu.memory_space<vmem_shared>> -> memref<10000x16xf32, #tpu.memory_space<vmem_shared>>
      tpu.wait_indirect_dma semaphore(%run_scoped3A_161 : memref<!tpu.dma_semaphore, #tpu.memory_space<semaphore_mem>>) src(%dma_wait3A_175 : memref<2000x16xf32, #tpu.memory_space<vmem>>) dst(%dma_wait3A_181 : memref<10000x16xf32, #tpu.memory_space<vmem_shared>>)
      tpu.yield
    }) : () -> ()
    %add3A_114 = arith.constant 8000 : i32
    %add3A_115 = arith.addi %mul3A_4, %add3A_114 : i32
    %run_scoped3A_116 = arith.constant 0 : i32
    "tpu.region"() ({
      %run_scoped3A_161 = tpu.sem_alloc : memref<!tpu.dma_semaphore, #tpu.memory_space<semaphore_mem>>
      %dma_start3A_162 = arith.constant 0 : i32
      %dma_start3A_163 = tpu.memref_slice %arg6[%run_scoped3A_116, %dma_start3A_162] : memref<2x2000xi32, #tpu.memory_space<vmem>> -> memref<1x2000xi32, #tpu.memory_space<vmem>>
      %dma_start3A_164 = tpu.memref_squeeze %dma_start3A_163 : memref<1x2000xi32, #tpu.memory_space<vmem>> -> memref<2000xi32, #tpu.memory_space<vmem>>
      %dma_start3A_165 = tpu.memref_slice %arg2[%add3A_115] : memref<640000xi32, #tpu.memory_space<hbm>> -> memref<2000xi32, #tpu.memory_space<hbm>>
      %dma_start3A_166 = arith.constant 0 : i32
      %dma_start3A_167 = tpu.memref_slice %arg6[%run_scoped3A_116, %dma_start3A_166] : memref<2x2000xi32, #tpu.memory_space<vmem>> -> memref<1x2000xi32, #tpu.memory_space<vmem>>
      %dma_start3A_168 = tpu.memref_squeeze %dma_start3A_167 : memref<1x2000xi32, #tpu.memory_space<vmem>> -> memref<2000xi32, #tpu.memory_space<vmem>>
      %dma_start3A_169 = tpu.memref_slice %arg2[%add3A_115] : memref<640000xi32, #tpu.memory_space<hbm>> -> memref<2000xi32, #tpu.memory_space<hbm>>
      tpu.enqueue_dma source(%dma_start3A_169 : memref<2000xi32, #tpu.memory_space<hbm>>) target(%dma_start3A_168 : memref<2000xi32, #tpu.memory_space<vmem>>) target_semaphore(%run_scoped3A_161 : memref<!tpu.dma_semaphore, #tpu.memory_space<semaphore_mem>>)
      %dma_wait3A_170 = arith.constant 0 : i32
      %dma_wait3A_171 = tpu.memref_slice %arg6[%run_scoped3A_116, %dma_wait3A_170] : memref<2x2000xi32, #tpu.memory_space<vmem>> -> memref<1x2000xi32, #tpu.memory_space<vmem>>
      %dma_wait3A_172 = tpu.memref_squeeze %dma_wait3A_171 : memref<1x2000xi32, #tpu.memory_space<vmem>> -> memref<2000xi32, #tpu.memory_space<vmem>>
      %dma_wait3A_173 = tpu.memref_slice %arg2[%add3A_115] : memref<640000xi32, #tpu.memory_space<hbm>> -> memref<2000xi32, #tpu.memory_space<hbm>>
      %dma_wait3A_174 = arith.constant 0 : i32
      %dma_wait3A_175 = tpu.memref_slice %arg6[%run_scoped3A_116, %dma_wait3A_174] : memref<2x2000xi32, #tpu.memory_space<vmem>> -> memref<1x2000xi32, #tpu.memory_space<vmem>>
      %dma_wait3A_176 = tpu.memref_squeeze %dma_wait3A_175 : memref<1x2000xi32, #tpu.memory_space<vmem>> -> memref<2000xi32, #tpu.memory_space<vmem>>
      %dma_wait3A_177 = tpu.memref_slice %arg2[%add3A_115] : memref<640000xi32, #tpu.memory_space<hbm>> -> memref<2000xi32, #tpu.memory_space<hbm>>
      tpu.wait_dma2 semaphore(%run_scoped3A_161 : memref<!tpu.dma_semaphore, #tpu.memory_space<semaphore_mem>>) src(%dma_wait3A_177 : memref<2000xi32, #tpu.memory_space<hbm>>) dst(%dma_wait3A_176 : memref<2000xi32, #tpu.memory_space<vmem>>)
      tpu.yield
    }) : () -> ()
    %add3A_117 = arith.constant 320000 : i32
    %add3A_118 = arith.addi %add3A_117, %add3A_115 : i32
    %run_scoped3A_119 = arith.constant 0 : i32
    "tpu.region"() ({
      %run_scoped3A_161 = tpu.sem_alloc : memref<!tpu.dma_semaphore, #tpu.memory_space<semaphore_mem>>
      %dma_start3A_162 = arith.constant 0 : i32
      %dma_start3A_163 = tpu.memref_slice %arg7[%run_scoped3A_119, %dma_start3A_162] : memref<2x2000xi32, #tpu.memory_space<vmem>> -> memref<1x2000xi32, #tpu.memory_space<vmem>>
      %dma_start3A_164 = tpu.memref_squeeze %dma_start3A_163 : memref<1x2000xi32, #tpu.memory_space<vmem>> -> memref<2000xi32, #tpu.memory_space<vmem>>
      %dma_start3A_165 = tpu.memref_slice %arg2[%add3A_118] : memref<640000xi32, #tpu.memory_space<hbm>> -> memref<2000xi32, #tpu.memory_space<hbm>>
      %dma_start3A_166 = arith.constant 0 : i32
      %dma_start3A_167 = tpu.memref_slice %arg7[%run_scoped3A_119, %dma_start3A_166] : memref<2x2000xi32, #tpu.memory_space<vmem>> -> memref<1x2000xi32, #tpu.memory_space<vmem>>
      %dma_start3A_168 = tpu.memref_squeeze %dma_start3A_167 : memref<1x2000xi32, #tpu.memory_space<vmem>> -> memref<2000xi32, #tpu.memory_space<vmem>>
      %dma_start3A_169 = tpu.memref_slice %arg2[%add3A_118] : memref<640000xi32, #tpu.memory_space<hbm>> -> memref<2000xi32, #tpu.memory_space<hbm>>
      tpu.enqueue_dma source(%dma_start3A_169 : memref<2000xi32, #tpu.memory_space<hbm>>) target(%dma_start3A_168 : memref<2000xi32, #tpu.memory_space<vmem>>) target_semaphore(%run_scoped3A_161 : memref<!tpu.dma_semaphore, #tpu.memory_space<semaphore_mem>>)
      %dma_wait3A_170 = arith.constant 0 : i32
      %dma_wait3A_171 = tpu.memref_slice %arg7[%run_scoped3A_119, %dma_wait3A_170] : memref<2x2000xi32, #tpu.memory_space<vmem>> -> memref<1x2000xi32, #tpu.memory_space<vmem>>
      %dma_wait3A_172 = tpu.memref_squeeze %dma_wait3A_171 : memref<1x2000xi32, #tpu.memory_space<vmem>> -> memref<2000xi32, #tpu.memory_space<vmem>>
      %dma_wait3A_173 = tpu.memref_slice %arg2[%add3A_118] : memref<640000xi32, #tpu.memory_space<hbm>> -> memref<2000xi32, #tpu.memory_space<hbm>>
      %dma_wait3A_174 = arith.constant 0 : i32
      %dma_wait3A_175 = tpu.memref_slice %arg7[%run_scoped3A_119, %dma_wait3A_174] : memref<2x2000xi32, #tpu.memory_space<vmem>> -> memref<1x2000xi32, #tpu.memory_space<vmem>>
      %dma_wait3A_176 = tpu.memref_squeeze %dma_wait3A_175 : memref<1x2000xi32, #tpu.memory_space<vmem>> -> memref<2000xi32, #tpu.memory_space<vmem>>
      %dma_wait3A_177 = tpu.memref_slice %arg2[%add3A_118] : memref<640000xi32, #tpu.memory_space<hbm>> -> memref<2000xi32, #tpu.memory_space<hbm>>
      tpu.wait_dma2 semaphore(%run_scoped3A_161 : memref<!tpu.dma_semaphore, #tpu.memory_space<semaphore_mem>>) src(%dma_wait3A_177 : memref<2000xi32, #tpu.memory_space<hbm>>) dst(%dma_wait3A_176 : memref<2000xi32, #tpu.memory_space<vmem>>)
      tpu.yield
    }) : () -> ()
    %dma_wait3A_120 = arith.constant 1 : i32
    %dma_wait3A_121 = arith.constant 1 : i32
    %dma_wait3A_122 = arith.constant 0 : i32
    %dma_wait3A_123 = arith.constant 0 : i32
    %dma_wait3A_124 = tpu.memref_slice %arg8[%dma_wait3A_121, %dma_wait3A_122, %dma_wait3A_123] : memref<2x2000x16xf32, #tpu.memory_space<vmem>> -> memref<1x2000x16xf32, #tpu.memory_space<vmem>>
    %dma_wait3A_125 = tpu.memref_squeeze %dma_wait3A_124 : memref<1x2000x16xf32, #tpu.memory_space<vmem>> -> memref<2000x16xf32, #tpu.memory_space<vmem>>
    %dma_wait3A_126 = arith.constant 0 : i32
    %dma_wait3A_127 = tpu.memref_slice %arg6[%dma_wait3A_120, %dma_wait3A_126] : memref<2x2000xi32, #tpu.memory_space<vmem>> -> memref<1x2000xi32, #tpu.memory_space<vmem>>
    %dma_wait3A_128 = tpu.memref_squeeze %dma_wait3A_127 : memref<1x2000xi32, #tpu.memory_space<vmem>> -> memref<2000xi32, #tpu.memory_space<vmem>>
    %dma_wait3A_129 = arith.constant 0 : i32
    %dma_wait3A_130 = arith.constant 0 : i32
    %dma_wait3A_131 = tpu.memref_slice %arg3[%dma_wait3A_129, %dma_wait3A_130] : memref<10000x16xf32, #tpu.memory_space<hbm>> -> memref<10000x16xf32, #tpu.memory_space<hbm>>
    tpu.wait_indirect_dma semaphore(%arg10 : memref<!tpu.dma_semaphore, #tpu.memory_space<semaphore_mem>>) src(%dma_wait3A_131 : memref<10000x16xf32, #tpu.memory_space<hbm>>) dst(%dma_wait3A_125 : memref<2000x16xf32, #tpu.memory_space<vmem>>)
    %dma_start3A_132 = arith.constant 0 : i32
    %dma_start3A_133 = arith.constant 0 : i32
    %dma_start3A_134 = arith.constant 0 : i32
    %dma_start3A_135 = arith.constant 0 : i32
    %dma_start3A_136 = tpu.memref_slice %arg8[%dma_start3A_133, %dma_start3A_134, %dma_start3A_135] : memref<2x2000x16xf32, #tpu.memory_space<vmem>> -> memref<1x2000x16xf32, #tpu.memory_space<vmem>>
    %dma_start3A_137 = tpu.memref_squeeze %dma_start3A_136 : memref<1x2000x16xf32, #tpu.memory_space<vmem>> -> memref<2000x16xf32, #tpu.memory_space<vmem>>
    %dma_start3A_138 = arith.constant 0 : i32
    %dma_start3A_139 = tpu.memref_slice %arg6[%dma_start3A_132, %dma_start3A_138] : memref<2x2000xi32, #tpu.memory_space<vmem>> -> memref<1x2000xi32, #tpu.memory_space<vmem>>
    %dma_start3A_140 = tpu.memref_squeeze %dma_start3A_139 : memref<1x2000xi32, #tpu.memory_space<vmem>> -> memref<2000xi32, #tpu.memory_space<vmem>>
    %dma_start3A_141 = arith.constant 0 : i32
    %dma_start3A_142 = arith.constant 0 : i32
    %dma_start3A_143 = tpu.memref_slice %arg3[%dma_start3A_141, %dma_start3A_142] : memref<10000x16xf32, #tpu.memory_space<hbm>> -> memref<10000x16xf32, #tpu.memory_space<hbm>>
    tpu.enqueue_indirect_dma source(%dma_start3A_143 : memref<10000x16xf32, #tpu.memory_space<hbm>>) target(%dma_start3A_137 : memref<2000x16xf32, #tpu.memory_space<vmem>>) offsets(%dma_start3A_140 : memref<2000xi32, #tpu.memory_space<vmem>>) semaphore(%arg10 : memref<!tpu.dma_semaphore, #tpu.memory_space<semaphore_mem>>)
    %run_scoped3A_144 = arith.constant 1 : i32
    %run_scoped3A_145 = arith.constant 1 : i32
    "tpu.region"() ({
      %run_scoped3A_161 = tpu.sem_alloc : memref<!tpu.dma_semaphore, #tpu.memory_space<semaphore_mem>>
      %dma_start3A_162 = arith.constant 0 : i32
      %dma_start3A_163 = arith.constant 0 : i32
      %dma_start3A_164 = tpu.memref_slice %arg8[%run_scoped3A_144, %dma_start3A_162, %dma_start3A_163] : memref<2x2000x16xf32, #tpu.memory_space<vmem>> -> memref<1x2000x16xf32, #tpu.memory_space<vmem>>
      %dma_start3A_165 = tpu.memref_squeeze %dma_start3A_164 : memref<1x2000x16xf32, #tpu.memory_space<vmem>> -> memref<2000x16xf32, #tpu.memory_space<vmem>>
      %dma_start3A_166 = arith.constant 0 : i32
      %dma_start3A_167 = tpu.memref_slice %arg7[%run_scoped3A_145, %dma_start3A_166] : memref<2x2000xi32, #tpu.memory_space<vmem>> -> memref<1x2000xi32, #tpu.memory_space<vmem>>
      %dma_start3A_168 = tpu.memref_squeeze %dma_start3A_167 : memref<1x2000xi32, #tpu.memory_space<vmem>> -> memref<2000xi32, #tpu.memory_space<vmem>>
      %dma_start3A_169 = arith.constant 0 : i32
      %dma_start3A_170 = arith.constant 0 : i32
      %dma_start3A_171 = tpu.memref_slice %arg9[%dma_start3A_169, %dma_start3A_170] : memref<10000x16xf32, #tpu.memory_space<vmem_shared>> -> memref<10000x16xf32, #tpu.memory_space<vmem_shared>>
      tpu.enqueue_indirect_dma source(%dma_start3A_165 : memref<2000x16xf32, #tpu.memory_space<vmem>>) target(%dma_start3A_171 : memref<10000x16xf32, #tpu.memory_space<vmem_shared>>) offsets(%dma_start3A_168 : memref<2000xi32, #tpu.memory_space<vmem>>) semaphore(%run_scoped3A_161 : memref<!tpu.dma_semaphore, #tpu.memory_space<semaphore_mem>>) {add = true}
      %dma_wait3A_172 = arith.constant 0 : i32
      %dma_wait3A_173 = arith.constant 0 : i32
      %dma_wait3A_174 = tpu.memref_slice %arg8[%run_scoped3A_144, %dma_wait3A_172, %dma_wait3A_173] : memref<2x2000x16xf32, #tpu.memory_space<vmem>> -> memref<1x2000x16xf32, #tpu.memory_space<vmem>>
      %dma_wait3A_175 = tpu.memref_squeeze %dma_wait3A_174 : memref<1x2000x16xf32, #tpu.memory_space<vmem>> -> memref<2000x16xf32, #tpu.memory_space<vmem>>
      %dma_wait3A_176 = arith.constant 0 : i32
      %dma_wait3A_177 = tpu.memref_slice %arg7[%run_scoped3A_145, %dma_wait3A_176] : memref<2x2000xi32, #tpu.memory_space<vmem>> -> memref<1x2000xi32, #tpu.memory_space<vmem>>
      %dma_wait3A_178 = tpu.memref_squeeze %dma_wait3A_177 : memref<1x2000xi32, #tpu.memory_space<vmem>> -> memref<2000xi32, #tpu.memory_space<vmem>>
      %dma_wait3A_179 = arith.constant 0 : i32
      %dma_wait3A_180 = arith.constant 0 : i32
      %dma_wait3A_181 = tpu.memref_slice %arg9[%dma_wait3A_179, %dma_wait3A_180] : memref<10000x16xf32, #tpu.memory_space<vmem_shared>> -> memref<10000x16xf32, #tpu.memory_space<vmem_shared>>
      tpu.wait_indirect_dma semaphore(%run_scoped3A_161 : memref<!tpu.dma_semaphore, #tpu.memory_space<semaphore_mem>>) src(%dma_wait3A_175 : memref<2000x16xf32, #tpu.memory_space<vmem>>) dst(%dma_wait3A_181 : memref<10000x16xf32, #tpu.memory_space<vmem_shared>>)
      tpu.yield
    }) : () -> ()
    %dma_wait3A_146 = arith.constant 0 : i32
    %dma_wait3A_147 = arith.constant 0 : i32
    %dma_wait3A_148 = arith.constant 0 : i32
    %dma_wait3A_149 = arith.constant 0 : i32
    %dma_wait3A_150 = tpu.memref_slice %arg8[%dma_wait3A_147, %dma_wait3A_148, %dma_wait3A_149] : memref<2x2000x16xf32, #tpu.memory_space<vmem>> -> memref<1x2000x16xf32, #tpu.memory_space<vmem>>
    %dma_wait3A_151 = tpu.memref_squeeze %dma_wait3A_150 : memref<1x2000x16xf32, #tpu.memory_space<vmem>> -> memref<2000x16xf32, #tpu.memory_space<vmem>>
    %dma_wait3A_152 = arith.constant 0 : i32
    %dma_wait3A_153 = tpu.memref_slice %arg6[%dma_wait3A_146, %dma_wait3A_152] : memref<2x2000xi32, #tpu.memory_space<vmem>> -> memref<1x2000xi32, #tpu.memory_space<vmem>>
    %dma_wait3A_154 = tpu.memref_squeeze %dma_wait3A_153 : memref<1x2000xi32, #tpu.memory_space<vmem>> -> memref<2000xi32, #tpu.memory_space<vmem>>
    %dma_wait3A_155 = arith.constant 0 : i32
    %dma_wait3A_156 = arith.constant 0 : i32
    %dma_wait3A_157 = tpu.memref_slice %arg3[%dma_wait3A_155, %dma_wait3A_156] : memref<10000x16xf32, #tpu.memory_space<hbm>> -> memref<10000x16xf32, #tpu.memory_space<hbm>>
    tpu.wait_indirect_dma semaphore(%arg10 : memref<!tpu.dma_semaphore, #tpu.memory_space<semaphore_mem>>) src(%dma_wait3A_157 : memref<10000x16xf32, #tpu.memory_space<hbm>>) dst(%dma_wait3A_151 : memref<2000x16xf32, #tpu.memory_space<vmem>>)
    %run_scoped3A_158 = arith.constant 0 : i32
    %run_scoped3A_159 = arith.constant 0 : i32
    "tpu.region"() ({
      %run_scoped3A_161 = tpu.sem_alloc : memref<!tpu.dma_semaphore, #tpu.memory_space<semaphore_mem>>
      %dma_start3A_162 = arith.constant 0 : i32
      %dma_start3A_163 = arith.constant 0 : i32
      %dma_start3A_164 = tpu.memref_slice %arg8[%run_scoped3A_158, %dma_start3A_162, %dma_start3A_163] : memref<2x2000x16xf32, #tpu.memory_space<vmem>> -> memref<1x2000x16xf32, #tpu.memory_space<vmem>>
      %dma_start3A_165 = tpu.memref_squeeze %dma_start3A_164 : memref<1x2000x16xf32, #tpu.memory_space<vmem>> -> memref<2000x16xf32, #tpu.memory_space<vmem>>
      %dma_start3A_166 = arith.constant 0 : i32
      %dma_start3A_167 = tpu.memref_slice %arg7[%run_scoped3A_159, %dma_start3A_166] : memref<2x2000xi32, #tpu.memory_space<vmem>> -> memref<1x2000xi32, #tpu.memory_space<vmem>>
      %dma_start3A_168 = tpu.memref_squeeze %dma_start3A_167 : memref<1x2000xi32, #tpu.memory_space<vmem>> -> memref<2000xi32, #tpu.memory_space<vmem>>
      %dma_start3A_169 = arith.constant 0 : i32
      %dma_start3A_170 = arith.constant 0 : i32
      %dma_start3A_171 = tpu.memref_slice %arg9[%dma_start3A_169, %dma_start3A_170] : memref<10000x16xf32, #tpu.memory_space<vmem_shared>> -> memref<10000x16xf32, #tpu.memory_space<vmem_shared>>
      tpu.enqueue_indirect_dma source(%dma_start3A_165 : memref<2000x16xf32, #tpu.memory_space<vmem>>) target(%dma_start3A_171 : memref<10000x16xf32, #tpu.memory_space<vmem_shared>>) offsets(%dma_start3A_168 : memref<2000xi32, #tpu.memory_space<vmem>>) semaphore(%run_scoped3A_161 : memref<!tpu.dma_semaphore, #tpu.memory_space<semaphore_mem>>) {add = true}
      %dma_wait3A_172 = arith.constant 0 : i32
      %dma_wait3A_173 = arith.constant 0 : i32
      %dma_wait3A_174 = tpu.memref_slice %arg8[%run_scoped3A_158, %dma_wait3A_172, %dma_wait3A_173] : memref<2x2000x16xf32, #tpu.memory_space<vmem>> -> memref<1x2000x16xf32, #tpu.memory_space<vmem>>
      %dma_wait3A_175 = tpu.memref_squeeze %dma_wait3A_174 : memref<1x2000x16xf32, #tpu.memory_space<vmem>> -> memref<2000x16xf32, #tpu.memory_space<vmem>>
      %dma_wait3A_176 = arith.constant 0 : i32
      %dma_wait3A_177 = tpu.memref_slice %arg7[%run_scoped3A_159, %dma_wait3A_176] : memref<2x2000xi32, #tpu.memory_space<vmem>> -> memref<1x2000xi32, #tpu.memory_space<vmem>>
      %dma_wait3A_178 = tpu.memref_squeeze %dma_wait3A_177 : memref<1x2000xi32, #tpu.memory_space<vmem>> -> memref<2000xi32, #tpu.memory_space<vmem>>
      %dma_wait3A_179 = arith.constant 0 : i32
      %dma_wait3A_180 = arith.constant 0 : i32
      %dma_wait3A_181 = tpu.memref_slice %arg9[%dma_wait3A_179, %dma_wait3A_180] : memref<10000x16xf32, #tpu.memory_space<vmem_shared>> -> memref<10000x16xf32, #tpu.memory_space<vmem_shared>>
      tpu.wait_indirect_dma semaphore(%run_scoped3A_161 : memref<!tpu.dma_semaphore, #tpu.memory_space<semaphore_mem>>) src(%dma_wait3A_175 : memref<2000x16xf32, #tpu.memory_space<vmem>>) dst(%dma_wait3A_181 : memref<10000x16xf32, #tpu.memory_space<vmem_shared>>)
      tpu.yield
    }) : () -> ()
    %barrier3A_160 = arith.constant 0 : index
    tpu.barrier barrier_id(%barrier3A_160)
    "tpu.region"() ({
      %run_scoped3A_161 = tpu.sem_alloc : memref<!tpu.dma_semaphore, #tpu.memory_space<semaphore_mem>>
      %dma_start3A_162 = arith.constant 0 : i32
      %dma_start3A_163 = tpu.memref_slice %arg5[%arg0, %mul3A_2, %dma_start3A_162] : memref<2x10000x16xf32, #tpu.memory_space<hbm>> -> memref<1x625x16xf32, #tpu.memory_space<hbm>>
      %dma_start3A_164 = tpu.memref_squeeze %dma_start3A_163 : memref<1x625x16xf32, #tpu.memory_space<hbm>> -> memref<625x16xf32, #tpu.memory_space<hbm>>
      %dma_start3A_165 = arith.constant 0 : i32
      %dma_start3A_166 = tpu.memref_slice %arg9[%mul3A_2, %dma_start3A_165] : memref<10000x16xf32, #tpu.memory_space<vmem_shared>> -> memref<625x16xf32, #tpu.memory_space<vmem_shared>>
      tpu.enqueue_dma source(%dma_start3A_166 : memref<625x16xf32, #tpu.memory_space<vmem_shared>>) target(%dma_start3A_164 : memref<625x16xf32, #tpu.memory_space<hbm>>) target_semaphore(%run_scoped3A_161 : memref<!tpu.dma_semaphore, #tpu.memory_space<semaphore_mem>>)
      %dma_wait3A_167 = arith.constant 0 : i32
      %dma_wait3A_168 = tpu.memref_slice %arg5[%arg0, %mul3A_2, %dma_wait3A_167] : memref<2x10000x16xf32, #tpu.memory_space<hbm>> -> memref<1x625x16xf32, #tpu.memory_space<hbm>>
      %dma_wait3A_169 = tpu.memref_squeeze %dma_wait3A_168 : memref<1x625x16xf32, #tpu.memory_space<hbm>> -> memref<625x16xf32, #tpu.memory_space<hbm>>
      %dma_wait3A_170 = arith.constant 0 : i32
      %dma_wait3A_171 = tpu.memref_slice %arg9[%mul3A_2, %dma_wait3A_170] : memref<10000x16xf32, #tpu.memory_space<vmem_shared>> -> memref<625x16xf32, #tpu.memory_space<vmem_shared>>
      tpu.wait_dma2 semaphore(%run_scoped3A_161 : memref<!tpu.dma_semaphore, #tpu.memory_space<semaphore_mem>>) src(%dma_wait3A_171 : memref<625x16xf32, #tpu.memory_space<vmem_shared>>) dst(%dma_wait3A_169 : memref<625x16xf32, #tpu.memory_space<hbm>>)
      tpu.yield
    }) : () -> ()
    return
  }
}

module attributes {stable_mosaic.version = 14 : i64} {
  func.func @_k1a_body(%arg0: memref<10000x128xf32, #tpu.memory_space<vmem>>, %arg1: memref<128x16xf32, #tpu.memory_space<vmem>>, %arg2: memref<10000x16xf32, #tpu.memory_space<vmem>>) attributes {dimension_semantics = [], scalar_prefetch = 0 : i64, scratch_operands = 0 : i64, tpu.core_type = #tpu.core_type<tc>} {
    %get3A = arith.constant 0 : index
    %get3A_0 = arith.constant 0 : index
    %get3A_1 = vector.load %arg0[%get3A, %get3A_0] : memref<10000x128xf32, #tpu.memory_space<vmem>>, vector<10000x128xf32>
    %get3A_2 = arith.constant 0 : index
    %get3A_3 = arith.constant 0 : index
    %get3A_4 = vector.load %arg1[%get3A_2, %get3A_3] : memref<128x16xf32, #tpu.memory_space<vmem>>, vector<128x16xf32>
    %dot_general3A = arith.constant dense<0.000000e+00> : vector<10000x16xf32>
    %dot_general3A_5 = tpu.matmul %get3A_1, %get3A_4, %dot_general3A {dimension_numbers = #tpu.dot_dimension_numbers<[1], [0], [0], [1], [0, 0, 1, 1], [], []>, transpose_lhs_hint = false} : vector<10000x128xf32>, vector<128x16xf32>, vector<10000x16xf32> -> vector<10000x16xf32>
    %swap3A = arith.constant 0 : index
    %swap3A_6 = arith.constant 0 : index
    %swap3A_7 = vector.load %arg2[%swap3A, %swap3A_6] : memref<10000x16xf32, #tpu.memory_space<vmem>>, vector<10000x16xf32>
    tpu.vector_store %arg2[%swap3A, %swap3A_6], %dot_general3A_5 {strides = array<i32>} : memref<10000x16xf32, #tpu.memory_space<vmem>>, vector<10000x16xf32>,
    return
  }
}

module attributes {stable_mosaic.version = 14 : i64} {
  func.func @_k1b_body(%arg0: memref<160000xf32, #tpu.memory_space<vmem>>, %arg1: memref<320000xf32, #tpu.memory_space<vmem>>, %arg2: memref<160000xf32, #tpu.memory_space<vmem>>, %arg3: memref<160000xf32, #tpu.memory_space<vmem>>) attributes {dimension_semantics = [], scalar_prefetch = 0 : i64, scratch_operands = 0 : i64, tpu.core_type = #tpu.core_type<tc>} {
    %get3A = arith.constant 0 : index
    %get3A_0 = vector.load %arg1[%get3A] : memref<320000xf32, #tpu.memory_space<vmem>>, vector<160000xf32>
    %get3A_1 = arith.constant 160000 : index
    %get3A_2 = vector.load %arg1[%get3A_1] : memref<320000xf32, #tpu.memory_space<vmem>>, vector<160000xf32>
    %add3A = arith.addf %get3A_0, %get3A_2 : vector<160000xf32>
    %add3A_3 = arith.constant 1.000000e+00 : f32
    %add3A_4 = vector.broadcast %add3A_3 : f32 to vector<160000xf32>
    %add3A_5 = arith.addf %add3A, %add3A_4 : vector<160000xf32>
    %rsqrt3A = math.rsqrt %add3A_5 : vector<160000xf32>
    %swap3A = arith.constant 0 : index
    %swap3A_6 = vector.load %arg3[%swap3A] : memref<160000xf32, #tpu.memory_space<vmem>>, vector<160000xf32>
    tpu.vector_store %arg3[%swap3A], %rsqrt3A {strides = array<i32>} : memref<160000xf32, #tpu.memory_space<vmem>>, vector<160000xf32>,
    %get3A_7 = arith.constant 0 : index
    %get3A_8 = vector.load %arg0[%get3A_7] : memref<160000xf32, #tpu.memory_space<vmem>>, vector<160000xf32>
    %mul3A = arith.mulf %get3A_8, %rsqrt3A : vector<160000xf32>
    %swap3A_9 = arith.constant 0 : index
    %swap3A_10 = vector.load %arg2[%swap3A_9] : memref<160000xf32, #tpu.memory_space<vmem>>, vector<160000xf32>
    tpu.vector_store %arg2[%swap3A_9], %mul3A {strides = array<i32>} : memref<160000xf32, #tpu.memory_space<vmem>>, vector<160000xf32>,
    return
  }
}

module attributes {stable_mosaic.version = 14 : i64} {
  func.func @_k2_body(%arg0: memref<320000xf32, #tpu.memory_space<vmem>>, %arg1: memref<160000xf32, #tpu.memory_space<vmem>>, %arg2: memref<160000xf32, #tpu.memory_space<vmem>>, %arg3: memref<160000xf32, #tpu.memory_space<vmem>>, %arg4: memref<160000xf32, #tpu.memory_space<vmem>>, %arg5: memref<160000xf32, #tpu.memory_space<vmem>>) attributes {dimension_semantics = [], scalar_prefetch = 0 : i64, scratch_operands = 0 : i64, tpu.core_type = #tpu.core_type<tc>} {
    %get3A = arith.constant 0 : index
    %get3A_0 = vector.load %arg2[%get3A] : memref<160000xf32, #tpu.memory_space<vmem>>, vector<160000xf32>
    %get3A_1 = arith.constant 0 : index
    %get3A_2 = vector.load %arg0[%get3A_1] : memref<320000xf32, #tpu.memory_space<vmem>>, vector<160000xf32>
    %get3A_3 = arith.constant 160000 : index
    %get3A_4 = vector.load %arg0[%get3A_3] : memref<320000xf32, #tpu.memory_space<vmem>>, vector<160000xf32>
    %add3A = arith.addf %get3A_2, %get3A_4 : vector<160000xf32>
    %get3A_5 = arith.constant 0 : index
    %get3A_6 = vector.load %arg1[%get3A_5] : memref<160000xf32, #tpu.memory_space<vmem>>, vector<160000xf32>
    %add3A_7 = arith.addf %add3A, %get3A_6 : vector<160000xf32>
    %mul3A = arith.mulf %get3A_0, %add3A_7 : vector<160000xf32>
    %get3A_8 = arith.constant 0 : index
    %get3A_9 = vector.load %arg3[%get3A_8] : memref<160000xf32, #tpu.memory_space<vmem>>, vector<160000xf32>
    %add3A_10 = arith.addf %mul3A, %get3A_9 : vector<160000xf32>
    %max3A = arith.constant 0.000000e+00 : f32
    %max3A_11 = vector.broadcast %max3A : f32 to vector<160000xf32>
    %max3A_12 = arith.maximumf %add3A_10, %max3A_11 : vector<160000xf32>
    %swap3A = arith.constant 0 : index
    %swap3A_13 = vector.load %arg4[%swap3A] : memref<160000xf32, #tpu.memory_space<vmem>>, vector<160000xf32>
    tpu.vector_store %arg4[%swap3A], %max3A_12 {strides = array<i32>} : memref<160000xf32, #tpu.memory_space<vmem>>, vector<160000xf32>,
    %mul3A_14 = arith.mulf %max3A_12, %get3A_0 : vector<160000xf32>
    %swap3A_15 = arith.constant 0 : index
    %swap3A_16 = vector.load %arg5[%swap3A_15] : memref<160000xf32, #tpu.memory_space<vmem>>, vector<160000xf32>
    tpu.vector_store %arg5[%swap3A_15], %mul3A_14 {strides = array<i32>} : memref<160000xf32, #tpu.memory_space<vmem>>, vector<160000xf32>,
    return
  }
}

module attributes {stable_mosaic.version = 14 : i64} {
  func.func @_k3_body(%arg0: i32, %arg1: memref<4000x128xf32, #tpu.memory_space<vmem>>, %arg2: memref<4000x128xf32, #tpu.memory_space<vmem>>, %arg3: memref<128x128xf32, #tpu.memory_space<vmem>>, %arg4: memref<128x128xf32, #tpu.memory_space<vmem>>, %arg5: memref<1x128xf32, #tpu.memory_space<vmem>>, %arg6: memref<128x8xf32, #tpu.memory_space<vmem>>, %arg7: memref<1xf32, #tpu.memory_space<vmem>>, %arg8: memref<320000xf32, #tpu.memory_space<vmem>>, %arg9: memref<160000xf32, #tpu.memory_space<vmem>>, %arg10: memref<160000xf32, #tpu.memory_space<vmem>>, %arg11: memref<128x16xf32, #tpu.memory_space<vmem>>, %arg12: memref<16xf32, #tpu.memory_space<vmem>>, %arg13: memref<4000x8xf32, #tpu.memory_space<vmem>>, %arg14: memref<1250x16xf32, #tpu.memory_space<vmem>>) attributes {dimension_semantics = [#tpu.dimension_semantics<arbitrary>], iteration_bounds = array<i64: 10>, scalar_prefetch = 0 : i64, scratch_operands = 0 : i64, tpu.core_type = #tpu.core_type<tc>, window_params = [{transform_indices = @transform_0, window_bounds = array<i64: 4000, 128>}, {transform_indices = @transform_1, window_bounds = array<i64: 4000, 128>}, {pipeline_mode = #tpu.pipeline_mode<synchronous>, transform_indices = @transform_2, window_bounds = array<i64: 128, 128>}, {pipeline_mode = #tpu.pipeline_mode<synchronous>, transform_indices = @transform_3, window_bounds = array<i64: 128, 128>}, {pipeline_mode = #tpu.pipeline_mode<synchronous>, transform_indices = @transform_4, window_bounds = array<i64: 1, 128>}, {pipeline_mode = #tpu.pipeline_mode<synchronous>, transform_indices = @transform_5, window_bounds = array<i64: 128, 8>}, {pipeline_mode = #tpu.pipeline_mode<synchronous>, transform_indices = @transform_6, window_bounds = array<i64: 1>}, {pipeline_mode = #tpu.pipeline_mode<synchronous>, transform_indices = @transform_7, window_bounds = array<i64: 320000>}, {pipeline_mode = #tpu.pipeline_mode<synchronous>, transform_indices = @transform_8, window_bounds = array<i64: 160000>}, {pipeline_mode = #tpu.pipeline_mode<synchronous>, transform_indices = @transform_9, window_bounds = array<i64: 160000>}, {pipeline_mode = #tpu.pipeline_mode<synchronous>, transform_indices = @transform_10, window_bounds = array<i64: 128, 16>}, {pipeline_mode = #tpu.pipeline_mode<synchronous>, transform_indices = @transform_11, window_bounds = array<i64: 16>}, {transform_indices = @transform_12, window_bounds = array<i64: 4000, 8>}, {pipeline_mode = #tpu.pipeline_mode<synchronous>, transform_indices = @transform_13, window_bounds = array<i64: 1250, 16>}]} {
    %eq3A = arith.constant 0 : i32
    %eq3A_0 = arith.cmpi eq, %arg0, %eq3A : i32
    %convert_element_type3A = arith.extui %eq3A_0 : i1 to i32
    %cond3A = arith.constant 0 : i32
    %cond3A_1 = arith.cmpi ne, %convert_element_type3A, %cond3A : i32
    scf.if %cond3A_1 {
      %get3A_40 = arith.constant 0 : index
      %get3A_41 = vector.load %arg8[%get3A_40] : memref<320000xf32, #tpu.memory_space<vmem>>, vector<160000xf32>
      %get3A_42 = arith.constant 160000 : index
      %get3A_43 = vector.load %arg8[%get3A_42] : memref<320000xf32, #tpu.memory_space<vmem>>, vector<160000xf32>
      %add3A_44 = arith.addf %get3A_41, %get3A_43 : vector<160000xf32>
      %get3A_45 = arith.constant 0 : index
      %get3A_46 = vector.load %arg9[%get3A_45] : memref<160000xf32, #tpu.memory_space<vmem>>, vector<160000xf32>
      %add3A_47 = arith.addf %add3A_44, %get3A_46 : vector<160000xf32>
      %get3A_48 = arith.constant 0 : index
      %get3A_49 = vector.load %arg10[%get3A_48] : memref<160000xf32, #tpu.memory_space<vmem>>, vector<160000xf32>
      %mul3A = arith.mulf %get3A_49, %add3A_47 : vector<160000xf32>
      %reshape3A = vector.shape_cast %mul3A : vector<160000xf32> to vector<1250x128xf32>
      %get3A_50 = arith.constant 0 : index
      %get3A_51 = arith.constant 0 : index
      %get3A_52 = vector.load %arg11[%get3A_50, %get3A_51] : memref<128x16xf32, #tpu.memory_space<vmem>>, vector<128x16xf32>
      %dot_general3A_53 = arith.constant dense<0.000000e+00> : vector<1250x16xf32>
      %dot_general3A_54 = tpu.matmul %reshape3A, %get3A_52, %dot_general3A_53 {dimension_numbers = #tpu.dot_dimension_numbers<[1], [0], [0], [1], [0, 0, 1, 1], [], []>, transpose_lhs_hint = false} : vector<1250x128xf32>, vector<128x16xf32>, vector<1250x16xf32> -> vector<1250x16xf32>
      %get3A_55 = arith.constant 0 : index
      %get3A_56 = vector.load %arg12[%get3A_55] : memref<16xf32, #tpu.memory_space<vmem>>, vector<16xf32>
      %broadcast_in_dim3A = vector.shape_cast %get3A_56 : vector<16xf32> to vector<1x16xf32>
      %add3A_57 = vector.broadcast %broadcast_in_dim3A : vector<1x16xf32> to vector<1250x16xf32>
      %add3A_58 = arith.addf %dot_general3A_54, %add3A_57 : vector<1250x16xf32>
      %swap3A_59 = arith.constant 0 : index
      %swap3A_60 = arith.constant 0 : index
      %swap3A_61 = vector.load %arg14[%swap3A_59, %swap3A_60] : memref<1250x16xf32, #tpu.memory_space<vmem>>, vector<1250x16xf32>
      tpu.vector_store %arg14[%swap3A_59, %swap3A_60], %add3A_58 {strides = array<i32>} : memref<1250x16xf32, #tpu.memory_space<vmem>>, vector<1250x16xf32>,
    } else {
    }
    %get3A = arith.constant 0 : index
    %get3A_2 = arith.constant 0 : index
    %get3A_3 = vector.load %arg1[%get3A, %get3A_2] : memref<4000x128xf32, #tpu.memory_space<vmem>>, vector<4000x128xf32>
    %get3A_4 = arith.constant 0 : index
    %get3A_5 = arith.constant 0 : index
    %get3A_6 = vector.load %arg3[%get3A_4, %get3A_5] : memref<128x128xf32, #tpu.memory_space<vmem>>, vector<128x128xf32>
    %dot_general3A = arith.constant dense<0.000000e+00> : vector<4000x128xf32>
    %dot_general3A_7 = tpu.matmul %get3A_3, %get3A_6, %dot_general3A {dimension_numbers = #tpu.dot_dimension_numbers<[1], [0], [0], [1], [0, 0, 1, 1], [], []>, transpose_lhs_hint = false} : vector<4000x128xf32>, vector<128x128xf32>, vector<4000x128xf32> -> vector<4000x128xf32>
    %get3A_8 = arith.constant 0 : index
    %get3A_9 = arith.constant 0 : index
    %get3A_10 = vector.load %arg2[%get3A_8, %get3A_9] : memref<4000x128xf32, #tpu.memory_space<vmem>>, vector<4000x128xf32>
    %get3A_11 = arith.constant 0 : index
    %get3A_12 = arith.constant 0 : index
    %get3A_13 = vector.load %arg4[%get3A_11, %get3A_12] : memref<128x128xf32, #tpu.memory_space<vmem>>, vector<128x128xf32>
    %dot_general3A_14 = arith.constant dense<0.000000e+00> : vector<4000x128xf32>
    %dot_general3A_15 = tpu.matmul %get3A_10, %get3A_13, %dot_general3A_14 {dimension_numbers = #tpu.dot_dimension_numbers<[1], [0], [0], [1], [0, 0, 1, 1], [], []>, transpose_lhs_hint = false} : vector<4000x128xf32>, vector<128x128xf32>, vector<4000x128xf32> -> vector<4000x128xf32>
    %add3A = arith.addf %dot_general3A_7, %dot_general3A_15 : vector<4000x128xf32>
    %get3A_16 = arith.constant 0 : index
    %get3A_17 = arith.constant 0 : index
    %get3A_18 = vector.load %arg5[%get3A_16, %get3A_17] : memref<1x128xf32, #tpu.memory_space<vmem>>, vector<1x128xf32>
    %add3A_19 = vector.broadcast %get3A_18 : vector<1x128xf32> to vector<4000x128xf32>
    %add3A_20 = arith.addf %add3A, %add3A_19 : vector<4000x128xf32>
    %max3A = arith.constant 0.000000e+00 : f32
    %max3A_21 = vector.broadcast %max3A : f32 to vector<4000x128xf32>
    %max3A_22 = arith.maximumf %add3A_20, %max3A_21 : vector<4000x128xf32>
    %get3A_23 = arith.constant 0 : index
    %get3A_24 = arith.constant 0 : index
    %get3A_25 = vector.load %arg6[%get3A_23, %get3A_24] : memref<128x8xf32, #tpu.memory_space<vmem>>, vector<128x8xf32>
    %dot_general3A_26 = arith.constant dense<0.000000e+00> : vector<4000x8xf32>
    %dot_general3A_27 = tpu.matmul %max3A_22, %get3A_25, %dot_general3A_26 {dimension_numbers = #tpu.dot_dimension_numbers<[1], [0], [0], [1], [0, 0, 1, 1], [], []>, transpose_lhs_hint = false} : vector<4000x128xf32>, vector<128x8xf32>, vector<4000x8xf32> -> vector<4000x8xf32>
    %get3A_28 = arith.constant 0 : index
    %get3A_29 = vector.load %arg7[%get3A_28] : memref<1xf32, #tpu.memory_space<vmem>>, vector<1xf32>
    %get3A_30 = vector.extract %get3A_29[0] : f32 from vector<1xf32>
    %add3A_31 = vector.broadcast %get3A_30 : f32 to vector<4000x8xf32>
    %add3A_32 = arith.addf %dot_general3A_27, %add3A_31 : vector<4000x8xf32>
    %logistic3A = arith.negf %add3A_32 : vector<4000x8xf32>
    %logistic3A_33 = math.exp %logistic3A : vector<4000x8xf32>
    %logistic3A_34 = arith.constant 1.000000e+00 : f32
    %logistic3A_35 = vector.broadcast %logistic3A_34 : f32 to vector<4000x8xf32>
    %logistic3A_36 = arith.addf %logistic3A_35, %logistic3A_33 : vector<4000x8xf32>
    %logistic3A_37 = arith.divf %logistic3A_35, %logistic3A_36 : vector<4000x8xf32>
    %swap3A = arith.constant 0 : index
    %swap3A_38 = arith.constant 0 : index
    %swap3A_39 = vector.load %arg13[%swap3A, %swap3A_38] : memref<4000x8xf32, #tpu.memory_space<vmem>>, vector<4000x8xf32>
    tpu.vector_store %arg13[%swap3A, %swap3A_38], %logistic3A_37 {strides = array<i32>} : memref<4000x8xf32, #tpu.memory_space<vmem>>, vector<4000x8xf32>,
    return
  }
  func.func @transform_0(%arg0: i32) -> (i32, i32) {
    %c0_i32 = arith.constant 0 : i32
    %c0_i32_0 = arith.constant 0 : i32
    return %arg0, %c0_i32 : i32, i32
  }
  func.func @transform_1(%arg0: i32) -> (i32, i32) {
    %c0_i32 = arith.constant 0 : i32
    %c0_i32_0 = arith.constant 0 : i32
    return %arg0, %c0_i32 : i32, i32
  }
  func.func @transform_2(%arg0: i32) -> (i32, i32) {
    %c0_i32 = arith.constant 0 : i32
    %c0_i32_0 = arith.constant 0 : i32
    %c0_i32_1 = arith.constant 0 : i32
    return %c0_i32, %c0_i32_0 : i32, i32
  }
  func.func @transform_3(%arg0: i32) -> (i32, i32) {
    %c0_i32 = arith.constant 0 : i32
    %c0_i32_0 = arith.constant 0 : i32
    %c0_i32_1 = arith.constant 0 : i32
    return %c0_i32, %c0_i32_0 : i32, i32
  }
  func.func @transform_4(%arg0: i32) -> (i32, i32) {
    %c0_i32 = arith.constant 0 : i32
    %c0_i32_0 = arith.constant 0 : i32
    %c0_i32_1 = arith.constant 0 : i32
    return %c0_i32, %c0_i32_0 : i32, i32
  }
  func.func @transform_5(%arg0: i32) -> (i32, i32) {
    %c0_i32 = arith.constant 0 : i32
    %c0_i32_0 = arith.constant 0 : i32
    %c0_i32_1 = arith.constant 0 : i32
    return %c0_i32, %c0_i32_0 : i32, i32
  }
  func.func @transform_6(%arg0: i32) -> i32 {
    %c0_i32 = arith.constant 0 : i32
    %c0_i32_0 = arith.constant 0 : i32
    return %c0_i32 : i32
  }
  func.func @transform_7(%arg0: i32) -> i32 {
    %c0_i32 = arith.constant 0 : i32
    %c0_i32_0 = arith.constant 0 : i32
    return %c0_i32 : i32
  }
  func.func @transform_8(%arg0: i32) -> i32 {
    %c0_i32 = arith.constant 0 : i32
    %c0_i32_0 = arith.constant 0 : i32
    return %c0_i32 : i32
  }
  func.func @transform_9(%arg0: i32) -> i32 {
    %c0_i32 = arith.constant 0 : i32
    %c0_i32_0 = arith.constant 0 : i32
    return %c0_i32 : i32
  }
  func.func @transform_10(%arg0: i32) -> (i32, i32) {
    %c0_i32 = arith.constant 0 : i32
    %c0_i32_0 = arith.constant 0 : i32
    %c0_i32_1 = arith.constant 0 : i32
    return %c0_i32, %c0_i32_0 : i32, i32
  }
  func.func @transform_11(%arg0: i32) -> i32 {
    %c0_i32 = arith.constant 0 : i32
    %c0_i32_0 = arith.constant 0 : i32
    return %c0_i32 : i32
  }
  func.func @transform_12(%arg0: i32) -> (i32, i32) {
    %c0_i32 = arith.constant 0 : i32
    %c0_i32_0 = arith.constant 0 : i32
    return %arg0, %c0_i32 : i32, i32
  }
  func.func @transform_13(%arg0: i32) -> (i32, i32) {
    %c0_i32 = arith.constant 0 : i32
    %c0_i32_0 = arith.constant 0 : i32
    %c0_i32_1 = arith.constant 0 : i32
    return %c0_i32, %c0_i32_0 : i32, i32
  }
}

</mosaic_0001>

<sc_bundles>
// kernel: kernel.12.cloned.1.call-start
scs
__scs_entry_jumppad:
0x0: {  	(pc) =	sbr.rel $0x88, $3  }
0x1: {  	(tag) =	ssettag $0x0;
	lr =	simm.s32 $0x1  }
0x2: {  	[smem:$0x3F97] =	sst lr;
	_ =	strace $0xD0000000  }
0x3: {  	_ = 	snop  }
0x4: {  	_ = 	snop  }
0x5: {  	_ = 	snop  }
0x6: {  	_ = 	snop  }
0x7: {  	_ = 	snop  }
__scs_overlays_trampoline_lowered:
0x8: {  	[smem:$0x3FA6] =	sst s0  }
0x9: {  	[smem:$0x3FA7] =	sst s1  }
0xa: {  	[smem:$0x3FA8] =	sst s2  }
0xb: {  	[smem:$0x3FA9] =	sst s3  }
0xc: {  	[smem:$0x3FAA] =	sst s4  }
0xd: {  	[smem:$0x3FAB] =	sst s5  }
0xe: {  	[smem:$0x3FAC] =	sst s6  }
0xf: {  	[smem:$0x3FAD] =	sst s7  }
0x10: {  	[smem:$0x3FAE] =	sst s8  }
0x11: {  	[smem:$0x3FAF] =	sst s9;
	s0 =	simm.s32 @!p0 $0x0  }
0x12: {  	s1 =	sld [smem:$0x3F95];
	s0 =	simm.s32 @p0 $0x1  }
0x13: {  	[smem:$0x3FB0] =	sst s0;
	s0 =	simm.s32 @!p1 $0x0  }
0x14: {  	s2 =	sld [smem:$0x3F94];
	s0 =	simm.s32 @p1 $0x1  }
0x15: {  	[smem:$0x3FB1] =	sst s0;
	s0 =	simm.s32 @!p2 $0x0  }
0x16: {  	s3 =	sld [smem:$0x3FDB];
	s0 =	simm.s32 @p2 $0x1  }
0x17: {  	s4 =	simm.s32 $0x1BF5;
	[smem:$0x3FB3] =	sst s0  }
0x18: {  	s0 =	sld [smem:$0x3F96];
	_ =	swait.ge [sflag:s4], $0x0  }
0x19: {  	s7 =	sld [smem:$0x3F97]  }
0x1a: {  	s8 =	sadd.s32 $0xFFFFE003, lr  }
0x1b: {  	s9 =	sadd.s32 $0xFFFFFEF7, lr;
	s5 =	simm.s32 $0xFFFFFFFF;
	p2 =	slt.u32 s8, $0xFFFFF086  }
0x1c: {  	p1 =	slt.u32 s9, $0xF7A;
	s5 =	simm.s32 @!p2 $0x0  }
0x1d: {  	s5 =	simm.s32 @p1 $0x1;
	p0 =	seq.s32 s7, s2  }
0x1e: {  	s7 =	smul.u32 @!p0 $0xF7A, s2;
	p2 =	seq.s32 @!p0 s5, $0x0  }
0x1f: {  	s9 =	smul.u32 $0xF7A, s1;
	s8 =	simm.s32 @!p0 $0x1BF5;
	p2 =	por !p2, p0  }
0x20: {  	[sflag:s8] =	ssyncset.s32 @!p0 $0xFFFFF086;
	s6 =	sadd.s32 @!p0 s3, s7;
	s7 =	simm.s32 @!p0 $0x108  }
0x21: {  	s3 =	sadd.s32 s3, s9;
	s6 =	sadd.s32 @!p0 $0x88, s6;
	s7 =	simm.s32 @p2 $0x1082  }
0x22: {  	[simem:s7], [sflag:s8] =	dma.local @!p0 [hbm:s6], $0xF7A  }
0x23: {  	s9 =	sor.u32 $0xD0000000, s2;
	s6 =	simm.s32 $0x108;
	_ =	swait.ge @!p0 [sflag:s8], $0x0  }
0x24: {  	s3 =	sadd.s32 $0x88, s3;
	s6 =	simm.s32 @!p1 $0x1082;
	[sflag:s4] =	ssyncset.s32 $0xFFFFF086  }
0x25: {  	[simem:s6], [sflag:s4] =	dma.local [hbm:s3], $0xF7A  }
0x26: {  	[smem:$0x3F97] =	sst s1;
	(tag) =	ssettag s2;
	_ =	strace s9  }
0x27: {  	s1 =	sld [smem:$0x3FA7]  }
0x28: {  	s2 =	sld [smem:$0x3FA8]  }
0x29: {  	s4 =	sld [smem:$0x3FAA]  }
0x2a: {  	p0 =	seq.s32 s5, $0x0;
	s5 =	sld [smem:$0x3FAB]  }
0x2b: {  	s6 =	sld [smem:$0x3FAC]  }
0x2c: {  	s7 =	sld [smem:$0x3FAD]  }
0x2d: {  	s3 =	simm.s32 $0x108;
	s8 =	sld [smem:$0x3FAE]  }
0x2e: {  	s3 =	simm.s32 @!p0 $0x1082;
	s9 =	sld [smem:$0x3FAF]  }
0x2f: {  	lr =	sadd.s32 s0, s3;
	s0 =	sld [smem:$0x3FA6]  }
0x30: {  	s3 =	sld [smem:$0x3FA9]  }
0x31: {  	[smem:$0x3FB2] =	sst s10  }
0x32: {  	s10 =	sld [smem:$0x3FB0];
	_ =	sdelay $0x3  }
0x33: {  	p0 =	seq.s32 s10, $0x1;
	s10 =	sld [smem:$0x3FB2];
	_ =	sdelay $0x3  }
0x34: {  	[smem:$0x3FB2] =	sst s10  }
0x35: {  	s10 =	sld [smem:$0x3FB1];
	_ =	sdelay $0x3  }
0x36: {  	p1 =	seq.s32 s10, $0x1;
	s10 =	sld [smem:$0x3FB2];
	_ =	sdelay $0x3  }
0x37: {  	[smem:$0x3FB2] =	sst s10  }
0x38: {  	s10 =	sld [smem:$0x3FB3]  }
0x39: {  	_ = 	snop;
	(pc) =	sbr.ind lr, $3  }
0x3a: {  	_ = 	snop  }
0x3b: {  	_ = 	snop  }
0x3c: {  	p2 =	seq.s32 s10, $0x1;
	s10 =	sld [smem:$0x3FB2]  }
0x3d: {  	_ =	shalt  }
0x3e: {  	_ =	shalt  }
0x3f: {  	_ =	shalt  }
0x40: {  	_ =	shalt  }
0x41: {  	_ =	shalt  }
0x42: {  	_ =	shalt  }
0x43: {  	_ =	shalt  }
0x44: {  	_ =	shalt  }
0x45: {  	_ =	shalt  }
0x46: {  	_ =	shalt  }
0x47: {  	_ =	shalt  }
0x48: {  	_ =	shalt  }
0x49: {  	_ =	shalt  }
0x4a: {  	_ =	shalt  }
0x4b: {  	_ =	shalt  }
0x4c: {  	_ =	shalt  }
0x4d: {  	_ =	shalt  }
0x4e: {  	_ =	shalt  }
0x4f: {  	_ =	shalt  }
0x50: {  	_ =	shalt  }
0x51: {  	_ =	shalt  }
0x52: {  	_ =	shalt  }
0x53: {  	_ =	shalt  }
0x54: {  	_ =	shalt  }
0x55: {  	_ =	shalt  }
0x56: {  	_ =	shalt  }
0x57: {  	_ =	shalt  }
0x58: {  	_ =	shalt  }
0x59: {  	_ =	shalt  }
0x5a: {  	_ =	shalt  }
0x5b: {  	_ =	shalt  }
0x5c: {  	_ =	shalt  }
0x5d: {  	_ =	shalt  }
0x5e: {  	_ =	shalt  }
0x5f: {  	_ =	shalt  }
0x60: {  	_ =	shalt  }
0x61: {  	_ =	shalt  }
0x62: {  	_ =	shalt  }
0x63: {  	_ =	shalt  }
0x64: {  	_ =	shalt  }
0x65: {  	_ =	shalt  }
0x66: {  	_ =	shalt  }
0x67: {  	_ =	shalt  }
0x68: {  	_ =	shalt  }
0x69: {  	_ =	shalt  }
0x6a: {  	_ =	shalt  }
0x6b: {  	_ =	shalt  }
0x6c: {  	_ =	shalt  }
0x6d: {  	_ =	shalt  }
0x6e: {  	_ =	shalt  }
0x6f: {  	_ =	shalt  }
0x70: {  	_ =	shalt  }
0x71: {  	_ =	shalt  }
0x72: {  	_ =	shalt  }
0x73: {  	_ =	shalt  }
0x74: {  	_ =	shalt  }
0x75: {  	_ =	shalt  }
0x76: {  	_ =	shalt  }
0x77: {  	_ =	shalt  }
0x78: {  	_ =	shalt  }
0x79: {  	_ =	shalt  }
0x7a: {  	_ =	shalt  }
0x7b: {  	_ =	shalt  }
0x7c: {  	_ =	shalt  }
0x7d: {  	_ =	shalt  }
0x7e: {  	_ =	shalt  }
0x7f: {  	_ =	shalt  }
0x80: {  	_ =	shalt  }
0x81: {  	_ =	shalt  }
0x82: {  	_ =	shalt  }
0x83: {  	_ =	shalt  }
0x84: {  	_ =	shalt  }
0x85: {  	_ =	shalt  }
0x86: {  	_ =	shalt  }
0x87: {  	_ =	shalt  }
.Lfunc_end0:
.L_simem_size_0:
called_computation.1_lowered:
.L_overlay_start_0:
0x88: {  	s2 =	sld [smem:$0x3FD9]  }
0x89: {  	s3 =	sld [smem:$0x3FFE];
	_ =	sdelay $0x1  }
0x8a: {  	s1 =	srdreg.scid  }
0x8b: {  	s0 =	sand.u32 $0x1, s1  }
0x8c: {  	s14 =	sshll.u32 s0, $0xA;
	s2 =	sadd.s32 s3, s2  }
0x8d: {  	s2 =	sadd.s32 s2, s14  }
0x8e: {  	[smem:$0x3FBE] =	sst s2  }
0x8f: {  	_ = 	snop  }
0x90: {  	s2 =	sld [smem:$0x3FD0];
	_ =	sdelay $0x2  }
0x91: {  	s15 =	simm.s32 $0xA;
	s4 =	simm.s32 $0x10  }
0x92: {  	[smem:s4], [sflag:s15] =	dma.local [hbm:s2], $0x1  }
0x93: {  	_ =	swait.eq [sflag:s15], $0x1  }
0x94: {  	[sflag:s15] =	ssyncset.done $0x0  }
0x95: {  	[sflag:s15] =	ssyncadd.s32 $0xFFFFFFFF  }
0x96: {  	s16 =	sld [smem:$0x11];
	(tm) =	ssettm $0x1  }
0x97: {  	s17 =	sld [smem:$0x3FFB];
	_ =	sdelay $0x3  }
0x98: {  	_ =	strace s17  }
0x99: {  	s3 =	sld [smem:$0x3FFC];
	_ =	sdelay $0x3  }
0x9a: {  	_ =	strace s3  }
0x9b: {  	s3 =	sld [smem:$0x3FFD];
	_ =	sdelay $0x3  }
0x9c: {  	_ =	strace s3  }
0x9d: {  	_ =	strace $0x8FFFFFFF  }
0x9e: {  	s18 =	sld [smem:$0x3FDB];
	_ =	sdelay $0x1  }
0x9f: {  	s19 =	simm.s32 $_scs_section_size  }
0xa0: {  	s5 =	simm.s32 $_size__tile_overlayer_lowered;
	s6 =	simm.s32 $_tile_overlayer_lowered  }
0xa1: {  	s22 =	simm.s32 $0x1BFF;
	s21 =	sshll.u32 s6, $0x1;
	s3 =	sadd.s32 s19, s18  }
0xa2: {  	s7 =	simm.s32 $0x0;
	s20 =	sshll.u32 s5, $0x1;
	s5 =	sadd.s32 s21, s3  }
0xa3: {  	[timem:s7], [sflag:s22] =	dma.local [hbm:s5], s20  }
0xa4: {  	_ =	swait.ge [sflag:s22], s20  }
0xa5: {  	s4 =	ssub.s32 $0x0, s20;
	[sflag:s22] =	ssyncset.done $0x0  }
0xa6: {  	[sflag:s22] =	ssyncadd.s32 s4;
	_ =	sdelay $0x1  }
0xa7: {  	s23 =	simm.s32 $0x1B8B  }
0xa8: {  	_ =	swait.ge [sflag:s23], $0x1  }
0xa9: {  	[sflag:s23] =	ssyncset.done $0x0  }
0xaa: {  	s25 =	simm.s32 $0x1B8E;
	s24 =	sld [smem:$0x3FFE];
	[sflag:s23] =	ssyncadd.s32 $0xFFFFFFFF  }
0xab: {  	s26 =	simm.s32 $execute0_lowered;
	[smem:$0x3FD2] =	sst s25  }
0xac: {  	s5 =	sshll.u32 s26, $0x1;
	_ =	strace $0x80000049;
	[dreg:$0x1] =	wrdreg $0xFFFFFFFF  }
0xad: {  	s28 =	simm.s32 $_size_execute0_lowered;
	s3 =	sadd.s32 s3, s5;
	[dreg:$0x0] =	wrdreg $0x0  }
0xae: {  	s5 =	sshll.u32 s28, $0x1;
	[dreg:$0x2] =	wrdreg s3  }
0xaf: {  	[dreg:$0x3] =	wrdreg s5  }
0xb0: {  	[dreg:$0x4] =	wrdreg $0xC0  }
0xb1: {  	_ =	task [dreg:s7], $0x5FFFF  }
0xb2: {  	[dreg:$0x1] =	wrdreg $0xFFFFFFFF  }
0xb3: {  	[dreg:$0x0] =	wrdreg $0x60  }
0xb4: {  	[dreg:$0x2] =	wrdreg s24  }
0xb5: {  	[dreg:$0x3] =	wrdreg s16  }
0xb6: {  	[dreg:$0x4] =	wrdreg $0x119400  }
0xb7: {  	[dreg:$0x5] =	wrdreg $0x9  }
0xb8: {  	_ =	task.clear_ibuf [dreg:s7], $0x6FFFF;
	_ =	strace $0x90000049  }
0xb9: {  	s29 =	simm.s32 $0x9;
	_ =	strace $0x8000004B  }
0xba: {  	_ =	swait.ge [sflag:s29], $0x1  }
0xbb: {  	[sflag:s29] =	ssyncadd.s32 $0xFFFFFFFF  }
0xbc: {  	_ =	strace $0x9000004B  }
0xbd: {  	_ =	sfence  }
0xbe: {  	s30 =	sld [smem:$0x0];
	_ =	sdelay $0x2  }
0xbf: {  	s31 =	sshll.u32 s1, $0xD;
	s1 =	sshrl.u32 s1, $0x2  }
0xc0: {  	s3 =	sand.u32 $0x4000, s31;
	s1 =	sadd.s32 s1, s30  }
0xc1: {  	s0 =	sor.u32 s3, s0;
	s1 =	sshll.u32 s1, $0x11  }
0xc2: {  	s0 =	sor.u32 s1, s0  }
0xc3: {  	s0 =	sadd.s32 $0x8F2B, s0  }
0xc4: {  	[sflag:s0] =	ssyncadd.remote.s32 $0x1  }
0xc5: {  	_ =	sfence.sel $0xFFFF  }
0xc6: {  	[dreg:$0x0] =	wrdreg $0xFFFFFFFF;
	(pc) =	sbr.abs _section_cstart, $3  }
0xc7: {  	[dreg:$0x1] =	wrdreg $0xFFFFFFFF  }
0xc8: {  	_ =	task.clear_ibuf [dreg:s7], $0x2FFFF;
	_ =	strace $0x9FFFFFFF  }
0xc9: {  	(tm) =	ssettm $0x7FFFFFFF  }
tec
execute0_lowered:
.L_overlay_start_1:
0x0: {  	(tag) =	ssettag $0x1  }
0x1: {  	s11 =	rddreg [dreg:$0x0]  }
0x2: {  	s25 =	rddreg [dreg:$0x1]  }
0x3: {  	s2 =	rddreg [dreg:$0x2]  }
0x4: {  	s0 =	rddreg [dreg:$0x3]  }
0x5: {  	s1 =	stileid.u32;
	s4 =	srdreg.scid;
	s3 =	simm.s32 $0x0  }
0x6: {  	s26 =	smul.u32 $0x2710, s1;
	s28 =	sand.u32 $0x1, s4;
	s23 =	sshll.u32 s1, $0x1  }
0x7: {  	[smem:$0x7FF] =	sst s3;
	s29 =	sshll.u32 s1, $0x6;
	s4 =	sor.u32 s28, s23  }
0x8: {  	_ =	strace $0x8000004A;
	s5 =	sshrl.u32 s26, $0x3;
	s8 =	smul.u32 $0x2710, s4  }
0x9: {  	s6 =	sadd.s32 s26, s2;
	s24 =	sadd.s32 s5, s11;
	s5 =	sor.u32 $0x1C02, s29  }
0xa: {  	s7 =	sshrl.u32 s6, $0x3;
	s6 =	simm.s32 $0x2;
	s4 =	sadd.s32 $0x18A00, s24  }
0xb: {  	[spmem:s7], [sflag:s5] =	dma.local [hbm:s4], $0x4E2  }
0xc: {  	_ =	swait.ge [sflag:s6], $0x4E2  }
0xd: {  	s8 =	sshrl.u32 s8, $0x3;
	[sflag:s6] =	ssyncset.done $0x0  }
0xe: {  	s24 =	sadd.s32 s8, s11;
	[sflag:s6] =	ssyncadd.s32 $0xFFFFFB1E  }
0xf: {  	s8 =	sadd.s32 $0x4000, s24;
	[bflag:$0x0] =	sbarrier.arrive $0xFFFF  }
0x10: {  	[tilespmem:s3], [sflag:$0x2] =	stream.linear.gather [hbm4b:s8+s3], $0x7D0, $0x38;
	[tilespmem:$0x14050] =	vst v63  }
0x11: {  	_ =	swait.ge [sflag:s6], $0x7D0  }
0x12: {  	[sflag:s6] =	ssyncset.done $0x0  }
0x13: {  	s10 =	simm.s32 $0xFA0;
	s9 =	sadd.s32 $0xDC40, s24;
	[sflag:s6] =	ssyncadd.s32 $0xFFFFF830  }
0x14: {  	[tilespmem:s10], [sflag:$0x2] =	stream.linear.gather [hbm4b:s9+s3], $0x7D0, $0x38;
	[tilespmem:$0x14050] =	vst v63  }
0x15: {  	_ =	swait.ge [sflag:s6], $0x7D0  }
0x16: {  	s12 =	simm.s32 $0x7D0;
	[sflag:s6] =	ssyncset.done $0x0  }
0x17: {  	s13 =	simm.s32 $0x1F40;
	s11 =	sadd.s32 $0x1DA00, s11;
	[sflag:s6] =	ssyncadd.s32 $0xFFFFF830  }
0x18: {  	[tilespmem:s13], [sflag:$0x1] =	stream.indirect.gather [hbm4b:s11+s12], $0x10, s3, s12, $0xb8;
	[tilespmem:$0x14050] =	vst v63  }
0x19: {  	s14 =	sadd.s32 $0x40FA, s24  }
0x1a: {  	[tilespmem:s12], [sflag:$0x2] =	stream.linear.gather [hbm4b:s14+s3], $0x7D0, $0x38;
	[tilespmem:$0x14050] =	vst v63  }
0x1b: {  	_ =	swait.ge [sflag:s6], $0x7D0  }
0x1c: {  	[sflag:s6] =	ssyncset.done $0x0  }
0x1d: {  	s16 =	simm.s32 $0x1770;
	s15 =	sadd.s32 $0xDD3A, s24;
	[sflag:s6] =	ssyncadd.s32 $0xFFFFF830  }
0x1e: {  	[tilespmem:s16], [sflag:$0x2] =	stream.linear.gather [hbm4b:s15+s3], $0x7D0, $0x38;
	[tilespmem:$0x14050] =	vst v63  }
0x1f: {  	_ =	swait.ge [sflag:s6], $0x7D0  }
0x20: {  	[sflag:s6] =	ssyncset.done $0x0  }
0x21: {  	s17 =	simm.s32 $0x1;
	[sflag:s6] =	ssyncadd.s32 $0xFFFFF830  }
0x22: {  	_ =	swait.ge [sflag:s17], $0x7D00  }
0x23: {  	[sflag:s17] =	ssyncset.done $0x0  }
0x24: {  	s18 =	simm.s32 $0x9C40;
	[sflag:s17] =	ssyncadd.s32 $0xFFFF8300  }
0x25: {  	[tilespmem:s18], [sflag:$0x1] =	stream.indirect.gather [hbm4b:s11+s12], $0x10, s12, s12, $0xb8;
	[tilespmem:$0x14050] =	vst v63  }
0x26: {  	_ = 	snop  }
0x27: {  	[spmem:s2] =	stream.indirect.scatter.add.f32 [tilespmem:s13], [sflag:$0x2], $0x10, s10, s12, $0xb8;
	[tilespmem:$0x14050] =	vst v63  }
0x28: {  	_ =	swait.ge [sflag:s6], $0x7D00  }
0x29: {  	[sflag:s6] =	ssyncset.done $0x0  }
0x2a: {  	s19 =	sadd.s32 $0x41F4, s24;
	[sflag:s6] =	ssyncadd.s32 $0xFFFF8300  }
0x2b: {  	[tilespmem:s3], [sflag:$0x2] =	stream.linear.gather [hbm4b:s19+s3], $0x7D0, $0x38;
	[tilespmem:$0x14050] =	vst v63  }
0x2c: {  	_ =	swait.ge [sflag:s6], $0x7D0  }
0x2d: {  	[sflag:s6] =	ssyncset.done $0x0  }
0x2e: {  	s20 =	sadd.s32 $0xDE34, s24;
	[sflag:s6] =	ssyncadd.s32 $0xFFFFF830  }
0x2f: {  	[tilespmem:s10], [sflag:$0x2] =	stream.linear.gather [hbm4b:s20+s3], $0x7D0, $0x38;
	[tilespmem:$0x14050] =	vst v63  }
0x30: {  	_ =	swait.ge [sflag:s6], $0x7D0  }
0x31: {  	[sflag:s6] =	ssyncset.done $0x0  }
0x32: {  	[sflag:s6] =	ssyncadd.s32 $0xFFFFF830  }
0x33: {  	_ =	swait.ge [sflag:s17], $0x7D00  }
0x34: {  	[sflag:s17] =	ssyncset.done $0x0  }
0x35: {  	[sflag:s17] =	ssyncadd.s32 $0xFFFF8300  }
0x36: {  	[tilespmem:s13], [sflag:$0x1] =	stream.indirect.gather [hbm4b:s11+s12], $0x10, s3, s12, $0xb8;
	[tilespmem:$0x14050] =	vst v63  }
0x37: {  	_ = 	snop  }
0x38: {  	[spmem:s2] =	stream.indirect.scatter.add.f32 [tilespmem:s18], [sflag:$0x2], $0x10, s16, s12, $0xb8;
	[tilespmem:$0x14050] =	vst v63  }
0x39: {  	_ =	swait.ge [sflag:s6], $0x7D00  }
0x3a: {  	[sflag:s6] =	ssyncset.done $0x0  }
0x3b: {  	s21 =	sadd.s32 $0x42EE, s24;
	[sflag:s6] =	ssyncadd.s32 $0xFFFF8300  }
0x3c: {  	[tilespmem:s12], [sflag:$0x2] =	stream.linear.gather [hbm4b:s21+s3], $0x7D0, $0x38;
	[tilespmem:$0x14050] =	vst v63  }
0x3d: {  	_ =	swait.ge [sflag:s6], $0x7D0  }
0x3e: {  	[sflag:s6] =	ssyncset.done $0x0  }
0x3f: {  	s22 =	sadd.s32 $0xDF2E, s24;
	[sflag:s6] =	ssyncadd.s32 $0xFFFFF830  }
0x40: {  	[tilespmem:s16], [sflag:$0x2] =	stream.linear.gather [hbm4b:s22+s3], $0x7D0, $0x38;
	[tilespmem:$0x14050] =	vst v63  }
0x41: {  	_ =	swait.ge [sflag:s6], $0x7D0  }
0x42: {  	[sflag:s6] =	ssyncset.done $0x0  }
0x43: {  	[sflag:s6] =	ssyncadd.s32 $0xFFFFF830  }
0x44: {  	_ =	swait.ge [sflag:s17], $0x7D00  }
0x45: {  	[sflag:s17] =	ssyncset.done $0x0  }
0x46: {  	[sflag:s17] =	ssyncadd.s32 $0xFFFF8300  }
0x47: {  	[tilespmem:s18], [sflag:$0x1] =	stream.indirect.gather [hbm4b:s11+s12], $0x10, s12, s12, $0xb8;
	[tilespmem:$0x14050] =	vst v63  }
0x48: {  	_ = 	snop  }
0x49: {  	[spmem:s2] =	stream.indirect.scatter.add.f32 [tilespmem:s13], [sflag:$0x2], $0x10, s10, s12, $0xb8;
	[tilespmem:$0x14050] =	vst v63  }
0x4a: {  	_ =	swait.ge [sflag:s6], $0x7D00  }
0x4b: {  	[sflag:s6] =	ssyncset.done $0x0  }
0x4c: {  	s23 =	sadd.s32 $0x43E8, s24;
	[sflag:s6] =	ssyncadd.s32 $0xFFFF8300  }
0x4d: {  	[tilespmem:s3], [sflag:$0x2] =	stream.linear.gather [hbm4b:s23+s3], $0x7D0, $0x38;
	[tilespmem:$0x14050] =	vst v63  }
0x4e: {  	_ =	swait.ge [sflag:s6], $0x7D0  }
0x4f: {  	[sflag:s6] =	ssyncset.done $0x0  }
0x50: {  	s24 =	sadd.s32 $0xE028, s24;
	[sflag:s6] =	ssyncadd.s32 $0xFFFFF830  }
0x51: {  	[tilespmem:s10], [sflag:$0x2] =	stream.linear.gather [hbm4b:s24+s3], $0x7D0, $0x38;
	[tilespmem:$0x14050] =	vst v63  }
0x52: {  	_ =	swait.ge [sflag:s6], $0x7D0  }
0x53: {  	[sflag:s6] =	ssyncset.done $0x0  }
0x54: {  	[sflag:s6] =	ssyncadd.s32 $0xFFFFF830  }
0x55: {  	_ =	swait.ge [sflag:s17], $0x7D00  }
0x56: {  	[sflag:s17] =	ssyncset.done $0x0  }
0x57: {  	[sflag:s17] =	ssyncadd.s32 $0xFFFF8300  }
0x58: {  	[tilespmem:s13], [sflag:$0x1] =	stream.indirect.gather [hbm4b:s11+s12], $0x10, s3, s12, $0xb8;
	[tilespmem:$0x14050] =	vst v63  }
0x59: {  	_ = 	snop  }
0x5a: {  	[spmem:s2] =	stream.indirect.scatter.add.f32 [tilespmem:s18], [sflag:$0x2], $0x10, s16, s12, $0xb8;
	[tilespmem:$0x14050] =	vst v63  }
0x5b: {  	_ =	swait.ge [sflag:s6], $0x7D00  }
0x5c: {  	[sflag:s6] =	ssyncset.done $0x0  }
0x5d: {  	[sflag:s6] =	ssyncadd.s32 $0xFFFF8300  }
0x5e: {  	s29 =	smul.u32 $0x27100, s28;
	s28 =	ssub.s32 $0x2, s28;
	_ =	swait.ge [sflag:s17], $0x7D00  }
0x5f: {  	s30 =	sshrl.u32 s28, $0x1;
	[sflag:s17] =	ssyncset.done $0x0  }
0x60: {  	s28 =	ssub.s32 s28, s30;
	[sflag:s17] =	ssyncadd.s32 $0xFFFF8300  }
0x61: {  	[spmem:s2] =	stream.indirect.scatter.add.f32 [tilespmem:s13], [sflag:$0x2], $0x10, s10, s12, $0xb8;
	[tilespmem:$0x14050] =	vst v63  }
0x62: {  	s31 =	smax.u32 s28, $0x1;
	_ =	swait.ge [sflag:s6], $0x7D00  }
0x63: {  	s26 =	sadd.s32 s26, s29;
	p0 =	sne.s32 s31, $0x1;
	[sflag:s6] =	ssyncset.done $0x0  }
.Ltmp0:
0x64: {  	s26 =	sshrl.u32 s26, $0x3;
	[sflag:s6] =	ssyncadd.s32 $0xFFFF8300;
	(pc) =	sbr.rel @!p0 .LBB2_2-.Ltmp0, $4  }
0x65: {  	s25 =	sadd.s32 s25, s26;
	[bflag:$0x0] =	sbarrier.arrive $0xFFFF  }
0x66: {  	[hbm:s25], [sflag:s5] =	dma.local [spmem:s7], $0x4E2  }
0x67: {  	_ =	swait.ge [sflag:s6], $0x4E2  }
0x68: {  	s26 =	sadd.s32 $0xFFFFFFFF, s31;
	[sflag:s6] =	ssyncset.done $0x0  }
.LBB2_1:
0x69: {  	p0 =	sne.s32 s26, $0x1;
	s26 =	sadd.s32 $0xFFFFFFFF, s26;
	[sflag:s6] =	ssyncadd.s32 $0xFFFFFB1E  }
0x6a: {  	[spmem:s7], [sflag:s5] =	dma.local [hbm:s4], $0x4E2  }
0x6b: {  	_ =	swait.ge [sflag:s6], $0x4E2  }
0x6c: {  	[sflag:s6] =	ssyncset.done $0x0  }
0x6d: {  	[sflag:s6] =	ssyncadd.s32 $0xFFFFFB1E  }
0x6e: {  	[bflag:$0x0] =	sbarrier.arrive $0xFFFF  }
0x6f: {  	[tilespmem:s3], [sflag:$0x2] =	stream.linear.gather [hbm4b:s8+s3], $0x7D0, $0x38;
	[tilespmem:$0x14050] =	vst v63  }
0x70: {  	_ =	swait.ge [sflag:s6], $0x7D0  }
0x71: {  	[sflag:s6] =	ssyncset.done $0x0  }
0x72: {  	[sflag:s6] =	ssyncadd.s32 $0xFFFFF830  }
0x73: {  	[tilespmem:s10], [sflag:$0x2] =	stream.linear.gather [hbm4b:s9+s3], $0x7D0, $0x38;
	[tilespmem:$0x14050] =	vst v63  }
0x74: {  	_ =	swait.ge [sflag:s6], $0x7D0  }
0x75: {  	[sflag:s6] =	ssyncset.done $0x0  }
0x76: {  	[sflag:s6] =	ssyncadd.s32 $0xFFFFF830  }
0x77: {  	[tilespmem:s13], [sflag:$0x1] =	stream.indirect.gather [hbm4b:s11+s12], $0x10, s3, s12, $0xb8;
	[tilespmem:$0x14050] =	vst v63  }
0x78: {  	_ = 	snop  }
0x79: {  	[tilespmem:s12], [sflag:$0x2] =	stream.linear.gather [hbm4b:s14+s3], $0x7D0, $0x38;
	[tilespmem:$0x14050] =	vst v63  }
0x7a: {  	_ =	swait.ge [sflag:s6], $0x7D0  }
0x7b: {  	[sflag:s6] =	ssyncset.done $0x0  }
0x7c: {  	[sflag:s6] =	ssyncadd.s32 $0xFFFFF830  }
0x7d: {  	[tilespmem:s16], [sflag:$0x2] =	stream.linear.gather [hbm4b:s15+s3], $0x7D0, $0x38;
	[tilespmem:$0x14050] =	vst v63  }
0x7e: {  	_ =	swait.ge [sflag:s6], $0x7D0  }
0x7f: {  	[sflag:s6] =	ssyncset.done $0x0  }
0x80: {  	[sflag:s6] =	ssyncadd.s32 $0xFFFFF830  }
0x81: {  	_ =	swait.ge [sflag:s17], $0x7D00  }
0x82: {  	[sflag:s17] =	ssyncset.done $0x0  }
0x83: {  	[sflag:s17] =	ssyncadd.s32 $0xFFFF8300  }
0x84: {  	[tilespmem:s18], [sflag:$0x1] =	stream.indirect.gather [hbm4b:s11+s12], $0x10, s12, s12, $0xb8;
	[tilespmem:$0x14050] =	vst v63  }
0x85: {  	_ = 	snop  }
0x86: {  	[spmem:s2] =	stream.indirect.scatter.add.f32 [tilespmem:s13], [sflag:$0x2], $0x10, s10, s12, $0xb8;
	[tilespmem:$0x14050] =	vst v63  }
0x87: {  	_ =	swait.ge [sflag:s6], $0x7D00  }
0x88: {  	[sflag:s6] =	ssyncset.done $0x0  }
0x89: {  	[sflag:s6] =	ssyncadd.s32 $0xFFFF8300  }
0x8a: {  	[tilespmem:s3], [sflag:$0x2] =	stream.linear.gather [hbm4b:s19+s3], $0x7D0, $0x38;
	[tilespmem:$0x14050] =	vst v63  }
0x8b: {  	_ =	swait.ge [sflag:s6], $0x7D0  }
0x8c: {  	[sflag:s6] =	ssyncset.done $0x0  }
0x8d: {  	[sflag:s6] =	ssyncadd.s32 $0xFFFFF830  }
0x8e: {  	[tilespmem:s10], [sflag:$0x2] =	stream.linear.gather [hbm4b:s20+s3], $0x7D0, $0x38;
	[tilespmem:$0x14050] =	vst v63  }
0x8f: {  	_ =	swait.ge [sflag:s6], $0x7D0  }
0x90: {  	[sflag:s6] =	ssyncset.done $0x0  }
0x91: {  	[sflag:s6] =	ssyncadd.s32 $0xFFFFF830  }
0x92: {  	_ =	swait.ge [sflag:s17], $0x7D00  }
0x93: {  	[sflag:s17] =	ssyncset.done $0x0  }
0x94: {  	[sflag:s17] =	ssyncadd.s32 $0xFFFF8300  }
0x95: {  	[tilespmem:s13], [sflag:$0x1] =	stream.indirect.gather [hbm4b:s11+s12], $0x10, s3, s12, $0xb8;
	[tilespmem:$0x14050] =	vst v63  }
0x96: {  	_ = 	snop  }
0x97: {  	[spmem:s2] =	stream.indirect.scatter.add.f32 [tilespmem:s18], [sflag:$0x2], $0x10, s16, s12, $0xb8;
	[tilespmem:$0x14050] =	vst v63  }
0x98: {  	_ =	swait.ge [sflag:s6], $0x7D00  }
0x99: {  	[sflag:s6] =	ssyncset.done $0x0  }
0x9a: {  	[sflag:s6] =	ssyncadd.s32 $0xFFFF8300  }
0x9b: {  	[tilespmem:s12], [sflag:$0x2] =	stream.linear.gather [hbm4b:s21+s3], $0x7D0, $0x38;
	[tilespmem:$0x14050] =	vst v63  }
0x9c: {  	_ =	swait.ge [sflag:s6], $0x7D0  }
0x9d: {  	[sflag:s6] =	ssyncset.done $0x0  }
0x9e: {  	[sflag:s6] =	ssyncadd.s32 $0xFFFFF830  }
0x9f: {  	[tilespmem:s16], [sflag:$0x2] =	stream.linear.gather [hbm4b:s22+s3], $0x7D0, $0x38;
	[tilespmem:$0x14050] =	vst v63  }
0xa0: {  	_ =	swait.ge [sflag:s6], $0x7D0  }
0xa1: {  	[sflag:s6] =	ssyncset.done $0x0  }
0xa2: {  	[sflag:s6] =	ssyncadd.s32 $0xFFFFF830  }
0xa3: {  	_ =	swait.ge [sflag:s17], $0x7D00  }
0xa4: {  	[sflag:s17] =	ssyncset.done $0x0  }
0xa5: {  	[sflag:s17] =	ssyncadd.s32 $0xFFFF8300  }
0xa6: {  	[tilespmem:s18], [sflag:$0x1] =	stream.indirect.gather [hbm4b:s11+s12], $0x10, s12, s12, $0xb8;
	[tilespmem:$0x14050] =	vst v63  }
0xa7: {  	_ = 	snop  }
0xa8: {  	[spmem:s2] =	stream.indirect.scatter.add.f32 [tilespmem:s13], [sflag:$0x2], $0x10, s10, s12, $0xb8;
	[tilespmem:$0x14050] =	vst v63  }
0xa9: {  	_ =	swait.ge [sflag:s6], $0x7D00  }
0xaa: {  	[sflag:s6] =	ssyncset.done $0x0  }
0xab: {  	[sflag:s6] =	ssyncadd.s32 $0xFFFF8300  }
0xac: {  	[tilespmem:s3], [sflag:$0x2] =	stream.linear.gather [hbm4b:s23+s3], $0x7D0, $0x38;
	[tilespmem:$0x14050] =	vst v63  }
0xad: {  	_ =	swait.ge [sflag:s6], $0x7D0  }
0xae: {  	[sflag:s6] =	ssyncset.done $0x0  }
0xaf: {  	[sflag:s6] =	ssyncadd.s32 $0xFFFFF830  }
0xb0: {  	[tilespmem:s10], [sflag:$0x2] =	stream.linear.gather [hbm4b:s24+s3], $0x7D0, $0x38;
	[tilespmem:$0x14050] =	vst v63  }
0xb1: {  	_ =	swait.ge [sflag:s6], $0x7D0  }
0xb2: {  	[sflag:s6] =	ssyncset.done $0x0  }
0xb3: {  	[sflag:s6] =	ssyncadd.s32 $0xFFFFF830  }
0xb4: {  	_ =	swait.ge [sflag:s17], $0x7D00  }
0xb5: {  	[sflag:s17] =	ssyncset.done $0x0  }
0xb6: {  	[sflag:s17] =	ssyncadd.s32 $0xFFFF8300  }
0xb7: {  	[tilespmem:s13], [sflag:$0x1] =	stream.indirect.gather [hbm4b:s11+s12], $0x10, s3, s12, $0xb8;
	[tilespmem:$0x14050] =	vst v63  }
0xb8: {  	_ = 	snop  }
0xb9: {  	[spmem:s2] =	stream.indirect.scatter.add.f32 [tilespmem:s18], [sflag:$0x2], $0x10, s16, s12, $0xb8;
	[tilespmem:$0x14050] =	vst v63  }
0xba: {  	_ =	swait.ge [sflag:s6], $0x7D00  }
0xbb: {  	[sflag:s6] =	ssyncset.done $0x0  }
0xbc: {  	[sflag:s6] =	ssyncadd.s32 $0xFFFF8300  }
0xbd: {  	_ =	swait.ge [sflag:s17], $0x7D00  }
0xbe: {  	[sflag:s17] =	ssyncset.done $0x0  }
0xbf: {  	[sflag:s17] =	ssyncadd.s32 $0xFFFF8300  }
0xc0: {  	[spmem:s2] =	stream.indirect.scatter.add.f32 [tilespmem:s13], [sflag:$0x2], $0x10, s10, s12, $0xb8;
	[tilespmem:$0x14050] =	vst v63  }
0xc1: {  	_ =	swait.ge [sflag:s6], $0x7D00  }
0xc2: {  	[sflag:s6] =	ssyncset.done $0x0  }
.Ltmp1:
0xc3: {  	[sflag:s6] =	ssyncadd.s32 $0xFFFF8300;
	(pc) =	sbr.rel @p0 .LBB2_1-.Ltmp1, $4  }
0xc4: {  	[bflag:$0x0] =	sbarrier.arrive $0xFFFF  }
0xc5: {  	[hbm:s25], [sflag:s5] =	dma.local [spmem:s7], $0x4E2  }
0xc6: {  	_ =	swait.ge [sflag:s6], $0x4E2  }
0xc7: {  	[sflag:s6] =	ssyncset.done $0x0  }
.LBB2_2:
0xc8: {  	[sflag:s6] =	ssyncadd.s32 $0xFFFFFB1E  }
0xc9: {  	_ =	sfence.sel $0x180000  }
0xca: {  	[bflag:$0x0] =	sbarrier.arrive $0xFFFF  }
0xcb: {  	p0 =	sne.s32 s1, $0x0;
	_ =	strace $0x9000004A  }
0xcc: {  	s0 =	sadd.s32 @!p0 $0x100000, s0;
	[bflag:$0x2] =	sbarrier.arrive $0xFFFF  }
0xcd: {  	[sflag:s0] =	ssyncadd.tile.s32 @!p0 $0x1;
	_ =	shalt  }
.Lfunc_end2:
_tile_overlayer_lowered:
.L_overlay_start_2:
0xce: {  	(tag) =	ssettag $0x2  }
0xcf: {  	s0 =	rddreg [dreg:$0x0];
	s2 =	stileid.u32  }
0xd0: {  	s1 =	rddreg [dreg:$0x1];
	p0 =	sne.s32 s2, $0x0  }
0xd1: {  	s3 =	rddreg [dreg:$0x2];
	[bflag:$0x3] =	sbarrier.arrive $0xFFFF;
	s2 =	simm.s32 @!p0 $0x1C02  }
0xd2: {  	[timem:s3], [sflag:s2] =	dma.local @!p0 [hbm:s0], s1  }
0xd3: {  	s0 =	simm.s32 @!p0 $0x2  }
0xd4: {  	_ =	swait.ge @!p0 [sflag:s0], s1  }
0xd5: {  	s1 =	ssub.s32 @!p0 $0x0, s1;
	[sflag:s0] =	ssyncset.done @!p0 $0x0  }
0xd6: {  	[sflag:s0] =	ssyncadd.s32 @!p0 s1  }
0xd7: {  	[bflag:$0x3] =	sbarrier.arrive $0xFFFF  }
0xd8: {  	_ =	shalt  }

// kernel: kernel.15.cloned.1.call-start
scs
__scs_entry_jumppad:
0x0: {  	(pc) =	sbr.rel $0x88, $3  }
0x1: {  	(tag) =	ssettag $0x0;
	lr =	simm.s32 $0x1  }
0x2: {  	[smem:$0x3F97] =	sst lr;
	_ =	strace $0xD0000000  }
0x3: {  	_ = 	snop  }
0x4: {  	_ = 	snop  }
0x5: {  	_ = 	snop  }
0x6: {  	_ = 	snop  }
0x7: {  	_ = 	snop  }
__scs_overlays_trampoline_lowered:
0x8: {  	[smem:$0x3FA6] =	sst s0  }
0x9: {  	[smem:$0x3FA7] =	sst s1  }
0xa: {  	[smem:$0x3FA8] =	sst s2  }
0xb: {  	[smem:$0x3FA9] =	sst s3  }
0xc: {  	[smem:$0x3FAA] =	sst s4  }
0xd: {  	[smem:$0x3FAB] =	sst s5  }
0xe: {  	[smem:$0x3FAC] =	sst s6  }
0xf: {  	[smem:$0x3FAD] =	sst s7  }
0x10: {  	[smem:$0x3FAE] =	sst s8  }
0x11: {  	[smem:$0x3FAF] =	sst s9;
	s0 =	simm.s32 @!p0 $0x0  }
0x12: {  	s1 =	sld [smem:$0x3F95];
	s0 =	simm.s32 @p0 $0x1  }
0x13: {  	[smem:$0x3FB0] =	sst s0;
	s0 =	simm.s32 @!p1 $0x0  }
0x14: {  	s2 =	sld [smem:$0x3F94];
	s0 =	simm.s32 @p1 $0x1  }
0x15: {  	[smem:$0x3FB1] =	sst s0;
	s0 =	simm.s32 @!p2 $0x0  }
0x16: {  	s3 =	sld [smem:$0x3FDB];
	s0 =	simm.s32 @p2 $0x1  }
0x17: {  	s4 =	simm.s32 $0x1BF5;
	[smem:$0x3FB3] =	sst s0  }
0x18: {  	s0 =	sld [smem:$0x3F96];
	_ =	swait.ge [sflag:s4], $0x0  }
0x19: {  	s7 =	sld [smem:$0x3F97]  }
0x1a: {  	s8 =	sadd.s32 $0xFFFFE003, lr  }
0x1b: {  	s9 =	sadd.s32 $0xFFFFFEF7, lr;
	s5 =	simm.s32 $0xFFFFFFFF;
	p2 =	slt.u32 s8, $0xFFFFF086  }
0x1c: {  	p1 =	slt.u32 s9, $0xF7A;
	s5 =	simm.s32 @!p2 $0x0  }
0x1d: {  	s5 =	simm.s32 @p1 $0x1;
	p0 =	seq.s32 s7, s2  }
0x1e: {  	s7 =	smul.u32 @!p0 $0xF7A, s2;
	p2 =	seq.s32 @!p0 s5, $0x0  }
0x1f: {  	s9 =	smul.u32 $0xF7A, s1;
	s8 =	simm.s32 @!p0 $0x1BF5;
	p2 =	por !p2, p0  }
0x20: {  	[sflag:s8] =	ssyncset.s32 @!p0 $0xFFFFF086;
	s6 =	sadd.s32 @!p0 s3, s7;
	s7 =	simm.s32 @!p0 $0x108  }
0x21: {  	s3 =	sadd.s32 s3, s9;
	s6 =	sadd.s32 @!p0 $0x88, s6;
	s7 =	simm.s32 @p2 $0x1082  }
0x22: {  	[simem:s7], [sflag:s8] =	dma.local @!p0 [hbm:s6], $0xF7A  }
0x23: {  	s9 =	sor.u32 $0xD0000000, s2;
	s6 =	simm.s32 $0x108;
	_ =	swait.ge @!p0 [sflag:s8], $0x0  }
0x24: {  	s3 =	sadd.s32 $0x88, s3;
	s6 =	simm.s32 @!p1 $0x1082;
	[sflag:s4] =	ssyncset.s32 $0xFFFFF086  }
0x25: {  	[simem:s6], [sflag:s4] =	dma.local [hbm:s3], $0xF7A  }
0x26: {  	[smem:$0x3F97] =	sst s1;
	(tag) =	ssettag s2;
	_ =	strace s9  }
0x27: {  	s1 =	sld [smem:$0x3FA7]  }
0x28: {  	s2 =	sld [smem:$0x3FA8]  }
0x29: {  	s4 =	sld [smem:$0x3FAA]  }
0x2a: {  	p0 =	seq.s32 s5, $0x0;
	s5 =	sld [smem:$0x3FAB]  }
0x2b: {  	s6 =	sld [smem:$0x3FAC]  }
0x2c: {  	s7 =	sld [smem:$0x3FAD]  }
0x2d: {  	s3 =	simm.s32 $0x108;
	s8 =	sld [smem:$0x3FAE]  }
0x2e: {  	s3 =	simm.s32 @!p0 $0x1082;
	s9 =	sld [smem:$0x3FAF]  }
0x2f: {  	lr =	sadd.s32 s0, s3;
	s0 =	sld [smem:$0x3FA6]  }
0x30: {  	s3 =	sld [smem:$0x3FA9]  }
0x31: {  	[smem:$0x3FB2] =	sst s10  }
0x32: {  	s10 =	sld [smem:$0x3FB0];
	_ =	sdelay $0x3  }
0x33: {  	p0 =	seq.s32 s10, $0x1;
	s10 =	sld [smem:$0x3FB2];
	_ =	sdelay $0x3  }
0x34: {  	[smem:$0x3FB2] =	sst s10  }
0x35: {  	s10 =	sld [smem:$0x3FB1];
	_ =	sdelay $0x3  }
0x36: {  	p1 =	seq.s32 s10, $0x1;
	s10 =	sld [smem:$0x3FB2];
	_ =	sdelay $0x3  }
0x37: {  	[smem:$0x3FB2] =	sst s10  }
0x38: {  	s10 =	sld [smem:$0x3FB3]  }
0x39: {  	_ = 	snop;
	(pc) =	sbr.ind lr, $3  }
0x3a: {  	_ = 	snop  }
0x3b: {  	_ = 	snop  }
0x3c: {  	p2 =	seq.s32 s10, $0x1;
	s10 =	sld [smem:$0x3FB2]  }
0x3d: {  	_ =	shalt  }
0x3e: {  	_ =	shalt  }
0x3f: {  	_ =	shalt  }
0x40: {  	_ =	shalt  }
0x41: {  	_ =	shalt  }
0x42: {  	_ =	shalt  }
0x43: {  	_ =	shalt  }
0x44: {  	_ =	shalt  }
0x45: {  	_ =	shalt  }
0x46: {  	_ =	shalt  }
0x47: {  	_ =	shalt  }
0x48: {  	_ =	shalt  }
0x49: {  	_ =	shalt  }
0x4a: {  	_ =	shalt  }
0x4b: {  	_ =	shalt  }
0x4c: {  	_ =	shalt  }
0x4d: {  	_ =	shalt  }
0x4e: {  	_ =	shalt  }
0x4f: {  	_ =	shalt  }
0x50: {  	_ =	shalt  }
0x51: {  	_ =	shalt  }
0x52: {  	_ =	shalt  }
0x53: {  	_ =	shalt  }
0x54: {  	_ =	shalt  }
0x55: {  	_ =	shalt  }
0x56: {  	_ =	shalt  }
0x57: {  	_ =	shalt  }
0x58: {  	_ =	shalt  }
0x59: {  	_ =	shalt  }
0x5a: {  	_ =	shalt  }
0x5b: {  	_ =	shalt  }
0x5c: {  	_ =	shalt  }
0x5d: {  	_ =	shalt  }
0x5e: {  	_ =	shalt  }
0x5f: {  	_ =	shalt  }
0x60: {  	_ =	shalt  }
0x61: {  	_ =	shalt  }
0x62: {  	_ =	shalt  }
0x63: {  	_ =	shalt  }
0x64: {  	_ =	shalt  }
0x65: {  	_ =	shalt  }
0x66: {  	_ =	shalt  }
0x67: {  	_ =	shalt  }
0x68: {  	_ =	shalt  }
0x69: {  	_ =	shalt  }
0x6a: {  	_ =	shalt  }
0x6b: {  	_ =	shalt  }
0x6c: {  	_ =	shalt  }
0x6d: {  	_ =	shalt  }
0x6e: {  	_ =	shalt  }
0x6f: {  	_ =	shalt  }
0x70: {  	_ =	shalt  }
0x71: {  	_ =	shalt  }
0x72: {  	_ =	shalt  }
0x73: {  	_ =	shalt  }
0x74: {  	_ =	shalt  }
0x75: {  	_ =	shalt  }
0x76: {  	_ =	shalt  }
0x77: {  	_ =	shalt  }
0x78: {  	_ =	shalt  }
0x79: {  	_ =	shalt  }
0x7a: {  	_ =	shalt  }
0x7b: {  	_ =	shalt  }
0x7c: {  	_ =	shalt  }
0x7d: {  	_ =	shalt  }
0x7e: {  	_ =	shalt  }
0x7f: {  	_ =	shalt  }
0x80: {  	_ =	shalt  }
0x81: {  	_ =	shalt  }
0x82: {  	_ =	shalt  }
0x83: {  	_ =	shalt  }
0x84: {  	_ =	shalt  }
0x85: {  	_ =	shalt  }
0x86: {  	_ =	shalt  }
0x87: {  	_ =	shalt  }
.Lfunc_end0:
.L_simem_size_0:
called_computation.2_lowered:
.L_overlay_start_0:
0x88: {  	s2 =	sld [smem:$0x3FD9]  }
0x89: {  	s3 =	sld [smem:$0x3FFE];
	_ =	sdelay $0x1  }
0x8a: {  	s1 =	srdreg.scid  }
0x8b: {  	s0 =	sand.u32 $0x1, s1  }
0x8c: {  	s14 =	sshll.u32 s0, $0xA;
	s2 =	sadd.s32 s3, s2  }
0x8d: {  	s2 =	sadd.s32 s2, s14  }
0x8e: {  	[smem:$0x3FBE] =	sst s2  }
0x8f: {  	_ = 	snop  }
0x90: {  	s2 =	sld [smem:$0x3FD0];
	_ =	sdelay $0x2  }
0x91: {  	s15 =	simm.s32 $0xA;
	s4 =	simm.s32 $0x10  }
0x92: {  	[smem:s4], [sflag:s15] =	dma.local [hbm:s2], $0x1  }
0x93: {  	_ =	swait.eq [sflag:s15], $0x1  }
0x94: {  	[sflag:s15] =	ssyncset.done $0x0  }
0x95: {  	[sflag:s15] =	ssyncadd.s32 $0xFFFFFFFF  }
0x96: {  	s16 =	sld [smem:$0x11];
	(tm) =	ssettm $0x1  }
0x97: {  	s17 =	sld [smem:$0x3FFB];
	_ =	sdelay $0x3  }
0x98: {  	_ =	strace s17  }
0x99: {  	s3 =	sld [smem:$0x3FFC];
	_ =	sdelay $0x3  }
0x9a: {  	_ =	strace s3  }
0x9b: {  	s3 =	sld [smem:$0x3FFD];
	_ =	sdelay $0x3  }
0x9c: {  	_ =	strace s3  }
0x9d: {  	_ =	strace $0x8FFFFFFF  }
0x9e: {  	s18 =	sld [smem:$0x3FDB];
	_ =	sdelay $0x1  }
0x9f: {  	s19 =	simm.s32 $_scs_section_size  }
0xa0: {  	s5 =	simm.s32 $_size__tile_overlayer_lowered;
	s6 =	simm.s32 $_tile_overlayer_lowered  }
0xa1: {  	s22 =	simm.s32 $0x1BFF;
	s21 =	sshll.u32 s6, $0x1;
	s3 =	sadd.s32 s19, s18  }
0xa2: {  	s7 =	simm.s32 $0x0;
	s20 =	sshll.u32 s5, $0x1;
	s5 =	sadd.s32 s21, s3  }
0xa3: {  	[timem:s7], [sflag:s22] =	dma.local [hbm:s5], s20  }
0xa4: {  	_ =	swait.ge [sflag:s22], s20  }
0xa5: {  	s4 =	ssub.s32 $0x0, s20;
	[sflag:s22] =	ssyncset.done $0x0  }
0xa6: {  	[sflag:s22] =	ssyncadd.s32 s4;
	_ =	sdelay $0x1  }
0xa7: {  	s23 =	simm.s32 $0x1B8B  }
0xa8: {  	_ =	swait.ge [sflag:s23], $0x1  }
0xa9: {  	[sflag:s23] =	ssyncset.done $0x0  }
0xaa: {  	s25 =	simm.s32 $0x1B8E;
	s24 =	sld [smem:$0x3FFE];
	[sflag:s23] =	ssyncadd.s32 $0xFFFFFFFF  }
0xab: {  	s26 =	simm.s32 $execute0_lowered;
	[smem:$0x3FD2] =	sst s25  }
0xac: {  	s5 =	sshll.u32 s26, $0x1;
	_ =	strace $0x8000004C;
	[dreg:$0x1] =	wrdreg $0xFFFFFFFF  }
0xad: {  	s28 =	simm.s32 $_size_execute0_lowered;
	s3 =	sadd.s32 s3, s5;
	[dreg:$0x0] =	wrdreg $0x0  }
0xae: {  	s5 =	sshll.u32 s28, $0x1;
	[dreg:$0x2] =	wrdreg s3  }
0xaf: {  	[dreg:$0x3] =	wrdreg s5  }
0xb0: {  	[dreg:$0x4] =	wrdreg $0xC0  }
0xb1: {  	_ =	task [dreg:s7], $0x5FFFF  }
0xb2: {  	[dreg:$0x1] =	wrdreg $0xFFFFFFFF  }
0xb3: {  	[dreg:$0x0] =	wrdreg $0x60  }
0xb4: {  	[dreg:$0x2] =	wrdreg s24  }
0xb5: {  	[dreg:$0x3] =	wrdreg s16  }
0xb6: {  	[dreg:$0x4] =	wrdreg $0x186A00  }
0xb7: {  	[dreg:$0x5] =	wrdreg $0x9  }
0xb8: {  	_ =	task.clear_ibuf [dreg:s7], $0x6FFFF;
	_ =	strace $0x9000004C  }
0xb9: {  	s29 =	simm.s32 $0x9;
	_ =	strace $0x8000004E  }
0xba: {  	_ =	swait.ge [sflag:s29], $0x1  }
0xbb: {  	[sflag:s29] =	ssyncadd.s32 $0xFFFFFFFF  }
0xbc: {  	_ =	strace $0x9000004E  }
0xbd: {  	_ =	sfence  }
0xbe: {  	s30 =	sld [smem:$0x0];
	_ =	sdelay $0x2  }
0xbf: {  	s31 =	sshll.u32 s1, $0xD;
	s1 =	sshrl.u32 s1, $0x2  }
0xc0: {  	s3 =	sand.u32 $0x4000, s31;
	s1 =	sadd.s32 s1, s30  }
0xc1: {  	s0 =	sor.u32 s3, s0;
	s1 =	sshll.u32 s1, $0x11  }
0xc2: {  	s0 =	sor.u32 s1, s0  }
0xc3: {  	s0 =	sadd.s32 $0x8F2B, s0  }
0xc4: {  	[sflag:s0] =	ssyncadd.remote.s32 $0x1  }
0xc5: {  	_ =	sfence.sel $0xFFFF  }
0xc6: {  	[dreg:$0x0] =	wrdreg $0xFFFFFFFF;
	(pc) =	sbr.abs _section_cstart, $3  }
0xc7: {  	[dreg:$0x1] =	wrdreg $0xFFFFFFFF  }
0xc8: {  	_ =	task.clear_ibuf [dreg:s7], $0x2FFFF;
	_ =	strace $0x9FFFFFFF  }
0xc9: {  	(tm) =	ssettm $0x7FFFFFFF  }
tec
execute0_lowered:
.L_overlay_start_1:
0x0: {  	(tag) =	ssettag $0x1  }
0x1: {  	s5 =	rddreg [dreg:$0x0]  }
0x2: {  	s0 =	rddreg [dreg:$0x1]  }
0x3: {  	s3 =	rddreg [dreg:$0x2]  }
0x4: {  	s18 =	stileid.u32;
	s1 =	srdreg.scid;
	s2 =	simm.s32 $0x0  }
0x5: {  	s28 =	simm.s32 $0xFA0;
	p0 =	por $0x0, $0x0;
	s30 =	simm.s32 $0x1  }
0x6: {  	s8 =	sand.u32 $0x1, s1;
	s12 =	sshll.u32 s18, $0x1;
	s7 =	smul.u32 $0x2710, s18  }
0x7: {  	s29 =	simm.s32 $0x3;
	[smem:$0x7FF] =	sst s2;
	s1 =	sor.u32 s8, s12  }
0x8: {  	s10 =	sadd.s32 $0x4000, s5;
	s11 =	smul.u32 $0x2710, s1;
	s4 =	sshrl.u32 s7, $0x3  }
0x9: {  	s9 =	sadd.s32 $0x27A00, s5;
	s1 =	smul.u32 $0x4E20, s1;
	s4 =	sadd.s32 s4, s5  }
0xa: {  	_ =	strace $0x8000004D;
	s6 =	sshrl.u32 s11, $0x3;
	s4 =	sadd.s32 $0x18A00, s4  }
0xb: {  	s14 =	sadd.s32 $0x3E8, s11;
	s17 =	sadd.s32 s9, s1;
	s19 =	sadd.s32 $0x7D0, s11  }
0xc: {  	s25 =	sadd.s32 $0xBB8, s11;
	s31 =	sadd.s32 s10, s6;
	[dreg:$0x4] =	wrdreg s4  }
0xd: {  	s15 =	sshrl.u32 s14, $0x3;
	[dreg:$0x8] =	wrdreg s17;
	s13 =	sadd.s32 $0x9C40, s31  }
0xe: {  	s20 =	sshrl.u32 s19, $0x3;
	s4 =	sadd.s32 s10, s15;
	[dreg:$0x5] =	wrdreg s13  }
0xf: {  	s23 =	sshll.u32 s14, $0x1;
	s21 =	sadd.s32 s10, s20;
	[dreg:$0x6] =	wrdreg s4  }
0x10: {  	s26 =	sshrl.u32 s25, $0x3;
	s22 =	sadd.s32 $0x9D3A, s31;
	[dreg:$0xa] =	wrdreg s21  }
0x11: {  	s14 =	sadd.s32 $0x4EDB8, s11;
	s24 =	sadd.s32 s9, s23;
	[dreg:$0xb] =	wrdreg s22  }
0x12: {  	s6 =	sadd.s32 s10, s26;
	s14 =	sshrl.u32 s14, $0x3;
	[dreg:$0xc] =	wrdreg s24  }
0x13: {  	s12 =	sadd.s32 $0x4E5E8, s11;
	[dreg:$0xe] =	wrdreg s6;
	s15 =	sadd.s32 s10, s14  }
0x14: {  	s13 =	sshrl.u32 s12, $0x3;
	s22 =	sadd.s32 $0x9E34, s31;
	[dreg:$0xf] =	wrdreg s15  }
0x15: {  	s12 =	sadd.s32 $0xC3E00, s5;
	s16 =	sadd.s32 s10, s13;
	[dreg:$0x13] =	wrdreg s22  }
0x16: {  	s14 =	ssub.s32 $0x2, s8;
	s1 =	sadd.s32 s12, s1;
	[dreg:$0x7] =	wrdreg s16  }
0x17: {  	s24 =	sadd.s32 $0x1388, s11;
	s4 =	sadd.s32 s12, s23;
	[dreg:$0x9] =	wrdreg s1  }
0x18: {  	s8 =	smul.u32 $0x27100, s8;
	s15 =	sshrl.u32 s24, $0x3;
	[dreg:$0xd] =	wrdreg s4  }
0x19: {  	s16 =	sshll.u32 s19, $0x1;
	s19 =	sadd.s32 $0xFA0, s11;
	s4 =	sadd.s32 $0x1DA00, s5  }
0x1a: {  	s1 =	sshll.u32 s25, $0x1;
	s5 =	sadd.s32 $0x22A00, s5;
	s25 =	sadd.s32 s10, s15  }
0x1b: {  	s15 =	sadd.s32 $0x1770, s11;
	s17 =	sadd.s32 s9, s16;
	[dreg:$0x16] =	wrdreg s25  }
0x1c: {  	s6 =	sadd.s32 s12, s16;
	s20 =	sshrl.u32 s19, $0x3;
	[dreg:$0x10] =	wrdreg s17  }
0x1d: {  	s23 =	sadd.s32 s9, s1;
	s1 =	sadd.s32 s12, s1;
	[dreg:$0x11] =	wrdreg s6  }
0x1e: {  	s16 =	sadd.s32 $0x4F588, s11;
	s13 =	sshll.u32 s19, $0x1;
	[dreg:$0x14] =	wrdreg s23  }
0x1f: {  	s21 =	sadd.s32 s10, s20;
	[dreg:$0x15] =	wrdreg s1;
	s26 =	sshrl.u32 s16, $0x3  }
0x20: {  	s17 =	sadd.s32 s9, s13;
	s19 =	sadd.s32 s12, s13;
	s20 =	sshrl.u32 s15, $0x3  }
0x21: {  	s23 =	sadd.s32 $0x9F2E, s31;
	s6 =	sshll.u32 s24, $0x1;
	[dreg:$0x12] =	wrdreg s21  }
0x22: {  	s1 =	sadd.s32 $0x1B58, s11;
	s16 =	sadd.s32 s10, s26;
	[dreg:$0x18] =	wrdreg s17  }
0x23: {  	s21 =	sshrl.u32 s14, $0x1;
	[dreg:$0x19] =	wrdreg s19;
	s22 =	sadd.s32 s10, s20  }
0x24: {  	[dreg:$0x1b] =	wrdreg s23;
	s24 =	sadd.s32 s9, s6;
	s17 =	sadd.s32 s7, s3  }
0x25: {  	s6 =	sadd.s32 s12, s6;
	s25 =	sshrl.u32 s1, $0x3;
	[dreg:$0x17] =	wrdreg s16  }
0x26: {  	s26 =	sadd.s32 $0x4FD58, s11;
	s23 =	sadd.s32 $0x1F40, s11;
	[dreg:$0x1a] =	wrdreg s22  }
0x27: {  	s1 =	sshll.u32 s1, $0x1;
	s7 =	sadd.s32 s7, s8;
	[dreg:$0x1c] =	wrdreg s24  }
0x28: {  	s8 =	simm.s32 $0x7;
	s14 =	ssub.s32 s14, s21;
	[dreg:$0x1d] =	wrdreg s6  }
0x29: {  	s13 =	sadd.s32 s10, s25;
	s19 =	sshrl.u32 s26, $0x3;
	s21 =	sshll.u32 s15, $0x1  }
0x2a: {  	s26 =	sshll.u32 s18, $0x6;
	s18 =	sadd.s32 $0xA028, s31;
	[dreg:$0x1e] =	wrdreg s13  }
0x2b: {  	s25 =	sshrl.u32 s23, $0x3;
	s20 =	sadd.s32 s10, s19;
	[smem:$0x7FA] =	sst s18  }
0x2c: {  	s15 =	simm.s32 $0x3E8;
	s22 =	sadd.s32 s9, s21;
	[dreg:$0x1f] =	wrdreg s20  }
0x2d: {  	s24 =	sadd.s32 s12, s21;
	s13 =	sadd.s32 s10, s25;
	[smem:$0x7F7] =	sst s22  }
0x2e: {  	s6 =	sor.u32 $0x1C07, s26;
	s19 =	sadd.s32 s9, s1;
	[smem:$0x7F8] =	sst s24  }
0x2f: {  	s1 =	sadd.s32 s12, s1;
	s25 =	sshrl.u32 s7, $0x3;
	[smem:$0x7F9] =	sst s13  }
0x30: {  	s26 =	smax.u32 s14, $0x1;
	s18 =	simm.s32 $0xBB8;
	[smem:$0x7FB] =	sst s19  }
0x31: {  	s14 =	simm.s32 $0xCB20;
	s20 =	sadd.s32 $0x2328, s11;
	[smem:$0x7FC] =	sst s1  }
0x32: {  	s11 =	sadd.s32 $0x50528, s11;
	s22 =	sshll.u32 s23, $0x1;
	s7 =	sadd.s32 s0, s25  }
0x33: {  	s25 =	simm.s32 $0x7D0;
	s19 =	simm.s32 $0x4E20;
	p1 =	sne.s32 s26, $0x1  }
0x34: {  	s0 =	sadd.s32 $0xFFFFFFFF, s26;
	s26 =	simm.s32 $0x5;
	s21 =	sshrl.u32 s20, $0x3  }
0x35: {  	s11 =	sshrl.u32 s11, $0x3;
	s16 =	sadd.s32 s9, s22;
	s23 =	sshll.u32 s20, $0x1  }
.Ltmp0:
0x36: {  	s13 =	sadd.s32 s12, s22;
	s22 =	simm.s32 $0x2;
	(pc) =	sbr.rel @!p1 .LBB2_3-.Ltmp0, $4  }
0x37: {  	s20 =	simm.s32 $0x4;
	s1 =	sadd.s32 s10, s21;
	s24 =	sadd.s32 s10, s11  }
0x38: {  	s11 =	sadd.s32 s9, s23;
	s10 =	sadd.s32 s12, s23;
	s9 =	sshrl.u32 s17, $0x3  }
0x39: {  	s23 =	simm.s32 $0x8CA0;
	s21 =	simm.s32 $0x109A0;
	[smem:$0x7FD] =	sst s1  }
0x3a: {  	s12 =	simm.s32 $0x14820;
	s17 =	simm.s32 $0x6;
	s1 =	rddreg [dreg:$0x4]  }
0x3b: {  	[spmem:s9], [sflag:s6] =	dma.local [hbm:s1], $0x4E2  }
0x3c: {  	_ =	swait.ge [sflag:s8], $0x4E2  }
0x3d: {  	[sflag:s8] =	ssyncset.done $0x0  }
0x3e: {  	[sflag:s8] =	ssyncadd.s32 $0xFFFFFB1E  }
0x3f: {  	[bflag:$0x0] =	sbarrier.arrive $0xFFFF  }
0x40: {  	[tilespmem:s2], [sflag:$0x7] =	stream.linear.gather [hbm4b:s31+s2], $0x3E8, $0x38;
	[tilespmem:$0x1ADB0] =	vst v63  }
0x41: {  	_ =	swait.ge [sflag:s8], $0x3E8  }
0x42: {  	[sflag:s8] =	ssyncset.done $0x0  }
0x43: {  	s1 =	rddreg [dreg:$0x5];
	[sflag:s8] =	ssyncadd.s32 $0xFFFFFC18  }
0x44: {  	[tilespmem:s25], [sflag:$0x7] =	stream.linear.gather [hbm4b:s1+s2], $0x3E8, $0x38;
	[tilespmem:$0x1ADB0] =	vst v63  }
0x45: {  	_ =	swait.ge [sflag:s8], $0x3E8  }
0x46: {  	[sflag:s8] =	ssyncset.done $0x0  }
0x47: {  	[sflag:s8] =	ssyncadd.s32 $0xFFFFFC18  }
0x48: {  	[tilespmem:s28], [sflag:$0x1] =	stream.indirect.gather [hbm4b:s4+s15], $0x10, s2, s15, $0xb8;
	[tilespmem:$0x1ADB0] =	vst v63  }
0x49: {  	_ = 	snop  }
0x4a: {  	[tilespmem:s23], [sflag:$0x3] =	stream.indirect.gather [hbm4b:s5+s15], $0x10, s2, s15, $0xb8;
	[tilespmem:$0x1ADB0] =	vst v63  }
0x4b: {  	_ = 	snop  }
0x4c: {  	[tilespmem:s21], [sflag:$0x5] =	stream.indirect.gather [hbm4b:s5+s15], $0x10, s25, s15, $0xb8;
	[tilespmem:$0x1ADB0] =	vst v63  }
0x4d: {  	s1 =	rddreg [dreg:$0x6]  }
0x4e: {  	[tilespmem:s15], [sflag:$0x7] =	stream.linear.gather [hbm4b:s1+s2], $0x3E8, $0x38;
	[tilespmem:$0x1ADB0] =	vst v63  }
0x4f: {  	_ =	swait.ge [sflag:s8], $0x3E8  }
0x50: {  	[sflag:s8] =	ssyncset.done $0x0  }
0x51: {  	s1 =	rddreg [dreg:$0x7];
	[sflag:s8] =	ssyncadd.s32 $0xFFFFFC18  }
0x52: {  	[tilespmem:s18], [sflag:$0x7] =	stream.linear.gather [hbm4b:s1+s2], $0x3E8, $0x38;
	[tilespmem:$0x1ADB0] =	vst v63  }
0x53: {  	_ =	swait.ge [sflag:s8], $0x3E8  }
0x54: {  	[sflag:s8] =	ssyncset.done $0x0  }
0x55: {  	[sflag:s8] =	ssyncadd.s32 $0xFFFFFC18  }
0x56: {  	[tilespmem:s19], [sflag:$0x2] =	stream.indirect.gather [hbm4b:s4+s15], $0x10, s15, s15, $0xb8;
	[tilespmem:$0x1ADB0] =	vst v63  }
0x57: {  	_ = 	snop  }
0x58: {  	[tilespmem:s14], [sflag:$0x4] =	stream.indirect.gather [hbm4b:s5+s15], $0x10, s15, s15, $0xb8;
	[tilespmem:$0x1ADB0] =	vst v63  }
0x59: {  	_ = 	snop  }
0x5a: {  	[tilespmem:s12], [sflag:$0x6] =	stream.indirect.gather [hbm4b:s5+s15], $0x10, s18, s15, $0xb8;
	[tilespmem:$0x1ADB0] =	vst v63  }
0x5b: {  	_ =	swait.ge [sflag:s30], $0x3E80  }
0x5c: {  	[sflag:s30] =	ssyncset.done $0x0  }
0x5d: {  	[sflag:s30] =	ssyncadd.s32 $0xFFFFC180  }
0x5e: {  	[spmem:s3] =	stream.indirect.scatter.add.f32 [tilespmem:s28], [sflag:$0x7], $0x10, s25, s15, $0xb8;
	[tilespmem:$0x1ADB0] =	vst v63  }
0x5f: {  	_ =	swait.ge [sflag:s8], $0x3E80  }
0x60: {  	[sflag:s8] =	ssyncset.done $0x0  }
0x61: {  	[sflag:s8] =	ssyncadd.s32 $0xFFFFC180  }
0x62: {  	_ =	swait.ge [sflag:s29], $0x3E80  }
0x63: {  	[sflag:s29] =	ssyncset.done $0x0  }
0x64: {  	s1 =	rddreg [dreg:$0x8];
	[sflag:s29] =	ssyncadd.s32 $0xFFFFC180  }
0x65: {  	[hbm4b:s1+s2] =	stream.linear.scatter [tilespmem:s23], [sflag:$0x7], $0x3E80, $0x38;
	[tilespmem:$0x1ADB0] =	vst v63  }
0x66: {  	_ =	swait.ge [sflag:s8], $0x3E80  }
0x67: {  	[sflag:s8] =	ssyncset.done $0x0  }
0x68: {  	[sflag:s8] =	ssyncadd.s32 $0xFFFFC180  }
0x69: {  	_ =	swait.ge [sflag:s26], $0x3E80  }
0x6a: {  	[sflag:s26] =	ssyncset.done $0x0  }
0x6b: {  	s1 =	rddreg [dreg:$0x9];
	[sflag:s26] =	ssyncadd.s32 $0xFFFFC180  }
0x6c: {  	[hbm4b:s1+s2] =	stream.linear.scatter [tilespmem:s21], [sflag:$0x7], $0x3E80, $0x38;
	[tilespmem:$0x1ADB0] =	vst v63  }
0x6d: {  	_ =	swait.ge [sflag:s8], $0x3E80  }
0x6e: {  	[sflag:s8] =	ssyncset.done $0x0  }
0x6f: {  	s1 =	rddreg [dreg:$0xa];
	[sflag:s8] =	ssyncadd.s32 $0xFFFFC180  }
0x70: {  	[tilespmem:s2], [sflag:$0x7] =	stream.linear.gather [hbm4b:s1+s2], $0x3E8, $0x38;
	[tilespmem:$0x1ADB0] =	vst v63  }
0x71: {  	_ =	swait.ge [sflag:s8], $0x3E8  }
0x72: {  	[sflag:s8] =	ssyncset.done $0x0  }
0x73: {  	s1 =	rddreg [dreg:$0xb];
	[sflag:s8] =	ssyncadd.s32 $0xFFFFFC18  }
0x74: {  	[tilespmem:s25], [sflag:$0x7] =	stream.linear.gather [hbm4b:s1+s2], $0x3E8, $0x38;
	[tilespmem:$0x1ADB0] =	vst v63  }
0x75: {  	_ =	swait.ge [sflag:s8], $0x3E8  }
0x76: {  	[sflag:s8] =	ssyncset.done $0x0  }
0x77: {  	[sflag:s8] =	ssyncadd.s32 $0xFFFFFC18  }
0x78: {  	[tilespmem:s28], [sflag:$0x1] =	stream.indirect.gather [hbm4b:s4+s15], $0x10, s2, s15, $0xb8;
	[tilespmem:$0x1ADB0] =	vst v63  }
0x79: {  	_ = 	snop  }
0x7a: {  	[tilespmem:s23], [sflag:$0x3] =	stream.indirect.gather [hbm4b:s5+s15], $0x10, s2, s15, $0xb8;
	[tilespmem:$0x1ADB0] =	vst v63  }
0x7b: {  	_ = 	snop  }
0x7c: {  	[tilespmem:s21], [sflag:$0x5] =	stream.indirect.gather [hbm4b:s5+s15], $0x10, s25, s15, $0xb8;
	[tilespmem:$0x1ADB0] =	vst v63  }
0x7d: {  	_ =	swait.ge [sflag:s22], $0x3E80  }
0x7e: {  	[sflag:s22] =	ssyncset.done $0x0  }
0x7f: {  	[sflag:s22] =	ssyncadd.s32 $0xFFFFC180  }
0x80: {  	[spmem:s3] =	stream.indirect.scatter.add.f32 [tilespmem:s19], [sflag:$0x7], $0x10, s18, s15, $0xb8;
	[tilespmem:$0x1ADB0] =	vst v63  }
0x81: {  	_ =	swait.ge [sflag:s8], $0x3E80  }
0x82: {  	[sflag:s8] =	ssyncset.done $0x0  }
0x83: {  	[sflag:s8] =	ssyncadd.s32 $0xFFFFC180  }
0x84: {  	_ =	swait.ge [sflag:s20], $0x3E80  }
0x85: {  	[sflag:s20] =	ssyncset.done $0x0  }
0x86: {  	s1 =	rddreg [dreg:$0xc];
	[sflag:s20] =	ssyncadd.s32 $0xFFFFC180  }
0x87: {  	[hbm4b:s1+s2] =	stream.linear.scatter [tilespmem:s14], [sflag:$0x7], $0x3E80, $0x38;
	[tilespmem:$0x1ADB0] =	vst v63  }
0x88: {  	_ =	swait.ge [sflag:s8], $0x3E80  }
0x89: {  	[sflag:s8] =	ssyncset.done $0x0  }
0x8a: {  	[sflag:s8] =	ssyncadd.s32 $0xFFFFC180  }
0x8b: {  	_ =	swait.ge [sflag:s17], $0x3E80  }
0x8c: {  	[sflag:s17] =	ssyncset.done $0x0  }
0x8d: {  	s1 =	rddreg [dreg:$0xd];
	[sflag:s17] =	ssyncadd.s32 $0xFFFFC180  }
0x8e: {  	[hbm4b:s1+s2] =	stream.linear.scatter [tilespmem:s12], [sflag:$0x7], $0x3E80, $0x38;
	[tilespmem:$0x1ADB0] =	vst v63  }
0x8f: {  	_ =	swait.ge [sflag:s8], $0x3E80  }
0x90: {  	[sflag:s8] =	ssyncset.done $0x0  }
0x91: {  	s1 =	rddreg [dreg:$0xe];
	[sflag:s8] =	ssyncadd.s32 $0xFFFFC180  }
0x92: {  	[tilespmem:s15], [sflag:$0x7] =	stream.linear.gather [hbm4b:s1+s2], $0x3E8, $0x38;
	[tilespmem:$0x1ADB0] =	vst v63  }
0x93: {  	_ =	swait.ge [sflag:s8], $0x3E8  }
0x94: {  	[sflag:s8] =	ssyncset.done $0x0  }
0x95: {  	s1 =	rddreg [dreg:$0xf];
	[sflag:s8] =	ssyncadd.s32 $0xFFFFFC18  }
0x96: {  	[tilespmem:s18], [sflag:$0x7] =	stream.linear.gather [hbm4b:s1+s2], $0x3E8, $0x38;
	[tilespmem:$0x1ADB0] =	vst v63  }
0x97: {  	_ =	swait.ge [sflag:s8], $0x3E8  }
0x98: {  	[sflag:s8] =	ssyncset.done $0x0  }
0x99: {  	[sflag:s8] =	ssyncadd.s32 $0xFFFFFC18  }
0x9a: {  	[tilespmem:s19], [sflag:$0x2] =	stream.indirect.gather [hbm4b:s4+s15], $0x10, s15, s15, $0xb8;
	[tilespmem:$0x1ADB0] =	vst v63  }
0x9b: {  	_ = 	snop  }
0x9c: {  	[tilespmem:s14], [sflag:$0x4] =	stream.indirect.gather [hbm4b:s5+s15], $0x10, s15, s15, $0xb8;
	[tilespmem:$0x1ADB0] =	vst v63  }
0x9d: {  	_ = 	snop  }
0x9e: {  	[tilespmem:s12], [sflag:$0x6] =	stream.indirect.gather [hbm4b:s5+s15], $0x10, s18, s15, $0xb8;
	[tilespmem:$0x1ADB0] =	vst v63  }
0x9f: {  	_ =	swait.ge [sflag:s30], $0x3E80  }
0xa0: {  	[sflag:s30] =	ssyncset.done $0x0  }
0xa1: {  	[sflag:s30] =	ssyncadd.s32 $0xFFFFC180  }
0xa2: {  	[spmem:s3] =	stream.indirect.scatter.add.f32 [tilespmem:s28], [sflag:$0x7], $0x10, s25, s15, $0xb8;
	[tilespmem:$0x1ADB0] =	vst v63  }
0xa3: {  	_ =	swait.ge [sflag:s8], $0x3E80  }
0xa4: {  	[sflag:s8] =	ssyncset.done $0x0  }
0xa5: {  	[sflag:s8] =	ssyncadd.s32 $0xFFFFC180  }
0xa6: {  	_ =	swait.ge [sflag:s29], $0x3E80  }
0xa7: {  	[sflag:s29] =	ssyncset.done $0x0  }
0xa8: {  	s1 =	rddreg [dreg:$0x10];
	[sflag:s29] =	ssyncadd.s32 $0xFFFFC180  }
0xa9: {  	[hbm4b:s1+s2] =	stream.linear.scatter [tilespmem:s23], [sflag:$0x7], $0x3E80, $0x38;
	[tilespmem:$0x1ADB0] =	vst v63  }
0xaa: {  	_ =	swait.ge [sflag:s8], $0x3E80  }
0xab: {  	[sflag:s8] =	ssyncset.done $0x0  }
0xac: {  	[sflag:s8] =	ssyncadd.s32 $0xFFFFC180  }
0xad: {  	_ =	swait.ge [sflag:s26], $0x3E80  }
0xae: {  	[sflag:s26] =	ssyncset.done $0x0  }
0xaf: {  	s1 =	rddreg [dreg:$0x11];
	[sflag:s26] =	ssyncadd.s32 $0xFFFFC180  }
0xb0: {  	[hbm4b:s1+s2] =	stream.linear.scatter [tilespmem:s21], [sflag:$0x7], $0x3E80, $0x38;
	[tilespmem:$0x1ADB0] =	vst v63  }
0xb1: {  	_ =	swait.ge [sflag:s8], $0x3E80  }
0xb2: {  	[sflag:s8] =	ssyncset.done $0x0  }
0xb3: {  	s1 =	rddreg [dreg:$0x12];
	[sflag:s8] =	ssyncadd.s32 $0xFFFFC180  }
0xb4: {  	[tilespmem:s2], [sflag:$0x7] =	stream.linear.gather [hbm4b:s1+s2], $0x3E8, $0x38;
	[tilespmem:$0x1ADB0] =	vst v63  }
0xb5: {  	_ =	swait.ge [sflag:s8], $0x3E8  }
0xb6: {  	[sflag:s8] =	ssyncset.done $0x0  }
0xb7: {  	s1 =	rddreg [dreg:$0x13];
	[sflag:s8] =	ssyncadd.s32 $0xFFFFFC18  }
0xb8: {  	[tilespmem:s25], [sflag:$0x7] =	stream.linear.gather [hbm4b:s1+s2], $0x3E8, $0x38;
	[tilespmem:$0x1ADB0] =	vst v63  }
0xb9: {  	_ =	swait.ge [sflag:s8], $0x3E8  }
0xba: {  	[sflag:s8] =	ssyncset.done $0x0  }
0xbb: {  	[sflag:s8] =	ssyncadd.s32 $0xFFFFFC18  }
0xbc: {  	[tilespmem:s28], [sflag:$0x1] =	stream.indirect.gather [hbm4b:s4+s15], $0x10, s2, s15, $0xb8;
	[tilespmem:$0x1ADB0] =	vst v63  }
0xbd: {  	_ = 	snop  }
0xbe: {  	[tilespmem:s23], [sflag:$0x3] =	stream.indirect.gather [hbm4b:s5+s15], $0x10, s2, s15, $0xb8;
	[tilespmem:$0x1ADB0] =	vst v63  }
0xbf: {  	_ = 	snop  }
0xc0: {  	[tilespmem:s21], [sflag:$0x5] =	stream.indirect.gather [hbm4b:s5+s15], $0x10, s25, s15, $0xb8;
	[tilespmem:$0x1ADB0] =	vst v63  }
0xc1: {  	_ =	swait.ge [sflag:s22], $0x3E80  }
0xc2: {  	[sflag:s22] =	ssyncset.done $0x0  }
0xc3: {  	[sflag:s22] =	ssyncadd.s32 $0xFFFFC180  }
0xc4: {  	[spmem:s3] =	stream.indirect.scatter.add.f32 [tilespmem:s19], [sflag:$0x7], $0x10, s18, s15, $0xb8;
	[tilespmem:$0x1ADB0] =	vst v63  }
0xc5: {  	_ =	swait.ge [sflag:s8], $0x3E80  }
0xc6: {  	[sflag:s8] =	ssyncset.done $0x0  }
0xc7: {  	[sflag:s8] =	ssyncadd.s32 $0xFFFFC180  }
0xc8: {  	_ =	swait.ge [sflag:s20], $0x3E80  }
0xc9: {  	[sflag:s20] =	ssyncset.done $0x0  }
0xca: {  	s1 =	rddreg [dreg:$0x14];
	[sflag:s20] =	ssyncadd.s32 $0xFFFFC180  }
0xcb: {  	[hbm4b:s1+s2] =	stream.linear.scatter [tilespmem:s14], [sflag:$0x7], $0x3E80, $0x38;
	[tilespmem:$0x1ADB0] =	vst v63  }
0xcc: {  	_ =	swait.ge [sflag:s8], $0x3E80  }
0xcd: {  	[sflag:s8] =	ssyncset.done $0x0  }
0xce: {  	[sflag:s8] =	ssyncadd.s32 $0xFFFFC180  }
0xcf: {  	_ =	swait.ge [sflag:s17], $0x3E80  }
0xd0: {  	[sflag:s17] =	ssyncset.done $0x0  }
0xd1: {  	s1 =	rddreg [dreg:$0x15];
	[sflag:s17] =	ssyncadd.s32 $0xFFFFC180  }
0xd2: {  	[hbm4b:s1+s2] =	stream.linear.scatter [tilespmem:s12], [sflag:$0x7], $0x3E80, $0x38;
	[tilespmem:$0x1ADB0] =	vst v63  }
0xd3: {  	_ =	swait.ge [sflag:s8], $0x3E80  }
0xd4: {  	[sflag:s8] =	ssyncset.done $0x0  }
0xd5: {  	s1 =	rddreg [dreg:$0x16];
	[sflag:s8] =	ssyncadd.s32 $0xFFFFC180  }
0xd6: {  	[tilespmem:s15], [sflag:$0x7] =	stream.linear.gather [hbm4b:s1+s2], $0x3E8, $0x38;
	[tilespmem:$0x1ADB0] =	vst v63  }
0xd7: {  	_ =	swait.ge [sflag:s8], $0x3E8  }
0xd8: {  	[sflag:s8] =	ssyncset.done $0x0  }
0xd9: {  	s1 =	rddreg [dreg:$0x17];
	[sflag:s8] =	ssyncadd.s32 $0xFFFFFC18  }
0xda: {  	[tilespmem:s18], [sflag:$0x7] =	stream.linear.gather [hbm4b:s1+s2], $0x3E8, $0x38;
	[tilespmem:$0x1ADB0] =	vst v63  }
0xdb: {  	_ =	swait.ge [sflag:s8], $0x3E8  }
0xdc: {  	[sflag:s8] =	ssyncset.done $0x0  }
0xdd: {  	[sflag:s8] =	ssyncadd.s32 $0xFFFFFC18  }
0xde: {  	[tilespmem:s19], [sflag:$0x2] =	stream.indirect.gather [hbm4b:s4+s15], $0x10, s15, s15, $0xb8;
	[tilespmem:$0x1ADB0] =	vst v63  }
0xdf: {  	_ = 	snop  }
0xe0: {  	[tilespmem:s14], [sflag:$0x4] =	stream.indirect.gather [hbm4b:s5+s15], $0x10, s15, s15, $0xb8;
	[tilespmem:$0x1ADB0] =	vst v63  }
0xe1: {  	_ = 	snop  }
0xe2: {  	[tilespmem:s12], [sflag:$0x6] =	stream.indirect.gather [hbm4b:s5+s15], $0x10, s18, s15, $0xb8;
	[tilespmem:$0x1ADB0] =	vst v63  }
0xe3: {  	_ =	swait.ge [sflag:s30], $0x3E80  }
0xe4: {  	[sflag:s30] =	ssyncset.done $0x0  }
0xe5: {  	[sflag:s30] =	ssyncadd.s32 $0xFFFFC180  }
0xe6: {  	[spmem:s3] =	stream.indirect.scatter.add.f32 [tilespmem:s28], [sflag:$0x7], $0x10, s25, s15, $0xb8;
	[tilespmem:$0x1ADB0] =	vst v63  }
0xe7: {  	_ =	swait.ge [sflag:s8], $0x3E80  }
0xe8: {  	[sflag:s8] =	ssyncset.done $0x0  }
0xe9: {  	[sflag:s8] =	ssyncadd.s32 $0xFFFFC180  }
0xea: {  	_ =	swait.ge [sflag:s29], $0x3E80  }
0xeb: {  	[sflag:s29] =	ssyncset.done $0x0  }
0xec: {  	s1 =	rddreg [dreg:$0x18];
	[sflag:s29] =	ssyncadd.s32 $0xFFFFC180  }
0xed: {  	[hbm4b:s1+s2] =	stream.linear.scatter [tilespmem:s23], [sflag:$0x7], $0x3E80, $0x38;
	[tilespmem:$0x1ADB0] =	vst v63  }
0xee: {  	_ =	swait.ge [sflag:s8], $0x3E80  }
0xef: {  	[sflag:s8] =	ssyncset.done $0x0  }
0xf0: {  	[sflag:s8] =	ssyncadd.s32 $0xFFFFC180  }
0xf1: {  	_ =	swait.ge [sflag:s26], $0x3E80  }
0xf2: {  	[sflag:s26] =	ssyncset.done $0x0  }
0xf3: {  	s1 =	rddreg [dreg:$0x19];
	[sflag:s26] =	ssyncadd.s32 $0xFFFFC180  }
0xf4: {  	[hbm4b:s1+s2] =	stream.linear.scatter [tilespmem:s21], [sflag:$0x7], $0x3E80, $0x38;
	[tilespmem:$0x1ADB0] =	vst v63  }
0xf5: {  	_ =	swait.ge [sflag:s8], $0x3E80  }
0xf6: {  	[sflag:s8] =	ssyncset.done $0x0  }
0xf7: {  	s1 =	rddreg [dreg:$0x1a];
	[sflag:s8] =	ssyncadd.s32 $0xFFFFC180  }
0xf8: {  	[tilespmem:s2], [sflag:$0x7] =	stream.linear.gather [hbm4b:s1+s2], $0x3E8, $0x38;
	[tilespmem:$0x1ADB0] =	vst v63  }
0xf9: {  	_ =	swait.ge [sflag:s8], $0x3E8  }
0xfa: {  	[sflag:s8] =	ssyncset.done $0x0  }
0xfb: {  	s1 =	rddreg [dreg:$0x1b];
	[sflag:s8] =	ssyncadd.s32 $0xFFFFFC18  }
0xfc: {  	[tilespmem:s25], [sflag:$0x7] =	stream.linear.gather [hbm4b:s1+s2], $0x3E8, $0x38;
	[tilespmem:$0x1ADB0] =	vst v63  }
0xfd: {  	_ =	swait.ge [sflag:s8], $0x3E8  }
0xfe: {  	[sflag:s8] =	ssyncset.done $0x0  }
0xff: {  	[sflag:s8] =	ssyncadd.s32 $0xFFFFFC18  }
0x100: {  	[tilespmem:s28], [sflag:$0x1] =	stream.indirect.gather [hbm4b:s4+s15], $0x10, s2, s15, $0xb8;
	[tilespmem:$0x1ADB0] =	vst v63  }
0x101: {  	_ = 	snop  }
0x102: {  	[tilespmem:s23], [sflag:$0x3] =	stream.indirect.gather [hbm4b:s5+s15], $0x10, s2, s15, $0xb8;
	[tilespmem:$0x1ADB0] =	vst v63  }
0x103: {  	_ = 	snop  }
0x104: {  	[tilespmem:s21], [sflag:$0x5] =	stream.indirect.gather [hbm4b:s5+s15], $0x10, s25, s15, $0xb8;
	[tilespmem:$0x1ADB0] =	vst v63  }
0x105: {  	_ =	swait.ge [sflag:s22], $0x3E80  }
0x106: {  	[sflag:s22] =	ssyncset.done $0x0  }
0x107: {  	[sflag:s22] =	ssyncadd.s32 $0xFFFFC180  }
0x108: {  	[spmem:s3] =	stream.indirect.scatter.add.f32 [tilespmem:s19], [sflag:$0x7], $0x10, s18, s15, $0xb8;
	[tilespmem:$0x1ADB0] =	vst v63  }
0x109: {  	_ =	swait.ge [sflag:s8], $0x3E80  }
0x10a: {  	[sflag:s8] =	ssyncset.done $0x0  }
0x10b: {  	[sflag:s8] =	ssyncadd.s32 $0xFFFFC180  }
0x10c: {  	_ =	swait.ge [sflag:s20], $0x3E80  }
0x10d: {  	[sflag:s20] =	ssyncset.done $0x0  }
0x10e: {  	s1 =	rddreg [dreg:$0x1c];
	[sflag:s20] =	ssyncadd.s32 $0xFFFFC180  }
0x10f: {  	[hbm4b:s1+s2] =	stream.linear.scatter [tilespmem:s14], [sflag:$0x7], $0x3E80, $0x38;
	[tilespmem:$0x1ADB0] =	vst v63  }
0x110: {  	_ =	swait.ge [sflag:s8], $0x3E80  }
0x111: {  	[sflag:s8] =	ssyncset.done $0x0  }
0x112: {  	[sflag:s8] =	ssyncadd.s32 $0xFFFFC180  }
0x113: {  	_ =	swait.ge [sflag:s17], $0x3E80  }
0x114: {  	[sflag:s17] =	ssyncset.done $0x0  }
0x115: {  	s1 =	rddreg [dreg:$0x1d];
	[sflag:s17] =	ssyncadd.s32 $0xFFFFC180  }
0x116: {  	[hbm4b:s1+s2] =	stream.linear.scatter [tilespmem:s12], [sflag:$0x7], $0x3E80, $0x38;
	[tilespmem:$0x1ADB0] =	vst v63  }
0x117: {  	_ =	swait.ge [sflag:s8], $0x3E80  }
0x118: {  	[sflag:s8] =	ssyncset.done $0x0  }
0x119: {  	s1 =	rddreg [dreg:$0x1e];
	[sflag:s8] =	ssyncadd.s32 $0xFFFFC180  }
0x11a: {  	[tilespmem:s15], [sflag:$0x7] =	stream.linear.gather [hbm4b:s1+s2], $0x3E8, $0x38;
	[tilespmem:$0x1ADB0] =	vst v63  }
0x11b: {  	_ =	swait.ge [sflag:s8], $0x3E8  }
0x11c: {  	[sflag:s8] =	ssyncset.done $0x0  }
0x11d: {  	s1 =	rddreg [dreg:$0x1f];
	[sflag:s8] =	ssyncadd.s32 $0xFFFFFC18  }
0x11e: {  	[tilespmem:s18], [sflag:$0x7] =	stream.linear.gather [hbm4b:s1+s2], $0x3E8, $0x38;
	[tilespmem:$0x1ADB0] =	vst v63  }
0x11f: {  	_ =	swait.ge [sflag:s8], $0x3E8  }
0x120: {  	[sflag:s8] =	ssyncset.done $0x0  }
0x121: {  	[sflag:s8] =	ssyncadd.s32 $0xFFFFFC18  }
0x122: {  	[tilespmem:s19], [sflag:$0x2] =	stream.indirect.gather [hbm4b:s4+s15], $0x10, s15, s15, $0xb8;
	[tilespmem:$0x1ADB0] =	vst v63  }
0x123: {  	_ = 	snop  }
0x124: {  	[tilespmem:s14], [sflag:$0x4] =	stream.indirect.gather [hbm4b:s5+s15], $0x10, s15, s15, $0xb8;
	[tilespmem:$0x1ADB0] =	vst v63  }
0x125: {  	_ = 	snop  }
0x126: {  	[tilespmem:s12], [sflag:$0x6] =	stream.indirect.gather [hbm4b:s5+s15], $0x10, s18, s15, $0xb8;
	[tilespmem:$0x1ADB0] =	vst v63  }
0x127: {  	_ =	swait.ge [sflag:s30], $0x3E80  }
0x128: {  	[sflag:s30] =	ssyncset.done $0x0  }
0x129: {  	[sflag:s30] =	ssyncadd.s32 $0xFFFFC180  }
0x12a: {  	[spmem:s3] =	stream.indirect.scatter.add.f32 [tilespmem:s28], [sflag:$0x7], $0x10, s25, s15, $0xb8;
	[tilespmem:$0x1ADB0] =	vst v63  }
0x12b: {  	_ =	swait.ge [sflag:s8], $0x3E80  }
0x12c: {  	[sflag:s8] =	ssyncset.done $0x0  }
0x12d: {  	[sflag:s8] =	ssyncadd.s32 $0xFFFFC180  }
0x12e: {  	_ =	swait.ge [sflag:s29], $0x3E80  }
0x12f: {  	s1 =	sld [smem:$0x7F7]  }
0x130: {  	[sflag:s29] =	ssyncset.done $0x0  }
0x131: {  	[sflag:s29] =	ssyncadd.s32 $0xFFFFC180  }
0x132: {  	[hbm4b:s1+s2] =	stream.linear.scatter [tilespmem:s23], [sflag:$0x7], $0x3E80, $0x38;
	[tilespmem:$0x1ADB0] =	vst v63  }
0x133: {  	_ =	swait.ge [sflag:s8], $0x3E80  }
0x134: {  	[sflag:s8] =	ssyncset.done $0x0  }
0x135: {  	[sflag:s8] =	ssyncadd.s32 $0xFFFFC180  }
0x136: {  	_ =	swait.ge [sflag:s26], $0x3E80  }
0x137: {  	s1 =	sld [smem:$0x7F8]  }
0x138: {  	[sflag:s26] =	ssyncset.done $0x0  }
0x139: {  	[sflag:s26] =	ssyncadd.s32 $0xFFFFC180  }
0x13a: {  	[hbm4b:s1+s2] =	stream.linear.scatter [tilespmem:s21], [sflag:$0x7], $0x3E80, $0x38;
	[tilespmem:$0x1ADB0] =	vst v63  }
0x13b: {  	_ =	swait.ge [sflag:s8], $0x3E80  }
0x13c: {  	s1 =	sld [smem:$0x7F9]  }
0x13d: {  	[sflag:s8] =	ssyncset.done $0x0  }
0x13e: {  	[sflag:s8] =	ssyncadd.s32 $0xFFFFC180  }
0x13f: {  	[tilespmem:s2], [sflag:$0x7] =	stream.linear.gather [hbm4b:s1+s2], $0x3E8, $0x38;
	[tilespmem:$0x1ADB0] =	vst v63  }
0x140: {  	_ =	swait.ge [sflag:s8], $0x3E8  }
0x141: {  	s1 =	sld [smem:$0x7FA]  }
0x142: {  	[sflag:s8] =	ssyncset.done $0x0  }
0x143: {  	[sflag:s8] =	ssyncadd.s32 $0xFFFFFC18  }
0x144: {  	[tilespmem:s25], [sflag:$0x7] =	stream.linear.gather [hbm4b:s1+s2], $0x3E8, $0x38;
	[tilespmem:$0x1ADB0] =	vst v63  }
0x145: {  	_ =	swait.ge [sflag:s8], $0x3E8  }
0x146: {  	[sflag:s8] =	ssyncset.done $0x0  }
0x147: {  	[sflag:s8] =	ssyncadd.s32 $0xFFFFFC18  }
0x148: {  	[tilespmem:s28], [sflag:$0x1] =	stream.indirect.gather [hbm4b:s4+s15], $0x10, s2, s15, $0xb8;
	[tilespmem:$0x1ADB0] =	vst v63  }
0x149: {  	_ = 	snop  }
0x14a: {  	[tilespmem:s23], [sflag:$0x3] =	stream.indirect.gather [hbm4b:s5+s15], $0x10, s2, s15, $0xb8;
	[tilespmem:$0x1ADB0] =	vst v63  }
0x14b: {  	_ = 	snop  }
0x14c: {  	[tilespmem:s21], [sflag:$0x5] =	stream.indirect.gather [hbm4b:s5+s15], $0x10, s25, s15, $0xb8;
	[tilespmem:$0x1ADB0] =	vst v63  }
0x14d: {  	_ =	swait.ge [sflag:s22], $0x3E80  }
0x14e: {  	[sflag:s22] =	ssyncset.done $0x0  }
0x14f: {  	[sflag:s22] =	ssyncadd.s32 $0xFFFFC180  }
0x150: {  	[spmem:s3] =	stream.indirect.scatter.add.f32 [tilespmem:s19], [sflag:$0x7], $0x10, s18, s15, $0xb8;
	[tilespmem:$0x1ADB0] =	vst v63  }
0x151: {  	_ =	swait.ge [sflag:s8], $0x3E80  }
0x152: {  	[sflag:s8] =	ssyncset.done $0x0  }
0x153: {  	[sflag:s8] =	ssyncadd.s32 $0xFFFFC180  }
0x154: {  	_ =	swait.ge [sflag:s20], $0x3E80  }
0x155: {  	s1 =	sld [smem:$0x7FB]  }
0x156: {  	[sflag:s20] =	ssyncset.done $0x0  }
0x157: {  	[sflag:s20] =	ssyncadd.s32 $0xFFFFC180  }
0x158: {  	[hbm4b:s1+s2] =	stream.linear.scatter [tilespmem:s14], [sflag:$0x7], $0x3E80, $0x38;
	[tilespmem:$0x1ADB0] =	vst v63  }
0x159: {  	_ =	swait.ge [sflag:s8], $0x3E80  }
0x15a: {  	[sflag:s8] =	ssyncset.done $0x0  }
0x15b: {  	[sflag:s8] =	ssyncadd.s32 $0xFFFFC180  }
0x15c: {  	_ =	swait.ge [sflag:s17], $0x3E80  }
0x15d: {  	s1 =	sld [smem:$0x7FC]  }
0x15e: {  	[sflag:s17] =	ssyncset.done $0x0  }
0x15f: {  	[sflag:s17] =	ssyncadd.s32 $0xFFFFC180  }
0x160: {  	[hbm4b:s1+s2] =	stream.linear.scatter [tilespmem:s12], [sflag:$0x7], $0x3E80, $0x38;
	[tilespmem:$0x1ADB0] =	vst v63  }
0x161: {  	_ =	swait.ge [sflag:s8], $0x3E80  }
0x162: {  	s1 =	sld [smem:$0x7FD]  }
0x163: {  	[sflag:s8] =	ssyncset.done $0x0  }
0x164: {  	[sflag:s8] =	ssyncadd.s32 $0xFFFFC180  }
0x165: {  	[tilespmem:s15], [sflag:$0x7] =	stream.linear.gather [hbm4b:s1+s2], $0x3E8, $0x38;
	[tilespmem:$0x1ADB0] =	vst v63  }
0x166: {  	_ =	swait.ge [sflag:s8], $0x3E8  }
0x167: {  	[sflag:s8] =	ssyncset.done $0x0  }
0x168: {  	[sflag:s8] =	ssyncadd.s32 $0xFFFFFC18  }
0x169: {  	[tilespmem:s18], [sflag:$0x7] =	stream.linear.gather [hbm4b:s24+s2], $0x3E8, $0x38;
	[tilespmem:$0x1ADB0] =	vst v63  }
0x16a: {  	_ =	swait.ge [sflag:s8], $0x3E8  }
0x16b: {  	[sflag:s8] =	ssyncset.done $0x0  }
0x16c: {  	[sflag:s8] =	ssyncadd.s32 $0xFFFFFC18  }
0x16d: {  	[tilespmem:s19], [sflag:$0x2] =	stream.indirect.gather [hbm4b:s4+s15], $0x10, s15, s15, $0xb8;
	[tilespmem:$0x1ADB0] =	vst v63  }
0x16e: {  	_ = 	snop  }
0x16f: {  	[tilespmem:s14], [sflag:$0x4] =	stream.indirect.gather [hbm4b:s5+s15], $0x10, s15, s15, $0xb8;
	[tilespmem:$0x1ADB0] =	vst v63  }
0x170: {  	_ = 	snop  }
0x171: {  	[tilespmem:s12], [sflag:$0x6] =	stream.indirect.gather [hbm4b:s5+s15], $0x10, s18, s15, $0xb8;
	[tilespmem:$0x1ADB0] =	vst v63  }
0x172: {  	_ =	swait.ge [sflag:s30], $0x3E80  }
0x173: {  	[sflag:s30] =	ssyncset.done $0x0  }
0x174: {  	[sflag:s30] =	ssyncadd.s32 $0xFFFFC180  }
0x175: {  	[spmem:s3] =	stream.indirect.scatter.add.f32 [tilespmem:s28], [sflag:$0x7], $0x10, s25, s15, $0xb8;
	[tilespmem:$0x1ADB0] =	vst v63  }
0x176: {  	_ =	swait.ge [sflag:s8], $0x3E80  }
0x177: {  	[sflag:s8] =	ssyncset.done $0x0  }
0x178: {  	[sflag:s8] =	ssyncadd.s32 $0xFFFFC180  }
0x179: {  	_ =	swait.ge [sflag:s29], $0x3E80  }
0x17a: {  	[sflag:s29] =	ssyncset.done $0x0  }
0x17b: {  	[sflag:s29] =	ssyncadd.s32 $0xFFFFC180  }
0x17c: {  	[hbm4b:s16+s2] =	stream.linear.scatter [tilespmem:s23], [sflag:$0x7], $0x3E80, $0x38;
	[tilespmem:$0x1ADB0] =	vst v63  }
0x17d: {  	_ =	swait.ge [sflag:s8], $0x3E80  }
0x17e: {  	[sflag:s8] =	ssyncset.done $0x0  }
0x17f: {  	[sflag:s8] =	ssyncadd.s32 $0xFFFFC180  }
0x180: {  	_ =	swait.ge [sflag:s26], $0x3E80  }
0x181: {  	[sflag:s26] =	ssyncset.done $0x0  }
0x182: {  	[sflag:s26] =	ssyncadd.s32 $0xFFFFC180  }
0x183: {  	[hbm4b:s13+s2] =	stream.linear.scatter [tilespmem:s21], [sflag:$0x7], $0x3E80, $0x38;
	[tilespmem:$0x1ADB0] =	vst v63  }
0x184: {  	_ =	swait.ge [sflag:s8], $0x3E80  }
0x185: {  	[sflag:s8] =	ssyncset.done $0x0  }
0x186: {  	[sflag:s8] =	ssyncadd.s32 $0xFFFFC180  }
0x187: {  	_ =	swait.ge [sflag:s22], $0x3E80  }
0x188: {  	[sflag:s22] =	ssyncset.done $0x0  }
0x189: {  	[sflag:s22] =	ssyncadd.s32 $0xFFFFC180  }
0x18a: {  	[spmem:s3] =	stream.indirect.scatter.add.f32 [tilespmem:s19], [sflag:$0x7], $0x10, s18, s15, $0xb8;
	[tilespmem:$0x1ADB0] =	vst v63  }
0x18b: {  	_ =	swait.ge [sflag:s8], $0x3E80  }
0x18c: {  	[sflag:s8] =	ssyncset.done $0x0  }
0x18d: {  	[sflag:s8] =	ssyncadd.s32 $0xFFFFC180  }
0x18e: {  	_ =	swait.ge [sflag:s20], $0x3E80  }
0x18f: {  	[sflag:s20] =	ssyncset.done $0x0  }
0x190: {  	[sflag:s20] =	ssyncadd.s32 $0xFFFFC180  }
0x191: {  	[hbm4b:s11+s2] =	stream.linear.scatter [tilespmem:s14], [sflag:$0x7], $0x3E80, $0x38;
	[tilespmem:$0x1ADB0] =	vst v63  }
0x192: {  	_ =	swait.ge [sflag:s8], $0x3E80  }
0x193: {  	[sflag:s8] =	ssyncset.done $0x0  }
0x194: {  	[sflag:s8] =	ssyncadd.s32 $0xFFFFC180  }
0x195: {  	_ =	swait.ge [sflag:s17], $0x3E80  }
0x196: {  	[sflag:s17] =	ssyncset.done $0x0  }
0x197: {  	[sflag:s17] =	ssyncadd.s32 $0xFFFFC180  }
0x198: {  	[hbm4b:s10+s2] =	stream.linear.scatter [tilespmem:s12], [sflag:$0x7], $0x3E80, $0x38;
	[tilespmem:$0x1ADB0] =	vst v63  }
0x199: {  	_ =	swait.ge [sflag:s8], $0x3E80  }
0x19a: {  	p1 =	sne.s32 s0, $0x1;
	[sflag:s8] =	ssyncset.done $0x0  }
.Ltmp1:
0x19b: {  	[sflag:s8] =	ssyncadd.s32 $0xFFFFC180;
	(pc) =	sbr.rel @!p1 .LBB2_3-.Ltmp1, $4  }
0x19c: {  	[bflag:$0x0] =	sbarrier.arrive $0xFFFF  }
0x19d: {  	[hbm:s7], [sflag:s6] =	dma.local [spmem:s9], $0x4E2  }
0x19e: {  	s0 =	sadd.s32 $0xFFFFFFFF, s0;
	_ =	swait.ge [sflag:s8], $0x4E2  }
0x19f: {  	p0 =	por $0x1, $0x1;
	s1 =	rddreg [dreg:$0x4];
	[sflag:s8] =	ssyncset.done $0x0  }
.LBB2_2:
0x1a0: {  	[sflag:s8] =	ssyncadd.s32 $0xFFFFFB1E  }
0x1a1: {  	[spmem:s9], [sflag:s6] =	dma.local [hbm:s1], $0x4E2  }
0x1a2: {  	_ =	swait.ge [sflag:s8], $0x4E2  }
0x1a3: {  	[sflag:s8] =	ssyncset.done $0x0  }
0x1a4: {  	[sflag:s8] =	ssyncadd.s32 $0xFFFFFB1E  }
0x1a5: {  	[bflag:$0x0] =	sbarrier.arrive $0xFFFF  }
0x1a6: {  	[tilespmem:s2], [sflag:$0x7] =	stream.linear.gather [hbm4b:s31+s2], $0x3E8, $0x38;
	[tilespmem:$0x1ADB0] =	vst v63  }
0x1a7: {  	_ =	swait.ge [sflag:s8], $0x3E8  }
0x1a8: {  	[sflag:s8] =	ssyncset.done $0x0  }
0x1a9: {  	s1 =	rddreg [dreg:$0x5];
	[sflag:s8] =	ssyncadd.s32 $0xFFFFFC18  }
0x1aa: {  	[tilespmem:s25], [sflag:$0x7] =	stream.linear.gather [hbm4b:s1+s2], $0x3E8, $0x38;
	[tilespmem:$0x1ADB0] =	vst v63  }
0x1ab: {  	_ =	swait.ge [sflag:s8], $0x3E8  }
0x1ac: {  	[sflag:s8] =	ssyncset.done $0x0  }
0x1ad: {  	[sflag:s8] =	ssyncadd.s32 $0xFFFFFC18  }
0x1ae: {  	[tilespmem:s28], [sflag:$0x1] =	stream.indirect.gather [hbm4b:s4+s15], $0x10, s2, s15, $0xb8;
	[tilespmem:$0x1ADB0] =	vst v63  }
0x1af: {  	_ = 	snop  }
0x1b0: {  	[tilespmem:s23], [sflag:$0x3] =	stream.indirect.gather [hbm4b:s5+s15], $0x10, s2, s15, $0xb8;
	[tilespmem:$0x1ADB0] =	vst v63  }
0x1b1: {  	_ = 	snop  }
0x1b2: {  	[tilespmem:s21], [sflag:$0x5] =	stream.indirect.gather [hbm4b:s5+s15], $0x10, s25, s15, $0xb8;
	[tilespmem:$0x1ADB0] =	vst v63  }
0x1b3: {  	s1 =	rddreg [dreg:$0x6]  }
0x1b4: {  	[tilespmem:s15], [sflag:$0x7] =	stream.linear.gather [hbm4b:s1+s2], $0x3E8, $0x38;
	[tilespmem:$0x1ADB0] =	vst v63  }
0x1b5: {  	_ =	swait.ge [sflag:s8], $0x3E8  }
0x1b6: {  	[sflag:s8] =	ssyncset.done $0x0  }
0x1b7: {  	s1 =	rddreg [dreg:$0x7];
	[sflag:s8] =	ssyncadd.s32 $0xFFFFFC18  }
0x1b8: {  	[tilespmem:s18], [sflag:$0x7] =	stream.linear.gather [hbm4b:s1+s2], $0x3E8, $0x38;
	[tilespmem:$0x1ADB0] =	vst v63  }
0x1b9: {  	_ =	swait.ge [sflag:s8], $0x3E8  }
0x1ba: {  	[sflag:s8] =	ssyncset.done $0x0  }
0x1bb: {  	[sflag:s8] =	ssyncadd.s32 $0xFFFFFC18  }
0x1bc: {  	[tilespmem:s19], [sflag:$0x2] =	stream.indirect.gather [hbm4b:s4+s15], $0x10, s15, s15, $0xb8;
	[tilespmem:$0x1ADB0] =	vst v63  }
0x1bd: {  	_ = 	snop  }
0x1be: {  	[tilespmem:s14], [sflag:$0x4] =	stream.indirect.gather [hbm4b:s5+s15], $0x10, s15, s15, $0xb8;
	[tilespmem:$0x1ADB0] =	vst v63  }
0x1bf: {  	_ = 	snop  }
0x1c0: {  	[tilespmem:s12], [sflag:$0x6] =	stream.indirect.gather [hbm4b:s5+s15], $0x10, s18, s15, $0xb8;
	[tilespmem:$0x1ADB0] =	vst v63  }
0x1c1: {  	_ =	swait.ge [sflag:s30], $0x3E80  }
0x1c2: {  	[sflag:s30] =	ssyncset.done $0x0  }
0x1c3: {  	[sflag:s30] =	ssyncadd.s32 $0xFFFFC180  }
0x1c4: {  	[spmem:s3] =	stream.indirect.scatter.add.f32 [tilespmem:s28], [sflag:$0x7], $0x10, s25, s15, $0xb8;
	[tilespmem:$0x1ADB0] =	vst v63  }
0x1c5: {  	_ =	swait.ge [sflag:s8], $0x3E80  }
0x1c6: {  	[sflag:s8] =	ssyncset.done $0x0  }
0x1c7: {  	[sflag:s8] =	ssyncadd.s32 $0xFFFFC180  }
0x1c8: {  	_ =	swait.ge [sflag:s29], $0x3E80  }
0x1c9: {  	[sflag:s29] =	ssyncset.done $0x0  }
0x1ca: {  	s1 =	rddreg [dreg:$0x8];
	[sflag:s29] =	ssyncadd.s32 $0xFFFFC180  }
0x1cb: {  	[hbm4b:s1+s2] =	stream.linear.scatter [tilespmem:s23], [sflag:$0x7], $0x3E80, $0x38;
	[tilespmem:$0x1ADB0] =	vst v63  }
0x1cc: {  	_ =	swait.ge [sflag:s8], $0x3E80  }
0x1cd: {  	[sflag:s8] =	ssyncset.done $0x0  }
0x1ce: {  	[sflag:s8] =	ssyncadd.s32 $0xFFFFC180  }
0x1cf: {  	_ =	swait.ge [sflag:s26], $0x3E80  }
0x1d0: {  	[sflag:s26] =	ssyncset.done $0x0  }
0x1d1: {  	s1 =	rddreg [dreg:$0x9];
	[sflag:s26] =	ssyncadd.s32 $0xFFFFC180  }
0x1d2: {  	[hbm4b:s1+s2] =	stream.linear.scatter [tilespmem:s21], [sflag:$0x7], $0x3E80, $0x38;
	[tilespmem:$0x1ADB0] =	vst v63  }
0x1d3: {  	_ =	swait.ge [sflag:s8], $0x3E80  }
0x1d4: {  	[sflag:s8] =	ssyncset.done $0x0  }
0x1d5: {  	s1 =	rddreg [dreg:$0xa];
	[sflag:s8] =	ssyncadd.s32 $0xFFFFC180  }
0x1d6: {  	[tilespmem:s2], [sflag:$0x7] =	stream.linear.gather [hbm4b:s1+s2], $0x3E8, $0x38;
	[tilespmem:$0x1ADB0] =	vst v63  }
0x1d7: {  	_ =	swait.ge [sflag:s8], $0x3E8  }
0x1d8: {  	[sflag:s8] =	ssyncset.done $0x0  }
0x1d9: {  	s1 =	rddreg [dreg:$0xb];
	[sflag:s8] =	ssyncadd.s32 $0xFFFFFC18  }
0x1da: {  	[tilespmem:s25], [sflag:$0x7] =	stream.linear.gather [hbm4b:s1+s2], $0x3E8, $0x38;
	[tilespmem:$0x1ADB0] =	vst v63  }
0x1db: {  	_ =	swait.ge [sflag:s8], $0x3E8  }
0x1dc: {  	[sflag:s8] =	ssyncset.done $0x0  }
0x1dd: {  	[sflag:s8] =	ssyncadd.s32 $0xFFFFFC18  }
0x1de: {  	[tilespmem:s28], [sflag:$0x1] =	stream.indirect.gather [hbm4b:s4+s15], $0x10, s2, s15, $0xb8;
	[tilespmem:$0x1ADB0] =	vst v63  }
0x1df: {  	_ = 	snop  }
0x1e0: {  	[tilespmem:s23], [sflag:$0x3] =	stream.indirect.gather [hbm4b:s5+s15], $0x10, s2, s15, $0xb8;
	[tilespmem:$0x1ADB0] =	vst v63  }
0x1e1: {  	_ = 	snop  }
0x1e2: {  	[tilespmem:s21], [sflag:$0x5] =	stream.indirect.gather [hbm4b:s5+s15], $0x10, s25, s15, $0xb8;
	[tilespmem:$0x1ADB0] =	vst v63  }
0x1e3: {  	_ =	swait.ge [sflag:s22], $0x3E80  }
0x1e4: {  	[sflag:s22] =	ssyncset.done $0x0  }
0x1e5: {  	[sflag:s22] =	ssyncadd.s32 $0xFFFFC180  }
0x1e6: {  	[spmem:s3] =	stream.indirect.scatter.add.f32 [tilespmem:s19], [sflag:$0x7], $0x10, s18, s15, $0xb8;
	[tilespmem:$0x1ADB0] =	vst v63  }
0x1e7: {  	_ =	swait.ge [sflag:s8], $0x3E80  }
0x1e8: {  	[sflag:s8] =	ssyncset.done $0x0  }
0x1e9: {  	[sflag:s8] =	ssyncadd.s32 $0xFFFFC180  }
0x1ea: {  	_ =	swait.ge [sflag:s20], $0x3E80  }
0x1eb: {  	[sflag:s20] =	ssyncset.done $0x0  }
0x1ec: {  	s1 =	rddreg [dreg:$0xc];
	[sflag:s20] =	ssyncadd.s32 $0xFFFFC180  }
0x1ed: {  	[hbm4b:s1+s2] =	stream.linear.scatter [tilespmem:s14], [sflag:$0x7], $0x3E80, $0x38;
	[tilespmem:$0x1ADB0] =	vst v63  }
0x1ee: {  	_ =	swait.ge [sflag:s8], $0x3E80  }
0x1ef: {  	[sflag:s8] =	ssyncset.done $0x0  }
0x1f0: {  	[sflag:s8] =	ssyncadd.s32 $0xFFFFC180  }
0x1f1: {  	_ =	swait.ge [sflag:s17], $0x3E80  }
0x1f2: {  	[sflag:s17] =	ssyncset.done $0x0  }
0x1f3: {  	s1 =	rddreg [dreg:$0xd];
	[sflag:s17] =	ssyncadd.s32 $0xFFFFC180  }
0x1f4: {  	[hbm4b:s1+s2] =	stream.linear.scatter [tilespmem:s12], [sflag:$0x7], $0x3E80, $0x38;
	[tilespmem:$0x1ADB0] =	vst v63  }
0x1f5: {  	_ =	swait.ge [sflag:s8], $0x3E80  }
0x1f6: {  	[sflag:s8] =	ssyncset.done $0x0  }
0x1f7: {  	s1 =	rddreg [dreg:$0xe];
	[sflag:s8] =	ssyncadd.s32 $0xFFFFC180  }
0x1f8: {  	[tilespmem:s15], [sflag:$0x7] =	stream.linear.gather [hbm4b:s1+s2], $0x3E8, $0x38;
	[tilespmem:$0x1ADB0] =	vst v63  }
0x1f9: {  	_ =	swait.ge [sflag:s8], $0x3E8  }
0x1fa: {  	[sflag:s8] =	ssyncset.done $0x0  }
0x1fb: {  	s1 =	rddreg [dreg:$0xf];
	[sflag:s8] =	ssyncadd.s32 $0xFFFFFC18  }
0x1fc: {  	[tilespmem:s18], [sflag:$0x7] =	stream.linear.gather [hbm4b:s1+s2], $0x3E8, $0x38;
	[tilespmem:$0x1ADB0] =	vst v63  }
0x1fd: {  	_ =	swait.ge [sflag:s8], $0x3E8  }
0x1fe: {  	[sflag:s8] =	ssyncset.done $0x0  }
0x1ff: {  	[sflag:s8] =	ssyncadd.s32 $0xFFFFFC18  }
0x200: {  	[tilespmem:s19], [sflag:$0x2] =	stream.indirect.gather [hbm4b:s4+s15], $0x10, s15, s15, $0xb8;
	[tilespmem:$0x1ADB0] =	vst v63  }
0x201: {  	_ = 	snop  }
0x202: {  	[tilespmem:s14], [sflag:$0x4] =	stream.indirect.gather [hbm4b:s5+s15], $0x10, s15, s15, $0xb8;
	[tilespmem:$0x1ADB0] =	vst v63  }
0x203: {  	_ = 	snop  }
0x204: {  	[tilespmem:s12], [sflag:$0x6] =	stream.indirect.gather [hbm4b:s5+s15], $0x10, s18, s15, $0xb8;
	[tilespmem:$0x1ADB0] =	vst v63  }
0x205: {  	_ =	swait.ge [sflag:s30], $0x3E80  }
0x206: {  	[sflag:s30] =	ssyncset.done $0x0  }
0x207: {  	[sflag:s30] =	ssyncadd.s32 $0xFFFFC180  }
0x208: {  	[spmem:s3] =	stream.indirect.scatter.add.f32 [tilespmem:s28], [sflag:$0x7], $0x10, s25, s15, $0xb8;
	[tilespmem:$0x1ADB0] =	vst v63  }
0x209: {  	_ =	swait.ge [sflag:s8], $0x3E80  }
0x20a: {  	[sflag:s8] =	ssyncset.done $0x0  }
0x20b: {  	[sflag:s8] =	ssyncadd.s32 $0xFFFFC180  }
0x20c: {  	_ =	swait.ge [sflag:s29], $0x3E80  }
0x20d: {  	[sflag:s29] =	ssyncset.done $0x0  }
0x20e: {  	s1 =	rddreg [dreg:$0x10];
	[sflag:s29] =	ssyncadd.s32 $0xFFFFC180  }
0x20f: {  	[hbm4b:s1+s2] =	stream.linear.scatter [tilespmem:s23], [sflag:$0x7], $0x3E80, $0x38;
	[tilespmem:$0x1ADB0] =	vst v63  }
0x210: {  	_ =	swait.ge [sflag:s8], $0x3E80  }
0x211: {  	[sflag:s8] =	ssyncset.done $0x0  }
0x212: {  	[sflag:s8] =	ssyncadd.s32 $0xFFFFC180  }
0x213: {  	_ =	swait.ge [sflag:s26], $0x3E80  }
0x214: {  	[sflag:s26] =	ssyncset.done $0x0  }
0x215: {  	s1 =	rddreg [dreg:$0x11];
	[sflag:s26] =	ssyncadd.s32 $0xFFFFC180  }
0x216: {  	[hbm4b:s1+s2] =	stream.linear.scatter [tilespmem:s21], [sflag:$0x7], $0x3E80, $0x38;
	[tilespmem:$0x1ADB0] =	vst v63  }
0x217: {  	_ =	swait.ge [sflag:s8], $0x3E80  }
0x218: {  	[sflag:s8] =	ssyncset.done $0x0  }
0x219: {  	s1 =	rddreg [dreg:$0x12];
	[sflag:s8] =	ssyncadd.s32 $0xFFFFC180  }
0x21a: {  	[tilespmem:s2], [sflag:$0x7] =	stream.linear.gather [hbm4b:s1+s2], $0x3E8, $0x38;
	[tilespmem:$0x1ADB0] =	vst v63  }
0x21b: {  	_ =	swait.ge [sflag:s8], $0x3E8  }
0x21c: {  	[sflag:s8] =	ssyncset.done $0x0  }
0x21d: {  	s1 =	rddreg [dreg:$0x13];
	[sflag:s8] =	ssyncadd.s32 $0xFFFFFC18  }
0x21e: {  	[tilespmem:s25], [sflag:$0x7] =	stream.linear.gather [hbm4b:s1+s2], $0x3E8, $0x38;
	[tilespmem:$0x1ADB0] =	vst v63  }
0x21f: {  	_ =	swait.ge [sflag:s8], $0x3E8  }
0x220: {  	[sflag:s8] =	ssyncset.done $0x0  }
0x221: {  	[sflag:s8] =	ssyncadd.s32 $0xFFFFFC18  }
0x222: {  	[tilespmem:s28], [sflag:$0x1] =	stream.indirect.gather [hbm4b:s4+s15], $0x10, s2, s15, $0xb8;
	[tilespmem:$0x1ADB0] =	vst v63  }
0x223: {  	_ = 	snop  }
0x224: {  	[tilespmem:s23], [sflag:$0x3] =	stream.indirect.gather [hbm4b:s5+s15], $0x10, s2, s15, $0xb8;
	[tilespmem:$0x1ADB0] =	vst v63  }
0x225: {  	_ = 	snop  }
0x226: {  	[tilespmem:s21], [sflag:$0x5] =	stream.indirect.gather [hbm4b:s5+s15], $0x10, s25, s15, $0xb8;
	[tilespmem:$0x1ADB0] =	vst v63  }
0x227: {  	_ =	swait.ge [sflag:s22], $0x3E80  }
0x228: {  	[sflag:s22] =	ssyncset.done $0x0  }
0x229: {  	[sflag:s22] =	ssyncadd.s32 $0xFFFFC180  }
0x22a: {  	[spmem:s3] =	stream.indirect.scatter.add.f32 [tilespmem:s19], [sflag:$0x7], $0x10, s18, s15, $0xb8;
	[tilespmem:$0x1ADB0] =	vst v63  }
0x22b: {  	_ =	swait.ge [sflag:s8], $0x3E80  }
0x22c: {  	[sflag:s8] =	ssyncset.done $0x0  }
0x22d: {  	[sflag:s8] =	ssyncadd.s32 $0xFFFFC180  }
0x22e: {  	_ =	swait.ge [sflag:s20], $0x3E80  }
0x22f: {  	[sflag:s20] =	ssyncset.done $0x0  }
0x230: {  	s1 =	rddreg [dreg:$0x14];
	[sflag:s20] =	ssyncadd.s32 $0xFFFFC180  }
0x231: {  	[hbm4b:s1+s2] =	stream.linear.scatter [tilespmem:s14], [sflag:$0x7], $0x3E80, $0x38;
	[tilespmem:$0x1ADB0] =	vst v63  }
0x232: {  	_ =	swait.ge [sflag:s8], $0x3E80  }
0x233: {  	[sflag:s8] =	ssyncset.done $0x0  }
0x234: {  	[sflag:s8] =	ssyncadd.s32 $0xFFFFC180  }
0x235: {  	_ =	swait.ge [sflag:s17], $0x3E80  }
0x236: {  	[sflag:s17] =	ssyncset.done $0x0  }
0x237: {  	s1 =	rddreg [dreg:$0x15];
	[sflag:s17] =	ssyncadd.s32 $0xFFFFC180  }
0x238: {  	[hbm4b:s1+s2] =	stream.linear.scatter [tilespmem:s12], [sflag:$0x7], $0x3E80, $0x38;
	[tilespmem:$0x1ADB0] =	vst v63  }
0x239: {  	_ =	swait.ge [sflag:s8], $0x3E80  }
0x23a: {  	[sflag:s8] =	ssyncset.done $0x0  }
0x23b: {  	s1 =	rddreg [dreg:$0x16];
	[sflag:s8] =	ssyncadd.s32 $0xFFFFC180  }
0x23c: {  	[tilespmem:s15], [sflag:$0x7] =	stream.linear.gather [hbm4b:s1+s2], $0x3E8, $0x38;
	[tilespmem:$0x1ADB0] =	vst v63  }
0x23d: {  	_ =	swait.ge [sflag:s8], $0x3E8  }
0x23e: {  	[sflag:s8] =	ssyncset.done $0x0  }
0x23f: {  	s1 =	rddreg [dreg:$0x17];
	[sflag:s8] =	ssyncadd.s32 $0xFFFFFC18  }
0x240: {  	[tilespmem:s18], [sflag:$0x7] =	stream.linear.gather [hbm4b:s1+s2], $0x3E8, $0x38;
	[tilespmem:$0x1ADB0] =	vst v63  }
0x241: {  	_ =	swait.ge [sflag:s8], $0x3E8  }
0x242: {  	[sflag:s8] =	ssyncset.done $0x0  }
0x243: {  	[sflag:s8] =	ssyncadd.s32 $0xFFFFFC18  }
0x244: {  	[tilespmem:s19], [sflag:$0x2] =	stream.indirect.gather [hbm4b:s4+s15], $0x10, s15, s15, $0xb8;
	[tilespmem:$0x1ADB0] =	vst v63  }
0x245: {  	_ = 	snop  }
0x246: {  	[tilespmem:s14], [sflag:$0x4] =	stream.indirect.gather [hbm4b:s5+s15], $0x10, s15, s15, $0xb8;
	[tilespmem:$0x1ADB0] =	vst v63  }
0x247: {  	_ = 	snop  }
0x248: {  	[tilespmem:s12], [sflag:$0x6] =	stream.indirect.gather [hbm4b:s5+s15], $0x10, s18, s15, $0xb8;
	[tilespmem:$0x1ADB0] =	vst v63  }
0x249: {  	_ =	swait.ge [sflag:s30], $0x3E80  }
0x24a: {  	[sflag:s30] =	ssyncset.done $0x0  }
0x24b: {  	[sflag:s30] =	ssyncadd.s32 $0xFFFFC180  }
0x24c: {  	[spmem:s3] =	stream.indirect.scatter.add.f32 [tilespmem:s28], [sflag:$0x7], $0x10, s25, s15, $0xb8;
	[tilespmem:$0x1ADB0] =	vst v63  }
0x24d: {  	_ =	swait.ge [sflag:s8], $0x3E80  }
0x24e: {  	[sflag:s8] =	ssyncset.done $0x0  }
0x24f: {  	[sflag:s8] =	ssyncadd.s32 $0xFFFFC180  }
0x250: {  	_ =	swait.ge [sflag:s29], $0x3E80  }
0x251: {  	[sflag:s29] =	ssyncset.done $0x0  }
0x252: {  	s1 =	rddreg [dreg:$0x18];
	[sflag:s29] =	ssyncadd.s32 $0xFFFFC180  }
0x253: {  	[hbm4b:s1+s2] =	stream.linear.scatter [tilespmem:s23], [sflag:$0x7], $0x3E80, $0x38;
	[tilespmem:$0x1ADB0] =	vst v63  }
0x254: {  	_ =	swait.ge [sflag:s8], $0x3E80  }
0x255: {  	[sflag:s8] =	ssyncset.done $0x0  }
0x256: {  	[sflag:s8] =	ssyncadd.s32 $0xFFFFC180  }
0x257: {  	_ =	swait.ge [sflag:s26], $0x3E80  }
0x258: {  	[sflag:s26] =	ssyncset.done $0x0  }
0x259: {  	s1 =	rddreg [dreg:$0x19];
	[sflag:s26] =	ssyncadd.s32 $0xFFFFC180  }
0x25a: {  	[hbm4b:s1+s2] =	stream.linear.scatter [tilespmem:s21], [sflag:$0x7], $0x3E80, $0x38;
	[tilespmem:$0x1ADB0] =	vst v63  }
0x25b: {  	_ =	swait.ge [sflag:s8], $0x3E80  }
0x25c: {  	[sflag:s8] =	ssyncset.done $0x0  }
0x25d: {  	s1 =	rddreg [dreg:$0x1a];
	[sflag:s8] =	ssyncadd.s32 $0xFFFFC180  }
0x25e: {  	[tilespmem:s2], [sflag:$0x7] =	stream.linear.gather [hbm4b:s1+s2], $0x3E8, $0x38;
	[tilespmem:$0x1ADB0] =	vst v63  }
0x25f: {  	_ =	swait.ge [sflag:s8], $0x3E8  }
0x260: {  	[sflag:s8] =	ssyncset.done $0x0  }
0x261: {  	s1 =	rddreg [dreg:$0x1b];
	[sflag:s8] =	ssyncadd.s32 $0xFFFFFC18  }
0x262: {  	[tilespmem:s25], [sflag:$0x7] =	stream.linear.gather [hbm4b:s1+s2], $0x3E8, $0x38;
	[tilespmem:$0x1ADB0] =	vst v63  }
0x263: {  	_ =	swait.ge [sflag:s8], $0x3E8  }
0x264: {  	[sflag:s8] =	ssyncset.done $0x0  }
0x265: {  	[sflag:s8] =	ssyncadd.s32 $0xFFFFFC18  }
0x266: {  	[tilespmem:s28], [sflag:$0x1] =	stream.indirect.gather [hbm4b:s4+s15], $0x10, s2, s15, $0xb8;
	[tilespmem:$0x1ADB0] =	vst v63  }
0x267: {  	_ = 	snop  }
0x268: {  	[tilespmem:s23], [sflag:$0x3] =	stream.indirect.gather [hbm4b:s5+s15], $0x10, s2, s15, $0xb8;
	[tilespmem:$0x1ADB0] =	vst v63  }
0x269: {  	_ = 	snop  }
0x26a: {  	[tilespmem:s21], [sflag:$0x5] =	stream.indirect.gather [hbm4b:s5+s15], $0x10, s25, s15, $0xb8;
	[tilespmem:$0x1ADB0] =	vst v63  }
0x26b: {  	_ =	swait.ge [sflag:s22], $0x3E80  }
0x26c: {  	[sflag:s22] =	ssyncset.done $0x0  }
0x26d: {  	[sflag:s22] =	ssyncadd.s32 $0xFFFFC180  }
0x26e: {  	[spmem:s3] =	stream.indirect.scatter.add.f32 [tilespmem:s19], [sflag:$0x7], $0x10, s18, s15, $0xb8;
	[tilespmem:$0x1ADB0] =	vst v63  }
0x26f: {  	_ =	swait.ge [sflag:s8], $0x3E80  }
0x270: {  	[sflag:s8] =	ssyncset.done $0x0  }
0x271: {  	[sflag:s8] =	ssyncadd.s32 $0xFFFFC180  }
0x272: {  	_ =	swait.ge [sflag:s20], $0x3E80  }
0x273: {  	[sflag:s20] =	ssyncset.done $0x0  }
0x274: {  	s1 =	rddreg [dreg:$0x1c];
	[sflag:s20] =	ssyncadd.s32 $0xFFFFC180  }
0x275: {  	[hbm4b:s1+s2] =	stream.linear.scatter [tilespmem:s14], [sflag:$0x7], $0x3E80, $0x38;
	[tilespmem:$0x1ADB0] =	vst v63  }
0x276: {  	_ =	swait.ge [sflag:s8], $0x3E80  }
0x277: {  	[sflag:s8] =	ssyncset.done $0x0  }
0x278: {  	[sflag:s8] =	ssyncadd.s32 $0xFFFFC180  }
0x279: {  	_ =	swait.ge [sflag:s17], $0x3E80  }
0x27a: {  	[sflag:s17] =	ssyncset.done $0x0  }
0x27b: {  	s1 =	rddreg [dreg:$0x1d];
	[sflag:s17] =	ssyncadd.s32 $0xFFFFC180  }
0x27c: {  	[hbm4b:s1+s2] =	stream.linear.scatter [tilespmem:s12], [sflag:$0x7], $0x3E80, $0x38;
	[tilespmem:$0x1ADB0] =	vst v63  }
0x27d: {  	_ =	swait.ge [sflag:s8], $0x3E80  }
0x27e: {  	[sflag:s8] =	ssyncset.done $0x0  }
0x27f: {  	s1 =	rddreg [dreg:$0x1e];
	[sflag:s8] =	ssyncadd.s32 $0xFFFFC180  }
0x280: {  	[tilespmem:s15], [sflag:$0x7] =	stream.linear.gather [hbm4b:s1+s2], $0x3E8, $0x38;
	[tilespmem:$0x1ADB0] =	vst v63  }
0x281: {  	_ =	swait.ge [sflag:s8], $0x3E8  }
0x282: {  	[sflag:s8] =	ssyncset.done $0x0  }
0x283: {  	s1 =	rddreg [dreg:$0x1f];
	[sflag:s8] =	ssyncadd.s32 $0xFFFFFC18  }
0x284: {  	[tilespmem:s18], [sflag:$0x7] =	stream.linear.gather [hbm4b:s1+s2], $0x3E8, $0x38;
	[tilespmem:$0x1ADB0] =	vst v63  }
0x285: {  	_ =	swait.ge [sflag:s8], $0x3E8  }
0x286: {  	[sflag:s8] =	ssyncset.done $0x0  }
0x287: {  	[sflag:s8] =	ssyncadd.s32 $0xFFFFFC18  }
0x288: {  	[tilespmem:s19], [sflag:$0x2] =	stream.indirect.gather [hbm4b:s4+s15], $0x10, s15, s15, $0xb8;
	[tilespmem:$0x1ADB0] =	vst v63  }
0x289: {  	_ = 	snop  }
0x28a: {  	[tilespmem:s14], [sflag:$0x4] =	stream.indirect.gather [hbm4b:s5+s15], $0x10, s15, s15, $0xb8;
	[tilespmem:$0x1ADB0] =	vst v63  }
0x28b: {  	_ = 	snop  }
0x28c: {  	[tilespmem:s12], [sflag:$0x6] =	stream.indirect.gather [hbm4b:s5+s15], $0x10, s18, s15, $0xb8;
	[tilespmem:$0x1ADB0] =	vst v63  }
0x28d: {  	_ =	swait.ge [sflag:s30], $0x3E80  }
0x28e: {  	[sflag:s30] =	ssyncset.done $0x0  }
0x28f: {  	[sflag:s30] =	ssyncadd.s32 $0xFFFFC180  }
0x290: {  	[spmem:s3] =	stream.indirect.scatter.add.f32 [tilespmem:s28], [sflag:$0x7], $0x10, s25, s15, $0xb8;
	[tilespmem:$0x1ADB0] =	vst v63  }
0x291: {  	_ =	swait.ge [sflag:s8], $0x3E80  }
0x292: {  	[sflag:s8] =	ssyncset.done $0x0  }
0x293: {  	[sflag:s8] =	ssyncadd.s32 $0xFFFFC180  }
0x294: {  	_ =	swait.ge [sflag:s29], $0x3E80  }
0x295: {  	s1 =	sld [smem:$0x7F7]  }
0x296: {  	[sflag:s29] =	ssyncset.done $0x0  }
0x297: {  	[sflag:s29] =	ssyncadd.s32 $0xFFFFC180  }
0x298: {  	[hbm4b:s1+s2] =	stream.linear.scatter [tilespmem:s23], [sflag:$0x7], $0x3E80, $0x38;
	[tilespmem:$0x1ADB0] =	vst v63  }
0x299: {  	_ =	swait.ge [sflag:s8], $0x3E80  }
0x29a: {  	[sflag:s8] =	ssyncset.done $0x0  }
0x29b: {  	[sflag:s8] =	ssyncadd.s32 $0xFFFFC180  }
0x29c: {  	_ =	swait.ge [sflag:s26], $0x3E80  }
0x29d: {  	s1 =	sld [smem:$0x7F8]  }
0x29e: {  	[sflag:s26] =	ssyncset.done $0x0  }
0x29f: {  	[sflag:s26] =	ssyncadd.s32 $0xFFFFC180  }
0x2a0: {  	[hbm4b:s1+s2] =	stream.linear.scatter [tilespmem:s21], [sflag:$0x7], $0x3E80, $0x38;
	[tilespmem:$0x1ADB0] =	vst v63  }
0x2a1: {  	_ =	swait.ge [sflag:s8], $0x3E80  }
0x2a2: {  	s1 =	sld [smem:$0x7F9]  }
0x2a3: {  	[sflag:s8] =	ssyncset.done $0x0  }
0x2a4: {  	[sflag:s8] =	ssyncadd.s32 $0xFFFFC180  }
0x2a5: {  	[tilespmem:s2], [sflag:$0x7] =	stream.linear.gather [hbm4b:s1+s2], $0x3E8, $0x38;
	[tilespmem:$0x1ADB0] =	vst v63  }
0x2a6: {  	_ =	swait.ge [sflag:s8], $0x3E8  }
0x2a7: {  	s1 =	sld [smem:$0x7FA]  }
0x2a8: {  	[sflag:s8] =	ssyncset.done $0x0  }
0x2a9: {  	[sflag:s8] =	ssyncadd.s32 $0xFFFFFC18  }
0x2aa: {  	[tilespmem:s25], [sflag:$0x7] =	stream.linear.gather [hbm4b:s1+s2], $0x3E8, $0x38;
	[tilespmem:$0x1ADB0] =	vst v63  }
0x2ab: {  	_ =	swait.ge [sflag:s8], $0x3E8  }
0x2ac: {  	[sflag:s8] =	ssyncset.done $0x0  }
0x2ad: {  	[sflag:s8] =	ssyncadd.s32 $0xFFFFFC18  }
0x2ae: {  	[tilespmem:s28], [sflag:$0x1] =	stream.indirect.gather [hbm4b:s4+s15], $0x10, s2, s15, $0xb8;
	[tilespmem:$0x1ADB0] =	vst v63  }
0x2af: {  	_ = 	snop  }
0x2b0: {  	[tilespmem:s23], [sflag:$0x3] =	stream.indirect.gather [hbm4b:s5+s15], $0x10, s2, s15, $0xb8;
	[tilespmem:$0x1ADB0] =	vst v63  }
0x2b1: {  	_ = 	snop  }
0x2b2: {  	[tilespmem:s21], [sflag:$0x5] =	stream.indirect.gather [hbm4b:s5+s15], $0x10, s25, s15, $0xb8;
	[tilespmem:$0x1ADB0] =	vst v63  }
0x2b3: {  	_ =	swait.ge [sflag:s22], $0x3E80  }
0x2b4: {  	[sflag:s22] =	ssyncset.done $0x0  }
0x2b5: {  	[sflag:s22] =	ssyncadd.s32 $0xFFFFC180  }
0x2b6: {  	[spmem:s3] =	stream.indirect.scatter.add.f32 [tilespmem:s19], [sflag:$0x7], $0x10, s18, s15, $0xb8;
	[tilespmem:$0x1ADB0] =	vst v63  }
0x2b7: {  	_ =	swait.ge [sflag:s8], $0x3E80  }
0x2b8: {  	[sflag:s8] =	ssyncset.done $0x0  }
0x2b9: {  	[sflag:s8] =	ssyncadd.s32 $0xFFFFC180  }
0x2ba: {  	_ =	swait.ge [sflag:s20], $0x3E80  }
0x2bb: {  	s1 =	sld [smem:$0x7FB]  }
0x2bc: {  	[sflag:s20] =	ssyncset.done $0x0  }
0x2bd: {  	[sflag:s20] =	ssyncadd.s32 $0xFFFFC180  }
0x2be: {  	[hbm4b:s1+s2] =	stream.linear.scatter [tilespmem:s14], [sflag:$0x7], $0x3E80, $0x38;
	[tilespmem:$0x1ADB0] =	vst v63  }
0x2bf: {  	_ =	swait.ge [sflag:s8], $0x3E80  }
0x2c0: {  	[sflag:s8] =	ssyncset.done $0x0  }
0x2c1: {  	[sflag:s8] =	ssyncadd.s32 $0xFFFFC180  }
0x2c2: {  	_ =	swait.ge [sflag:s17], $0x3E80  }
0x2c3: {  	s1 =	sld [smem:$0x7FC]  }
0x2c4: {  	[sflag:s17] =	ssyncset.done $0x0  }
0x2c5: {  	[sflag:s17] =	ssyncadd.s32 $0xFFFFC180  }
0x2c6: {  	[hbm4b:s1+s2] =	stream.linear.scatter [tilespmem:s12], [sflag:$0x7], $0x3E80, $0x38;
	[tilespmem:$0x1ADB0] =	vst v63  }
0x2c7: {  	_ =	swait.ge [sflag:s8], $0x3E80  }
0x2c8: {  	s1 =	sld [smem:$0x7FD]  }
0x2c9: {  	[sflag:s8] =	ssyncset.done $0x0  }
0x2ca: {  	[sflag:s8] =	ssyncadd.s32 $0xFFFFC180  }
0x2cb: {  	[tilespmem:s15], [sflag:$0x7] =	stream.linear.gather [hbm4b:s1+s2], $0x3E8, $0x38;
	[tilespmem:$0x1ADB0] =	vst v63  }
0x2cc: {  	_ =	swait.ge [sflag:s8], $0x3E8  }
0x2cd: {  	[sflag:s8] =	ssyncset.done $0x0  }
0x2ce: {  	[sflag:s8] =	ssyncadd.s32 $0xFFFFFC18  }
0x2cf: {  	[tilespmem:s18], [sflag:$0x7] =	stream.linear.gather [hbm4b:s24+s2], $0x3E8, $0x38;
	[tilespmem:$0x1ADB0] =	vst v63  }
0x2d0: {  	_ =	swait.ge [sflag:s8], $0x3E8  }
0x2d1: {  	[sflag:s8] =	ssyncset.done $0x0  }
0x2d2: {  	[sflag:s8] =	ssyncadd.s32 $0xFFFFFC18  }
0x2d3: {  	[tilespmem:s19], [sflag:$0x2] =	stream.indirect.gather [hbm4b:s4+s15], $0x10, s15, s15, $0xb8;
	[tilespmem:$0x1ADB0] =	vst v63  }
0x2d4: {  	_ = 	snop  }
0x2d5: {  	[tilespmem:s14], [sflag:$0x4] =	stream.indirect.gather [hbm4b:s5+s15], $0x10, s15, s15, $0xb8;
	[tilespmem:$0x1ADB0] =	vst v63  }
0x2d6: {  	_ = 	snop  }
0x2d7: {  	[tilespmem:s12], [sflag:$0x6] =	stream.indirect.gather [hbm4b:s5+s15], $0x10, s18, s15, $0xb8;
	[tilespmem:$0x1ADB0] =	vst v63  }
0x2d8: {  	_ =	swait.ge [sflag:s30], $0x3E80  }
0x2d9: {  	[sflag:s30] =	ssyncset.done $0x0  }
0x2da: {  	[sflag:s30] =	ssyncadd.s32 $0xFFFFC180  }
0x2db: {  	[spmem:s3] =	stream.indirect.scatter.add.f32 [tilespmem:s28], [sflag:$0x7], $0x10, s25, s15, $0xb8;
	[tilespmem:$0x1ADB0] =	vst v63  }
0x2dc: {  	_ =	swait.ge [sflag:s8], $0x3E80  }
0x2dd: {  	[sflag:s8] =	ssyncset.done $0x0  }
0x2de: {  	[sflag:s8] =	ssyncadd.s32 $0xFFFFC180  }
0x2df: {  	_ =	swait.ge [sflag:s29], $0x3E80  }
0x2e0: {  	[sflag:s29] =	ssyncset.done $0x0  }
0x2e1: {  	[sflag:s29] =	ssyncadd.s32 $0xFFFFC180  }
0x2e2: {  	[hbm4b:s16+s2] =	stream.linear.scatter [tilespmem:s23], [sflag:$0x7], $0x3E80, $0x38;
	[tilespmem:$0x1ADB0] =	vst v63  }
0x2e3: {  	_ =	swait.ge [sflag:s8], $0x3E80  }
0x2e4: {  	[sflag:s8] =	ssyncset.done $0x0  }
0x2e5: {  	[sflag:s8] =	ssyncadd.s32 $0xFFFFC180  }
0x2e6: {  	_ =	swait.ge [sflag:s26], $0x3E80  }
0x2e7: {  	[sflag:s26] =	ssyncset.done $0x0  }
0x2e8: {  	[sflag:s26] =	ssyncadd.s32 $0xFFFFC180  }
0x2e9: {  	[hbm4b:s13+s2] =	stream.linear.scatter [tilespmem:s21], [sflag:$0x7], $0x3E80, $0x38;
	[tilespmem:$0x1ADB0] =	vst v63  }
0x2ea: {  	_ =	swait.ge [sflag:s8], $0x3E80  }
0x2eb: {  	[sflag:s8] =	ssyncset.done $0x0  }
0x2ec: {  	[sflag:s8] =	ssyncadd.s32 $0xFFFFC180  }
0x2ed: {  	_ =	swait.ge [sflag:s22], $0x3E80  }
0x2ee: {  	[sflag:s22] =	ssyncset.done $0x0  }
0x2ef: {  	[sflag:s22] =	ssyncadd.s32 $0xFFFFC180  }
0x2f0: {  	[spmem:s3] =	stream.indirect.scatter.add.f32 [tilespmem:s19], [sflag:$0x7], $0x10, s18, s15, $0xb8;
	[tilespmem:$0x1ADB0] =	vst v63  }
0x2f1: {  	_ =	swait.ge [sflag:s8], $0x3E80  }
0x2f2: {  	[sflag:s8] =	ssyncset.done $0x0  }
0x2f3: {  	[sflag:s8] =	ssyncadd.s32 $0xFFFFC180  }
0x2f4: {  	_ =	swait.ge [sflag:s20], $0x3E80  }
0x2f5: {  	[sflag:s20] =	ssyncset.done $0x0  }
0x2f6: {  	[sflag:s20] =	ssyncadd.s32 $0xFFFFC180  }
0x2f7: {  	[hbm4b:s11+s2] =	stream.linear.scatter [tilespmem:s14], [sflag:$0x7], $0x3E80, $0x38;
	[tilespmem:$0x1ADB0] =	vst v63  }
0x2f8: {  	_ =	swait.ge [sflag:s8], $0x3E80  }
0x2f9: {  	[sflag:s8] =	ssyncset.done $0x0  }
0x2fa: {  	[sflag:s8] =	ssyncadd.s32 $0xFFFFC180  }
0x2fb: {  	_ =	swait.ge [sflag:s17], $0x3E80  }
0x2fc: {  	[sflag:s17] =	ssyncset.done $0x0  }
0x2fd: {  	[sflag:s17] =	ssyncadd.s32 $0xFFFFC180  }
0x2fe: {  	[hbm4b:s10+s2] =	stream.linear.scatter [tilespmem:s12], [sflag:$0x7], $0x3E80, $0x38;
	[tilespmem:$0x1ADB0] =	vst v63  }
0x2ff: {  	_ =	swait.ge [sflag:s8], $0x3E80  }
0x300: {  	p1 =	sne.s32 s0, $0x1;
	[sflag:s8] =	ssyncset.done $0x0  }
.Ltmp2:
0x301: {  	[sflag:s8] =	ssyncadd.s32 $0xFFFFC180;
	(pc) =	sbr.rel @p1 .LBB2_2-.Ltmp2, $4  }
0x302: {  	[bflag:$0x0] =	sbarrier.arrive $0xFFFF  }
0x303: {  	[hbm:s7], [sflag:s6] =	dma.local [spmem:s9], $0x4E2  }
0x304: {  	_ =	swait.ge [sflag:s8], $0x4E2  }
0x305: {  	s0 =	sadd.s32 $0xFFFFFFFF, s0;
	s1 =	rddreg [dreg:$0x4];
	[sflag:s8] =	ssyncset.done $0x0  }
.LBB2_3:
0x306: {  	[sflag:s8] =	ssyncadd.s32 @p0 $0xFFFFFB1E  }
0x307: {  	[spmem:s9], [sflag:s6] =	dma.local [hbm:s1], $0x4E2  }
0x308: {  	_ =	swait.ge [sflag:s8], $0x4E2  }
0x309: {  	[sflag:s8] =	ssyncset.done $0x0  }
0x30a: {  	[sflag:s8] =	ssyncadd.s32 $0xFFFFFB1E  }
0x30b: {  	[bflag:$0x0] =	sbarrier.arrive $0xFFFF  }
0x30c: {  	[tilespmem:s2], [sflag:$0x7] =	stream.linear.gather [hbm4b:s31+s2], $0x3E8, $0x38;
	[tilespmem:$0x1ADB0] =	vst v63  }
0x30d: {  	_ =	swait.ge [sflag:s8], $0x3E8  }
0x30e: {  	[sflag:s8] =	ssyncset.done $0x0  }
0x30f: {  	s0 =	rddreg [dreg:$0x5];
	[sflag:s8] =	ssyncadd.s32 $0xFFFFFC18  }
0x310: {  	[tilespmem:s25], [sflag:$0x7] =	stream.linear.gather [hbm4b:s0+s2], $0x3E8, $0x38;
	[tilespmem:$0x1ADB0] =	vst v63  }
0x311: {  	_ =	swait.ge [sflag:s8], $0x3E8  }
0x312: {  	[sflag:s8] =	ssyncset.done $0x0  }
0x313: {  	[sflag:s8] =	ssyncadd.s32 $0xFFFFFC18  }
0x314: {  	[tilespmem:s28], [sflag:$0x1] =	stream.indirect.gather [hbm4b:s4+s15], $0x10, s2, s15, $0xb8;
	[tilespmem:$0x1ADB0] =	vst v63  }
0x315: {  	_ = 	snop  }
0x316: {  	[tilespmem:s23], [sflag:$0x3] =	stream.indirect.gather [hbm4b:s5+s15], $0x10, s2, s15, $0xb8;
	[tilespmem:$0x1ADB0] =	vst v63  }
0x317: {  	_ = 	snop  }
0x318: {  	[tilespmem:s21], [sflag:$0x5] =	stream.indirect.gather [hbm4b:s5+s15], $0x10, s25, s15, $0xb8;
	[tilespmem:$0x1ADB0] =	vst v63  }
0x319: {  	s1 =	rddreg [dreg:$0x6]  }
0x31a: {  	[tilespmem:s15], [sflag:$0x7] =	stream.linear.gather [hbm4b:s1+s2], $0x3E8, $0x38;
	[tilespmem:$0x1ADB0] =	vst v63  }
0x31b: {  	_ =	swait.ge [sflag:s8], $0x3E8  }
0x31c: {  	[sflag:s8] =	ssyncset.done $0x0  }
0x31d: {  	s31 =	rddreg [dreg:$0x7];
	[sflag:s8] =	ssyncadd.s32 $0xFFFFFC18  }
0x31e: {  	[tilespmem:s18], [sflag:$0x7] =	stream.linear.gather [hbm4b:s31+s2], $0x3E8, $0x38;
	[tilespmem:$0x1ADB0] =	vst v63  }
0x31f: {  	_ =	swait.ge [sflag:s8], $0x3E8  }
0x320: {  	[sflag:s8] =	ssyncset.done $0x0  }
0x321: {  	[sflag:s8] =	ssyncadd.s32 $0xFFFFFC18  }
0x322: {  	[tilespmem:s19], [sflag:$0x2] =	stream.indirect.gather [hbm4b:s4+s15], $0x10, s15, s15, $0xb8;
	[tilespmem:$0x1ADB0] =	vst v63  }
0x323: {  	_ = 	snop  }
0x324: {  	[tilespmem:s14], [sflag:$0x4] =	stream.indirect.gather [hbm4b:s5+s15], $0x10, s15, s15, $0xb8;
	[tilespmem:$0x1ADB0] =	vst v63  }
0x325: {  	_ = 	snop  }
0x326: {  	[tilespmem:s12], [sflag:$0x6] =	stream.indirect.gather [hbm4b:s5+s15], $0x10, s18, s15, $0xb8;
	[tilespmem:$0x1ADB0] =	vst v63  }
0x327: {  	_ =	swait.ge [sflag:s30], $0x3E80  }
0x328: {  	[sflag:s30] =	ssyncset.done $0x0  }
0x329: {  	[sflag:s30] =	ssyncadd.s32 $0xFFFFC180  }
0x32a: {  	[spmem:s3] =	stream.indirect.scatter.add.f32 [tilespmem:s28], [sflag:$0x7], $0x10, s25, s15, $0xb8;
	[tilespmem:$0x1ADB0] =	vst v63  }
0x32b: {  	_ =	swait.ge [sflag:s8], $0x3E80  }
0x32c: {  	[sflag:s8] =	ssyncset.done $0x0  }
0x32d: {  	[sflag:s8] =	ssyncadd.s32 $0xFFFFC180  }
0x32e: {  	_ =	swait.ge [sflag:s29], $0x3E80  }
0x32f: {  	[sflag:s29] =	ssyncset.done $0x0  }
0x330: {  	s1 =	rddreg [dreg:$0x8];
	[sflag:s29] =	ssyncadd.s32 $0xFFFFC180  }
0x331: {  	[hbm4b:s1+s2] =	stream.linear.scatter [tilespmem:s23], [sflag:$0x7], $0x3E80, $0x38;
	[tilespmem:$0x1ADB0] =	vst v63  }
0x332: {  	_ =	swait.ge [sflag:s8], $0x3E80  }
0x333: {  	[sflag:s8] =	ssyncset.done $0x0  }
0x334: {  	[sflag:s8] =	ssyncadd.s32 $0xFFFFC180  }
0x335: {  	_ =	swait.ge [sflag:s26], $0x3E80  }
0x336: {  	[sflag:s26] =	ssyncset.done $0x0  }
0x337: {  	s31 =	rddreg [dreg:$0x9];
	[sflag:s26] =	ssyncadd.s32 $0xFFFFC180  }
0x338: {  	[hbm4b:s31+s2] =	stream.linear.scatter [tilespmem:s21], [sflag:$0x7], $0x3E80, $0x38;
	[tilespmem:$0x1ADB0] =	vst v63  }
0x339: {  	_ =	swait.ge [sflag:s8], $0x3E80  }
0x33a: {  	[sflag:s8] =	ssyncset.done $0x0  }
0x33b: {  	s1 =	rddreg [dreg:$0xa];
	[sflag:s8] =	ssyncadd.s32 $0xFFFFC180  }
0x33c: {  	[tilespmem:s2], [sflag:$0x7] =	stream.linear.gather [hbm4b:s1+s2], $0x3E8, $0x38;
	[tilespmem:$0x1ADB0] =	vst v63  }
0x33d: {  	_ =	swait.ge [sflag:s8], $0x3E8  }
0x33e: {  	[sflag:s8] =	ssyncset.done $0x0  }
0x33f: {  	s31 =	rddreg [dreg:$0xb];
	[sflag:s8] =	ssyncadd.s32 $0xFFFFFC18  }
0x340: {  	[tilespmem:s25], [sflag:$0x7] =	stream.linear.gather [hbm4b:s31+s2], $0x3E8, $0x38;
	[tilespmem:$0x1ADB0] =	vst v63  }
0x341: {  	_ =	swait.ge [sflag:s8], $0x3E8  }
0x342: {  	[sflag:s8] =	ssyncset.done $0x0  }
0x343: {  	[sflag:s8] =	ssyncadd.s32 $0xFFFFFC18  }
0x344: {  	[tilespmem:s28], [sflag:$0x1] =	stream.indirect.gather [hbm4b:s4+s15], $0x10, s2, s15, $0xb8;
	[tilespmem:$0x1ADB0] =	vst v63  }
0x345: {  	_ = 	snop  }
0x346: {  	[tilespmem:s23], [sflag:$0x3] =	stream.indirect.gather [hbm4b:s5+s15], $0x10, s2, s15, $0xb8;
	[tilespmem:$0x1ADB0] =	vst v63  }
0x347: {  	_ = 	snop  }
0x348: {  	[tilespmem:s21], [sflag:$0x5] =	stream.indirect.gather [hbm4b:s5+s15], $0x10, s25, s15, $0xb8;
	[tilespmem:$0x1ADB0] =	vst v63  }
0x349: {  	_ =	swait.ge [sflag:s22], $0x3E80  }
0x34a: {  	[sflag:s22] =	ssyncset.done $0x0  }
0x34b: {  	[sflag:s22] =	ssyncadd.s32 $0xFFFFC180  }
0x34c: {  	[spmem:s3] =	stream.indirect.scatter.add.f32 [tilespmem:s19], [sflag:$0x7], $0x10, s18, s15, $0xb8;
	[tilespmem:$0x1ADB0] =	vst v63  }
0x34d: {  	_ =	swait.ge [sflag:s8], $0x3E80  }
0x34e: {  	[sflag:s8] =	ssyncset.done $0x0  }
0x34f: {  	[sflag:s8] =	ssyncadd.s32 $0xFFFFC180  }
0x350: {  	_ =	swait.ge [sflag:s20], $0x3E80  }
0x351: {  	[sflag:s20] =	ssyncset.done $0x0  }
0x352: {  	s1 =	rddreg [dreg:$0xc];
	[sflag:s20] =	ssyncadd.s32 $0xFFFFC180  }
0x353: {  	[hbm4b:s1+s2] =	stream.linear.scatter [tilespmem:s14], [sflag:$0x7], $0x3E80, $0x38;
	[tilespmem:$0x1ADB0] =	vst v63  }
0x354: {  	_ =	swait.ge [sflag:s8], $0x3E80  }
0x355: {  	[sflag:s8] =	ssyncset.done $0x0  }
0x356: {  	[sflag:s8] =	ssyncadd.s32 $0xFFFFC180  }
0x357: {  	_ =	swait.ge [sflag:s17], $0x3E80  }
0x358: {  	[sflag:s17] =	ssyncset.done $0x0  }
0x359: {  	s31 =	rddreg [dreg:$0xd];
	[sflag:s17] =	ssyncadd.s32 $0xFFFFC180  }
0x35a: {  	[hbm4b:s31+s2] =	stream.linear.scatter [tilespmem:s12], [sflag:$0x7], $0x3E80, $0x38;
	[tilespmem:$0x1ADB0] =	vst v63  }
0x35b: {  	_ =	swait.ge [sflag:s8], $0x3E80  }
0x35c: {  	[sflag:s8] =	ssyncset.done $0x0  }
0x35d: {  	s1 =	rddreg [dreg:$0xe];
	[sflag:s8] =	ssyncadd.s32 $0xFFFFC180  }
0x35e: {  	[tilespmem:s15], [sflag:$0x7] =	stream.linear.gather [hbm4b:s1+s2], $0x3E8, $0x38;
	[tilespmem:$0x1ADB0] =	vst v63  }
0x35f: {  	_ =	swait.ge [sflag:s8], $0x3E8  }
0x360: {  	[sflag:s8] =	ssyncset.done $0x0  }
0x361: {  	s31 =	rddreg [dreg:$0xf];
	[sflag:s8] =	ssyncadd.s32 $0xFFFFFC18  }
0x362: {  	[tilespmem:s18], [sflag:$0x7] =	stream.linear.gather [hbm4b:s31+s2], $0x3E8, $0x38;
	[tilespmem:$0x1ADB0] =	vst v63  }
0x363: {  	_ =	swait.ge [sflag:s8], $0x3E8  }
0x364: {  	[sflag:s8] =	ssyncset.done $0x0  }
0x365: {  	[sflag:s8] =	ssyncadd.s32 $0xFFFFFC18  }
0x366: {  	[tilespmem:s19], [sflag:$0x2] =	stream.indirect.gather [hbm4b:s4+s15], $0x10, s15, s15, $0xb8;
	[tilespmem:$0x1ADB0] =	vst v63  }
0x367: {  	_ = 	snop  }
0x368: {  	[tilespmem:s14], [sflag:$0x4] =	stream.indirect.gather [hbm4b:s5+s15], $0x10, s15, s15, $0xb8;
	[tilespmem:$0x1ADB0] =	vst v63  }
0x369: {  	_ = 	snop  }
0x36a: {  	[tilespmem:s12], [sflag:$0x6] =	stream.indirect.gather [hbm4b:s5+s15], $0x10, s18, s15, $0xb8;
	[tilespmem:$0x1ADB0] =	vst v63  }
0x36b: {  	_ =	swait.ge [sflag:s30], $0x3E80  }
0x36c: {  	[sflag:s30] =	ssyncset.done $0x0  }
0x36d: {  	[sflag:s30] =	ssyncadd.s32 $0xFFFFC180  }
0x36e: {  	[spmem:s3] =	stream.indirect.scatter.add.f32 [tilespmem:s28], [sflag:$0x7], $0x10, s25, s15, $0xb8;
	[tilespmem:$0x1ADB0] =	vst v63  }
0x36f: {  	_ =	swait.ge [sflag:s8], $0x3E80  }
0x370: {  	[sflag:s8] =	ssyncset.done $0x0  }
0x371: {  	[sflag:s8] =	ssyncadd.s32 $0xFFFFC180  }
0x372: {  	_ =	swait.ge [sflag:s29], $0x3E80  }
0x373: {  	[sflag:s29] =	ssyncset.done $0x0  }
0x374: {  	s1 =	rddreg [dreg:$0x10];
	[sflag:s29] =	ssyncadd.s32 $0xFFFFC180  }
0x375: {  	[hbm4b:s1+s2] =	stream.linear.scatter [tilespmem:s23], [sflag:$0x7], $0x3E80, $0x38;
	[tilespmem:$0x1ADB0] =	vst v63  }
0x376: {  	_ =	swait.ge [sflag:s8], $0x3E80  }
0x377: {  	[sflag:s8] =	ssyncset.done $0x0  }
0x378: {  	[sflag:s8] =	ssyncadd.s32 $0xFFFFC180  }
0x379: {  	_ =	swait.ge [sflag:s26], $0x3E80  }
0x37a: {  	[sflag:s26] =	ssyncset.done $0x0  }
0x37b: {  	s31 =	rddreg [dreg:$0x11];
	[sflag:s26] =	ssyncadd.s32 $0xFFFFC180  }
0x37c: {  	[hbm4b:s31+s2] =	stream.linear.scatter [tilespmem:s21], [sflag:$0x7], $0x3E80, $0x38;
	[tilespmem:$0x1ADB0] =	vst v63  }
0x37d: {  	_ =	swait.ge [sflag:s8], $0x3E80  }
0x37e: {  	[sflag:s8] =	ssyncset.done $0x0  }
0x37f: {  	s1 =	rddreg [dreg:$0x12];
	[sflag:s8] =	ssyncadd.s32 $0xFFFFC180  }
0x380: {  	[tilespmem:s2], [sflag:$0x7] =	stream.linear.gather [hbm4b:s1+s2], $0x3E8, $0x38;
	[tilespmem:$0x1ADB0] =	vst v63  }
0x381: {  	_ =	swait.ge [sflag:s8], $0x3E8  }
0x382: {  	[sflag:s8] =	ssyncset.done $0x0  }
0x383: {  	s31 =	rddreg [dreg:$0x13];
	[sflag:s8] =	ssyncadd.s32 $0xFFFFFC18  }
0x384: {  	[tilespmem:s25], [sflag:$0x7] =	stream.linear.gather [hbm4b:s31+s2], $0x3E8, $0x38;
	[tilespmem:$0x1ADB0] =	vst v63  }
0x385: {  	_ =	swait.ge [sflag:s8], $0x3E8  }
0x386: {  	[sflag:s8] =	ssyncset.done $0x0  }
0x387: {  	[sflag:s8] =	ssyncadd.s32 $0xFFFFFC18  }
0x388: {  	[tilespmem:s28], [sflag:$0x1] =	stream.indirect.gather [hbm4b:s4+s15], $0x10, s2, s15, $0xb8;
	[tilespmem:$0x1ADB0] =	vst v63  }
0x389: {  	_ = 	snop  }
0x38a: {  	[tilespmem:s23], [sflag:$0x3] =	stream.indirect.gather [hbm4b:s5+s15], $0x10, s2, s15, $0xb8;
	[tilespmem:$0x1ADB0] =	vst v63  }
0x38b: {  	_ = 	snop  }
0x38c: {  	[tilespmem:s21], [sflag:$0x5] =	stream.indirect.gather [hbm4b:s5+s15], $0x10, s25, s15, $0xb8;
	[tilespmem:$0x1ADB0] =	vst v63  }
0x38d: {  	_ =	swait.ge [sflag:s22], $0x3E80  }
0x38e: {  	[sflag:s22] =	ssyncset.done $0x0  }
0x38f: {  	[sflag:s22] =	ssyncadd.s32 $0xFFFFC180  }
0x390: {  	[spmem:s3] =	stream.indirect.scatter.add.f32 [tilespmem:s19], [sflag:$0x7], $0x10, s18, s15, $0xb8;
	[tilespmem:$0x1ADB0] =	vst v63  }
0x391: {  	_ =	swait.ge [sflag:s8], $0x3E80  }
0x392: {  	[sflag:s8] =	ssyncset.done $0x0  }
0x393: {  	[sflag:s8] =	ssyncadd.s32 $0xFFFFC180  }
0x394: {  	_ =	swait.ge [sflag:s20], $0x3E80  }
0x395: {  	[sflag:s20] =	ssyncset.done $0x0  }
0x396: {  	s1 =	rddreg [dreg:$0x14];
	[sflag:s20] =	ssyncadd.s32 $0xFFFFC180  }
0x397: {  	[hbm4b:s1+s2] =	stream.linear.scatter [tilespmem:s14], [sflag:$0x7], $0x3E80, $0x38;
	[tilespmem:$0x1ADB0] =	vst v63  }
0x398: {  	_ =	swait.ge [sflag:s8], $0x3E80  }
0x399: {  	[sflag:s8] =	ssyncset.done $0x0  }
0x39a: {  	[sflag:s8] =	ssyncadd.s32 $0xFFFFC180  }
0x39b: {  	_ =	swait.ge [sflag:s17], $0x3E80  }
0x39c: {  	[sflag:s17] =	ssyncset.done $0x0  }
0x39d: {  	s31 =	rddreg [dreg:$0x15];
	[sflag:s17] =	ssyncadd.s32 $0xFFFFC180  }
0x39e: {  	[hbm4b:s31+s2] =	stream.linear.scatter [tilespmem:s12], [sflag:$0x7], $0x3E80, $0x38;
	[tilespmem:$0x1ADB0] =	vst v63  }
0x39f: {  	_ =	swait.ge [sflag:s8], $0x3E80  }
0x3a0: {  	[sflag:s8] =	ssyncset.done $0x0  }
0x3a1: {  	s1 =	rddreg [dreg:$0x16];
	[sflag:s8] =	ssyncadd.s32 $0xFFFFC180  }
0x3a2: {  	[tilespmem:s15], [sflag:$0x7] =	stream.linear.gather [hbm4b:s1+s2], $0x3E8, $0x38;
	[tilespmem:$0x1ADB0] =	vst v63  }
0x3a3: {  	_ =	swait.ge [sflag:s8], $0x3E8  }
0x3a4: {  	[sflag:s8] =	ssyncset.done $0x0  }
0x3a5: {  	s31 =	rddreg [dreg:$0x17];
	[sflag:s8] =	ssyncadd.s32 $0xFFFFFC18  }
0x3a6: {  	[tilespmem:s18], [sflag:$0x7] =	stream.linear.gather [hbm4b:s31+s2], $0x3E8, $0x38;
	[tilespmem:$0x1ADB0] =	vst v63  }
0x3a7: {  	_ =	swait.ge [sflag:s8], $0x3E8  }
0x3a8: {  	[sflag:s8] =	ssyncset.done $0x0  }
0x3a9: {  	[sflag:s8] =	ssyncadd.s32 $0xFFFFFC18  }
0x3aa: {  	[tilespmem:s19], [sflag:$0x2] =	stream.indirect.gather [hbm4b:s4+s15], $0x10, s15, s15, $0xb8;
	[tilespmem:$0x1ADB0] =	vst v63  }
0x3ab: {  	_ = 	snop  }
0x3ac: {  	[tilespmem:s14], [sflag:$0x4] =	stream.indirect.gather [hbm4b:s5+s15], $0x10, s15, s15, $0xb8;
	[tilespmem:$0x1ADB0] =	vst v63  }
0x3ad: {  	_ = 	snop  }
0x3ae: {  	[tilespmem:s12], [sflag:$0x6] =	stream.indirect.gather [hbm4b:s5+s15], $0x10, s18, s15, $0xb8;
	[tilespmem:$0x1ADB0] =	vst v63  }
0x3af: {  	_ =	swait.ge [sflag:s30], $0x3E80  }
0x3b0: {  	[sflag:s30] =	ssyncset.done $0x0  }
0x3b1: {  	[sflag:s30] =	ssyncadd.s32 $0xFFFFC180  }
0x3b2: {  	[spmem:s3] =	stream.indirect.scatter.add.f32 [tilespmem:s28], [sflag:$0x7], $0x10, s25, s15, $0xb8;
	[tilespmem:$0x1ADB0] =	vst v63  }
0x3b3: {  	_ =	swait.ge [sflag:s8], $0x3E80  }
0x3b4: {  	[sflag:s8] =	ssyncset.done $0x0  }
0x3b5: {  	[sflag:s8] =	ssyncadd.s32 $0xFFFFC180  }
0x3b6: {  	_ =	swait.ge [sflag:s29], $0x3E80  }
0x3b7: {  	[sflag:s29] =	ssyncset.done $0x0  }
0x3b8: {  	s1 =	rddreg [dreg:$0x18];
	[sflag:s29] =	ssyncadd.s32 $0xFFFFC180  }
0x3b9: {  	[hbm4b:s1+s2] =	stream.linear.scatter [tilespmem:s23], [sflag:$0x7], $0x3E80, $0x38;
	[tilespmem:$0x1ADB0] =	vst v63  }
0x3ba: {  	_ =	swait.ge [sflag:s8], $0x3E80  }
0x3bb: {  	[sflag:s8] =	ssyncset.done $0x0  }
0x3bc: {  	[sflag:s8] =	ssyncadd.s32 $0xFFFFC180  }
0x3bd: {  	_ =	swait.ge [sflag:s26], $0x3E80  }
0x3be: {  	[sflag:s26] =	ssyncset.done $0x0  }
0x3bf: {  	s31 =	rddreg [dreg:$0x19];
	[sflag:s26] =	ssyncadd.s32 $0xFFFFC180  }
0x3c0: {  	[hbm4b:s31+s2] =	stream.linear.scatter [tilespmem:s21], [sflag:$0x7], $0x3E80, $0x38;
	[tilespmem:$0x1ADB0] =	vst v63  }
0x3c1: {  	_ =	swait.ge [sflag:s8], $0x3E80  }
0x3c2: {  	[sflag:s8] =	ssyncset.done $0x0  }
0x3c3: {  	s1 =	rddreg [dreg:$0x1a];
	[sflag:s8] =	ssyncadd.s32 $0xFFFFC180  }
0x3c4: {  	[tilespmem:s2], [sflag:$0x7] =	stream.linear.gather [hbm4b:s1+s2], $0x3E8, $0x38;
	[tilespmem:$0x1ADB0] =	vst v63  }
0x3c5: {  	_ =	swait.ge [sflag:s8], $0x3E8  }
0x3c6: {  	[sflag:s8] =	ssyncset.done $0x0  }
0x3c7: {  	s31 =	rddreg [dreg:$0x1b];
	[sflag:s8] =	ssyncadd.s32 $0xFFFFFC18  }
0x3c8: {  	[tilespmem:s25], [sflag:$0x7] =	stream.linear.gather [hbm4b:s31+s2], $0x3E8, $0x38;
	[tilespmem:$0x1ADB0] =	vst v63  }
0x3c9: {  	_ =	swait.ge [sflag:s8], $0x3E8  }
0x3ca: {  	[sflag:s8] =	ssyncset.done $0x0  }
0x3cb: {  	[sflag:s8] =	ssyncadd.s32 $0xFFFFFC18  }
0x3cc: {  	[tilespmem:s28], [sflag:$0x1] =	stream.indirect.gather [hbm4b:s4+s15], $0x10, s2, s15, $0xb8;
	[tilespmem:$0x1ADB0] =	vst v63  }
0x3cd: {  	_ = 	snop  }
0x3ce: {  	[tilespmem:s23], [sflag:$0x3] =	stream.indirect.gather [hbm4b:s5+s15], $0x10, s2, s15, $0xb8;
	[tilespmem:$0x1ADB0] =	vst v63  }
0x3cf: {  	_ = 	snop  }
0x3d0: {  	[tilespmem:s21], [sflag:$0x5] =	stream.indirect.gather [hbm4b:s5+s15], $0x10, s25, s15, $0xb8;
	[tilespmem:$0x1ADB0] =	vst v63  }
0x3d1: {  	_ =	swait.ge [sflag:s22], $0x3E80  }
0x3d2: {  	[sflag:s22] =	ssyncset.done $0x0  }
0x3d3: {  	[sflag:s22] =	ssyncadd.s32 $0xFFFFC180  }
0x3d4: {  	[spmem:s3] =	stream.indirect.scatter.add.f32 [tilespmem:s19], [sflag:$0x7], $0x10, s18, s15, $0xb8;
	[tilespmem:$0x1ADB0] =	vst v63  }
0x3d5: {  	_ =	swait.ge [sflag:s8], $0x3E80  }
0x3d6: {  	[sflag:s8] =	ssyncset.done $0x0  }
0x3d7: {  	[sflag:s8] =	ssyncadd.s32 $0xFFFFC180  }
0x3d8: {  	_ =	swait.ge [sflag:s20], $0x3E80  }
0x3d9: {  	[sflag:s20] =	ssyncset.done $0x0  }
0x3da: {  	s1 =	rddreg [dreg:$0x1c];
	[sflag:s20] =	ssyncadd.s32 $0xFFFFC180  }
0x3db: {  	[hbm4b:s1+s2] =	stream.linear.scatter [tilespmem:s14], [sflag:$0x7], $0x3E80, $0x38;
	[tilespmem:$0x1ADB0] =	vst v63  }
0x3dc: {  	_ =	swait.ge [sflag:s8], $0x3E80  }
0x3dd: {  	[sflag:s8] =	ssyncset.done $0x0  }
0x3de: {  	[sflag:s8] =	ssyncadd.s32 $0xFFFFC180  }
0x3df: {  	_ =	swait.ge [sflag:s17], $0x3E80  }
0x3e0: {  	[sflag:s17] =	ssyncset.done $0x0  }
0x3e1: {  	s31 =	rddreg [dreg:$0x1d];
	[sflag:s17] =	ssyncadd.s32 $0xFFFFC180  }
0x3e2: {  	[hbm4b:s31+s2] =	stream.linear.scatter [tilespmem:s12], [sflag:$0x7], $0x3E80, $0x38;
	[tilespmem:$0x1ADB0] =	vst v63  }
0x3e3: {  	_ =	swait.ge [sflag:s8], $0x3E80  }
0x3e4: {  	[sflag:s8] =	ssyncset.done $0x0  }
0x3e5: {  	s1 =	rddreg [dreg:$0x1e];
	[sflag:s8] =	ssyncadd.s32 $0xFFFFC180  }
0x3e6: {  	[tilespmem:s15], [sflag:$0x7] =	stream.linear.gather [hbm4b:s1+s2], $0x3E8, $0x38;
	[tilespmem:$0x1ADB0] =	vst v63  }
0x3e7: {  	_ =	swait.ge [sflag:s8], $0x3E8  }
0x3e8: {  	[sflag:s8] =	ssyncset.done $0x0  }
0x3e9: {  	s31 =	rddreg [dreg:$0x1f];
	[sflag:s8] =	ssyncadd.s32 $0xFFFFFC18  }
0x3ea: {  	[tilespmem:s18], [sflag:$0x7] =	stream.linear.gather [hbm4b:s31+s2], $0x3E8, $0x38;
	[tilespmem:$0x1ADB0] =	vst v63  }
0x3eb: {  	_ =	swait.ge [sflag:s8], $0x3E8  }
0x3ec: {  	[sflag:s8] =	ssyncset.done $0x0  }
0x3ed: {  	[sflag:s8] =	ssyncadd.s32 $0xFFFFFC18  }
0x3ee: {  	[tilespmem:s19], [sflag:$0x2] =	stream.indirect.gather [hbm4b:s4+s15], $0x10, s15, s15, $0xb8;
	[tilespmem:$0x1ADB0] =	vst v63  }
0x3ef: {  	_ = 	snop  }
0x3f0: {  	[tilespmem:s14], [sflag:$0x4] =	stream.indirect.gather [hbm4b:s5+s15], $0x10, s15, s15, $0xb8;
	[tilespmem:$0x1ADB0] =	vst v63  }
0x3f1: {  	_ = 	snop  }
0x3f2: {  	[tilespmem:s12], [sflag:$0x6] =	stream.indirect.gather [hbm4b:s5+s15], $0x10, s18, s15, $0xb8;
	[tilespmem:$0x1ADB0] =	vst v63  }
0x3f3: {  	_ =	swait.ge [sflag:s30], $0x3E80  }
0x3f4: {  	[sflag:s30] =	ssyncset.done $0x0  }
0x3f5: {  	[sflag:s30] =	ssyncadd.s32 $0xFFFFC180  }
0x3f6: {  	[spmem:s3] =	stream.indirect.scatter.add.f32 [tilespmem:s28], [sflag:$0x7], $0x10, s25, s15, $0xb8;
	[tilespmem:$0x1ADB0] =	vst v63  }
0x3f7: {  	_ =	swait.ge [sflag:s8], $0x3E80  }
0x3f8: {  	[sflag:s8] =	ssyncset.done $0x0  }
0x3f9: {  	[sflag:s8] =	ssyncadd.s32 $0xFFFFC180  }
0x3fa: {  	_ =	swait.ge [sflag:s29], $0x3E80  }
0x3fb: {  	s1 =	sld [smem:$0x7F7]  }
0x3fc: {  	[sflag:s29] =	ssyncset.done $0x0  }
0x3fd: {  	[sflag:s29] =	ssyncadd.s32 $0xFFFFC180  }
0x3fe: {  	[hbm4b:s1+s2] =	stream.linear.scatter [tilespmem:s23], [sflag:$0x7], $0x3E80, $0x38;
	[tilespmem:$0x1ADB0] =	vst v63  }
0x3ff: {  	_ =	swait.ge [sflag:s8], $0x3E80  }
0x400: {  	[sflag:s8] =	ssyncset.done $0x0  }
0x401: {  	[sflag:s8] =	ssyncadd.s32 $0xFFFFC180  }
0x402: {  	_ =	swait.ge [sflag:s26], $0x3E80  }
0x403: {  	s31 =	sld [smem:$0x7F8]  }
0x404: {  	[sflag:s26] =	ssyncset.done $0x0  }
0x405: {  	[sflag:s26] =	ssyncadd.s32 $0xFFFFC180  }
0x406: {  	[hbm4b:s31+s2] =	stream.linear.scatter [tilespmem:s21], [sflag:$0x7], $0x3E80, $0x38;
	[tilespmem:$0x1ADB0] =	vst v63  }
0x407: {  	_ =	swait.ge [sflag:s8], $0x3E80  }
0x408: {  	s1 =	sld [smem:$0x7F9]  }
0x409: {  	[sflag:s8] =	ssyncset.done $0x0  }
0x40a: {  	[sflag:s8] =	ssyncadd.s32 $0xFFFFC180  }
0x40b: {  	[tilespmem:s2], [sflag:$0x7] =	stream.linear.gather [hbm4b:s1+s2], $0x3E8, $0x38;
	[tilespmem:$0x1ADB0] =	vst v63  }
0x40c: {  	_ =	swait.ge [sflag:s8], $0x3E8  }
0x40d: {  	s31 =	sld [smem:$0x7FA]  }
0x40e: {  	[sflag:s8] =	ssyncset.done $0x0  }
0x40f: {  	[sflag:s8] =	ssyncadd.s32 $0xFFFFFC18  }
0x410: {  	[tilespmem:s25], [sflag:$0x7] =	stream.linear.gather [hbm4b:s31+s2], $0x3E8, $0x38;
	[tilespmem:$0x1ADB0] =	vst v63  }
0x411: {  	_ =	swait.ge [sflag:s8], $0x3E8  }
0x412: {  	[sflag:s8] =	ssyncset.done $0x0  }
0x413: {  	[sflag:s8] =	ssyncadd.s32 $0xFFFFFC18  }
0x414: {  	[tilespmem:s28], [sflag:$0x1] =	stream.indirect.gather [hbm4b:s4+s15], $0x10, s2, s15, $0xb8;
	[tilespmem:$0x1ADB0] =	vst v63  }
0x415: {  	_ = 	snop  }
0x416: {  	[tilespmem:s23], [sflag:$0x3] =	stream.indirect.gather [hbm4b:s5+s15], $0x10, s2, s15, $0xb8;
	[tilespmem:$0x1ADB0] =	vst v63  }
0x417: {  	_ = 	snop  }
0x418: {  	[tilespmem:s21], [sflag:$0x5] =	stream.indirect.gather [hbm4b:s5+s15], $0x10, s25, s15, $0xb8;
	[tilespmem:$0x1ADB0] =	vst v63  }
0x419: {  	_ =	swait.ge [sflag:s22], $0x3E80  }
0x41a: {  	[sflag:s22] =	ssyncset.done $0x0  }
0x41b: {  	[sflag:s22] =	ssyncadd.s32 $0xFFFFC180  }
0x41c: {  	[spmem:s3] =	stream.indirect.scatter.add.f32 [tilespmem:s19], [sflag:$0x7], $0x10, s18, s15, $0xb8;
	[tilespmem:$0x1ADB0] =	vst v63  }
0x41d: {  	_ =	swait.ge [sflag:s8], $0x3E80  }
0x41e: {  	[sflag:s8] =	ssyncset.done $0x0  }
0x41f: {  	[sflag:s8] =	ssyncadd.s32 $0xFFFFC180  }
0x420: {  	_ =	swait.ge [sflag:s20], $0x3E80  }
0x421: {  	s1 =	sld [smem:$0x7FB]  }
0x422: {  	[sflag:s20] =	ssyncset.done $0x0  }
0x423: {  	[sflag:s20] =	ssyncadd.s32 $0xFFFFC180  }
0x424: {  	[hbm4b:s1+s2] =	stream.linear.scatter [tilespmem:s14], [sflag:$0x7], $0x3E80, $0x38;
	[tilespmem:$0x1ADB0] =	vst v63  }
0x425: {  	_ =	swait.ge [sflag:s8], $0x3E80  }
0x426: {  	[sflag:s8] =	ssyncset.done $0x0  }
0x427: {  	[sflag:s8] =	ssyncadd.s32 $0xFFFFC180  }
0x428: {  	_ =	swait.ge [sflag:s17], $0x3E80  }
0x429: {  	s31 =	sld [smem:$0x7FC]  }
0x42a: {  	[sflag:s17] =	ssyncset.done $0x0  }
0x42b: {  	[sflag:s17] =	ssyncadd.s32 $0xFFFFC180  }
0x42c: {  	[hbm4b:s31+s2] =	stream.linear.scatter [tilespmem:s12], [sflag:$0x7], $0x3E80, $0x38;
	[tilespmem:$0x1ADB0] =	vst v63  }
0x42d: {  	_ =	swait.ge [sflag:s8], $0x3E80  }
0x42e: {  	s1 =	sld [smem:$0x7FD]  }
0x42f: {  	[sflag:s8] =	ssyncset.done $0x0  }
0x430: {  	[sflag:s8] =	ssyncadd.s32 $0xFFFFC180  }
0x431: {  	[tilespmem:s15], [sflag:$0x7] =	stream.linear.gather [hbm4b:s1+s2], $0x3E8, $0x38;
	[tilespmem:$0x1ADB0] =	vst v63  }
0x432: {  	_ =	swait.ge [sflag:s8], $0x3E8  }
0x433: {  	[sflag:s8] =	ssyncset.done $0x0  }
0x434: {  	[sflag:s8] =	ssyncadd.s32 $0xFFFFFC18  }
0x435: {  	[tilespmem:s18], [sflag:$0x7] =	stream.linear.gather [hbm4b:s24+s2], $0x3E8, $0x38;
	[tilespmem:$0x1ADB0] =	vst v63  }
0x436: {  	_ =	swait.ge [sflag:s8], $0x3E8  }
0x437: {  	[sflag:s8] =	ssyncset.done $0x0  }
0x438: {  	[sflag:s8] =	ssyncadd.s32 $0xFFFFFC18  }
0x439: {  	[tilespmem:s19], [sflag:$0x2] =	stream.indirect.gather [hbm4b:s4+s15], $0x10, s15, s15, $0xb8;
	[tilespmem:$0x1ADB0] =	vst v63  }
0x43a: {  	_ = 	snop  }
0x43b: {  	[tilespmem:s14], [sflag:$0x4] =	stream.indirect.gather [hbm4b:s5+s15], $0x10, s15, s15, $0xb8;
	[tilespmem:$0x1ADB0] =	vst v63  }
0x43c: {  	_ = 	snop  }
0x43d: {  	[tilespmem:s12], [sflag:$0x6] =	stream.indirect.gather [hbm4b:s5+s15], $0x10, s18, s15, $0xb8;
	[tilespmem:$0x1ADB0] =	vst v63  }
0x43e: {  	_ =	swait.ge [sflag:s30], $0x3E80  }
0x43f: {  	[sflag:s30] =	ssyncset.done $0x0  }
0x440: {  	[sflag:s30] =	ssyncadd.s32 $0xFFFFC180  }
0x441: {  	[spmem:s3] =	stream.indirect.scatter.add.f32 [tilespmem:s28], [sflag:$0x7], $0x10, s25, s15, $0xb8;
	[tilespmem:$0x1ADB0] =	vst v63  }
0x442: {  	_ =	swait.ge [sflag:s8], $0x3E80  }
0x443: {  	[sflag:s8] =	ssyncset.done $0x0  }
0x444: {  	[sflag:s8] =	ssyncadd.s32 $0xFFFFC180  }
0x445: {  	_ =	swait.ge [sflag:s29], $0x3E80  }
0x446: {  	[sflag:s29] =	ssyncset.done $0x0  }
0x447: {  	[sflag:s29] =	ssyncadd.s32 $0xFFFFC180  }
0x448: {  	[hbm4b:s16+s2] =	stream.linear.scatter [tilespmem:s23], [sflag:$0x7], $0x3E80, $0x38;
	[tilespmem:$0x1ADB0] =	vst v63  }
0x449: {  	_ =	swait.ge [sflag:s8], $0x3E80  }
0x44a: {  	[sflag:s8] =	ssyncset.done $0x0  }
0x44b: {  	[sflag:s8] =	ssyncadd.s32 $0xFFFFC180  }
0x44c: {  	_ =	swait.ge [sflag:s26], $0x3E80  }
0x44d: {  	[sflag:s26] =	ssyncset.done $0x0  }
0x44e: {  	[sflag:s26] =	ssyncadd.s32 $0xFFFFC180  }
0x44f: {  	[hbm4b:s13+s2] =	stream.linear.scatter [tilespmem:s21], [sflag:$0x7], $0x3E80, $0x38;
	[tilespmem:$0x1ADB0] =	vst v63  }
0x450: {  	_ =	swait.ge [sflag:s8], $0x3E80  }
0x451: {  	[sflag:s8] =	ssyncset.done $0x0  }
0x452: {  	[sflag:s8] =	ssyncadd.s32 $0xFFFFC180  }
0x453: {  	_ =	swait.ge [sflag:s22], $0x3E80  }
0x454: {  	[sflag:s22] =	ssyncset.done $0x0  }
0x455: {  	[sflag:s22] =	ssyncadd.s32 $0xFFFFC180  }
0x456: {  	[spmem:s3] =	stream.indirect.scatter.add.f32 [tilespmem:s19], [sflag:$0x7], $0x10, s18, s15, $0xb8;
	[tilespmem:$0x1ADB0] =	vst v63  }
0x457: {  	_ =	swait.ge [sflag:s8], $0x3E80  }
0x458: {  	[sflag:s8] =	ssyncset.done $0x0  }
0x459: {  	[sflag:s8] =	ssyncadd.s32 $0xFFFFC180  }
0x45a: {  	_ =	swait.ge [sflag:s20], $0x3E80  }
0x45b: {  	[sflag:s20] =	ssyncset.done $0x0  }
0x45c: {  	[sflag:s20] =	ssyncadd.s32 $0xFFFFC180  }
0x45d: {  	[hbm4b:s11+s2] =	stream.linear.scatter [tilespmem:s14], [sflag:$0x7], $0x3E80, $0x38;
	[tilespmem:$0x1ADB0] =	vst v63  }
0x45e: {  	_ =	swait.ge [sflag:s8], $0x3E80  }
0x45f: {  	[sflag:s8] =	ssyncset.done $0x0  }
0x460: {  	[sflag:s8] =	ssyncadd.s32 $0xFFFFC180  }
0x461: {  	_ =	swait.ge [sflag:s17], $0x3E80  }
0x462: {  	[sflag:s17] =	ssyncset.done $0x0  }
0x463: {  	[sflag:s17] =	ssyncadd.s32 $0xFFFFC180  }
0x464: {  	[hbm4b:s10+s2] =	stream.linear.scatter [tilespmem:s12], [sflag:$0x7], $0x3E80, $0x38;
	[tilespmem:$0x1ADB0] =	vst v63  }
0x465: {  	_ =	swait.ge [sflag:s8], $0x3E80  }
0x466: {  	[sflag:s8] =	ssyncset.done $0x0  }
0x467: {  	[sflag:s8] =	ssyncadd.s32 $0xFFFFC180  }
0x468: {  	[bflag:$0x0] =	sbarrier.arrive $0xFFFF  }
0x469: {  	[hbm:s7], [sflag:s6] =	dma.local [spmem:s9], $0x4E2  }
0x46a: {  	_ =	swait.ge [sflag:s8], $0x4E2  }
0x46b: {  	[sflag:s8] =	ssyncset.done $0x0  }
0x46c: {  	[sflag:s8] =	ssyncadd.s32 $0xFFFFFB1E  }
0x46d: {  	_ =	sfence.sel $0x180000  }
0x46e: {  	[bflag:$0x0] =	sbarrier.arrive $0xFFFF  }
0x46f: {  	_ =	strace $0x9000004D  }
0x470: {  	s31 =	stileid.u32;
	[bflag:$0x2] =	sbarrier.arrive $0xFFFF  }
0x471: {  	p0 =	sne.s32 s31, $0x0;
	s0 =	rddreg [dreg:$0x3]  }
0x472: {  	s0 =	sadd.s32 @!p0 $0x100000, s0  }
0x473: {  	[sflag:s0] =	ssyncadd.tile.s32 @!p0 $0x1;
	_ =	shalt  }
.Lfunc_end2:
_tile_overlayer_lowered:
.L_overlay_start_2:
0x474: {  	(tag) =	ssettag $0x2  }
0x475: {  	s0 =	rddreg [dreg:$0x0];
	s2 =	stileid.u32  }
0x476: {  	s1 =	rddreg [dreg:$0x1];
	p0 =	sne.s32 s2, $0x0  }
0x477: {  	s3 =	rddreg [dreg:$0x2];
	[bflag:$0x3] =	sbarrier.arrive $0xFFFF;
	s2 =	simm.s32 @!p0 $0x1C07  }
0x478: {  	[timem:s3], [sflag:s2] =	dma.local @!p0 [hbm:s0], s1  }
0x479: {  	s0 =	simm.s32 @!p0 $0x7  }
0x47a: {  	_ =	swait.ge @!p0 [sflag:s0], s1  }
0x47b: {  	s1 =	ssub.s32 @!p0 $0x0, s1;
	[sflag:s0] =	ssyncset.done @!p0 $0x0  }
0x47c: {  	[sflag:s0] =	ssyncadd.s32 @!p0 s1  }
0x47d: {  	[bflag:$0x3] =	sbarrier.arrive $0xFFFF  }
0x47e: {  	_ =	shalt  }

// kernel: kernel.9.cloned.1.call-start
scs
__scs_entry_jumppad:
0x0: {  	(pc) =	sbr.rel $0x88, $3  }
0x1: {  	(tag) =	ssettag $0x0;
	lr =	simm.s32 $0x1  }
0x2: {  	[smem:$0x3F97] =	sst lr;
	_ =	strace $0xD0000000  }
0x3: {  	_ = 	snop  }
0x4: {  	_ = 	snop  }
0x5: {  	_ = 	snop  }
0x6: {  	_ = 	snop  }
0x7: {  	_ = 	snop  }
__scs_overlays_trampoline_lowered:
0x8: {  	[smem:$0x3FA6] =	sst s0  }
0x9: {  	[smem:$0x3FA7] =	sst s1  }
0xa: {  	[smem:$0x3FA8] =	sst s2  }
0xb: {  	[smem:$0x3FA9] =	sst s3  }
0xc: {  	[smem:$0x3FAA] =	sst s4  }
0xd: {  	[smem:$0x3FAB] =	sst s5  }
0xe: {  	[smem:$0x3FAC] =	sst s6  }
0xf: {  	[smem:$0x3FAD] =	sst s7  }
0x10: {  	[smem:$0x3FAE] =	sst s8  }
0x11: {  	[smem:$0x3FAF] =	sst s9;
	s0 =	simm.s32 @!p0 $0x0  }
0x12: {  	s1 =	sld [smem:$0x3F95];
	s0 =	simm.s32 @p0 $0x1  }
0x13: {  	[smem:$0x3FB0] =	sst s0;
	s0 =	simm.s32 @!p1 $0x0  }
0x14: {  	s2 =	sld [smem:$0x3F94];
	s0 =	simm.s32 @p1 $0x1  }
0x15: {  	[smem:$0x3FB1] =	sst s0;
	s0 =	simm.s32 @!p2 $0x0  }
0x16: {  	s3 =	sld [smem:$0x3FDB];
	s0 =	simm.s32 @p2 $0x1  }
0x17: {  	s4 =	simm.s32 $0x1BF5;
	[smem:$0x3FB3] =	sst s0  }
0x18: {  	s0 =	sld [smem:$0x3F96];
	_ =	swait.ge [sflag:s4], $0x0  }
0x19: {  	s7 =	sld [smem:$0x3F97]  }
0x1a: {  	s8 =	sadd.s32 $0xFFFFE003, lr  }
0x1b: {  	s9 =	sadd.s32 $0xFFFFFEF7, lr;
	s5 =	simm.s32 $0xFFFFFFFF;
	p2 =	slt.u32 s8, $0xFFFFF086  }
0x1c: {  	p1 =	slt.u32 s9, $0xF7A;
	s5 =	simm.s32 @!p2 $0x0  }
0x1d: {  	s5 =	simm.s32 @p1 $0x1;
	p0 =	seq.s32 s7, s2  }
0x1e: {  	s7 =	smul.u32 @!p0 $0xF7A, s2;
	p2 =	seq.s32 @!p0 s5, $0x0  }
0x1f: {  	s9 =	smul.u32 $0xF7A, s1;
	s8 =	simm.s32 @!p0 $0x1BF5;
	p2 =	por !p2, p0  }
0x20: {  	[sflag:s8] =	ssyncset.s32 @!p0 $0xFFFFF086;
	s6 =	sadd.s32 @!p0 s3, s7;
	s7 =	simm.s32 @!p0 $0x108  }
0x21: {  	s3 =	sadd.s32 s3, s9;
	s6 =	sadd.s32 @!p0 $0x88, s6;
	s7 =	simm.s32 @p2 $0x1082  }
0x22: {  	[simem:s7], [sflag:s8] =	dma.local @!p0 [hbm:s6], $0xF7A  }
0x23: {  	s9 =	sor.u32 $0xD0000000, s2;
	s6 =	simm.s32 $0x108;
	_ =	swait.ge @!p0 [sflag:s8], $0x0  }
0x24: {  	s3 =	sadd.s32 $0x88, s3;
	s6 =	simm.s32 @!p1 $0x1082;
	[sflag:s4] =	ssyncset.s32 $0xFFFFF086  }
0x25: {  	[simem:s6], [sflag:s4] =	dma.local [hbm:s3], $0xF7A  }
0x26: {  	[smem:$0x3F97] =	sst s1;
	(tag) =	ssettag s2;
	_ =	strace s9  }
0x27: {  	s1 =	sld [smem:$0x3FA7]  }
0x28: {  	s2 =	sld [smem:$0x3FA8]  }
0x29: {  	s4 =	sld [smem:$0x3FAA]  }
0x2a: {  	p0 =	seq.s32 s5, $0x0;
	s5 =	sld [smem:$0x3FAB]  }
0x2b: {  	s6 =	sld [smem:$0x3FAC]  }
0x2c: {  	s7 =	sld [smem:$0x3FAD]  }
0x2d: {  	s3 =	simm.s32 $0x108;
	s8 =	sld [smem:$0x3FAE]  }
0x2e: {  	s3 =	simm.s32 @!p0 $0x1082;
	s9 =	sld [smem:$0x3FAF]  }
0x2f: {  	lr =	sadd.s32 s0, s3;
	s0 =	sld [smem:$0x3FA6]  }
0x30: {  	s3 =	sld [smem:$0x3FA9]  }
0x31: {  	[smem:$0x3FB2] =	sst s10  }
0x32: {  	s10 =	sld [smem:$0x3FB0];
	_ =	sdelay $0x3  }
0x33: {  	p0 =	seq.s32 s10, $0x1;
	s10 =	sld [smem:$0x3FB2];
	_ =	sdelay $0x3  }
0x34: {  	[smem:$0x3FB2] =	sst s10  }
0x35: {  	s10 =	sld [smem:$0x3FB1];
	_ =	sdelay $0x3  }
0x36: {  	p1 =	seq.s32 s10, $0x1;
	s10 =	sld [smem:$0x3FB2];
	_ =	sdelay $0x3  }
0x37: {  	[smem:$0x3FB2] =	sst s10  }
0x38: {  	s10 =	sld [smem:$0x3FB3]  }
0x39: {  	_ = 	snop;
	(pc) =	sbr.ind lr, $3  }
0x3a: {  	_ = 	snop  }
0x3b: {  	_ = 	snop  }
0x3c: {  	p2 =	seq.s32 s10, $0x1;
	s10 =	sld [smem:$0x3FB2]  }
0x3d: {  	_ =	shalt  }
0x3e: {  	_ =	shalt  }
0x3f: {  	_ =	shalt  }
0x40: {  	_ =	shalt  }
0x41: {  	_ =	shalt  }
0x42: {  	_ =	shalt  }
0x43: {  	_ =	shalt  }
0x44: {  	_ =	shalt  }
0x45: {  	_ =	shalt  }
0x46: {  	_ =	shalt  }
0x47: {  	_ =	shalt  }
0x48: {  	_ =	shalt  }
0x49: {  	_ =	shalt  }
0x4a: {  	_ =	shalt  }
0x4b: {  	_ =	shalt  }
0x4c: {  	_ =	shalt  }
0x4d: {  	_ =	shalt  }
0x4e: {  	_ =	shalt  }
0x4f: {  	_ =	shalt  }
0x50: {  	_ =	shalt  }
0x51: {  	_ =	shalt  }
0x52: {  	_ =	shalt  }
0x53: {  	_ =	shalt  }
0x54: {  	_ =	shalt  }
0x55: {  	_ =	shalt  }
0x56: {  	_ =	shalt  }
0x57: {  	_ =	shalt  }
0x58: {  	_ =	shalt  }
0x59: {  	_ =	shalt  }
0x5a: {  	_ =	shalt  }
0x5b: {  	_ =	shalt  }
0x5c: {  	_ =	shalt  }
0x5d: {  	_ =	shalt  }
0x5e: {  	_ =	shalt  }
0x5f: {  	_ =	shalt  }
0x60: {  	_ =	shalt  }
0x61: {  	_ =	shalt  }
0x62: {  	_ =	shalt  }
0x63: {  	_ =	shalt  }
0x64: {  	_ =	shalt  }
0x65: {  	_ =	shalt  }
0x66: {  	_ =	shalt  }
0x67: {  	_ =	shalt  }
0x68: {  	_ =	shalt  }
0x69: {  	_ =	shalt  }
0x6a: {  	_ =	shalt  }
0x6b: {  	_ =	shalt  }
0x6c: {  	_ =	shalt  }
0x6d: {  	_ =	shalt  }
0x6e: {  	_ =	shalt  }
0x6f: {  	_ =	shalt  }
0x70: {  	_ =	shalt  }
0x71: {  	_ =	shalt  }
0x72: {  	_ =	shalt  }
0x73: {  	_ =	shalt  }
0x74: {  	_ =	shalt  }
0x75: {  	_ =	shalt  }
0x76: {  	_ =	shalt  }
0x77: {  	_ =	shalt  }
0x78: {  	_ =	shalt  }
0x79: {  	_ =	shalt  }
0x7a: {  	_ =	shalt  }
0x7b: {  	_ =	shalt  }
0x7c: {  	_ =	shalt  }
0x7d: {  	_ =	shalt  }
0x7e: {  	_ =	shalt  }
0x7f: {  	_ =	shalt  }
0x80: {  	_ =	shalt  }
0x81: {  	_ =	shalt  }
0x82: {  	_ =	shalt  }
0x83: {  	_ =	shalt  }
0x84: {  	_ =	shalt  }
0x85: {  	_ =	shalt  }
0x86: {  	_ =	shalt  }
0x87: {  	_ =	shalt  }
.Lfunc_end0:
.L_simem_size_0:
called_computation_lowered:
.L_overlay_start_0:
0x88: {  	s2 =	sld [smem:$0x3FD9]  }
0x89: {  	s3 =	sld [smem:$0x3FFE];
	_ =	sdelay $0x1  }
0x8a: {  	s1 =	srdreg.scid  }
0x8b: {  	s0 =	sand.u32 $0x1, s1  }
0x8c: {  	s14 =	sshll.u32 s0, $0xA;
	s2 =	sadd.s32 s3, s2  }
0x8d: {  	s2 =	sadd.s32 s2, s14  }
0x8e: {  	[smem:$0x3FBE] =	sst s2  }
0x8f: {  	_ = 	snop  }
0x90: {  	s2 =	sld [smem:$0x3FD0];
	_ =	sdelay $0x2  }
0x91: {  	s15 =	simm.s32 $0xA;
	s4 =	simm.s32 $0x10  }
0x92: {  	[smem:s4], [sflag:s15] =	dma.local [hbm:s2], $0x1  }
0x93: {  	_ =	swait.eq [sflag:s15], $0x1  }
0x94: {  	[sflag:s15] =	ssyncset.done $0x0  }
0x95: {  	[sflag:s15] =	ssyncadd.s32 $0xFFFFFFFF  }
0x96: {  	s16 =	sld [smem:$0x11];
	(tm) =	ssettm $0x1  }
0x97: {  	s17 =	sld [smem:$0x3FFB];
	_ =	sdelay $0x3  }
0x98: {  	_ =	strace s17  }
0x99: {  	s3 =	sld [smem:$0x3FFC];
	_ =	sdelay $0x3  }
0x9a: {  	_ =	strace s3  }
0x9b: {  	s3 =	sld [smem:$0x3FFD];
	_ =	sdelay $0x3  }
0x9c: {  	_ =	strace s3  }
0x9d: {  	_ =	strace $0x8FFFFFFF  }
0x9e: {  	s18 =	sld [smem:$0x3FDB];
	_ =	sdelay $0x1  }
0x9f: {  	s19 =	simm.s32 $_scs_section_size  }
0xa0: {  	s5 =	simm.s32 $_size__tile_overlayer_lowered;
	s6 =	simm.s32 $_tile_overlayer_lowered  }
0xa1: {  	s22 =	simm.s32 $0x1BFF;
	s21 =	sshll.u32 s6, $0x1;
	s3 =	sadd.s32 s19, s18  }
0xa2: {  	s7 =	simm.s32 $0x0;
	s20 =	sshll.u32 s5, $0x1;
	s5 =	sadd.s32 s21, s3  }
0xa3: {  	[timem:s7], [sflag:s22] =	dma.local [hbm:s5], s20  }
0xa4: {  	_ =	swait.ge [sflag:s22], s20  }
0xa5: {  	s4 =	ssub.s32 $0x0, s20;
	[sflag:s22] =	ssyncset.done $0x0  }
0xa6: {  	[sflag:s22] =	ssyncadd.s32 s4;
	_ =	sdelay $0x1  }
0xa7: {  	s23 =	simm.s32 $0x1B8B  }
0xa8: {  	_ =	swait.ge [sflag:s23], $0x1  }
0xa9: {  	[sflag:s23] =	ssyncset.done $0x0  }
0xaa: {  	s25 =	simm.s32 $0x1B8E;
	s24 =	sld [smem:$0x3FFE];
	[sflag:s23] =	ssyncadd.s32 $0xFFFFFFFF  }
0xab: {  	s26 =	simm.s32 $execute0_lowered;
	[smem:$0x3FD2] =	sst s25  }
0xac: {  	s5 =	sshll.u32 s26, $0x1;
	_ =	strace $0x80000046;
	[dreg:$0x1] =	wrdreg $0xFFFFFFFF  }
0xad: {  	s28 =	simm.s32 $_size_execute0_lowered;
	s3 =	sadd.s32 s3, s5;
	[dreg:$0x0] =	wrdreg $0x0  }
0xae: {  	s5 =	sshll.u32 s28, $0x1;
	[dreg:$0x2] =	wrdreg s3  }
0xaf: {  	[dreg:$0x3] =	wrdreg s5  }
0xb0: {  	[dreg:$0x4] =	wrdreg $0xC0  }
0xb1: {  	_ =	task [dreg:s7], $0x5FFFF  }
0xb2: {  	[dreg:$0x1] =	wrdreg $0xFFFFFFFF  }
0xb3: {  	[dreg:$0x0] =	wrdreg $0x60  }
0xb4: {  	[dreg:$0x2] =	wrdreg s24  }
0xb5: {  	[dreg:$0x3] =	wrdreg s16  }
0xb6: {  	[dreg:$0x4] =	wrdreg $0x8CA00  }
0xb7: {  	[dreg:$0x5] =	wrdreg $0x9  }
0xb8: {  	_ =	task.clear_ibuf [dreg:s7], $0x6FFFF;
	_ =	strace $0x90000046  }
0xb9: {  	s29 =	simm.s32 $0x9;
	_ =	strace $0x80000048  }
0xba: {  	_ =	swait.ge [sflag:s29], $0x1  }
0xbb: {  	[sflag:s29] =	ssyncadd.s32 $0xFFFFFFFF  }
0xbc: {  	_ =	strace $0x90000048  }
0xbd: {  	_ =	sfence  }
0xbe: {  	s30 =	sld [smem:$0x0];
	_ =	sdelay $0x2  }
0xbf: {  	s31 =	sshll.u32 s1, $0xD;
	s1 =	sshrl.u32 s1, $0x2  }
0xc0: {  	s3 =	sand.u32 $0x4000, s31;
	s1 =	sadd.s32 s1, s30  }
0xc1: {  	s0 =	sor.u32 s3, s0;
	s1 =	sshll.u32 s1, $0x11  }
0xc2: {  	s0 =	sor.u32 s1, s0  }
0xc3: {  	s0 =	sadd.s32 $0x8F2B, s0  }
0xc4: {  	[sflag:s0] =	ssyncadd.remote.s32 $0x1  }
0xc5: {  	_ =	sfence.sel $0xFFFF  }
0xc6: {  	[dreg:$0x0] =	wrdreg $0xFFFFFFFF;
	(pc) =	sbr.abs _section_cstart, $3  }
0xc7: {  	[dreg:$0x1] =	wrdreg $0xFFFFFFFF  }
0xc8: {  	_ =	task.clear_ibuf [dreg:s7], $0x2FFFF;
	_ =	strace $0x9FFFFFFF  }
0xc9: {  	(tm) =	ssettm $0x7FFFFFFF  }
tec
execute0_lowered:
.L_overlay_start_1:
0x0: {  	(tag) =	ssettag $0x1  }
0x1: {  	s10 =	rddreg [dreg:$0x0]  }
0x2: {  	s17 =	rddreg [dreg:$0x1]  }
0x3: {  	s0 =	stileid.u32;
	s2 =	rddreg [dreg:$0x2]  }
0x4: {  	s1 =	rddreg [dreg:$0x3];
	s3 =	simm.s32 $0x0;
	s18 =	smul.u32 $0x2710, s0  }
0x5: {  	[smem:$0x7FF] =	sst s3  }
0x6: {  	s5 =	sshll.u32 s0, $0x6;
	_ =	strace $0x80000047;
	s4 =	sshrl.u32 s18, $0x3  }
0x7: {  	s5 =	sor.u32 $0x1C02, s5;
	s6 =	sadd.s32 s18, s2;
	s4 =	sadd.s32 s4, s10  }
0x8: {  	s7 =	sshrl.u32 s6, $0x3;
	s6 =	simm.s32 $0x2;
	s4 =	sadd.s32 $0x18A00, s4  }
0x9: {  	[spmem:s7], [sflag:s5] =	dma.local [hbm:s4], $0x4E2  }
0xa: {  	s8 =	srdreg.scid;
	_ =	swait.ge [sflag:s6], $0x4E2  }
0xb: {  	s19 =	sand.u32 $0x1, s8;
	s29 =	sshll.u32 s0, $0x1;
	[sflag:s6] =	ssyncset.done $0x0  }
0xc: {  	s9 =	simm.s32 $0xFA0;
	s8 =	sor.u32 s19, s29;
	[sflag:s6] =	ssyncadd.s32 $0xFFFFFB1E  }
0xd: {  	s11 =	smul.u32 $0x2710, s8;
	s8 =	sadd.s32 $0x17A00, s10;
	[bflag:$0x0] =	sbarrier.arrive $0xFFFF  }
0xe: {  	[tilespmem:s9], [sflag:$0x2] =	stream.linear.gather [hbm4b:s8+s3], $0x7D00, $0x38;
	[tilespmem:$0xB3B0] =	vst v63  }
0xf: {  	s11 =	sshrl.u32 s11, $0x3;
	_ =	swait.ge [sflag:s6], $0x7D00  }
0x10: {  	s16 =	sadd.s32 s11, s10;
	[sflag:s6] =	ssyncset.done $0x0  }
0x11: {  	s11 =	simm.s32 $0x1;
	s10 =	sadd.s32 $0xDC40, s16;
	[sflag:s6] =	ssyncadd.s32 $0xFFFF8300  }
0x12: {  	[tilespmem:s3], [sflag:$0x1] =	stream.linear.gather [hbm4b:s10+s3], $0x7D0, $0x38;
	[tilespmem:$0xB3B0] =	vst v63  }
0x13: {  	_ =	swait.ge [sflag:s11], $0x7D0  }
0x14: {  	[sflag:s11] =	ssyncset.done $0x0  }
0x15: {  	s13 =	simm.s32 $0x7D0;
	s12 =	sadd.s32 $0xDD3A, s16;
	[sflag:s11] =	ssyncadd.s32 $0xFFFFF830  }
0x16: {  	[tilespmem:s13], [sflag:$0x1] =	stream.linear.gather [hbm4b:s12+s3], $0x7D0, $0x38;
	[tilespmem:$0xB3B0] =	vst v63  }
0x17: {  	_ = 	snop  }
0x18: {  	[spmem:s2] =	stream.indirect.scatter.add.f32 [tilespmem:s9], [sflag:$0x2], $0x10, s3, s13, $0xb8;
	[tilespmem:$0xB3B0] =	vst v63  }
0x19: {  	_ =	swait.ge [sflag:s6], $0x7D00  }
0x1a: {  	[sflag:s6] =	ssyncset.done $0x0  }
0x1b: {  	[sflag:s6] =	ssyncadd.s32 $0xFFFF8300  }
0x1c: {  	_ =	swait.ge [sflag:s11], $0x7D0  }
0x1d: {  	[sflag:s11] =	ssyncset.done $0x0  }
0x1e: {  	s14 =	sadd.s32 $0xDE34, s16;
	[sflag:s11] =	ssyncadd.s32 $0xFFFFF830  }
0x1f: {  	[tilespmem:s3], [sflag:$0x1] =	stream.linear.gather [hbm4b:s14+s3], $0x7D0, $0x38;
	[tilespmem:$0xB3B0] =	vst v63  }
0x20: {  	_ = 	snop  }
0x21: {  	[spmem:s2] =	stream.indirect.scatter.add.f32 [tilespmem:s9], [sflag:$0x2], $0x10, s13, s13, $0xb8;
	[tilespmem:$0xB3B0] =	vst v63  }
0x22: {  	_ =	swait.ge [sflag:s6], $0x7D00  }
0x23: {  	[sflag:s6] =	ssyncset.done $0x0  }
0x24: {  	[sflag:s6] =	ssyncadd.s32 $0xFFFF8300  }
0x25: {  	_ =	swait.ge [sflag:s11], $0x7D0  }
0x26: {  	[sflag:s11] =	ssyncset.done $0x0  }
0x27: {  	s15 =	sadd.s32 $0xDF2E, s16;
	[sflag:s11] =	ssyncadd.s32 $0xFFFFF830  }
0x28: {  	[tilespmem:s13], [sflag:$0x1] =	stream.linear.gather [hbm4b:s15+s3], $0x7D0, $0x38;
	[tilespmem:$0xB3B0] =	vst v63  }
0x29: {  	_ = 	snop  }
0x2a: {  	[spmem:s2] =	stream.indirect.scatter.add.f32 [tilespmem:s9], [sflag:$0x2], $0x10, s3, s13, $0xb8;
	[tilespmem:$0xB3B0] =	vst v63  }
0x2b: {  	_ =	swait.ge [sflag:s6], $0x7D00  }
0x2c: {  	[sflag:s6] =	ssyncset.done $0x0  }
0x2d: {  	[sflag:s6] =	ssyncadd.s32 $0xFFFF8300  }
0x2e: {  	_ =	swait.ge [sflag:s11], $0x7D0  }
0x2f: {  	[sflag:s11] =	ssyncset.done $0x0  }
0x30: {  	s16 =	sadd.s32 $0xE028, s16;
	[sflag:s11] =	ssyncadd.s32 $0xFFFFF830  }
0x31: {  	[tilespmem:s3], [sflag:$0x1] =	stream.linear.gather [hbm4b:s16+s3], $0x7D0, $0x38;
	[tilespmem:$0xB3B0] =	vst v63  }
0x32: {  	_ = 	snop  }
0x33: {  	[spmem:s2] =	stream.indirect.scatter.add.f32 [tilespmem:s9], [sflag:$0x2], $0x10, s13, s13, $0xb8;
	[tilespmem:$0xB3B0] =	vst v63  }
0x34: {  	_ =	swait.ge [sflag:s6], $0x7D00  }
0x35: {  	[sflag:s6] =	ssyncset.done $0x0  }
0x36: {  	[sflag:s6] =	ssyncadd.s32 $0xFFFF8300  }
0x37: {  	s20 =	smul.u32 $0x27100, s19;
	s19 =	ssub.s32 $0x2, s19;
	_ =	swait.ge [sflag:s11], $0x7D0  }
0x38: {  	s30 =	sshrl.u32 s19, $0x1;
	[sflag:s11] =	ssyncset.done $0x0  }
0x39: {  	s19 =	ssub.s32 s19, s30;
	[sflag:s11] =	ssyncadd.s32 $0xFFFFF830  }
0x3a: {  	[spmem:s2] =	stream.indirect.scatter.add.f32 [tilespmem:s9], [sflag:$0x2], $0x10, s3, s13, $0xb8;
	[tilespmem:$0xB3B0] =	vst v63  }
0x3b: {  	s31 =	smax.u32 s19, $0x1;
	_ =	swait.ge [sflag:s6], $0x7D00  }
0x3c: {  	s18 =	sadd.s32 s18, s20;
	p0 =	sne.s32 s31, $0x1;
	[sflag:s6] =	ssyncset.done $0x0  }
.Ltmp0:
0x3d: {  	s18 =	sshrl.u32 s18, $0x3;
	[sflag:s6] =	ssyncadd.s32 $0xFFFF8300;
	(pc) =	sbr.rel @!p0 .LBB2_2-.Ltmp0, $4  }
0x3e: {  	s17 =	sadd.s32 s17, s18;
	[bflag:$0x0] =	sbarrier.arrive $0xFFFF  }
0x3f: {  	[hbm:s17], [sflag:s5] =	dma.local [spmem:s7], $0x4E2  }
0x40: {  	_ =	swait.ge [sflag:s6], $0x4E2  }
0x41: {  	s18 =	sadd.s32 $0xFFFFFFFF, s31;
	[sflag:s6] =	ssyncset.done $0x0  }
.LBB2_1:
0x42: {  	p0 =	sne.s32 s18, $0x1;
	s18 =	sadd.s32 $0xFFFFFFFF, s18;
	[sflag:s6] =	ssyncadd.s32 $0xFFFFFB1E  }
0x43: {  	[spmem:s7], [sflag:s5] =	dma.local [hbm:s4], $0x4E2  }
0x44: {  	_ =	swait.ge [sflag:s6], $0x4E2  }
0x45: {  	[sflag:s6] =	ssyncset.done $0x0  }
0x46: {  	[sflag:s6] =	ssyncadd.s32 $0xFFFFFB1E  }
0x47: {  	[bflag:$0x0] =	sbarrier.arrive $0xFFFF  }
0x48: {  	[tilespmem:s9], [sflag:$0x2] =	stream.linear.gather [hbm4b:s8+s3], $0x7D00, $0x38;
	[tilespmem:$0xB3B0] =	vst v63  }
0x49: {  	_ =	swait.ge [sflag:s6], $0x7D00  }
0x4a: {  	[sflag:s6] =	ssyncset.done $0x0  }
0x4b: {  	[sflag:s6] =	ssyncadd.s32 $0xFFFF8300  }
0x4c: {  	[tilespmem:s3], [sflag:$0x1] =	stream.linear.gather [hbm4b:s10+s3], $0x7D0, $0x38;
	[tilespmem:$0xB3B0] =	vst v63  }
0x4d: {  	_ =	swait.ge [sflag:s11], $0x7D0  }
0x4e: {  	[sflag:s11] =	ssyncset.done $0x0  }
0x4f: {  	[sflag:s11] =	ssyncadd.s32 $0xFFFFF830  }
0x50: {  	[tilespmem:s13], [sflag:$0x1] =	stream.linear.gather [hbm4b:s12+s3], $0x7D0, $0x38;
	[tilespmem:$0xB3B0] =	vst v63  }
0x51: {  	_ = 	snop  }
0x52: {  	[spmem:s2] =	stream.indirect.scatter.add.f32 [tilespmem:s9], [sflag:$0x2], $0x10, s3, s13, $0xb8;
	[tilespmem:$0xB3B0] =	vst v63  }
0x53: {  	_ =	swait.ge [sflag:s6], $0x7D00  }
0x54: {  	[sflag:s6] =	ssyncset.done $0x0  }
0x55: {  	[sflag:s6] =	ssyncadd.s32 $0xFFFF8300  }
0x56: {  	_ =	swait.ge [sflag:s11], $0x7D0  }
0x57: {  	[sflag:s11] =	ssyncset.done $0x0  }
0x58: {  	[sflag:s11] =	ssyncadd.s32 $0xFFFFF830  }
0x59: {  	[tilespmem:s3], [sflag:$0x1] =	stream.linear.gather [hbm4b:s14+s3], $0x7D0, $0x38;
	[tilespmem:$0xB3B0] =	vst v63  }
0x5a: {  	_ = 	snop  }
0x5b: {  	[spmem:s2] =	stream.indirect.scatter.add.f32 [tilespmem:s9], [sflag:$0x2], $0x10, s13, s13, $0xb8;
	[tilespmem:$0xB3B0] =	vst v63  }
0x5c: {  	_ =	swait.ge [sflag:s6], $0x7D00  }
0x5d: {  	[sflag:s6] =	ssyncset.done $0x0  }
0x5e: {  	[sflag:s6] =	ssyncadd.s32 $0xFFFF8300  }
0x5f: {  	_ =	swait.ge [sflag:s11], $0x7D0  }
0x60: {  	[sflag:s11] =	ssyncset.done $0x0  }
0x61: {  	[sflag:s11] =	ssyncadd.s32 $0xFFFFF830  }
0x62: {  	[tilespmem:s13], [sflag:$0x1] =	stream.linear.gather [hbm4b:s15+s3], $0x7D0, $0x38;
	[tilespmem:$0xB3B0] =	vst v63  }
0x63: {  	_ = 	snop  }
0x64: {  	[spmem:s2] =	stream.indirect.scatter.add.f32 [tilespmem:s9], [sflag:$0x2], $0x10, s3, s13, $0xb8;
	[tilespmem:$0xB3B0] =	vst v63  }
0x65: {  	_ =	swait.ge [sflag:s6], $0x7D00  }
0x66: {  	[sflag:s6] =	ssyncset.done $0x0  }
0x67: {  	[sflag:s6] =	ssyncadd.s32 $0xFFFF8300  }
0x68: {  	_ =	swait.ge [sflag:s11], $0x7D0  }
0x69: {  	[sflag:s11] =	ssyncset.done $0x0  }
0x6a: {  	[sflag:s11] =	ssyncadd.s32 $0xFFFFF830  }
0x6b: {  	[tilespmem:s3], [sflag:$0x1] =	stream.linear.gather [hbm4b:s16+s3], $0x7D0, $0x38;
	[tilespmem:$0xB3B0] =	vst v63  }
0x6c: {  	_ = 	snop  }
0x6d: {  	[spmem:s2] =	stream.indirect.scatter.add.f32 [tilespmem:s9], [sflag:$0x2], $0x10, s13, s13, $0xb8;
	[tilespmem:$0xB3B0] =	vst v63  }
0x6e: {  	_ =	swait.ge [sflag:s6], $0x7D00  }
0x6f: {  	[sflag:s6] =	ssyncset.done $0x0  }
0x70: {  	[sflag:s6] =	ssyncadd.s32 $0xFFFF8300  }
0x71: {  	_ =	swait.ge [sflag:s11], $0x7D0  }
0x72: {  	[sflag:s11] =	ssyncset.done $0x0  }
0x73: {  	[sflag:s11] =	ssyncadd.s32 $0xFFFFF830  }
0x74: {  	[spmem:s2] =	stream.indirect.scatter.add.f32 [tilespmem:s9], [sflag:$0x2], $0x10, s3, s13, $0xb8;
	[tilespmem:$0xB3B0] =	vst v63  }
0x75: {  	_ =	swait.ge [sflag:s6], $0x7D00  }
0x76: {  	[sflag:s6] =	ssyncset.done $0x0  }
.Ltmp1:
0x77: {  	[sflag:s6] =	ssyncadd.s32 $0xFFFF8300;
	(pc) =	sbr.rel @p0 .LBB2_1-.Ltmp1, $4  }
0x78: {  	[bflag:$0x0] =	sbarrier.arrive $0xFFFF  }
0x79: {  	[hbm:s17], [sflag:s5] =	dma.local [spmem:s7], $0x4E2  }
0x7a: {  	_ =	swait.ge [sflag:s6], $0x4E2  }
0x7b: {  	[sflag:s6] =	ssyncset.done $0x0  }
.LBB2_2:
0x7c: {  	[sflag:s6] =	ssyncadd.s32 $0xFFFFFB1E  }
0x7d: {  	_ =	sfence.sel $0x180000  }
0x7e: {  	[bflag:$0x0] =	sbarrier.arrive $0xFFFF  }
0x7f: {  	p0 =	sne.s32 s0, $0x0;
	_ =	strace $0x90000047  }
0x80: {  	s0 =	sadd.s32 @!p0 $0x100000, s1;
	[bflag:$0x2] =	sbarrier.arrive $0xFFFF  }
0x81: {  	[sflag:s0] =	ssyncadd.tile.s32 @!p0 $0x1;
	_ =	shalt  }
.Lfunc_end2:
_tile_overlayer_lowered:
.L_overlay_start_2:
0x82: {  	(tag) =	ssettag $0x2  }
0x83: {  	s0 =	rddreg [dreg:$0x0];
	s2 =	stileid.u32  }
0x84: {  	s1 =	rddreg [dreg:$0x1];
	p0 =	sne.s32 s2, $0x0  }
0x85: {  	s3 =	rddreg [dreg:$0x2];
	[bflag:$0x3] =	sbarrier.arrive $0xFFFF;
	s2 =	simm.s32 @!p0 $0x1C02  }
0x86: {  	[timem:s3], [sflag:s2] =	dma.local @!p0 [hbm:s0], s1  }
0x87: {  	s0 =	simm.s32 @!p0 $0x2  }
0x88: {  	_ =	swait.ge @!p0 [sflag:s0], s1  }
0x89: {  	s1 =	ssub.s32 @!p0 $0x0, s1;
	[sflag:s0] =	ssyncset.done @!p0 $0x0  }
0x8a: {  	[sflag:s0] =	ssyncadd.s32 @!p0 s1  }
0x8b: {  	[bflag:$0x3] =	sbarrier.arrive $0xFFFF  }
0x8c: {  	_ =	shalt  }

</sc_bundles>
